<compile_context>
chip_gen: v7x
topology: tpu7x:2x2x1
jax: 0.10.2.dev20260603
libtpu: 0.0.44.dev20260713+nightly
codegen_flags: <defaults>
</compile_context>

<pallas_src>
import functools

import jax
import jax.numpy as jnp
from jax import lax
from jax.experimental import pallas as pl
from jax.experimental.pallas import tpu as pltpu
from jax.experimental.pallas import tpu_sc as plsc

_NC = 2
_NS = 16
_L = 16
_FPT = 4
_CH = 4000

_F32 = jnp.float32


def _elu(x):
    return jnp.where(x > 0, x, jnp.exp(jnp.minimum(x, 0.0)) - 1.0)




def _entry_body(x_ref, w_ref, as_ref, ad_ref, zT_ref, es_ref, ed_ref, g_ref):
    x = x_ref[...]
    w = w_ref[...]
    zT = lax.dot_general(w, x, (((0,), (1,)), ((), ())),
                         preferred_element_type=_F32)
    zT_ref[...] = zT
    es = jnp.dot(as_ref[...], zT, preferred_element_type=_F32)
    ed = jnp.dot(ad_ref[...], zT, preferred_element_type=_F32)
    es_ref[...] = es
    ed_ref[...] = ed
    g_ref[...] = jnp.full((1, _L), jnp.max(es), _F32)


def _tc_entry(x, W0, a_s, a_d):
    N, D = x.shape
    H = W0.shape[1]
    return pl.pallas_call(
        _entry_body,
        out_shape=(
            jax.ShapeDtypeStruct((H, N), _F32),
            jax.ShapeDtypeStruct((1, N), _F32),
            jax.ShapeDtypeStruct((1, N), _F32),
            jax.ShapeDtypeStruct((1, _L), _F32),
        ),
    )(x, W0, a_s.reshape(1, -1), a_d.reshape(1, -1))


def _mid_body(transpose_w, layer4, emit_h, refs):
    if emit_h:
        (num_ref, sp_ref, w_ref, as_ref, ad_ref,
         zT_ref, es_ref, ed_ref, g_ref, hT_ref) = refs
    else:
        (num_ref, sp_ref, w_ref, as_ref, ad_ref,
         zT_ref, es_ref, ed_ref, g_ref) = refs
    s = 0.25 * jnp.sum(sp_ref[...], axis=0, keepdims=True)
    num = jnp.sum(num_ref[...], axis=0)
    hT = _elu(num / (s + 1e-9))
    if emit_h:
        hT_ref[...] = hT.T
    if layer4:
        zT_ref[...] = hT
        wa_s = jnp.dot(as_ref[...], w_ref[...], preferred_element_type=_F32)
        wa_d = jnp.dot(ad_ref[...], w_ref[...], preferred_element_type=_F32)
        es = jnp.dot(wa_s, hT, preferred_element_type=_F32)
        ed = jnp.dot(wa_d, hT, preferred_element_type=_F32)
    else:
        cdim = 1 if transpose_w else 0
        zT = lax.dot_general(w_ref[...], hT, (((cdim,), (0,)), ((), ())),
                             preferred_element_type=_F32)
        zT_ref[...] = zT
        es = jnp.dot(as_ref[...], zT, preferred_element_type=_F32)
        ed = jnp.dot(ad_ref[...], zT, preferred_element_type=_F32)
    es_ref[...] = es
    ed_ref[...] = ed
    g_ref[...] = jnp.full((1, _L), jnp.max(es), _F32)


def _tc_mid(num, sp, W, a_s, a_d, *, transpose_w, layer4, emit_h):
    N = sp.shape[1]
    H = 16
    out_shape = [
        jax.ShapeDtypeStruct((H, N), _F32),
        jax.ShapeDtypeStruct((1, N), _F32),
        jax.ShapeDtypeStruct((1, N), _F32),
        jax.ShapeDtypeStruct((1, _L), _F32),
    ]
    if emit_h:
        out_shape.append(jax.ShapeDtypeStruct((N, 16), _F32))

    def body(*refs):
        _mid_body(transpose_w, layer4, emit_h, refs)

    return pl.pallas_call(body, out_shape=tuple(out_shape))(
        num, sp, W, a_s.reshape(1, -1), a_d.reshape(1, -1))


def _final_body(num_ref, sp_ref, w_ref, out_ref):
    s = 0.25 * jnp.sum(sp_ref[...], axis=0, keepdims=True)
    agg = jnp.sum(num_ref[...], axis=0) / (s + 1e-9)
    recon = lax.dot_general(agg, w_ref[...], (((0,), (1,)), ((), ())),
                            preferred_element_type=_F32)
    out_ref[...] = _elu(recon)


def _tc_final(num, sp, W0):
    N = sp.shape[1]
    D = W0.shape[0]
    return pl.pallas_call(
        _final_body,
        out_shape=jax.ShapeDtypeStruct((N, D), _F32),
    )(num, sp, W0)




def _sc_edge_body(N, E, src_hbm, dst_hbm, es_hbm, ed_hbm, g_hbm, vT_hbm,
                  num_hbm, s_hbm,
                  es_v, ed_v, g_v, z_v, acc_v, s_v,
                  src_a, dst_a, src_b, dst_b, sem_a, sem_b, sem_w):
    e_half = E // _NC
    eq_sz = e_half // _FPT
    ngrp = _CH // _L
    nch = eq_sz // _CH

    c = lax.axis_index("c")
    t = lax.axis_index("s")
    e0 = c * e_half
    fq = t % (_NS // _FPT)
    eq = t // (_NS // _FPT)
    fb = fq * _FPT

    d_es = pltpu.async_copy(es_hbm, es_v, sem_w)
    d_ed = pltpu.async_copy(ed_hbm, ed_v, sem_w)
    d_g = pltpu.async_copy(g_hbm, g_v, sem_w)
    d_z = pltpu.async_copy(vT_hbm.at[pl.ds(fb, _FPT)], z_v, sem_w)

    @plsc.parallel_loop(0, N // _L, 1, unroll=8)
    def _zs(i):
        s_v[pl.ds(i * _L, _L)] = jnp.zeros((_L,), _F32)

    @plsc.parallel_loop(0, N // _L, 1, unroll=8)
    def _za(i):
        for j in range(_FPT):
            acc_v[j, pl.ds(i * _L, _L)] = jnp.zeros((_L,), _F32)

    d_es.wait()
    d_ed.wait()
    d_g.wait()
    d_z.wait()
    g = g_v[...]

    bufs = ((src_a, dst_a, sem_a), (src_b, dst_b, sem_b))
    p0 = e0 + eq * eq_sz

    def start(k):
        sv, dv, sm = bufs[k % 2]
        b = p0 + k * _CH
        return (pltpu.async_copy(src_hbm.at[pl.ds(b, _CH)], sv, sm),
                pltpu.async_copy(dst_hbm.at[pl.ds(b, _CH)], dv, sm))

    pend = {0: start(0)}
    for k in range(nch):
        if k + 1 < nch:
            pend[k + 1] = start(k + 1)
        for d in pend.pop(k):
            d.wait()
        sv, dv, _ = bufs[k % 2]

        @plsc.parallel_loop(0, ngrp, 1, unroll=5)
        def _grp(gi, _sv=sv, _dv=dv):
            o = gi * _L
            svv = _sv[pl.ds(o, _L)]
            dvv = _dv[pl.ds(o, _L)]
            a = plsc.load_gather(es_v, [svv])
            bd = plsc.load_gather(ed_v, [dvv])
            u = a + bd
            e = jnp.maximum(u, 0.2 * u)
            tq = bd + g
            q = jnp.maximum(tq, 0.2 * tq)
            ex = jnp.exp(e - q)
            plsc.addupdate_scatter(s_v, [dvv], ex)
            for j in range(_FPT):
                rj = jnp.full((_L,), j, jnp.int32)
                zg = plsc.load_gather(z_v, [rj, svv])
                plsc.addupdate_scatter(acc_v, [rj, dvv], zg * ex)

    pltpu.sync_copy(s_v, s_hbm.at[c * _NS + t])
    pltpu.sync_copy(acc_v, num_hbm.at[c * _FPT + eq, pl.ds(fb, _FPT)])


@functools.partial(jax.jit, static_argnames=("N", "E"))
def _sc_edge(src, dst, es, ed, g, vT, *, N, E):
    mesh = plsc.VectorSubcoreMesh(core_axis_name="c", subcore_axis_name="s",
                                  num_cores=_NC, num_subcores=_NS)
    body = functools.partial(_sc_edge_body, N, E)
    kern = pl.kernel(
        body,
        out_type=(
            jax.ShapeDtypeStruct((_NC * _FPT, 16, N), _F32),
            jax.ShapeDtypeStruct((_NC * _NS, N), _F32),
        ),
        mesh=mesh,
        compiler_params=pltpu.CompilerParams(needs_layout_passes=False),
        scratch_types=[
            pltpu.VMEM((N,), _F32),
            pltpu.VMEM((N,), _F32),
            pltpu.VMEM((_L,), _F32),
            pltpu.VMEM((_FPT, N), _F32),
            pltpu.VMEM((_FPT, N), _F32),
            pltpu.VMEM((N,), _F32),
            pltpu.VMEM((_CH,), jnp.int32),
            pltpu.VMEM((_CH,), jnp.int32),
            pltpu.VMEM((_CH,), jnp.int32),
            pltpu.VMEM((_CH,), jnp.int32),
            pltpu.SemaphoreType.DMA,
            pltpu.SemaphoreType.DMA,
            pltpu.SemaphoreType.DMA,
        ],
    )
    return kern(src, dst, es, ed, g, vT)




def kernel(x, edge_index, W0, W1,
           a_enc0_src, a_enc0_dst, a_enc1_src, a_enc1_dst,
           a_dec0_src, a_dec0_dst, a_dec1_src, a_dec1_dst):
    N, D = x.shape
    E = edge_index.shape[1]
    src = edge_index[0]
    dst = edge_index[1]

    zT, es, ed, g = _tc_entry(x, W0, a_enc0_src, a_enc0_dst)
    num, sp = _sc_edge(src, dst, es.reshape(-1), ed.reshape(-1),
                       g.reshape(-1), zT, N=N, E=E)

    zT, es, ed, g = _tc_mid(num, sp, W1, a_enc1_src, a_enc1_dst,
                            transpose_w=False, layer4=False, emit_h=False)
    num, sp = _sc_edge(src, dst, es.reshape(-1), ed.reshape(-1),
                       g.reshape(-1), zT, N=N, E=E)

    zT, es, ed, g, hidden = _tc_mid(num, sp, W1, a_dec0_src, a_dec0_dst,
                                    transpose_w=True, layer4=False,
                                    emit_h=True)
    num, sp = _sc_edge(src, dst, es.reshape(-1), ed.reshape(-1),
                       g.reshape(-1), zT, N=N, E=E)

    rT, es, ed, g = _tc_mid(num, sp, W0, a_dec1_src, a_dec1_dst,
                            transpose_w=False, layer4=True, emit_h=False)
    num, sp = _sc_edge(src, dst, es.reshape(-1), ed.reshape(-1),
                       g.reshape(-1), rT, N=N, E=E)
    recon = _tc_final(num, sp, W0)

    return (hidden, recon)

# --- scband reference (transcript-rebuilt; emitter-appended) ---
"""Pipeline reference for scband-gaaelayer-73821897884288 (READ-ONLY COPY).

The authoritative reference and input builder live on the scoring server;
editing this copy changes nothing except your own understanding.
"""

import jax, jax.numpy as jnp
import numpy as np

N = 10000
E = 320000
D = 128
H = 16  # hidden_dim * heads (heads=1)


def gat_layer(x, W, a_src, a_dst, src, dst, n, transpose):
    # GraphAttentionAutoEncoder layer: linear transform with (optionally tied/transposed)
    # weight, single-head edge attention softmax over incoming edges, scatter-add aggregate.
    Wm = W.T if transpose else W
    z = x @ Wm
    zs = jnp.take(z, src, axis=0)
    zd = jnp.take(z, dst, axis=0)
    e = jax.nn.leaky_relu(zs @ a_src + zd @ a_dst, 0.2)
    m = jax.ops.segment_max(e, dst, num_segments=n)
    m = jnp.where(jnp.isfinite(m), m, 0.0)
    ex = jnp.exp(e - jnp.take(m, dst))
    s = jax.ops.segment_sum(ex, dst, num_segments=n)
    alpha = ex / (jnp.take(s, dst) + 1e-9)
    out = jax.ops.segment_sum(alpha[:, None] * zs, dst, num_segments=n)
    return jax.nn.elu(out)


def setup_inputs(seed: int = 0) -> dict:
    key = jax.random.key(seed)
    ks = jax.random.split(key, 12)
    x = jax.random.normal(ks[0], (N, D), dtype=jnp.float32)
    edge_index = jax.random.randint(ks[1], (2, E), 0, N, dtype=jnp.int32)
    W0 = jax.random.normal(ks[2], (D, H), dtype=jnp.float32) / np.sqrt(D)
    W1 = jax.random.normal(ks[3], (H, H), dtype=jnp.float32) / np.sqrt(H)
    a_enc0_src = jax.random.normal(ks[4], (H,), dtype=jnp.float32) * 0.1
    a_enc0_dst = jax.random.normal(ks[5], (H,), dtype=jnp.float32) * 0.1
    a_enc1_src = jax.random.normal(ks[6], (H,), dtype=jnp.float32) * 0.1
    a_enc1_dst = jax.random.normal(ks[7], (H,), dtype=jnp.float32) * 0.1
    a_dec0_src = jax.random.normal(ks[8], (H,), dtype=jnp.float32) * 0.1
    a_dec0_dst = jax.random.normal(ks[9], (H,), dtype=jnp.float32) * 0.1
    a_dec1_src = jax.random.normal(ks[10], (D,), dtype=jnp.float32) * 0.1
    a_dec1_dst = jax.random.normal(ks[11], (D,), dtype=jnp.float32) * 0.1
    return {"x": x, "edge_index": edge_index, "W0": W0, "W1": W1,
            "a_enc0_src": a_enc0_src, "a_enc0_dst": a_enc0_dst,
            "a_enc1_src": a_enc1_src, "a_enc1_dst": a_enc1_dst,
            "a_dec0_src": a_dec0_src, "a_dec0_dst": a_dec0_dst,
            "a_dec1_src": a_dec1_src, "a_dec1_dst": a_dec1_dst}


def reference(x, edge_index, W0, W1,
              a_enc0_src, a_enc0_dst, a_enc1_src, a_enc1_dst,
              a_dec0_src, a_dec0_dst, a_dec1_src, a_dec1_dst):
    src = edge_index[0]
    dst = edge_index[1]
    n = x.shape[0]
    # encoder (weights used as-is)
    h = gat_layer(x, W0, a_enc0_src, a_enc0_dst, src, dst, n, False)
    hidden = gat_layer(h, W1, a_enc1_src, a_enc1_dst, src, dst, n, False)
    # decoder (tied weights, reversed order, transposed)
    r = gat_layer(hidden, W1, a_dec0_src, a_dec0_dst, src, dst, n, True)
    recon = gat_layer(r, W0, a_dec1_src, a_dec1_dst, src, dst, n, True)
    return (hidden, recon)

if __name__ == "__main__":
    import jax
    _d = setup_inputs()
    print(jax.jit(kernel)(*tuple(_d.values())))

</pallas_src>

<mosaic_0001>
#map = affine_map<(d0, d1) -> (0)>
#map1 = affine_map<(d0, d1) -> (0, 0)>
#map2 = affine_map<(d0, d1) -> (0, 0, 0)>
module attributes {stable_mosaic.version = 14 : i64} {
  func.func @_sc_edge_body(%arg0: i32, %arg1: i32, %arg2: memref<320000xi32, #tpu.memory_space<hbm>>, %arg3: memref<320000xi32, #tpu.memory_space<hbm>>, %arg4: memref<10000xf32, #tpu.memory_space<hbm>>, %arg5: memref<10000xf32, #tpu.memory_space<hbm>>, %arg6: memref<16xf32, #tpu.memory_space<hbm>>, %arg7: memref<16x10000xf32, #tpu.memory_space<hbm>>, %arg8: memref<8x16x10000xf32, #tpu.memory_space<hbm>>, %arg9: memref<32x10000xf32, #tpu.memory_space<hbm>>, %arg10: memref<10000xf32, #tpu.memory_space<vmem>>, %arg11: memref<10000xf32, #tpu.memory_space<vmem>>, %arg12: memref<16xf32, #tpu.memory_space<vmem>>, %arg13: memref<4x10000xf32, #tpu.memory_space<vmem>>, %arg14: memref<4x10000xf32, #tpu.memory_space<vmem>>, %arg15: memref<10000xf32, #tpu.memory_space<vmem>>, %arg16: memref<4000xi32, #tpu.memory_space<vmem>>, %arg17: memref<4000xi32, #tpu.memory_space<vmem>>, %arg18: memref<4000xi32, #tpu.memory_space<vmem>>, %arg19: memref<4000xi32, #tpu.memory_space<vmem>>, %arg20: memref<!tpu.dma_semaphore, #tpu.memory_space<semaphore_mem>>, %arg21: memref<!tpu.dma_semaphore, #tpu.memory_space<semaphore_mem>>, %arg22: memref<!tpu.dma_semaphore, #tpu.memory_space<semaphore_mem>>) attributes {dimension_semantics = [#tpu.dimension_semantics<core_parallel>, #tpu.dimension_semantics<subcore_parallel>], iteration_bounds = array<i64: 2, 16>, scalar_prefetch = 0 : i64, scratch_operands = 13 : i64, tpu.core_type = #tpu.core_type<sc_vector_subcore>, window_params = [{transform_indices = #map}, {transform_indices = #map}, {transform_indices = #map}, {transform_indices = #map}, {transform_indices = #map}, {transform_indices = #map1}, {transform_indices = #map2}, {transform_indices = #map1}]} {
    %mul3A = arith.constant 160000 : i32
    %mul3A_0 = arith.muli %arg0, %mul3A : i32
    %jit3A = arith.constant 4 : i32
    %eq3A = arith.constant 0 : i32
    %eq3A_1 = arith.cmpi eq, %jit3A, %eq3A : i32
    %jit3A_2 = arith.constant 1 : i32
    %select_n3A = arith.select %eq3A_1, %jit3A_2, %jit3A : i32
    %rem3A = arith.remsi %arg1, %select_n3A : i32
    %ne3A = arith.constant 0 : i32
    %ne3A_3 = arith.cmpi ne, %rem3A, %ne3A : i32
    %lt3A = arith.constant 0 : i32
    %lt3A_4 = arith.cmpi slt, %rem3A, %lt3A : i32
    %lt3A_5 = arith.constant 0 : i32
    %lt3A_6 = arith.cmpi slt, %select_n3A, %lt3A_5 : i32
    %ne3A_7 = arith.xori %lt3A_4, %lt3A_6 : i1
    %and3A = arith.andi %ne3A_7, %ne3A_3 : i1
    %add3A = arith.addi %rem3A, %select_n3A : i32
    %select_n3A_8 = arith.select %and3A, %add3A, %rem3A : i32
    %jit3A_9 = arith.constant 4 : i32
    %div3A = arith.divsi %arg1, %jit3A_9 : i32
    %sign3A = arith.constant 0 : i32
    %sign3A_10 = arith.cmpi sgt, %arg1, %sign3A : i32
    %sign3A_11 = arith.extui %sign3A_10 : i1 to i32
    %sign3A_12 = arith.constant 0 : i32
    %sign3A_13 = arith.cmpi slt, %arg1, %sign3A_12 : i32
    %sign3A_14 = arith.extui %sign3A_13 : i1 to i32
    %sign3A_15 = arith.subi %sign3A_11, %sign3A_14 : i32
    %sign3A_16 = arith.constant 0 : i32
    %sign3A_17 = arith.cmpi sgt, %jit3A_9, %sign3A_16 : i32
    %sign3A_18 = arith.extui %sign3A_17 : i1 to i32
    %sign3A_19 = arith.constant 0 : i32
    %sign3A_20 = arith.cmpi slt, %jit3A_9, %sign3A_19 : i32
    %sign3A_21 = arith.extui %sign3A_20 : i1 to i32
    %sign3A_22 = arith.subi %sign3A_18, %sign3A_21 : i32
    %ne3A_23 = arith.cmpi ne, %sign3A_15, %sign3A_22 : i32
    %rem3A_24 = arith.remsi %arg1, %jit3A_9 : i32
    %ne3A_25 = arith.constant 0 : i32
    %ne3A_26 = arith.cmpi ne, %rem3A_24, %ne3A_25 : i32
    %and3A_27 = arith.andi %ne3A_23, %ne3A_26 : i1
    %sub3A = arith.constant 1 : i32
    %sub3A_28 = arith.subi %div3A, %sub3A : i32
    %select_n3A_29 = arith.select %and3A_27, %sub3A_28, %div3A : i32
    %mul3A_30 = arith.constant 4 : i32
    %mul3A_31 = arith.muli %select_n3A_8, %mul3A_30 : i32
    tpu.enqueue_dma source(%arg4 : memref<10000xf32, #tpu.memory_space<hbm>>) target(%arg10 : memref<10000xf32, #tpu.memory_space<vmem>>) target_semaphore(%arg22 : memref<!tpu.dma_semaphore, #tpu.memory_space<semaphore_mem>>)
    tpu.enqueue_dma source(%arg5 : memref<10000xf32, #tpu.memory_space<hbm>>) target(%arg11 : memref<10000xf32, #tpu.memory_space<vmem>>) target_semaphore(%arg22 : memref<!tpu.dma_semaphore, #tpu.memory_space<semaphore_mem>>)
    tpu.enqueue_dma source(%arg6 : memref<16xf32, #tpu.memory_space<hbm>>) target(%arg12 : memref<16xf32, #tpu.memory_space<vmem>>) target_semaphore(%arg22 : memref<!tpu.dma_semaphore, #tpu.memory_space<semaphore_mem>>)
    %dma_start3A = arith.constant 0 : i32
    %dma_start3A_32 = tpu.memref_slice %arg7[%mul3A_31, %dma_start3A] : memref<16x10000xf32, #tpu.memory_space<hbm>> -> memref<4x10000xf32, #tpu.memory_space<hbm>>
    %dma_start3A_33 = arith.constant 0 : i32
    %dma_start3A_34 = tpu.memref_slice %arg7[%mul3A_31, %dma_start3A_33] : memref<16x10000xf32, #tpu.memory_space<hbm>> -> memref<4x10000xf32, #tpu.memory_space<hbm>>
    tpu.enqueue_dma source(%dma_start3A_34 : memref<4x10000xf32, #tpu.memory_space<hbm>>) target(%arg13 : memref<4x10000xf32, #tpu.memory_space<vmem>>) target_semaphore(%arg22 : memref<!tpu.dma_semaphore, #tpu.memory_space<semaphore_mem>>)
    %parallel_loop3A = arith.constant 0 : i32
    %parallel_loop3A_35 = arith.constant 625 : i32
    %parallel_loop3A_36 = arith.constant 1 : i32
    scf.for %parallel_loop3A_183 = %parallel_loop3A to %parallel_loop3A_35 step %parallel_loop3A_36  : i32 {
      %parallel_loop3A_184 = arith.constant 0.000000e+00 : f32
      %parallel_loop3A_185 = vector.broadcast %parallel_loop3A_184 : f32 to vector<16xf32>
      %parallel_loop3A_186 = arith.constant 16 : i32
      %parallel_loop3A_187 = arith.muli %parallel_loop3A_183, %parallel_loop3A_186 : i32
      %parallel_loop3A_188 = arith.index_cast %parallel_loop3A_187 : i32 to index
      %parallel_loop3A_189 = tpu.vector_load %arg15[%parallel_loop3A_188] {strides = array<i32>} : memref<10000xf32, #tpu.memory_space<vmem>>, vector<16xf32>,
      tpu.vector_store %arg15[%parallel_loop3A_188], %parallel_loop3A_185 {strides = array<i32>} : memref<10000xf32, #tpu.memory_space<vmem>>, vector<16xf32>,
    } {sc.loop_unroll_factor = 8 : i64, sc.parallel_access}
    %parallel_loop3A_37 = arith.constant 0 : i32
    %parallel_loop3A_38 = arith.constant 625 : i32
    %parallel_loop3A_39 = arith.constant 1 : i32
    scf.for %parallel_loop3A_183 = %parallel_loop3A_37 to %parallel_loop3A_38 step %parallel_loop3A_39  : i32 {
      %parallel_loop3A_184 = arith.constant 0.000000e+00 : f32
      %parallel_loop3A_185 = vector.broadcast %parallel_loop3A_184 : f32 to vector<16xf32>
      %parallel_loop3A_186 = arith.constant 16 : i32
      %parallel_loop3A_187 = arith.muli %parallel_loop3A_183, %parallel_loop3A_186 : i32
      %parallel_loop3A_188 = arith.constant 0 : i32
      %parallel_loop3A_189 = arith.index_cast %parallel_loop3A_188 : i32 to index
      %parallel_loop3A_190 = arith.index_cast %parallel_loop3A_187 : i32 to index
      %parallel_loop3A_191 = tpu.vector_load %arg14[%parallel_loop3A_189, %parallel_loop3A_190] {strides = array<i32>} : memref<4x10000xf32, #tpu.memory_space<vmem>>, vector<16xf32>,
      tpu.vector_store %arg14[%parallel_loop3A_189, %parallel_loop3A_190], %parallel_loop3A_185 {strides = array<i32>} : memref<4x10000xf32, #tpu.memory_space<vmem>>, vector<16xf32>,
      %parallel_loop3A_192 = arith.constant 0.000000e+00 : f32
      %parallel_loop3A_193 = vector.broadcast %parallel_loop3A_192 : f32 to vector<16xf32>
      %parallel_loop3A_194 = arith.constant 16 : i32
      %parallel_loop3A_195 = arith.muli %parallel_loop3A_183, %parallel_loop3A_194 : i32
      %parallel_loop3A_196 = arith.constant 1 : i32
      %parallel_loop3A_197 = arith.index_cast %parallel_loop3A_196 : i32 to index
      %parallel_loop3A_198 = arith.index_cast %parallel_loop3A_195 : i32 to index
      %parallel_loop3A_199 = tpu.vector_load %arg14[%parallel_loop3A_197, %parallel_loop3A_198] {strides = array<i32>} : memref<4x10000xf32, #tpu.memory_space<vmem>>, vector<16xf32>,
      tpu.vector_store %arg14[%parallel_loop3A_197, %parallel_loop3A_198], %parallel_loop3A_193 {strides = array<i32>} : memref<4x10000xf32, #tpu.memory_space<vmem>>, vector<16xf32>,
      %parallel_loop3A_200 = arith.constant 0.000000e+00 : f32
      %parallel_loop3A_201 = vector.broadcast %parallel_loop3A_200 : f32 to vector<16xf32>
      %parallel_loop3A_202 = arith.constant 16 : i32
      %parallel_loop3A_203 = arith.muli %parallel_loop3A_183, %parallel_loop3A_202 : i32
      %parallel_loop3A_204 = arith.constant 2 : i32
      %parallel_loop3A_205 = arith.index_cast %parallel_loop3A_204 : i32 to index
      %parallel_loop3A_206 = arith.index_cast %parallel_loop3A_203 : i32 to index
      %parallel_loop3A_207 = tpu.vector_load %arg14[%parallel_loop3A_205, %parallel_loop3A_206] {strides = array<i32>} : memref<4x10000xf32, #tpu.memory_space<vmem>>, vector<16xf32>,
      tpu.vector_store %arg14[%parallel_loop3A_205, %parallel_loop3A_206], %parallel_loop3A_201 {strides = array<i32>} : memref<4x10000xf32, #tpu.memory_space<vmem>>, vector<16xf32>,
      %parallel_loop3A_208 = arith.constant 0.000000e+00 : f32
      %parallel_loop3A_209 = vector.broadcast %parallel_loop3A_208 : f32 to vector<16xf32>
      %parallel_loop3A_210 = arith.constant 16 : i32
      %parallel_loop3A_211 = arith.muli %parallel_loop3A_183, %parallel_loop3A_210 : i32
      %parallel_loop3A_212 = arith.constant 3 : i32
      %parallel_loop3A_213 = arith.index_cast %parallel_loop3A_212 : i32 to index
      %parallel_loop3A_214 = arith.index_cast %parallel_loop3A_211 : i32 to index
      %parallel_loop3A_215 = tpu.vector_load %arg14[%parallel_loop3A_213, %parallel_loop3A_214] {strides = array<i32>} : memref<4x10000xf32, #tpu.memory_space<vmem>>, vector<16xf32>,
      tpu.vector_store %arg14[%parallel_loop3A_213, %parallel_loop3A_214], %parallel_loop3A_209 {strides = array<i32>} : memref<4x10000xf32, #tpu.memory_space<vmem>>, vector<16xf32>,
    } {sc.loop_unroll_factor = 8 : i64, sc.parallel_access}
    tpu.wait_dma2 semaphore(%arg22 : memref<!tpu.dma_semaphore, #tpu.memory_space<semaphore_mem>>) src(%arg4 : memref<10000xf32, #tpu.memory_space<hbm>>) dst(%arg10 : memref<10000xf32, #tpu.memory_space<vmem>>)
    tpu.wait_dma2 semaphore(%arg22 : memref<!tpu.dma_semaphore, #tpu.memory_space<semaphore_mem>>) src(%arg5 : memref<10000xf32, #tpu.memory_space<hbm>>) dst(%arg11 : memref<10000xf32, #tpu.memory_space<vmem>>)
    tpu.wait_dma2 semaphore(%arg22 : memref<!tpu.dma_semaphore, #tpu.memory_space<semaphore_mem>>) src(%arg6 : memref<16xf32, #tpu.memory_space<hbm>>) dst(%arg12 : memref<16xf32, #tpu.memory_space<vmem>>)
    %dma_wait3A = arith.constant 0 : i32
    %dma_wait3A_40 = tpu.memref_slice %arg7[%mul3A_31, %dma_wait3A] : memref<16x10000xf32, #tpu.memory_space<hbm>> -> memref<4x10000xf32, #tpu.memory_space<hbm>>
    %dma_wait3A_41 = arith.constant 0 : i32
    %dma_wait3A_42 = tpu.memref_slice %arg7[%mul3A_31, %dma_wait3A_41] : memref<16x10000xf32, #tpu.memory_space<hbm>> -> memref<4x10000xf32, #tpu.memory_space<hbm>>
    tpu.wait_dma2 semaphore(%arg22 : memref<!tpu.dma_semaphore, #tpu.memory_space<semaphore_mem>>) src(%dma_wait3A_42 : memref<4x10000xf32, #tpu.memory_space<hbm>>) dst(%arg13 : memref<4x10000xf32, #tpu.memory_space<vmem>>)
    %get3A = arith.constant 0 : index
    %get3A_43 = tpu.vector_load %arg12[%get3A] {strides = array<i32>} : memref<16xf32, #tpu.memory_space<vmem>>, vector<16xf32>,
    %mul3A_44 = arith.constant 40000 : i32
    %mul3A_45 = arith.muli %select_n3A_29, %mul3A_44 : i32
    %add3A_46 = arith.addi %mul3A_0, %mul3A_45 : i32
    %add3A_47 = arith.constant 0 : i32
    %add3A_48 = arith.addi %add3A_46, %add3A_47 : i32
    %dma_start3A_49 = tpu.memref_slice %arg2[%add3A_48] : memref<320000xi32, #tpu.memory_space<hbm>> -> memref<4000xi32, #tpu.memory_space<hbm>>
    %dma_start3A_50 = tpu.memref_slice %arg2[%add3A_48] : memref<320000xi32, #tpu.memory_space<hbm>> -> memref<4000xi32, #tpu.memory_space<hbm>>
    tpu.enqueue_dma source(%dma_start3A_50 : memref<4000xi32, #tpu.memory_space<hbm>>) target(%arg16 : memref<4000xi32, #tpu.memory_space<vmem>>) target_semaphore(%arg20 : memref<!tpu.dma_semaphore, #tpu.memory_space<semaphore_mem>>)
    %dma_start3A_51 = tpu.memref_slice %arg3[%add3A_48] : memref<320000xi32, #tpu.memory_space<hbm>> -> memref<4000xi32, #tpu.memory_space<hbm>>
    %dma_start3A_52 = tpu.memref_slice %arg3[%add3A_48] : memref<320000xi32, #tpu.memory_space<hbm>> -> memref<4000xi32, #tpu.memory_space<hbm>>
    tpu.enqueue_dma source(%dma_start3A_52 : memref<4000xi32, #tpu.memory_space<hbm>>) target(%arg17 : memref<4000xi32, #tpu.memory_space<vmem>>) target_semaphore(%arg20 : memref<!tpu.dma_semaphore, #tpu.memory_space<semaphore_mem>>)
    %add3A_53 = arith.constant 4000 : i32
    %add3A_54 = arith.addi %add3A_46, %add3A_53 : i32
    %dma_start3A_55 = tpu.memref_slice %arg2[%add3A_54] : memref<320000xi32, #tpu.memory_space<hbm>> -> memref<4000xi32, #tpu.memory_space<hbm>>
    %dma_start3A_56 = tpu.memref_slice %arg2[%add3A_54] : memref<320000xi32, #tpu.memory_space<hbm>> -> memref<4000xi32, #tpu.memory_space<hbm>>
    tpu.enqueue_dma source(%dma_start3A_56 : memref<4000xi32, #tpu.memory_space<hbm>>) target(%arg18 : memref<4000xi32, #tpu.memory_space<vmem>>) target_semaphore(%arg21 : memref<!tpu.dma_semaphore, #tpu.memory_space<semaphore_mem>>)
    %dma_start3A_57 = tpu.memref_slice %arg3[%add3A_54] : memref<320000xi32, #tpu.memory_space<hbm>> -> memref<4000xi32, #tpu.memory_space<hbm>>
    %dma_start3A_58 = tpu.memref_slice %arg3[%add3A_54] : memref<320000xi32, #tpu.memory_space<hbm>> -> memref<4000xi32, #tpu.memory_space<hbm>>
    tpu.enqueue_dma source(%dma_start3A_58 : memref<4000xi32, #tpu.memory_space<hbm>>) target(%arg19 : memref<4000xi32, #tpu.memory_space<vmem>>) target_semaphore(%arg21 : memref<!tpu.dma_semaphore, #tpu.memory_space<semaphore_mem>>)
    %dma_wait3A_59 = tpu.memref_slice %arg2[%add3A_48] : memref<320000xi32, #tpu.memory_space<hbm>> -> memref<4000xi32, #tpu.memory_space<hbm>>
    %dma_wait3A_60 = tpu.memref_slice %arg2[%add3A_48] : memref<320000xi32, #tpu.memory_space<hbm>> -> memref<4000xi32, #tpu.memory_space<hbm>>
    tpu.wait_dma2 semaphore(%arg20 : memref<!tpu.dma_semaphore, #tpu.memory_space<semaphore_mem>>) src(%dma_wait3A_60 : memref<4000xi32, #tpu.memory_space<hbm>>) dst(%arg16 : memref<4000xi32, #tpu.memory_space<vmem>>)
    %dma_wait3A_61 = tpu.memref_slice %arg3[%add3A_48] : memref<320000xi32, #tpu.memory_space<hbm>> -> memref<4000xi32, #tpu.memory_space<hbm>>
    %dma_wait3A_62 = tpu.memref_slice %arg3[%add3A_48] : memref<320000xi32, #tpu.memory_space<hbm>> -> memref<4000xi32, #tpu.memory_space<hbm>>
    tpu.wait_dma2 semaphore(%arg20 : memref<!tpu.dma_semaphore, #tpu.memory_space<semaphore_mem>>) src(%dma_wait3A_62 : memref<4000xi32, #tpu.memory_space<hbm>>) dst(%arg17 : memref<4000xi32, #tpu.memory_space<vmem>>)
    %parallel_loop3A_63 = arith.constant 0 : i32
    %parallel_loop3A_64 = arith.constant 250 : i32
    %parallel_loop3A_65 = arith.constant 1 : i32
    scf.for %parallel_loop3A_183 = %parallel_loop3A_63 to %parallel_loop3A_64 step %parallel_loop3A_65  : i32 {
      %parallel_loop3A_184 = arith.constant 16 : i32
      %parallel_loop3A_185 = arith.muli %parallel_loop3A_183, %parallel_loop3A_184 : i32
      %parallel_loop3A_186 = arith.index_cast %parallel_loop3A_185 : i32 to index
      %parallel_loop3A_187 = tpu.vector_load %arg16[%parallel_loop3A_186] {strides = array<i32>} : memref<4000xi32, #tpu.memory_space<vmem>>, vector<16xi32>,
      %parallel_loop3A_188 = arith.index_cast %parallel_loop3A_185 : i32 to index
      %parallel_loop3A_189 = tpu.vector_load %arg17[%parallel_loop3A_188] {strides = array<i32>} : memref<4000xi32, #tpu.memory_space<vmem>>, vector<16xi32>,
      %parallel_loop3A_190 = tpu.vector_load_idx %arg10[%parallel_loop3A_187] : memref<10000xf32, #tpu.memory_space<vmem>>[vector<16xi32>], vector<16xf32>,
      %parallel_loop3A_191 = tpu.vector_load_idx %arg11[%parallel_loop3A_189] : memref<10000xf32, #tpu.memory_space<vmem>>[vector<16xi32>], vector<16xf32>,
      %parallel_loop3A_192 = arith.addf %parallel_loop3A_190, %parallel_loop3A_191 : vector<16xf32>
      %parallel_loop3A_193 = arith.constant 2.000000e-01 : f32
      %parallel_loop3A_194 = vector.broadcast %parallel_loop3A_193 : f32 to vector<16xf32>
      %parallel_loop3A_195 = arith.mulf %parallel_loop3A_194, %parallel_loop3A_192 : vector<16xf32>
      %parallel_loop3A_196 = arith.maximumf %parallel_loop3A_192, %parallel_loop3A_195 : vector<16xf32>
      %parallel_loop3A_197 = arith.addf %parallel_loop3A_191, %get3A_43 : vector<16xf32>
      %parallel_loop3A_198 = arith.constant 2.000000e-01 : f32
      %parallel_loop3A_199 = vector.broadcast %parallel_loop3A_198 : f32 to vector<16xf32>
      %parallel_loop3A_200 = arith.mulf %parallel_loop3A_199, %parallel_loop3A_197 : vector<16xf32>
      %parallel_loop3A_201 = arith.maximumf %parallel_loop3A_197, %parallel_loop3A_200 : vector<16xf32>
      %parallel_loop3A_202 = arith.subf %parallel_loop3A_196, %parallel_loop3A_201 : vector<16xf32>
      %parallel_loop3A_203 = math.exp %parallel_loop3A_202 : vector<16xf32>
      tpu.vector_store_idx %arg15[%parallel_loop3A_189], %parallel_loop3A_203 {add = true} : memref<10000xf32, #tpu.memory_space<vmem>>[vector<16xi32>], vector<16xf32>,
      %parallel_loop3A_204 = arith.constant 0 : i32
      %parallel_loop3A_205 = vector.broadcast %parallel_loop3A_204 : i32 to vector<16xi32>
      %parallel_loop3A_206 = tpu.vector_load_idx %arg13[%parallel_loop3A_205, %parallel_loop3A_187] : memref<4x10000xf32, #tpu.memory_space<vmem>>[vector<16xi32>, vector<16xi32>], vector<16xf32>,
      %parallel_loop3A_207 = arith.mulf %parallel_loop3A_206, %parallel_loop3A_203 : vector<16xf32>
      tpu.vector_store_idx %arg14[%parallel_loop3A_205, %parallel_loop3A_189], %parallel_loop3A_207 {add = true} : memref<4x10000xf32, #tpu.memory_space<vmem>>[vector<16xi32>, vector<16xi32>], vector<16xf32>,
      %parallel_loop3A_208 = arith.constant 1 : i32
      %parallel_loop3A_209 = vector.broadcast %parallel_loop3A_208 : i32 to vector<16xi32>
      %parallel_loop3A_210 = tpu.vector_load_idx %arg13[%parallel_loop3A_209, %parallel_loop3A_187] : memref<4x10000xf32, #tpu.memory_space<vmem>>[vector<16xi32>, vector<16xi32>], vector<16xf32>,
      %parallel_loop3A_211 = arith.mulf %parallel_loop3A_210, %parallel_loop3A_203 : vector<16xf32>
      tpu.vector_store_idx %arg14[%parallel_loop3A_209, %parallel_loop3A_189], %parallel_loop3A_211 {add = true} : memref<4x10000xf32, #tpu.memory_space<vmem>>[vector<16xi32>, vector<16xi32>], vector<16xf32>,
      %parallel_loop3A_212 = arith.constant 2 : i32
      %parallel_loop3A_213 = vector.broadcast %parallel_loop3A_212 : i32 to vector<16xi32>
      %parallel_loop3A_214 = tpu.vector_load_idx %arg13[%parallel_loop3A_213, %parallel_loop3A_187] : memref<4x10000xf32, #tpu.memory_space<vmem>>[vector<16xi32>, vector<16xi32>], vector<16xf32>,
      %parallel_loop3A_215 = arith.mulf %parallel_loop3A_214, %parallel_loop3A_203 : vector<16xf32>
      tpu.vector_store_idx %arg14[%parallel_loop3A_213, %parallel_loop3A_189], %parallel_loop3A_215 {add = true} : memref<4x10000xf32, #tpu.memory_space<vmem>>[vector<16xi32>, vector<16xi32>], vector<16xf32>,
      %parallel_loop3A_216 = arith.constant 3 : i32
      %parallel_loop3A_217 = vector.broadcast %parallel_loop3A_216 : i32 to vector<16xi32>
      %parallel_loop3A_218 = tpu.vector_load_idx %arg13[%parallel_loop3A_217, %parallel_loop3A_187] : memref<4x10000xf32, #tpu.memory_space<vmem>>[vector<16xi32>, vector<16xi32>], vector<16xf32>,
      %parallel_loop3A_219 = arith.mulf %parallel_loop3A_218, %parallel_loop3A_203 : vector<16xf32>
      tpu.vector_store_idx %arg14[%parallel_loop3A_217, %parallel_loop3A_189], %parallel_loop3A_219 {add = true} : memref<4x10000xf32, #tpu.memory_space<vmem>>[vector<16xi32>, vector<16xi32>], vector<16xf32>,
    } {sc.loop_unroll_factor = 5 : i64, sc.parallel_access}
    %add3A_66 = arith.constant 8000 : i32
    %add3A_67 = arith.addi %add3A_46, %add3A_66 : i32
    %dma_start3A_68 = tpu.memref_slice %arg2[%add3A_67] : memref<320000xi32, #tpu.memory_space<hbm>> -> memref<4000xi32, #tpu.memory_space<hbm>>
    %dma_start3A_69 = tpu.memref_slice %arg2[%add3A_67] : memref<320000xi32, #tpu.memory_space<hbm>> -> memref<4000xi32, #tpu.memory_space<hbm>>
    tpu.enqueue_dma source(%dma_start3A_69 : memref<4000xi32, #tpu.memory_space<hbm>>) target(%arg16 : memref<4000xi32, #tpu.memory_space<vmem>>) target_semaphore(%arg20 : memref<!tpu.dma_semaphore, #tpu.memory_space<semaphore_mem>>)
    %dma_start3A_70 = tpu.memref_slice %arg3[%add3A_67] : memref<320000xi32, #tpu.memory_space<hbm>> -> memref<4000xi32, #tpu.memory_space<hbm>>
    %dma_start3A_71 = tpu.memref_slice %arg3[%add3A_67] : memref<320000xi32, #tpu.memory_space<hbm>> -> memref<4000xi32, #tpu.memory_space<hbm>>
    tpu.enqueue_dma source(%dma_start3A_71 : memref<4000xi32, #tpu.memory_space<hbm>>) target(%arg17 : memref<4000xi32, #tpu.memory_space<vmem>>) target_semaphore(%arg20 : memref<!tpu.dma_semaphore, #tpu.memory_space<semaphore_mem>>)
    %dma_wait3A_72 = tpu.memref_slice %arg2[%add3A_54] : memref<320000xi32, #tpu.memory_space<hbm>> -> memref<4000xi32, #tpu.memory_space<hbm>>
    %dma_wait3A_73 = tpu.memref_slice %arg2[%add3A_54] : memref<320000xi32, #tpu.memory_space<hbm>> -> memref<4000xi32, #tpu.memory_space<hbm>>
    tpu.wait_dma2 semaphore(%arg21 : memref<!tpu.dma_semaphore, #tpu.memory_space<semaphore_mem>>) src(%dma_wait3A_73 : memref<4000xi32, #tpu.memory_space<hbm>>) dst(%arg18 : memref<4000xi32, #tpu.memory_space<vmem>>)
    %dma_wait3A_74 = tpu.memref_slice %arg3[%add3A_54] : memref<320000xi32, #tpu.memory_space<hbm>> -> memref<4000xi32, #tpu.memory_space<hbm>>
    %dma_wait3A_75 = tpu.memref_slice %arg3[%add3A_54] : memref<320000xi32, #tpu.memory_space<hbm>> -> memref<4000xi32, #tpu.memory_space<hbm>>
    tpu.wait_dma2 semaphore(%arg21 : memref<!tpu.dma_semaphore, #tpu.memory_space<semaphore_mem>>) src(%dma_wait3A_75 : memref<4000xi32, #tpu.memory_space<hbm>>) dst(%arg19 : memref<4000xi32, #tpu.memory_space<vmem>>)
    %parallel_loop3A_76 = arith.constant 0 : i32
    %parallel_loop3A_77 = arith.constant 250 : i32
    %parallel_loop3A_78 = arith.constant 1 : i32
    scf.for %parallel_loop3A_183 = %parallel_loop3A_76 to %parallel_loop3A_77 step %parallel_loop3A_78  : i32 {
      %parallel_loop3A_184 = arith.constant 16 : i32
      %parallel_loop3A_185 = arith.muli %parallel_loop3A_183, %parallel_loop3A_184 : i32
      %parallel_loop3A_186 = arith.index_cast %parallel_loop3A_185 : i32 to index
      %parallel_loop3A_187 = tpu.vector_load %arg18[%parallel_loop3A_186] {strides = array<i32>} : memref<4000xi32, #tpu.memory_space<vmem>>, vector<16xi32>,
      %parallel_loop3A_188 = arith.index_cast %parallel_loop3A_185 : i32 to index
      %parallel_loop3A_189 = tpu.vector_load %arg19[%parallel_loop3A_188] {strides = array<i32>} : memref<4000xi32, #tpu.memory_space<vmem>>, vector<16xi32>,
      %parallel_loop3A_190 = tpu.vector_load_idx %arg10[%parallel_loop3A_187] : memref<10000xf32, #tpu.memory_space<vmem>>[vector<16xi32>], vector<16xf32>,
      %parallel_loop3A_191 = tpu.vector_load_idx %arg11[%parallel_loop3A_189] : memref<10000xf32, #tpu.memory_space<vmem>>[vector<16xi32>], vector<16xf32>,
      %parallel_loop3A_192 = arith.addf %parallel_loop3A_190, %parallel_loop3A_191 : vector<16xf32>
      %parallel_loop3A_193 = arith.constant 2.000000e-01 : f32
      %parallel_loop3A_194 = vector.broadcast %parallel_loop3A_193 : f32 to vector<16xf32>
      %parallel_loop3A_195 = arith.mulf %parallel_loop3A_194, %parallel_loop3A_192 : vector<16xf32>
      %parallel_loop3A_196 = arith.maximumf %parallel_loop3A_192, %parallel_loop3A_195 : vector<16xf32>
      %parallel_loop3A_197 = arith.addf %parallel_loop3A_191, %get3A_43 : vector<16xf32>
      %parallel_loop3A_198 = arith.constant 2.000000e-01 : f32
      %parallel_loop3A_199 = vector.broadcast %parallel_loop3A_198 : f32 to vector<16xf32>
      %parallel_loop3A_200 = arith.mulf %parallel_loop3A_199, %parallel_loop3A_197 : vector<16xf32>
      %parallel_loop3A_201 = arith.maximumf %parallel_loop3A_197, %parallel_loop3A_200 : vector<16xf32>
      %parallel_loop3A_202 = arith.subf %parallel_loop3A_196, %parallel_loop3A_201 : vector<16xf32>
      %parallel_loop3A_203 = math.exp %parallel_loop3A_202 : vector<16xf32>
      tpu.vector_store_idx %arg15[%parallel_loop3A_189], %parallel_loop3A_203 {add = true} : memref<10000xf32, #tpu.memory_space<vmem>>[vector<16xi32>], vector<16xf32>,
      %parallel_loop3A_204 = arith.constant 0 : i32
      %parallel_loop3A_205 = vector.broadcast %parallel_loop3A_204 : i32 to vector<16xi32>
      %parallel_loop3A_206 = tpu.vector_load_idx %arg13[%parallel_loop3A_205, %parallel_loop3A_187] : memref<4x10000xf32, #tpu.memory_space<vmem>>[vector<16xi32>, vector<16xi32>], vector<16xf32>,
      %parallel_loop3A_207 = arith.mulf %parallel_loop3A_206, %parallel_loop3A_203 : vector<16xf32>
      tpu.vector_store_idx %arg14[%parallel_loop3A_205, %parallel_loop3A_189], %parallel_loop3A_207 {add = true} : memref<4x10000xf32, #tpu.memory_space<vmem>>[vector<16xi32>, vector<16xi32>], vector<16xf32>,
      %parallel_loop3A_208 = arith.constant 1 : i32
      %parallel_loop3A_209 = vector.broadcast %parallel_loop3A_208 : i32 to vector<16xi32>
      %parallel_loop3A_210 = tpu.vector_load_idx %arg13[%parallel_loop3A_209, %parallel_loop3A_187] : memref<4x10000xf32, #tpu.memory_space<vmem>>[vector<16xi32>, vector<16xi32>], vector<16xf32>,
      %parallel_loop3A_211 = arith.mulf %parallel_loop3A_210, %parallel_loop3A_203 : vector<16xf32>
      tpu.vector_store_idx %arg14[%parallel_loop3A_209, %parallel_loop3A_189], %parallel_loop3A_211 {add = true} : memref<4x10000xf32, #tpu.memory_space<vmem>>[vector<16xi32>, vector<16xi32>], vector<16xf32>,
      %parallel_loop3A_212 = arith.constant 2 : i32
      %parallel_loop3A_213 = vector.broadcast %parallel_loop3A_212 : i32 to vector<16xi32>
      %parallel_loop3A_214 = tpu.vector_load_idx %arg13[%parallel_loop3A_213, %parallel_loop3A_187] : memref<4x10000xf32, #tpu.memory_space<vmem>>[vector<16xi32>, vector<16xi32>], vector<16xf32>,
      %parallel_loop3A_215 = arith.mulf %parallel_loop3A_214, %parallel_loop3A_203 : vector<16xf32>
      tpu.vector_store_idx %arg14[%parallel_loop3A_213, %parallel_loop3A_189], %parallel_loop3A_215 {add = true} : memref<4x10000xf32, #tpu.memory_space<vmem>>[vector<16xi32>, vector<16xi32>], vector<16xf32>,
      %parallel_loop3A_216 = arith.constant 3 : i32
      %parallel_loop3A_217 = vector.broadcast %parallel_loop3A_216 : i32 to vector<16xi32>
      %parallel_loop3A_218 = tpu.vector_load_idx %arg13[%parallel_loop3A_217, %parallel_loop3A_187] : memref<4x10000xf32, #tpu.memory_space<vmem>>[vector<16xi32>, vector<16xi32>], vector<16xf32>,
      %parallel_loop3A_219 = arith.mulf %parallel_loop3A_218, %parallel_loop3A_203 : vector<16xf32>
      tpu.vector_store_idx %arg14[%parallel_loop3A_217, %parallel_loop3A_189], %parallel_loop3A_219 {add = true} : memref<4x10000xf32, #tpu.memory_space<vmem>>[vector<16xi32>, vector<16xi32>], vector<16xf32>,
    } {sc.loop_unroll_factor = 5 : i64, sc.parallel_access}
    %add3A_79 = arith.constant 12000 : i32
    %add3A_80 = arith.addi %add3A_46, %add3A_79 : i32
    %dma_start3A_81 = tpu.memref_slice %arg2[%add3A_80] : memref<320000xi32, #tpu.memory_space<hbm>> -> memref<4000xi32, #tpu.memory_space<hbm>>
    %dma_start3A_82 = tpu.memref_slice %arg2[%add3A_80] : memref<320000xi32, #tpu.memory_space<hbm>> -> memref<4000xi32, #tpu.memory_space<hbm>>
    tpu.enqueue_dma source(%dma_start3A_82 : memref<4000xi32, #tpu.memory_space<hbm>>) target(%arg18 : memref<4000xi32, #tpu.memory_space<vmem>>) target_semaphore(%arg21 : memref<!tpu.dma_semaphore, #tpu.memory_space<semaphore_mem>>)
    %dma_start3A_83 = tpu.memref_slice %arg3[%add3A_80] : memref<320000xi32, #tpu.memory_space<hbm>> -> memref<4000xi32, #tpu.memory_space<hbm>>
    %dma_start3A_84 = tpu.memref_slice %arg3[%add3A_80] : memref<320000xi32, #tpu.memory_space<hbm>> -> memref<4000xi32, #tpu.memory_space<hbm>>
    tpu.enqueue_dma source(%dma_start3A_84 : memref<4000xi32, #tpu.memory_space<hbm>>) target(%arg19 : memref<4000xi32, #tpu.memory_space<vmem>>) target_semaphore(%arg21 : memref<!tpu.dma_semaphore, #tpu.memory_space<semaphore_mem>>)
    %dma_wait3A_85 = tpu.memref_slice %arg2[%add3A_67] : memref<320000xi32, #tpu.memory_space<hbm>> -> memref<4000xi32, #tpu.memory_space<hbm>>
    %dma_wait3A_86 = tpu.memref_slice %arg2[%add3A_67] : memref<320000xi32, #tpu.memory_space<hbm>> -> memref<4000xi32, #tpu.memory_space<hbm>>
    tpu.wait_dma2 semaphore(%arg20 : memref<!tpu.dma_semaphore, #tpu.memory_space<semaphore_mem>>) src(%dma_wait3A_86 : memref<4000xi32, #tpu.memory_space<hbm>>) dst(%arg16 : memref<4000xi32, #tpu.memory_space<vmem>>)
    %dma_wait3A_87 = tpu.memref_slice %arg3[%add3A_67] : memref<320000xi32, #tpu.memory_space<hbm>> -> memref<4000xi32, #tpu.memory_space<hbm>>
    %dma_wait3A_88 = tpu.memref_slice %arg3[%add3A_67] : memref<320000xi32, #tpu.memory_space<hbm>> -> memref<4000xi32, #tpu.memory_space<hbm>>
    tpu.wait_dma2 semaphore(%arg20 : memref<!tpu.dma_semaphore, #tpu.memory_space<semaphore_mem>>) src(%dma_wait3A_88 : memref<4000xi32, #tpu.memory_space<hbm>>) dst(%arg17 : memref<4000xi32, #tpu.memory_space<vmem>>)
    %parallel_loop3A_89 = arith.constant 0 : i32
    %parallel_loop3A_90 = arith.constant 250 : i32
    %parallel_loop3A_91 = arith.constant 1 : i32
    scf.for %parallel_loop3A_183 = %parallel_loop3A_89 to %parallel_loop3A_90 step %parallel_loop3A_91  : i32 {
      %parallel_loop3A_184 = arith.constant 16 : i32
      %parallel_loop3A_185 = arith.muli %parallel_loop3A_183, %parallel_loop3A_184 : i32
      %parallel_loop3A_186 = arith.index_cast %parallel_loop3A_185 : i32 to index
      %parallel_loop3A_187 = tpu.vector_load %arg16[%parallel_loop3A_186] {strides = array<i32>} : memref<4000xi32, #tpu.memory_space<vmem>>, vector<16xi32>,
      %parallel_loop3A_188 = arith.index_cast %parallel_loop3A_185 : i32 to index
      %parallel_loop3A_189 = tpu.vector_load %arg17[%parallel_loop3A_188] {strides = array<i32>} : memref<4000xi32, #tpu.memory_space<vmem>>, vector<16xi32>,
      %parallel_loop3A_190 = tpu.vector_load_idx %arg10[%parallel_loop3A_187] : memref<10000xf32, #tpu.memory_space<vmem>>[vector<16xi32>], vector<16xf32>,
      %parallel_loop3A_191 = tpu.vector_load_idx %arg11[%parallel_loop3A_189] : memref<10000xf32, #tpu.memory_space<vmem>>[vector<16xi32>], vector<16xf32>,
      %parallel_loop3A_192 = arith.addf %parallel_loop3A_190, %parallel_loop3A_191 : vector<16xf32>
      %parallel_loop3A_193 = arith.constant 2.000000e-01 : f32
      %parallel_loop3A_194 = vector.broadcast %parallel_loop3A_193 : f32 to vector<16xf32>
      %parallel_loop3A_195 = arith.mulf %parallel_loop3A_194, %parallel_loop3A_192 : vector<16xf32>
      %parallel_loop3A_196 = arith.maximumf %parallel_loop3A_192, %parallel_loop3A_195 : vector<16xf32>
      %parallel_loop3A_197 = arith.addf %parallel_loop3A_191, %get3A_43 : vector<16xf32>
      %parallel_loop3A_198 = arith.constant 2.000000e-01 : f32
      %parallel_loop3A_199 = vector.broadcast %parallel_loop3A_198 : f32 to vector<16xf32>
      %parallel_loop3A_200 = arith.mulf %parallel_loop3A_199, %parallel_loop3A_197 : vector<16xf32>
      %parallel_loop3A_201 = arith.maximumf %parallel_loop3A_197, %parallel_loop3A_200 : vector<16xf32>
      %parallel_loop3A_202 = arith.subf %parallel_loop3A_196, %parallel_loop3A_201 : vector<16xf32>
      %parallel_loop3A_203 = math.exp %parallel_loop3A_202 : vector<16xf32>
      tpu.vector_store_idx %arg15[%parallel_loop3A_189], %parallel_loop3A_203 {add = true} : memref<10000xf32, #tpu.memory_space<vmem>>[vector<16xi32>], vector<16xf32>,
      %parallel_loop3A_204 = arith.constant 0 : i32
      %parallel_loop3A_205 = vector.broadcast %parallel_loop3A_204 : i32 to vector<16xi32>
      %parallel_loop3A_206 = tpu.vector_load_idx %arg13[%parallel_loop3A_205, %parallel_loop3A_187] : memref<4x10000xf32, #tpu.memory_space<vmem>>[vector<16xi32>, vector<16xi32>], vector<16xf32>,
      %parallel_loop3A_207 = arith.mulf %parallel_loop3A_206, %parallel_loop3A_203 : vector<16xf32>
      tpu.vector_store_idx %arg14[%parallel_loop3A_205, %parallel_loop3A_189], %parallel_loop3A_207 {add = true} : memref<4x10000xf32, #tpu.memory_space<vmem>>[vector<16xi32>, vector<16xi32>], vector<16xf32>,
      %parallel_loop3A_208 = arith.constant 1 : i32
      %parallel_loop3A_209 = vector.broadcast %parallel_loop3A_208 : i32 to vector<16xi32>
      %parallel_loop3A_210 = tpu.vector_load_idx %arg13[%parallel_loop3A_209, %parallel_loop3A_187] : memref<4x10000xf32, #tpu.memory_space<vmem>>[vector<16xi32>, vector<16xi32>], vector<16xf32>,
      %parallel_loop3A_211 = arith.mulf %parallel_loop3A_210, %parallel_loop3A_203 : vector<16xf32>
      tpu.vector_store_idx %arg14[%parallel_loop3A_209, %parallel_loop3A_189], %parallel_loop3A_211 {add = true} : memref<4x10000xf32, #tpu.memory_space<vmem>>[vector<16xi32>, vector<16xi32>], vector<16xf32>,
      %parallel_loop3A_212 = arith.constant 2 : i32
      %parallel_loop3A_213 = vector.broadcast %parallel_loop3A_212 : i32 to vector<16xi32>
      %parallel_loop3A_214 = tpu.vector_load_idx %arg13[%parallel_loop3A_213, %parallel_loop3A_187] : memref<4x10000xf32, #tpu.memory_space<vmem>>[vector<16xi32>, vector<16xi32>], vector<16xf32>,
      %parallel_loop3A_215 = arith.mulf %parallel_loop3A_214, %parallel_loop3A_203 : vector<16xf32>
      tpu.vector_store_idx %arg14[%parallel_loop3A_213, %parallel_loop3A_189], %parallel_loop3A_215 {add = true} : memref<4x10000xf32, #tpu.memory_space<vmem>>[vector<16xi32>, vector<16xi32>], vector<16xf32>,
      %parallel_loop3A_216 = arith.constant 3 : i32
      %parallel_loop3A_217 = vector.broadcast %parallel_loop3A_216 : i32 to vector<16xi32>
      %parallel_loop3A_218 = tpu.vector_load_idx %arg13[%parallel_loop3A_217, %parallel_loop3A_187] : memref<4x10000xf32, #tpu.memory_space<vmem>>[vector<16xi32>, vector<16xi32>], vector<16xf32>,
      %parallel_loop3A_219 = arith.mulf %parallel_loop3A_218, %parallel_loop3A_203 : vector<16xf32>
      tpu.vector_store_idx %arg14[%parallel_loop3A_217, %parallel_loop3A_189], %parallel_loop3A_219 {add = true} : memref<4x10000xf32, #tpu.memory_space<vmem>>[vector<16xi32>, vector<16xi32>], vector<16xf32>,
    } {sc.loop_unroll_factor = 5 : i64, sc.parallel_access}
    %add3A_92 = arith.constant 16000 : i32
    %add3A_93 = arith.addi %add3A_46, %add3A_92 : i32
    %dma_start3A_94 = tpu.memref_slice %arg2[%add3A_93] : memref<320000xi32, #tpu.memory_space<hbm>> -> memref<4000xi32, #tpu.memory_space<hbm>>
    %dma_start3A_95 = tpu.memref_slice %arg2[%add3A_93] : memref<320000xi32, #tpu.memory_space<hbm>> -> memref<4000xi32, #tpu.memory_space<hbm>>
    tpu.enqueue_dma source(%dma_start3A_95 : memref<4000xi32, #tpu.memory_space<hbm>>) target(%arg16 : memref<4000xi32, #tpu.memory_space<vmem>>) target_semaphore(%arg20 : memref<!tpu.dma_semaphore, #tpu.memory_space<semaphore_mem>>)
    %dma_start3A_96 = tpu.memref_slice %arg3[%add3A_93] : memref<320000xi32, #tpu.memory_space<hbm>> -> memref<4000xi32, #tpu.memory_space<hbm>>
    %dma_start3A_97 = tpu.memref_slice %arg3[%add3A_93] : memref<320000xi32, #tpu.memory_space<hbm>> -> memref<4000xi32, #tpu.memory_space<hbm>>
    tpu.enqueue_dma source(%dma_start3A_97 : memref<4000xi32, #tpu.memory_space<hbm>>) target(%arg17 : memref<4000xi32, #tpu.memory_space<vmem>>) target_semaphore(%arg20 : memref<!tpu.dma_semaphore, #tpu.memory_space<semaphore_mem>>)
    %dma_wait3A_98 = tpu.memref_slice %arg2[%add3A_80] : memref<320000xi32, #tpu.memory_space<hbm>> -> memref<4000xi32, #tpu.memory_space<hbm>>
    %dma_wait3A_99 = tpu.memref_slice %arg2[%add3A_80] : memref<320000xi32, #tpu.memory_space<hbm>> -> memref<4000xi32, #tpu.memory_space<hbm>>
    tpu.wait_dma2 semaphore(%arg21 : memref<!tpu.dma_semaphore, #tpu.memory_space<semaphore_mem>>) src(%dma_wait3A_99 : memref<4000xi32, #tpu.memory_space<hbm>>) dst(%arg18 : memref<4000xi32, #tpu.memory_space<vmem>>)
    %dma_wait3A_100 = tpu.memref_slice %arg3[%add3A_80] : memref<320000xi32, #tpu.memory_space<hbm>> -> memref<4000xi32, #tpu.memory_space<hbm>>
    %dma_wait3A_101 = tpu.memref_slice %arg3[%add3A_80] : memref<320000xi32, #tpu.memory_space<hbm>> -> memref<4000xi32, #tpu.memory_space<hbm>>
    tpu.wait_dma2 semaphore(%arg21 : memref<!tpu.dma_semaphore, #tpu.memory_space<semaphore_mem>>) src(%dma_wait3A_101 : memref<4000xi32, #tpu.memory_space<hbm>>) dst(%arg19 : memref<4000xi32, #tpu.memory_space<vmem>>)
    %parallel_loop3A_102 = arith.constant 0 : i32
    %parallel_loop3A_103 = arith.constant 250 : i32
    %parallel_loop3A_104 = arith.constant 1 : i32
    scf.for %parallel_loop3A_183 = %parallel_loop3A_102 to %parallel_loop3A_103 step %parallel_loop3A_104  : i32 {
      %parallel_loop3A_184 = arith.constant 16 : i32
      %parallel_loop3A_185 = arith.muli %parallel_loop3A_183, %parallel_loop3A_184 : i32
      %parallel_loop3A_186 = arith.index_cast %parallel_loop3A_185 : i32 to index
      %parallel_loop3A_187 = tpu.vector_load %arg18[%parallel_loop3A_186] {strides = array<i32>} : memref<4000xi32, #tpu.memory_space<vmem>>, vector<16xi32>,
      %parallel_loop3A_188 = arith.index_cast %parallel_loop3A_185 : i32 to index
      %parallel_loop3A_189 = tpu.vector_load %arg19[%parallel_loop3A_188] {strides = array<i32>} : memref<4000xi32, #tpu.memory_space<vmem>>, vector<16xi32>,
      %parallel_loop3A_190 = tpu.vector_load_idx %arg10[%parallel_loop3A_187] : memref<10000xf32, #tpu.memory_space<vmem>>[vector<16xi32>], vector<16xf32>,
      %parallel_loop3A_191 = tpu.vector_load_idx %arg11[%parallel_loop3A_189] : memref<10000xf32, #tpu.memory_space<vmem>>[vector<16xi32>], vector<16xf32>,
      %parallel_loop3A_192 = arith.addf %parallel_loop3A_190, %parallel_loop3A_191 : vector<16xf32>
      %parallel_loop3A_193 = arith.constant 2.000000e-01 : f32
      %parallel_loop3A_194 = vector.broadcast %parallel_loop3A_193 : f32 to vector<16xf32>
      %parallel_loop3A_195 = arith.mulf %parallel_loop3A_194, %parallel_loop3A_192 : vector<16xf32>
      %parallel_loop3A_196 = arith.maximumf %parallel_loop3A_192, %parallel_loop3A_195 : vector<16xf32>
      %parallel_loop3A_197 = arith.addf %parallel_loop3A_191, %get3A_43 : vector<16xf32>
      %parallel_loop3A_198 = arith.constant 2.000000e-01 : f32
      %parallel_loop3A_199 = vector.broadcast %parallel_loop3A_198 : f32 to vector<16xf32>
      %parallel_loop3A_200 = arith.mulf %parallel_loop3A_199, %parallel_loop3A_197 : vector<16xf32>
      %parallel_loop3A_201 = arith.maximumf %parallel_loop3A_197, %parallel_loop3A_200 : vector<16xf32>
      %parallel_loop3A_202 = arith.subf %parallel_loop3A_196, %parallel_loop3A_201 : vector<16xf32>
      %parallel_loop3A_203 = math.exp %parallel_loop3A_202 : vector<16xf32>
      tpu.vector_store_idx %arg15[%parallel_loop3A_189], %parallel_loop3A_203 {add = true} : memref<10000xf32, #tpu.memory_space<vmem>>[vector<16xi32>], vector<16xf32>,
      %parallel_loop3A_204 = arith.constant 0 : i32
      %parallel_loop3A_205 = vector.broadcast %parallel_loop3A_204 : i32 to vector<16xi32>
      %parallel_loop3A_206 = tpu.vector_load_idx %arg13[%parallel_loop3A_205, %parallel_loop3A_187] : memref<4x10000xf32, #tpu.memory_space<vmem>>[vector<16xi32>, vector<16xi32>], vector<16xf32>,
      %parallel_loop3A_207 = arith.mulf %parallel_loop3A_206, %parallel_loop3A_203 : vector<16xf32>
      tpu.vector_store_idx %arg14[%parallel_loop3A_205, %parallel_loop3A_189], %parallel_loop3A_207 {add = true} : memref<4x10000xf32, #tpu.memory_space<vmem>>[vector<16xi32>, vector<16xi32>], vector<16xf32>,
      %parallel_loop3A_208 = arith.constant 1 : i32
      %parallel_loop3A_209 = vector.broadcast %parallel_loop3A_208 : i32 to vector<16xi32>
      %parallel_loop3A_210 = tpu.vector_load_idx %arg13[%parallel_loop3A_209, %parallel_loop3A_187] : memref<4x10000xf32, #tpu.memory_space<vmem>>[vector<16xi32>, vector<16xi32>], vector<16xf32>,
      %parallel_loop3A_211 = arith.mulf %parallel_loop3A_210, %parallel_loop3A_203 : vector<16xf32>
      tpu.vector_store_idx %arg14[%parallel_loop3A_209, %parallel_loop3A_189], %parallel_loop3A_211 {add = true} : memref<4x10000xf32, #tpu.memory_space<vmem>>[vector<16xi32>, vector<16xi32>], vector<16xf32>,
      %parallel_loop3A_212 = arith.constant 2 : i32
      %parallel_loop3A_213 = vector.broadcast %parallel_loop3A_212 : i32 to vector<16xi32>
      %parallel_loop3A_214 = tpu.vector_load_idx %arg13[%parallel_loop3A_213, %parallel_loop3A_187] : memref<4x10000xf32, #tpu.memory_space<vmem>>[vector<16xi32>, vector<16xi32>], vector<16xf32>,
      %parallel_loop3A_215 = arith.mulf %parallel_loop3A_214, %parallel_loop3A_203 : vector<16xf32>
      tpu.vector_store_idx %arg14[%parallel_loop3A_213, %parallel_loop3A_189], %parallel_loop3A_215 {add = true} : memref<4x10000xf32, #tpu.memory_space<vmem>>[vector<16xi32>, vector<16xi32>], vector<16xf32>,
      %parallel_loop3A_216 = arith.constant 3 : i32
      %parallel_loop3A_217 = vector.broadcast %parallel_loop3A_216 : i32 to vector<16xi32>
      %parallel_loop3A_218 = tpu.vector_load_idx %arg13[%parallel_loop3A_217, %parallel_loop3A_187] : memref<4x10000xf32, #tpu.memory_space<vmem>>[vector<16xi32>, vector<16xi32>], vector<16xf32>,
      %parallel_loop3A_219 = arith.mulf %parallel_loop3A_218, %parallel_loop3A_203 : vector<16xf32>
      tpu.vector_store_idx %arg14[%parallel_loop3A_217, %parallel_loop3A_189], %parallel_loop3A_219 {add = true} : memref<4x10000xf32, #tpu.memory_space<vmem>>[vector<16xi32>, vector<16xi32>], vector<16xf32>,
    } {sc.loop_unroll_factor = 5 : i64, sc.parallel_access}
    %add3A_105 = arith.constant 20000 : i32
    %add3A_106 = arith.addi %add3A_46, %add3A_105 : i32
    %dma_start3A_107 = tpu.memref_slice %arg2[%add3A_106] : memref<320000xi32, #tpu.memory_space<hbm>> -> memref<4000xi32, #tpu.memory_space<hbm>>
    %dma_start3A_108 = tpu.memref_slice %arg2[%add3A_106] : memref<320000xi32, #tpu.memory_space<hbm>> -> memref<4000xi32, #tpu.memory_space<hbm>>
    tpu.enqueue_dma source(%dma_start3A_108 : memref<4000xi32, #tpu.memory_space<hbm>>) target(%arg18 : memref<4000xi32, #tpu.memory_space<vmem>>) target_semaphore(%arg21 : memref<!tpu.dma_semaphore, #tpu.memory_space<semaphore_mem>>)
    %dma_start3A_109 = tpu.memref_slice %arg3[%add3A_106] : memref<320000xi32, #tpu.memory_space<hbm>> -> memref<4000xi32, #tpu.memory_space<hbm>>
    %dma_start3A_110 = tpu.memref_slice %arg3[%add3A_106] : memref<320000xi32, #tpu.memory_space<hbm>> -> memref<4000xi32, #tpu.memory_space<hbm>>
    tpu.enqueue_dma source(%dma_start3A_110 : memref<4000xi32, #tpu.memory_space<hbm>>) target(%arg19 : memref<4000xi32, #tpu.memory_space<vmem>>) target_semaphore(%arg21 : memref<!tpu.dma_semaphore, #tpu.memory_space<semaphore_mem>>)
    %dma_wait3A_111 = tpu.memref_slice %arg2[%add3A_93] : memref<320000xi32, #tpu.memory_space<hbm>> -> memref<4000xi32, #tpu.memory_space<hbm>>
    %dma_wait3A_112 = tpu.memref_slice %arg2[%add3A_93] : memref<320000xi32, #tpu.memory_space<hbm>> -> memref<4000xi32, #tpu.memory_space<hbm>>
    tpu.wait_dma2 semaphore(%arg20 : memref<!tpu.dma_semaphore, #tpu.memory_space<semaphore_mem>>) src(%dma_wait3A_112 : memref<4000xi32, #tpu.memory_space<hbm>>) dst(%arg16 : memref<4000xi32, #tpu.memory_space<vmem>>)
    %dma_wait3A_113 = tpu.memref_slice %arg3[%add3A_93] : memref<320000xi32, #tpu.memory_space<hbm>> -> memref<4000xi32, #tpu.memory_space<hbm>>
    %dma_wait3A_114 = tpu.memref_slice %arg3[%add3A_93] : memref<320000xi32, #tpu.memory_space<hbm>> -> memref<4000xi32, #tpu.memory_space<hbm>>
    tpu.wait_dma2 semaphore(%arg20 : memref<!tpu.dma_semaphore, #tpu.memory_space<semaphore_mem>>) src(%dma_wait3A_114 : memref<4000xi32, #tpu.memory_space<hbm>>) dst(%arg17 : memref<4000xi32, #tpu.memory_space<vmem>>)
    %parallel_loop3A_115 = arith.constant 0 : i32
    %parallel_loop3A_116 = arith.constant 250 : i32
    %parallel_loop3A_117 = arith.constant 1 : i32
    scf.for %parallel_loop3A_183 = %parallel_loop3A_115 to %parallel_loop3A_116 step %parallel_loop3A_117  : i32 {
      %parallel_loop3A_184 = arith.constant 16 : i32
      %parallel_loop3A_185 = arith.muli %parallel_loop3A_183, %parallel_loop3A_184 : i32
      %parallel_loop3A_186 = arith.index_cast %parallel_loop3A_185 : i32 to index
      %parallel_loop3A_187 = tpu.vector_load %arg16[%parallel_loop3A_186] {strides = array<i32>} : memref<4000xi32, #tpu.memory_space<vmem>>, vector<16xi32>,
      %parallel_loop3A_188 = arith.index_cast %parallel_loop3A_185 : i32 to index
      %parallel_loop3A_189 = tpu.vector_load %arg17[%parallel_loop3A_188] {strides = array<i32>} : memref<4000xi32, #tpu.memory_space<vmem>>, vector<16xi32>,
      %parallel_loop3A_190 = tpu.vector_load_idx %arg10[%parallel_loop3A_187] : memref<10000xf32, #tpu.memory_space<vmem>>[vector<16xi32>], vector<16xf32>,
      %parallel_loop3A_191 = tpu.vector_load_idx %arg11[%parallel_loop3A_189] : memref<10000xf32, #tpu.memory_space<vmem>>[vector<16xi32>], vector<16xf32>,
      %parallel_loop3A_192 = arith.addf %parallel_loop3A_190, %parallel_loop3A_191 : vector<16xf32>
      %parallel_loop3A_193 = arith.constant 2.000000e-01 : f32
      %parallel_loop3A_194 = vector.broadcast %parallel_loop3A_193 : f32 to vector<16xf32>
      %parallel_loop3A_195 = arith.mulf %parallel_loop3A_194, %parallel_loop3A_192 : vector<16xf32>
      %parallel_loop3A_196 = arith.maximumf %parallel_loop3A_192, %parallel_loop3A_195 : vector<16xf32>
      %parallel_loop3A_197 = arith.addf %parallel_loop3A_191, %get3A_43 : vector<16xf32>
      %parallel_loop3A_198 = arith.constant 2.000000e-01 : f32
      %parallel_loop3A_199 = vector.broadcast %parallel_loop3A_198 : f32 to vector<16xf32>
      %parallel_loop3A_200 = arith.mulf %parallel_loop3A_199, %parallel_loop3A_197 : vector<16xf32>
      %parallel_loop3A_201 = arith.maximumf %parallel_loop3A_197, %parallel_loop3A_200 : vector<16xf32>
      %parallel_loop3A_202 = arith.subf %parallel_loop3A_196, %parallel_loop3A_201 : vector<16xf32>
      %parallel_loop3A_203 = math.exp %parallel_loop3A_202 : vector<16xf32>
      tpu.vector_store_idx %arg15[%parallel_loop3A_189], %parallel_loop3A_203 {add = true} : memref<10000xf32, #tpu.memory_space<vmem>>[vector<16xi32>], vector<16xf32>,
      %parallel_loop3A_204 = arith.constant 0 : i32
      %parallel_loop3A_205 = vector.broadcast %parallel_loop3A_204 : i32 to vector<16xi32>
      %parallel_loop3A_206 = tpu.vector_load_idx %arg13[%parallel_loop3A_205, %parallel_loop3A_187] : memref<4x10000xf32, #tpu.memory_space<vmem>>[vector<16xi32>, vector<16xi32>], vector<16xf32>,
      %parallel_loop3A_207 = arith.mulf %parallel_loop3A_206, %parallel_loop3A_203 : vector<16xf32>
      tpu.vector_store_idx %arg14[%parallel_loop3A_205, %parallel_loop3A_189], %parallel_loop3A_207 {add = true} : memref<4x10000xf32, #tpu.memory_space<vmem>>[vector<16xi32>, vector<16xi32>], vector<16xf32>,
      %parallel_loop3A_208 = arith.constant 1 : i32
      %parallel_loop3A_209 = vector.broadcast %parallel_loop3A_208 : i32 to vector<16xi32>
      %parallel_loop3A_210 = tpu.vector_load_idx %arg13[%parallel_loop3A_209, %parallel_loop3A_187] : memref<4x10000xf32, #tpu.memory_space<vmem>>[vector<16xi32>, vector<16xi32>], vector<16xf32>,
      %parallel_loop3A_211 = arith.mulf %parallel_loop3A_210, %parallel_loop3A_203 : vector<16xf32>
      tpu.vector_store_idx %arg14[%parallel_loop3A_209, %parallel_loop3A_189], %parallel_loop3A_211 {add = true} : memref<4x10000xf32, #tpu.memory_space<vmem>>[vector<16xi32>, vector<16xi32>], vector<16xf32>,
      %parallel_loop3A_212 = arith.constant 2 : i32
      %parallel_loop3A_213 = vector.broadcast %parallel_loop3A_212 : i32 to vector<16xi32>
      %parallel_loop3A_214 = tpu.vector_load_idx %arg13[%parallel_loop3A_213, %parallel_loop3A_187] : memref<4x10000xf32, #tpu.memory_space<vmem>>[vector<16xi32>, vector<16xi32>], vector<16xf32>,
      %parallel_loop3A_215 = arith.mulf %parallel_loop3A_214, %parallel_loop3A_203 : vector<16xf32>
      tpu.vector_store_idx %arg14[%parallel_loop3A_213, %parallel_loop3A_189], %parallel_loop3A_215 {add = true} : memref<4x10000xf32, #tpu.memory_space<vmem>>[vector<16xi32>, vector<16xi32>], vector<16xf32>,
      %parallel_loop3A_216 = arith.constant 3 : i32
      %parallel_loop3A_217 = vector.broadcast %parallel_loop3A_216 : i32 to vector<16xi32>
      %parallel_loop3A_218 = tpu.vector_load_idx %arg13[%parallel_loop3A_217, %parallel_loop3A_187] : memref<4x10000xf32, #tpu.memory_space<vmem>>[vector<16xi32>, vector<16xi32>], vector<16xf32>,
      %parallel_loop3A_219 = arith.mulf %parallel_loop3A_218, %parallel_loop3A_203 : vector<16xf32>
      tpu.vector_store_idx %arg14[%parallel_loop3A_217, %parallel_loop3A_189], %parallel_loop3A_219 {add = true} : memref<4x10000xf32, #tpu.memory_space<vmem>>[vector<16xi32>, vector<16xi32>], vector<16xf32>,
    } {sc.loop_unroll_factor = 5 : i64, sc.parallel_access}
    %add3A_118 = arith.constant 24000 : i32
    %add3A_119 = arith.addi %add3A_46, %add3A_118 : i32
    %dma_start3A_120 = tpu.memref_slice %arg2[%add3A_119] : memref<320000xi32, #tpu.memory_space<hbm>> -> memref<4000xi32, #tpu.memory_space<hbm>>
    %dma_start3A_121 = tpu.memref_slice %arg2[%add3A_119] : memref<320000xi32, #tpu.memory_space<hbm>> -> memref<4000xi32, #tpu.memory_space<hbm>>
    tpu.enqueue_dma source(%dma_start3A_121 : memref<4000xi32, #tpu.memory_space<hbm>>) target(%arg16 : memref<4000xi32, #tpu.memory_space<vmem>>) target_semaphore(%arg20 : memref<!tpu.dma_semaphore, #tpu.memory_space<semaphore_mem>>)
    %dma_start3A_122 = tpu.memref_slice %arg3[%add3A_119] : memref<320000xi32, #tpu.memory_space<hbm>> -> memref<4000xi32, #tpu.memory_space<hbm>>
    %dma_start3A_123 = tpu.memref_slice %arg3[%add3A_119] : memref<320000xi32, #tpu.memory_space<hbm>> -> memref<4000xi32, #tpu.memory_space<hbm>>
    tpu.enqueue_dma source(%dma_start3A_123 : memref<4000xi32, #tpu.memory_space<hbm>>) target(%arg17 : memref<4000xi32, #tpu.memory_space<vmem>>) target_semaphore(%arg20 : memref<!tpu.dma_semaphore, #tpu.memory_space<semaphore_mem>>)
    %dma_wait3A_124 = tpu.memref_slice %arg2[%add3A_106] : memref<320000xi32, #tpu.memory_space<hbm>> -> memref<4000xi32, #tpu.memory_space<hbm>>
    %dma_wait3A_125 = tpu.memref_slice %arg2[%add3A_106] : memref<320000xi32, #tpu.memory_space<hbm>> -> memref<4000xi32, #tpu.memory_space<hbm>>
    tpu.wait_dma2 semaphore(%arg21 : memref<!tpu.dma_semaphore, #tpu.memory_space<semaphore_mem>>) src(%dma_wait3A_125 : memref<4000xi32, #tpu.memory_space<hbm>>) dst(%arg18 : memref<4000xi32, #tpu.memory_space<vmem>>)
    %dma_wait3A_126 = tpu.memref_slice %arg3[%add3A_106] : memref<320000xi32, #tpu.memory_space<hbm>> -> memref<4000xi32, #tpu.memory_space<hbm>>
    %dma_wait3A_127 = tpu.memref_slice %arg3[%add3A_106] : memref<320000xi32, #tpu.memory_space<hbm>> -> memref<4000xi32, #tpu.memory_space<hbm>>
    tpu.wait_dma2 semaphore(%arg21 : memref<!tpu.dma_semaphore, #tpu.memory_space<semaphore_mem>>) src(%dma_wait3A_127 : memref<4000xi32, #tpu.memory_space<hbm>>) dst(%arg19 : memref<4000xi32, #tpu.memory_space<vmem>>)
    %parallel_loop3A_128 = arith.constant 0 : i32
    %parallel_loop3A_129 = arith.constant 250 : i32
    %parallel_loop3A_130 = arith.constant 1 : i32
    scf.for %parallel_loop3A_183 = %parallel_loop3A_128 to %parallel_loop3A_129 step %parallel_loop3A_130  : i32 {
      %parallel_loop3A_184 = arith.constant 16 : i32
      %parallel_loop3A_185 = arith.muli %parallel_loop3A_183, %parallel_loop3A_184 : i32
      %parallel_loop3A_186 = arith.index_cast %parallel_loop3A_185 : i32 to index
      %parallel_loop3A_187 = tpu.vector_load %arg18[%parallel_loop3A_186] {strides = array<i32>} : memref<4000xi32, #tpu.memory_space<vmem>>, vector<16xi32>,
      %parallel_loop3A_188 = arith.index_cast %parallel_loop3A_185 : i32 to index
      %parallel_loop3A_189 = tpu.vector_load %arg19[%parallel_loop3A_188] {strides = array<i32>} : memref<4000xi32, #tpu.memory_space<vmem>>, vector<16xi32>,
      %parallel_loop3A_190 = tpu.vector_load_idx %arg10[%parallel_loop3A_187] : memref<10000xf32, #tpu.memory_space<vmem>>[vector<16xi32>], vector<16xf32>,
      %parallel_loop3A_191 = tpu.vector_load_idx %arg11[%parallel_loop3A_189] : memref<10000xf32, #tpu.memory_space<vmem>>[vector<16xi32>], vector<16xf32>,
      %parallel_loop3A_192 = arith.addf %parallel_loop3A_190, %parallel_loop3A_191 : vector<16xf32>
      %parallel_loop3A_193 = arith.constant 2.000000e-01 : f32
      %parallel_loop3A_194 = vector.broadcast %parallel_loop3A_193 : f32 to vector<16xf32>
      %parallel_loop3A_195 = arith.mulf %parallel_loop3A_194, %parallel_loop3A_192 : vector<16xf32>
      %parallel_loop3A_196 = arith.maximumf %parallel_loop3A_192, %parallel_loop3A_195 : vector<16xf32>
      %parallel_loop3A_197 = arith.addf %parallel_loop3A_191, %get3A_43 : vector<16xf32>
      %parallel_loop3A_198 = arith.constant 2.000000e-01 : f32
      %parallel_loop3A_199 = vector.broadcast %parallel_loop3A_198 : f32 to vector<16xf32>
      %parallel_loop3A_200 = arith.mulf %parallel_loop3A_199, %parallel_loop3A_197 : vector<16xf32>
      %parallel_loop3A_201 = arith.maximumf %parallel_loop3A_197, %parallel_loop3A_200 : vector<16xf32>
      %parallel_loop3A_202 = arith.subf %parallel_loop3A_196, %parallel_loop3A_201 : vector<16xf32>
      %parallel_loop3A_203 = math.exp %parallel_loop3A_202 : vector<16xf32>
      tpu.vector_store_idx %arg15[%parallel_loop3A_189], %parallel_loop3A_203 {add = true} : memref<10000xf32, #tpu.memory_space<vmem>>[vector<16xi32>], vector<16xf32>,
      %parallel_loop3A_204 = arith.constant 0 : i32
      %parallel_loop3A_205 = vector.broadcast %parallel_loop3A_204 : i32 to vector<16xi32>
      %parallel_loop3A_206 = tpu.vector_load_idx %arg13[%parallel_loop3A_205, %parallel_loop3A_187] : memref<4x10000xf32, #tpu.memory_space<vmem>>[vector<16xi32>, vector<16xi32>], vector<16xf32>,
      %parallel_loop3A_207 = arith.mulf %parallel_loop3A_206, %parallel_loop3A_203 : vector<16xf32>
      tpu.vector_store_idx %arg14[%parallel_loop3A_205, %parallel_loop3A_189], %parallel_loop3A_207 {add = true} : memref<4x10000xf32, #tpu.memory_space<vmem>>[vector<16xi32>, vector<16xi32>], vector<16xf32>,
      %parallel_loop3A_208 = arith.constant 1 : i32
      %parallel_loop3A_209 = vector.broadcast %parallel_loop3A_208 : i32 to vector<16xi32>
      %parallel_loop3A_210 = tpu.vector_load_idx %arg13[%parallel_loop3A_209, %parallel_loop3A_187] : memref<4x10000xf32, #tpu.memory_space<vmem>>[vector<16xi32>, vector<16xi32>], vector<16xf32>,
      %parallel_loop3A_211 = arith.mulf %parallel_loop3A_210, %parallel_loop3A_203 : vector<16xf32>
      tpu.vector_store_idx %arg14[%parallel_loop3A_209, %parallel_loop3A_189], %parallel_loop3A_211 {add = true} : memref<4x10000xf32, #tpu.memory_space<vmem>>[vector<16xi32>, vector<16xi32>], vector<16xf32>,
      %parallel_loop3A_212 = arith.constant 2 : i32
      %parallel_loop3A_213 = vector.broadcast %parallel_loop3A_212 : i32 to vector<16xi32>
      %parallel_loop3A_214 = tpu.vector_load_idx %arg13[%parallel_loop3A_213, %parallel_loop3A_187] : memref<4x10000xf32, #tpu.memory_space<vmem>>[vector<16xi32>, vector<16xi32>], vector<16xf32>,
      %parallel_loop3A_215 = arith.mulf %parallel_loop3A_214, %parallel_loop3A_203 : vector<16xf32>
      tpu.vector_store_idx %arg14[%parallel_loop3A_213, %parallel_loop3A_189], %parallel_loop3A_215 {add = true} : memref<4x10000xf32, #tpu.memory_space<vmem>>[vector<16xi32>, vector<16xi32>], vector<16xf32>,
      %parallel_loop3A_216 = arith.constant 3 : i32
      %parallel_loop3A_217 = vector.broadcast %parallel_loop3A_216 : i32 to vector<16xi32>
      %parallel_loop3A_218 = tpu.vector_load_idx %arg13[%parallel_loop3A_217, %parallel_loop3A_187] : memref<4x10000xf32, #tpu.memory_space<vmem>>[vector<16xi32>, vector<16xi32>], vector<16xf32>,
      %parallel_loop3A_219 = arith.mulf %parallel_loop3A_218, %parallel_loop3A_203 : vector<16xf32>
      tpu.vector_store_idx %arg14[%parallel_loop3A_217, %parallel_loop3A_189], %parallel_loop3A_219 {add = true} : memref<4x10000xf32, #tpu.memory_space<vmem>>[vector<16xi32>, vector<16xi32>], vector<16xf32>,
    } {sc.loop_unroll_factor = 5 : i64, sc.parallel_access}
    %add3A_131 = arith.constant 28000 : i32
    %add3A_132 = arith.addi %add3A_46, %add3A_131 : i32
    %dma_start3A_133 = tpu.memref_slice %arg2[%add3A_132] : memref<320000xi32, #tpu.memory_space<hbm>> -> memref<4000xi32, #tpu.memory_space<hbm>>
    %dma_start3A_134 = tpu.memref_slice %arg2[%add3A_132] : memref<320000xi32, #tpu.memory_space<hbm>> -> memref<4000xi32, #tpu.memory_space<hbm>>
    tpu.enqueue_dma source(%dma_start3A_134 : memref<4000xi32, #tpu.memory_space<hbm>>) target(%arg18 : memref<4000xi32, #tpu.memory_space<vmem>>) target_semaphore(%arg21 : memref<!tpu.dma_semaphore, #tpu.memory_space<semaphore_mem>>)
    %dma_start3A_135 = tpu.memref_slice %arg3[%add3A_132] : memref<320000xi32, #tpu.memory_space<hbm>> -> memref<4000xi32, #tpu.memory_space<hbm>>
    %dma_start3A_136 = tpu.memref_slice %arg3[%add3A_132] : memref<320000xi32, #tpu.memory_space<hbm>> -> memref<4000xi32, #tpu.memory_space<hbm>>
    tpu.enqueue_dma source(%dma_start3A_136 : memref<4000xi32, #tpu.memory_space<hbm>>) target(%arg19 : memref<4000xi32, #tpu.memory_space<vmem>>) target_semaphore(%arg21 : memref<!tpu.dma_semaphore, #tpu.memory_space<semaphore_mem>>)
    %dma_wait3A_137 = tpu.memref_slice %arg2[%add3A_119] : memref<320000xi32, #tpu.memory_space<hbm>> -> memref<4000xi32, #tpu.memory_space<hbm>>
    %dma_wait3A_138 = tpu.memref_slice %arg2[%add3A_119] : memref<320000xi32, #tpu.memory_space<hbm>> -> memref<4000xi32, #tpu.memory_space<hbm>>
    tpu.wait_dma2 semaphore(%arg20 : memref<!tpu.dma_semaphore, #tpu.memory_space<semaphore_mem>>) src(%dma_wait3A_138 : memref<4000xi32, #tpu.memory_space<hbm>>) dst(%arg16 : memref<4000xi32, #tpu.memory_space<vmem>>)
    %dma_wait3A_139 = tpu.memref_slice %arg3[%add3A_119] : memref<320000xi32, #tpu.memory_space<hbm>> -> memref<4000xi32, #tpu.memory_space<hbm>>
    %dma_wait3A_140 = tpu.memref_slice %arg3[%add3A_119] : memref<320000xi32, #tpu.memory_space<hbm>> -> memref<4000xi32, #tpu.memory_space<hbm>>
    tpu.wait_dma2 semaphore(%arg20 : memref<!tpu.dma_semaphore, #tpu.memory_space<semaphore_mem>>) src(%dma_wait3A_140 : memref<4000xi32, #tpu.memory_space<hbm>>) dst(%arg17 : memref<4000xi32, #tpu.memory_space<vmem>>)
    %parallel_loop3A_141 = arith.constant 0 : i32
    %parallel_loop3A_142 = arith.constant 250 : i32
    %parallel_loop3A_143 = arith.constant 1 : i32
    scf.for %parallel_loop3A_183 = %parallel_loop3A_141 to %parallel_loop3A_142 step %parallel_loop3A_143  : i32 {
      %parallel_loop3A_184 = arith.constant 16 : i32
      %parallel_loop3A_185 = arith.muli %parallel_loop3A_183, %parallel_loop3A_184 : i32
      %parallel_loop3A_186 = arith.index_cast %parallel_loop3A_185 : i32 to index
      %parallel_loop3A_187 = tpu.vector_load %arg16[%parallel_loop3A_186] {strides = array<i32>} : memref<4000xi32, #tpu.memory_space<vmem>>, vector<16xi32>,
      %parallel_loop3A_188 = arith.index_cast %parallel_loop3A_185 : i32 to index
      %parallel_loop3A_189 = tpu.vector_load %arg17[%parallel_loop3A_188] {strides = array<i32>} : memref<4000xi32, #tpu.memory_space<vmem>>, vector<16xi32>,
      %parallel_loop3A_190 = tpu.vector_load_idx %arg10[%parallel_loop3A_187] : memref<10000xf32, #tpu.memory_space<vmem>>[vector<16xi32>], vector<16xf32>,
      %parallel_loop3A_191 = tpu.vector_load_idx %arg11[%parallel_loop3A_189] : memref<10000xf32, #tpu.memory_space<vmem>>[vector<16xi32>], vector<16xf32>,
      %parallel_loop3A_192 = arith.addf %parallel_loop3A_190, %parallel_loop3A_191 : vector<16xf32>
      %parallel_loop3A_193 = arith.constant 2.000000e-01 : f32
      %parallel_loop3A_194 = vector.broadcast %parallel_loop3A_193 : f32 to vector<16xf32>
      %parallel_loop3A_195 = arith.mulf %parallel_loop3A_194, %parallel_loop3A_192 : vector<16xf32>
      %parallel_loop3A_196 = arith.maximumf %parallel_loop3A_192, %parallel_loop3A_195 : vector<16xf32>
      %parallel_loop3A_197 = arith.addf %parallel_loop3A_191, %get3A_43 : vector<16xf32>
      %parallel_loop3A_198 = arith.constant 2.000000e-01 : f32
      %parallel_loop3A_199 = vector.broadcast %parallel_loop3A_198 : f32 to vector<16xf32>
      %parallel_loop3A_200 = arith.mulf %parallel_loop3A_199, %parallel_loop3A_197 : vector<16xf32>
      %parallel_loop3A_201 = arith.maximumf %parallel_loop3A_197, %parallel_loop3A_200 : vector<16xf32>
      %parallel_loop3A_202 = arith.subf %parallel_loop3A_196, %parallel_loop3A_201 : vector<16xf32>
      %parallel_loop3A_203 = math.exp %parallel_loop3A_202 : vector<16xf32>
      tpu.vector_store_idx %arg15[%parallel_loop3A_189], %parallel_loop3A_203 {add = true} : memref<10000xf32, #tpu.memory_space<vmem>>[vector<16xi32>], vector<16xf32>,
      %parallel_loop3A_204 = arith.constant 0 : i32
      %parallel_loop3A_205 = vector.broadcast %parallel_loop3A_204 : i32 to vector<16xi32>
      %parallel_loop3A_206 = tpu.vector_load_idx %arg13[%parallel_loop3A_205, %parallel_loop3A_187] : memref<4x10000xf32, #tpu.memory_space<vmem>>[vector<16xi32>, vector<16xi32>], vector<16xf32>,
      %parallel_loop3A_207 = arith.mulf %parallel_loop3A_206, %parallel_loop3A_203 : vector<16xf32>
      tpu.vector_store_idx %arg14[%parallel_loop3A_205, %parallel_loop3A_189], %parallel_loop3A_207 {add = true} : memref<4x10000xf32, #tpu.memory_space<vmem>>[vector<16xi32>, vector<16xi32>], vector<16xf32>,
      %parallel_loop3A_208 = arith.constant 1 : i32
      %parallel_loop3A_209 = vector.broadcast %parallel_loop3A_208 : i32 to vector<16xi32>
      %parallel_loop3A_210 = tpu.vector_load_idx %arg13[%parallel_loop3A_209, %parallel_loop3A_187] : memref<4x10000xf32, #tpu.memory_space<vmem>>[vector<16xi32>, vector<16xi32>], vector<16xf32>,
      %parallel_loop3A_211 = arith.mulf %parallel_loop3A_210, %parallel_loop3A_203 : vector<16xf32>
      tpu.vector_store_idx %arg14[%parallel_loop3A_209, %parallel_loop3A_189], %parallel_loop3A_211 {add = true} : memref<4x10000xf32, #tpu.memory_space<vmem>>[vector<16xi32>, vector<16xi32>], vector<16xf32>,
      %parallel_loop3A_212 = arith.constant 2 : i32
      %parallel_loop3A_213 = vector.broadcast %parallel_loop3A_212 : i32 to vector<16xi32>
      %parallel_loop3A_214 = tpu.vector_load_idx %arg13[%parallel_loop3A_213, %parallel_loop3A_187] : memref<4x10000xf32, #tpu.memory_space<vmem>>[vector<16xi32>, vector<16xi32>], vector<16xf32>,
      %parallel_loop3A_215 = arith.mulf %parallel_loop3A_214, %parallel_loop3A_203 : vector<16xf32>
      tpu.vector_store_idx %arg14[%parallel_loop3A_213, %parallel_loop3A_189], %parallel_loop3A_215 {add = true} : memref<4x10000xf32, #tpu.memory_space<vmem>>[vector<16xi32>, vector<16xi32>], vector<16xf32>,
      %parallel_loop3A_216 = arith.constant 3 : i32
      %parallel_loop3A_217 = vector.broadcast %parallel_loop3A_216 : i32 to vector<16xi32>
      %parallel_loop3A_218 = tpu.vector_load_idx %arg13[%parallel_loop3A_217, %parallel_loop3A_187] : memref<4x10000xf32, #tpu.memory_space<vmem>>[vector<16xi32>, vector<16xi32>], vector<16xf32>,
      %parallel_loop3A_219 = arith.mulf %parallel_loop3A_218, %parallel_loop3A_203 : vector<16xf32>
      tpu.vector_store_idx %arg14[%parallel_loop3A_217, %parallel_loop3A_189], %parallel_loop3A_219 {add = true} : memref<4x10000xf32, #tpu.memory_space<vmem>>[vector<16xi32>, vector<16xi32>], vector<16xf32>,
    } {sc.loop_unroll_factor = 5 : i64, sc.parallel_access}
    %add3A_144 = arith.constant 32000 : i32
    %add3A_145 = arith.addi %add3A_46, %add3A_144 : i32
    %dma_start3A_146 = tpu.memref_slice %arg2[%add3A_145] : memref<320000xi32, #tpu.memory_space<hbm>> -> memref<4000xi32, #tpu.memory_space<hbm>>
    %dma_start3A_147 = tpu.memref_slice %arg2[%add3A_145] : memref<320000xi32, #tpu.memory_space<hbm>> -> memref<4000xi32, #tpu.memory_space<hbm>>
    tpu.enqueue_dma source(%dma_start3A_147 : memref<4000xi32, #tpu.memory_space<hbm>>) target(%arg16 : memref<4000xi32, #tpu.memory_space<vmem>>) target_semaphore(%arg20 : memref<!tpu.dma_semaphore, #tpu.memory_space<semaphore_mem>>)
    %dma_start3A_148 = tpu.memref_slice %arg3[%add3A_145] : memref<320000xi32, #tpu.memory_space<hbm>> -> memref<4000xi32, #tpu.memory_space<hbm>>
    %dma_start3A_149 = tpu.memref_slice %arg3[%add3A_145] : memref<320000xi32, #tpu.memory_space<hbm>> -> memref<4000xi32, #tpu.memory_space<hbm>>
    tpu.enqueue_dma source(%dma_start3A_149 : memref<4000xi32, #tpu.memory_space<hbm>>) target(%arg17 : memref<4000xi32, #tpu.memory_space<vmem>>) target_semaphore(%arg20 : memref<!tpu.dma_semaphore, #tpu.memory_space<semaphore_mem>>)
    %dma_wait3A_150 = tpu.memref_slice %arg2[%add3A_132] : memref<320000xi32, #tpu.memory_space<hbm>> -> memref<4000xi32, #tpu.memory_space<hbm>>
    %dma_wait3A_151 = tpu.memref_slice %arg2[%add3A_132] : memref<320000xi32, #tpu.memory_space<hbm>> -> memref<4000xi32, #tpu.memory_space<hbm>>
    tpu.wait_dma2 semaphore(%arg21 : memref<!tpu.dma_semaphore, #tpu.memory_space<semaphore_mem>>) src(%dma_wait3A_151 : memref<4000xi32, #tpu.memory_space<hbm>>) dst(%arg18 : memref<4000xi32, #tpu.memory_space<vmem>>)
    %dma_wait3A_152 = tpu.memref_slice %arg3[%add3A_132] : memref<320000xi32, #tpu.memory_space<hbm>> -> memref<4000xi32, #tpu.memory_space<hbm>>
    %dma_wait3A_153 = tpu.memref_slice %arg3[%add3A_132] : memref<320000xi32, #tpu.memory_space<hbm>> -> memref<4000xi32, #tpu.memory_space<hbm>>
    tpu.wait_dma2 semaphore(%arg21 : memref<!tpu.dma_semaphore, #tpu.memory_space<semaphore_mem>>) src(%dma_wait3A_153 : memref<4000xi32, #tpu.memory_space<hbm>>) dst(%arg19 : memref<4000xi32, #tpu.memory_space<vmem>>)
    %parallel_loop3A_154 = arith.constant 0 : i32
    %parallel_loop3A_155 = arith.constant 250 : i32
    %parallel_loop3A_156 = arith.constant 1 : i32
    scf.for %parallel_loop3A_183 = %parallel_loop3A_154 to %parallel_loop3A_155 step %parallel_loop3A_156  : i32 {
      %parallel_loop3A_184 = arith.constant 16 : i32
      %parallel_loop3A_185 = arith.muli %parallel_loop3A_183, %parallel_loop3A_184 : i32
      %parallel_loop3A_186 = arith.index_cast %parallel_loop3A_185 : i32 to index
      %parallel_loop3A_187 = tpu.vector_load %arg18[%parallel_loop3A_186] {strides = array<i32>} : memref<4000xi32, #tpu.memory_space<vmem>>, vector<16xi32>,
      %parallel_loop3A_188 = arith.index_cast %parallel_loop3A_185 : i32 to index
      %parallel_loop3A_189 = tpu.vector_load %arg19[%parallel_loop3A_188] {strides = array<i32>} : memref<4000xi32, #tpu.memory_space<vmem>>, vector<16xi32>,
      %parallel_loop3A_190 = tpu.vector_load_idx %arg10[%parallel_loop3A_187] : memref<10000xf32, #tpu.memory_space<vmem>>[vector<16xi32>], vector<16xf32>,
      %parallel_loop3A_191 = tpu.vector_load_idx %arg11[%parallel_loop3A_189] : memref<10000xf32, #tpu.memory_space<vmem>>[vector<16xi32>], vector<16xf32>,
      %parallel_loop3A_192 = arith.addf %parallel_loop3A_190, %parallel_loop3A_191 : vector<16xf32>
      %parallel_loop3A_193 = arith.constant 2.000000e-01 : f32
      %parallel_loop3A_194 = vector.broadcast %parallel_loop3A_193 : f32 to vector<16xf32>
      %parallel_loop3A_195 = arith.mulf %parallel_loop3A_194, %parallel_loop3A_192 : vector<16xf32>
      %parallel_loop3A_196 = arith.maximumf %parallel_loop3A_192, %parallel_loop3A_195 : vector<16xf32>
      %parallel_loop3A_197 = arith.addf %parallel_loop3A_191, %get3A_43 : vector<16xf32>
      %parallel_loop3A_198 = arith.constant 2.000000e-01 : f32
      %parallel_loop3A_199 = vector.broadcast %parallel_loop3A_198 : f32 to vector<16xf32>
      %parallel_loop3A_200 = arith.mulf %parallel_loop3A_199, %parallel_loop3A_197 : vector<16xf32>
      %parallel_loop3A_201 = arith.maximumf %parallel_loop3A_197, %parallel_loop3A_200 : vector<16xf32>
      %parallel_loop3A_202 = arith.subf %parallel_loop3A_196, %parallel_loop3A_201 : vector<16xf32>
      %parallel_loop3A_203 = math.exp %parallel_loop3A_202 : vector<16xf32>
      tpu.vector_store_idx %arg15[%parallel_loop3A_189], %parallel_loop3A_203 {add = true} : memref<10000xf32, #tpu.memory_space<vmem>>[vector<16xi32>], vector<16xf32>,
      %parallel_loop3A_204 = arith.constant 0 : i32
      %parallel_loop3A_205 = vector.broadcast %parallel_loop3A_204 : i32 to vector<16xi32>
      %parallel_loop3A_206 = tpu.vector_load_idx %arg13[%parallel_loop3A_205, %parallel_loop3A_187] : memref<4x10000xf32, #tpu.memory_space<vmem>>[vector<16xi32>, vector<16xi32>], vector<16xf32>,
      %parallel_loop3A_207 = arith.mulf %parallel_loop3A_206, %parallel_loop3A_203 : vector<16xf32>
      tpu.vector_store_idx %arg14[%parallel_loop3A_205, %parallel_loop3A_189], %parallel_loop3A_207 {add = true} : memref<4x10000xf32, #tpu.memory_space<vmem>>[vector<16xi32>, vector<16xi32>], vector<16xf32>,
      %parallel_loop3A_208 = arith.constant 1 : i32
      %parallel_loop3A_209 = vector.broadcast %parallel_loop3A_208 : i32 to vector<16xi32>
      %parallel_loop3A_210 = tpu.vector_load_idx %arg13[%parallel_loop3A_209, %parallel_loop3A_187] : memref<4x10000xf32, #tpu.memory_space<vmem>>[vector<16xi32>, vector<16xi32>], vector<16xf32>,
      %parallel_loop3A_211 = arith.mulf %parallel_loop3A_210, %parallel_loop3A_203 : vector<16xf32>
      tpu.vector_store_idx %arg14[%parallel_loop3A_209, %parallel_loop3A_189], %parallel_loop3A_211 {add = true} : memref<4x10000xf32, #tpu.memory_space<vmem>>[vector<16xi32>, vector<16xi32>], vector<16xf32>,
      %parallel_loop3A_212 = arith.constant 2 : i32
      %parallel_loop3A_213 = vector.broadcast %parallel_loop3A_212 : i32 to vector<16xi32>
      %parallel_loop3A_214 = tpu.vector_load_idx %arg13[%parallel_loop3A_213, %parallel_loop3A_187] : memref<4x10000xf32, #tpu.memory_space<vmem>>[vector<16xi32>, vector<16xi32>], vector<16xf32>,
      %parallel_loop3A_215 = arith.mulf %parallel_loop3A_214, %parallel_loop3A_203 : vector<16xf32>
      tpu.vector_store_idx %arg14[%parallel_loop3A_213, %parallel_loop3A_189], %parallel_loop3A_215 {add = true} : memref<4x10000xf32, #tpu.memory_space<vmem>>[vector<16xi32>, vector<16xi32>], vector<16xf32>,
      %parallel_loop3A_216 = arith.constant 3 : i32
      %parallel_loop3A_217 = vector.broadcast %parallel_loop3A_216 : i32 to vector<16xi32>
      %parallel_loop3A_218 = tpu.vector_load_idx %arg13[%parallel_loop3A_217, %parallel_loop3A_187] : memref<4x10000xf32, #tpu.memory_space<vmem>>[vector<16xi32>, vector<16xi32>], vector<16xf32>,
      %parallel_loop3A_219 = arith.mulf %parallel_loop3A_218, %parallel_loop3A_203 : vector<16xf32>
      tpu.vector_store_idx %arg14[%parallel_loop3A_217, %parallel_loop3A_189], %parallel_loop3A_219 {add = true} : memref<4x10000xf32, #tpu.memory_space<vmem>>[vector<16xi32>, vector<16xi32>], vector<16xf32>,
    } {sc.loop_unroll_factor = 5 : i64, sc.parallel_access}
    %add3A_157 = arith.constant 36000 : i32
    %add3A_158 = arith.addi %add3A_46, %add3A_157 : i32
    %dma_start3A_159 = tpu.memref_slice %arg2[%add3A_158] : memref<320000xi32, #tpu.memory_space<hbm>> -> memref<4000xi32, #tpu.memory_space<hbm>>
    %dma_start3A_160 = tpu.memref_slice %arg2[%add3A_158] : memref<320000xi32, #tpu.memory_space<hbm>> -> memref<4000xi32, #tpu.memory_space<hbm>>
    tpu.enqueue_dma source(%dma_start3A_160 : memref<4000xi32, #tpu.memory_space<hbm>>) target(%arg18 : memref<4000xi32, #tpu.memory_space<vmem>>) target_semaphore(%arg21 : memref<!tpu.dma_semaphore, #tpu.memory_space<semaphore_mem>>)
    %dma_start3A_161 = tpu.memref_slice %arg3[%add3A_158] : memref<320000xi32, #tpu.memory_space<hbm>> -> memref<4000xi32, #tpu.memory_space<hbm>>
    %dma_start3A_162 = tpu.memref_slice %arg3[%add3A_158] : memref<320000xi32, #tpu.memory_space<hbm>> -> memref<4000xi32, #tpu.memory_space<hbm>>
    tpu.enqueue_dma source(%dma_start3A_162 : memref<4000xi32, #tpu.memory_space<hbm>>) target(%arg19 : memref<4000xi32, #tpu.memory_space<vmem>>) target_semaphore(%arg21 : memref<!tpu.dma_semaphore, #tpu.memory_space<semaphore_mem>>)
    %dma_wait3A_163 = tpu.memref_slice %arg2[%add3A_145] : memref<320000xi32, #tpu.memory_space<hbm>> -> memref<4000xi32, #tpu.memory_space<hbm>>
    %dma_wait3A_164 = tpu.memref_slice %arg2[%add3A_145] : memref<320000xi32, #tpu.memory_space<hbm>> -> memref<4000xi32, #tpu.memory_space<hbm>>
    tpu.wait_dma2 semaphore(%arg20 : memref<!tpu.dma_semaphore, #tpu.memory_space<semaphore_mem>>) src(%dma_wait3A_164 : memref<4000xi32, #tpu.memory_space<hbm>>) dst(%arg16 : memref<4000xi32, #tpu.memory_space<vmem>>)
    %dma_wait3A_165 = tpu.memref_slice %arg3[%add3A_145] : memref<320000xi32, #tpu.memory_space<hbm>> -> memref<4000xi32, #tpu.memory_space<hbm>>
    %dma_wait3A_166 = tpu.memref_slice %arg3[%add3A_145] : memref<320000xi32, #tpu.memory_space<hbm>> -> memref<4000xi32, #tpu.memory_space<hbm>>
    tpu.wait_dma2 semaphore(%arg20 : memref<!tpu.dma_semaphore, #tpu.memory_space<semaphore_mem>>) src(%dma_wait3A_166 : memref<4000xi32, #tpu.memory_space<hbm>>) dst(%arg17 : memref<4000xi32, #tpu.memory_space<vmem>>)
    %parallel_loop3A_167 = arith.constant 0 : i32
    %parallel_loop3A_168 = arith.constant 250 : i32
    %parallel_loop3A_169 = arith.constant 1 : i32
    scf.for %parallel_loop3A_183 = %parallel_loop3A_167 to %parallel_loop3A_168 step %parallel_loop3A_169  : i32 {
      %parallel_loop3A_184 = arith.constant 16 : i32
      %parallel_loop3A_185 = arith.muli %parallel_loop3A_183, %parallel_loop3A_184 : i32
      %parallel_loop3A_186 = arith.index_cast %parallel_loop3A_185 : i32 to index
      %parallel_loop3A_187 = tpu.vector_load %arg16[%parallel_loop3A_186] {strides = array<i32>} : memref<4000xi32, #tpu.memory_space<vmem>>, vector<16xi32>,
      %parallel_loop3A_188 = arith.index_cast %parallel_loop3A_185 : i32 to index
      %parallel_loop3A_189 = tpu.vector_load %arg17[%parallel_loop3A_188] {strides = array<i32>} : memref<4000xi32, #tpu.memory_space<vmem>>, vector<16xi32>,
      %parallel_loop3A_190 = tpu.vector_load_idx %arg10[%parallel_loop3A_187] : memref<10000xf32, #tpu.memory_space<vmem>>[vector<16xi32>], vector<16xf32>,
      %parallel_loop3A_191 = tpu.vector_load_idx %arg11[%parallel_loop3A_189] : memref<10000xf32, #tpu.memory_space<vmem>>[vector<16xi32>], vector<16xf32>,
      %parallel_loop3A_192 = arith.addf %parallel_loop3A_190, %parallel_loop3A_191 : vector<16xf32>
      %parallel_loop3A_193 = arith.constant 2.000000e-01 : f32
      %parallel_loop3A_194 = vector.broadcast %parallel_loop3A_193 : f32 to vector<16xf32>
      %parallel_loop3A_195 = arith.mulf %parallel_loop3A_194, %parallel_loop3A_192 : vector<16xf32>
      %parallel_loop3A_196 = arith.maximumf %parallel_loop3A_192, %parallel_loop3A_195 : vector<16xf32>
      %parallel_loop3A_197 = arith.addf %parallel_loop3A_191, %get3A_43 : vector<16xf32>
      %parallel_loop3A_198 = arith.constant 2.000000e-01 : f32
      %parallel_loop3A_199 = vector.broadcast %parallel_loop3A_198 : f32 to vector<16xf32>
      %parallel_loop3A_200 = arith.mulf %parallel_loop3A_199, %parallel_loop3A_197 : vector<16xf32>
      %parallel_loop3A_201 = arith.maximumf %parallel_loop3A_197, %parallel_loop3A_200 : vector<16xf32>
      %parallel_loop3A_202 = arith.subf %parallel_loop3A_196, %parallel_loop3A_201 : vector<16xf32>
      %parallel_loop3A_203 = math.exp %parallel_loop3A_202 : vector<16xf32>
      tpu.vector_store_idx %arg15[%parallel_loop3A_189], %parallel_loop3A_203 {add = true} : memref<10000xf32, #tpu.memory_space<vmem>>[vector<16xi32>], vector<16xf32>,
      %parallel_loop3A_204 = arith.constant 0 : i32
      %parallel_loop3A_205 = vector.broadcast %parallel_loop3A_204 : i32 to vector<16xi32>
      %parallel_loop3A_206 = tpu.vector_load_idx %arg13[%parallel_loop3A_205, %parallel_loop3A_187] : memref<4x10000xf32, #tpu.memory_space<vmem>>[vector<16xi32>, vector<16xi32>], vector<16xf32>,
      %parallel_loop3A_207 = arith.mulf %parallel_loop3A_206, %parallel_loop3A_203 : vector<16xf32>
      tpu.vector_store_idx %arg14[%parallel_loop3A_205, %parallel_loop3A_189], %parallel_loop3A_207 {add = true} : memref<4x10000xf32, #tpu.memory_space<vmem>>[vector<16xi32>, vector<16xi32>], vector<16xf32>,
      %parallel_loop3A_208 = arith.constant 1 : i32
      %parallel_loop3A_209 = vector.broadcast %parallel_loop3A_208 : i32 to vector<16xi32>
      %parallel_loop3A_210 = tpu.vector_load_idx %arg13[%parallel_loop3A_209, %parallel_loop3A_187] : memref<4x10000xf32, #tpu.memory_space<vmem>>[vector<16xi32>, vector<16xi32>], vector<16xf32>,
      %parallel_loop3A_211 = arith.mulf %parallel_loop3A_210, %parallel_loop3A_203 : vector<16xf32>
      tpu.vector_store_idx %arg14[%parallel_loop3A_209, %parallel_loop3A_189], %parallel_loop3A_211 {add = true} : memref<4x10000xf32, #tpu.memory_space<vmem>>[vector<16xi32>, vector<16xi32>], vector<16xf32>,
      %parallel_loop3A_212 = arith.constant 2 : i32
      %parallel_loop3A_213 = vector.broadcast %parallel_loop3A_212 : i32 to vector<16xi32>
      %parallel_loop3A_214 = tpu.vector_load_idx %arg13[%parallel_loop3A_213, %parallel_loop3A_187] : memref<4x10000xf32, #tpu.memory_space<vmem>>[vector<16xi32>, vector<16xi32>], vector<16xf32>,
      %parallel_loop3A_215 = arith.mulf %parallel_loop3A_214, %parallel_loop3A_203 : vector<16xf32>
      tpu.vector_store_idx %arg14[%parallel_loop3A_213, %parallel_loop3A_189], %parallel_loop3A_215 {add = true} : memref<4x10000xf32, #tpu.memory_space<vmem>>[vector<16xi32>, vector<16xi32>], vector<16xf32>,
      %parallel_loop3A_216 = arith.constant 3 : i32
      %parallel_loop3A_217 = vector.broadcast %parallel_loop3A_216 : i32 to vector<16xi32>
      %parallel_loop3A_218 = tpu.vector_load_idx %arg13[%parallel_loop3A_217, %parallel_loop3A_187] : memref<4x10000xf32, #tpu.memory_space<vmem>>[vector<16xi32>, vector<16xi32>], vector<16xf32>,
      %parallel_loop3A_219 = arith.mulf %parallel_loop3A_218, %parallel_loop3A_203 : vector<16xf32>
      tpu.vector_store_idx %arg14[%parallel_loop3A_217, %parallel_loop3A_189], %parallel_loop3A_219 {add = true} : memref<4x10000xf32, #tpu.memory_space<vmem>>[vector<16xi32>, vector<16xi32>], vector<16xf32>,
    } {sc.loop_unroll_factor = 5 : i64, sc.parallel_access}
    %dma_wait3A_170 = tpu.memref_slice %arg2[%add3A_158] : memref<320000xi32, #tpu.memory_space<hbm>> -> memref<4000xi32, #tpu.memory_space<hbm>>
    %dma_wait3A_171 = tpu.memref_slice %arg2[%add3A_158] : memref<320000xi32, #tpu.memory_space<hbm>> -> memref<4000xi32, #tpu.memory_space<hbm>>
    tpu.wait_dma2 semaphore(%arg21 : memref<!tpu.dma_semaphore, #tpu.memory_space<semaphore_mem>>) src(%dma_wait3A_171 : memref<4000xi32, #tpu.memory_space<hbm>>) dst(%arg18 : memref<4000xi32, #tpu.memory_space<vmem>>)
    %dma_wait3A_172 = tpu.memref_slice %arg3[%add3A_158] : memref<320000xi32, #tpu.memory_space<hbm>> -> memref<4000xi32, #tpu.memory_space<hbm>>
    %dma_wait3A_173 = tpu.memref_slice %arg3[%add3A_158] : memref<320000xi32, #tpu.memory_space<hbm>> -> memref<4000xi32, #tpu.memory_space<hbm>>
    tpu.wait_dma2 semaphore(%arg21 : memref<!tpu.dma_semaphore, #tpu.memory_space<semaphore_mem>>) src(%dma_wait3A_173 : memref<4000xi32, #tpu.memory_space<hbm>>) dst(%arg19 : memref<4000xi32, #tpu.memory_space<vmem>>)
    %parallel_loop3A_174 = arith.constant 0 : i32
    %parallel_loop3A_175 = arith.constant 250 : i32
    %parallel_loop3A_176 = arith.constant 1 : i32
    scf.for %parallel_loop3A_183 = %parallel_loop3A_174 to %parallel_loop3A_175 step %parallel_loop3A_176  : i32 {
      %parallel_loop3A_184 = arith.constant 16 : i32
      %parallel_loop3A_185 = arith.muli %parallel_loop3A_183, %parallel_loop3A_184 : i32
      %parallel_loop3A_186 = arith.index_cast %parallel_loop3A_185 : i32 to index
      %parallel_loop3A_187 = tpu.vector_load %arg18[%parallel_loop3A_186] {strides = array<i32>} : memref<4000xi32, #tpu.memory_space<vmem>>, vector<16xi32>,
      %parallel_loop3A_188 = arith.index_cast %parallel_loop3A_185 : i32 to index
      %parallel_loop3A_189 = tpu.vector_load %arg19[%parallel_loop3A_188] {strides = array<i32>} : memref<4000xi32, #tpu.memory_space<vmem>>, vector<16xi32>,
      %parallel_loop3A_190 = tpu.vector_load_idx %arg10[%parallel_loop3A_187] : memref<10000xf32, #tpu.memory_space<vmem>>[vector<16xi32>], vector<16xf32>,
      %parallel_loop3A_191 = tpu.vector_load_idx %arg11[%parallel_loop3A_189] : memref<10000xf32, #tpu.memory_space<vmem>>[vector<16xi32>], vector<16xf32>,
      %parallel_loop3A_192 = arith.addf %parallel_loop3A_190, %parallel_loop3A_191 : vector<16xf32>
      %parallel_loop3A_193 = arith.constant 2.000000e-01 : f32
      %parallel_loop3A_194 = vector.broadcast %parallel_loop3A_193 : f32 to vector<16xf32>
      %parallel_loop3A_195 = arith.mulf %parallel_loop3A_194, %parallel_loop3A_192 : vector<16xf32>
      %parallel_loop3A_196 = arith.maximumf %parallel_loop3A_192, %parallel_loop3A_195 : vector<16xf32>
      %parallel_loop3A_197 = arith.addf %parallel_loop3A_191, %get3A_43 : vector<16xf32>
      %parallel_loop3A_198 = arith.constant 2.000000e-01 : f32
      %parallel_loop3A_199 = vector.broadcast %parallel_loop3A_198 : f32 to vector<16xf32>
      %parallel_loop3A_200 = arith.mulf %parallel_loop3A_199, %parallel_loop3A_197 : vector<16xf32>
      %parallel_loop3A_201 = arith.maximumf %parallel_loop3A_197, %parallel_loop3A_200 : vector<16xf32>
      %parallel_loop3A_202 = arith.subf %parallel_loop3A_196, %parallel_loop3A_201 : vector<16xf32>
      %parallel_loop3A_203 = math.exp %parallel_loop3A_202 : vector<16xf32>
      tpu.vector_store_idx %arg15[%parallel_loop3A_189], %parallel_loop3A_203 {add = true} : memref<10000xf32, #tpu.memory_space<vmem>>[vector<16xi32>], vector<16xf32>,
      %parallel_loop3A_204 = arith.constant 0 : i32
      %parallel_loop3A_205 = vector.broadcast %parallel_loop3A_204 : i32 to vector<16xi32>
      %parallel_loop3A_206 = tpu.vector_load_idx %arg13[%parallel_loop3A_205, %parallel_loop3A_187] : memref<4x10000xf32, #tpu.memory_space<vmem>>[vector<16xi32>, vector<16xi32>], vector<16xf32>,
      %parallel_loop3A_207 = arith.mulf %parallel_loop3A_206, %parallel_loop3A_203 : vector<16xf32>
      tpu.vector_store_idx %arg14[%parallel_loop3A_205, %parallel_loop3A_189], %parallel_loop3A_207 {add = true} : memref<4x10000xf32, #tpu.memory_space<vmem>>[vector<16xi32>, vector<16xi32>], vector<16xf32>,
      %parallel_loop3A_208 = arith.constant 1 : i32
      %parallel_loop3A_209 = vector.broadcast %parallel_loop3A_208 : i32 to vector<16xi32>
      %parallel_loop3A_210 = tpu.vector_load_idx %arg13[%parallel_loop3A_209, %parallel_loop3A_187] : memref<4x10000xf32, #tpu.memory_space<vmem>>[vector<16xi32>, vector<16xi32>], vector<16xf32>,
      %parallel_loop3A_211 = arith.mulf %parallel_loop3A_210, %parallel_loop3A_203 : vector<16xf32>
      tpu.vector_store_idx %arg14[%parallel_loop3A_209, %parallel_loop3A_189], %parallel_loop3A_211 {add = true} : memref<4x10000xf32, #tpu.memory_space<vmem>>[vector<16xi32>, vector<16xi32>], vector<16xf32>,
      %parallel_loop3A_212 = arith.constant 2 : i32
      %parallel_loop3A_213 = vector.broadcast %parallel_loop3A_212 : i32 to vector<16xi32>
      %parallel_loop3A_214 = tpu.vector_load_idx %arg13[%parallel_loop3A_213, %parallel_loop3A_187] : memref<4x10000xf32, #tpu.memory_space<vmem>>[vector<16xi32>, vector<16xi32>], vector<16xf32>,
      %parallel_loop3A_215 = arith.mulf %parallel_loop3A_214, %parallel_loop3A_203 : vector<16xf32>
      tpu.vector_store_idx %arg14[%parallel_loop3A_213, %parallel_loop3A_189], %parallel_loop3A_215 {add = true} : memref<4x10000xf32, #tpu.memory_space<vmem>>[vector<16xi32>, vector<16xi32>], vector<16xf32>,
      %parallel_loop3A_216 = arith.constant 3 : i32
      %parallel_loop3A_217 = vector.broadcast %parallel_loop3A_216 : i32 to vector<16xi32>
      %parallel_loop3A_218 = tpu.vector_load_idx %arg13[%parallel_loop3A_217, %parallel_loop3A_187] : memref<4x10000xf32, #tpu.memory_space<vmem>>[vector<16xi32>, vector<16xi32>], vector<16xf32>,
      %parallel_loop3A_219 = arith.mulf %parallel_loop3A_218, %parallel_loop3A_203 : vector<16xf32>
      tpu.vector_store_idx %arg14[%parallel_loop3A_217, %parallel_loop3A_189], %parallel_loop3A_219 {add = true} : memref<4x10000xf32, #tpu.memory_space<vmem>>[vector<16xi32>, vector<16xi32>], vector<16xf32>,
    } {sc.loop_unroll_factor = 5 : i64, sc.parallel_access}
    %mul3A_177 = arith.constant 16 : i32
    %mul3A_178 = arith.muli %arg0, %mul3A_177 : i32
    %add3A_179 = arith.addi %mul3A_178, %arg1 : i32
    "tpu.region"() ({
      %run_scoped3A = tpu.sem_alloc : memref<!tpu.dma_semaphore, #tpu.memory_space<semaphore_mem>>
      %dma_start3A_183 = arith.constant 0 : i32
      %dma_start3A_184 = tpu.memref_slice %arg9[%add3A_179, %dma_start3A_183] : memref<32x10000xf32, #tpu.memory_space<hbm>> -> memref<1x10000xf32, #tpu.memory_space<hbm>>
      %dma_start3A_185 = tpu.memref_squeeze %dma_start3A_184 : memref<1x10000xf32, #tpu.memory_space<hbm>> -> memref<10000xf32, #tpu.memory_space<hbm>>
      %dma_start3A_186 = arith.constant 0 : i32
      %dma_start3A_187 = tpu.memref_slice %arg9[%add3A_179, %dma_start3A_186] : memref<32x10000xf32, #tpu.memory_space<hbm>> -> memref<1x10000xf32, #tpu.memory_space<hbm>>
      %dma_start3A_188 = tpu.memref_squeeze %dma_start3A_187 : memref<1x10000xf32, #tpu.memory_space<hbm>> -> memref<10000xf32, #tpu.memory_space<hbm>>
      tpu.enqueue_dma source(%arg15 : memref<10000xf32, #tpu.memory_space<vmem>>) target(%dma_start3A_188 : memref<10000xf32, #tpu.memory_space<hbm>>) target_semaphore(%run_scoped3A : memref<!tpu.dma_semaphore, #tpu.memory_space<semaphore_mem>>)
      %dma_wait3A_189 = arith.constant 0 : i32
      %dma_wait3A_190 = tpu.memref_slice %arg9[%add3A_179, %dma_wait3A_189] : memref<32x10000xf32, #tpu.memory_space<hbm>> -> memref<1x10000xf32, #tpu.memory_space<hbm>>
      %dma_wait3A_191 = tpu.memref_squeeze %dma_wait3A_190 : memref<1x10000xf32, #tpu.memory_space<hbm>> -> memref<10000xf32, #tpu.memory_space<hbm>>
      %dma_wait3A_192 = arith.constant 0 : i32
      %dma_wait3A_193 = tpu.memref_slice %arg9[%add3A_179, %dma_wait3A_192] : memref<32x10000xf32, #tpu.memory_space<hbm>> -> memref<1x10000xf32, #tpu.memory_space<hbm>>
      %dma_wait3A_194 = tpu.memref_squeeze %dma_wait3A_193 : memref<1x10000xf32, #tpu.memory_space<hbm>> -> memref<10000xf32, #tpu.memory_space<hbm>>
      tpu.wait_dma2 semaphore(%run_scoped3A : memref<!tpu.dma_semaphore, #tpu.memory_space<semaphore_mem>>) src(%arg15 : memref<10000xf32, #tpu.memory_space<vmem>>) dst(%dma_wait3A_194 : memref<10000xf32, #tpu.memory_space<hbm>>)
      tpu.yield
    }) : () -> ()
    %mul3A_180 = arith.constant 4 : i32
    %mul3A_181 = arith.muli %arg0, %mul3A_180 : i32
    %add3A_182 = arith.addi %mul3A_181, %select_n3A_29 : i32
    "tpu.region"() ({
      %run_scoped3A = tpu.sem_alloc : memref<!tpu.dma_semaphore, #tpu.memory_space<semaphore_mem>>
      %dma_start3A_183 = arith.constant 0 : i32
      %dma_start3A_184 = tpu.memref_slice %arg8[%add3A_182, %mul3A_31, %dma_start3A_183] : memref<8x16x10000xf32, #tpu.memory_space<hbm>> -> memref<1x4x10000xf32, #tpu.memory_space<hbm>>
      %dma_start3A_185 = tpu.memref_squeeze %dma_start3A_184 : memref<1x4x10000xf32, #tpu.memory_space<hbm>> -> memref<4x10000xf32, #tpu.memory_space<hbm>>
      %dma_start3A_186 = arith.constant 0 : i32
      %dma_start3A_187 = tpu.memref_slice %arg8[%add3A_182, %mul3A_31, %dma_start3A_186] : memref<8x16x10000xf32, #tpu.memory_space<hbm>> -> memref<1x4x10000xf32, #tpu.memory_space<hbm>>
      %dma_start3A_188 = tpu.memref_squeeze %dma_start3A_187 : memref<1x4x10000xf32, #tpu.memory_space<hbm>> -> memref<4x10000xf32, #tpu.memory_space<hbm>>
      tpu.enqueue_dma source(%arg14 : memref<4x10000xf32, #tpu.memory_space<vmem>>) target(%dma_start3A_188 : memref<4x10000xf32, #tpu.memory_space<hbm>>) target_semaphore(%run_scoped3A : memref<!tpu.dma_semaphore, #tpu.memory_space<semaphore_mem>>)
      %dma_wait3A_189 = arith.constant 0 : i32
      %dma_wait3A_190 = tpu.memref_slice %arg8[%add3A_182, %mul3A_31, %dma_wait3A_189] : memref<8x16x10000xf32, #tpu.memory_space<hbm>> -> memref<1x4x10000xf32, #tpu.memory_space<hbm>>
      %dma_wait3A_191 = tpu.memref_squeeze %dma_wait3A_190 : memref<1x4x10000xf32, #tpu.memory_space<hbm>> -> memref<4x10000xf32, #tpu.memory_space<hbm>>
      %dma_wait3A_192 = arith.constant 0 : i32
      %dma_wait3A_193 = tpu.memref_slice %arg8[%add3A_182, %mul3A_31, %dma_wait3A_192] : memref<8x16x10000xf32, #tpu.memory_space<hbm>> -> memref<1x4x10000xf32, #tpu.memory_space<hbm>>
      %dma_wait3A_194 = tpu.memref_squeeze %dma_wait3A_193 : memref<1x4x10000xf32, #tpu.memory_space<hbm>> -> memref<4x10000xf32, #tpu.memory_space<hbm>>
      tpu.wait_dma2 semaphore(%run_scoped3A : memref<!tpu.dma_semaphore, #tpu.memory_space<semaphore_mem>>) src(%arg14 : memref<4x10000xf32, #tpu.memory_space<vmem>>) dst(%dma_wait3A_194 : memref<4x10000xf32, #tpu.memory_space<hbm>>)
      tpu.yield
    }) : () -> ()
    return
  }
}

</mosaic_0001>

<sc_bundles>
// kernel: _sc_edge.3.cloned.1.call-start
scs
__scs_entry_jumppad:
0x0: {  	(pc) =	sbr.rel $0x88, $3  }
0x1: {  	(tag) =	ssettag $0x0;
	lr =	simm.s32 $0x1  }
0x2: {  	[smem:$0x3F9B] =	sst lr;
	_ =	strace $0xD0000000  }
0x3: {  	_ = 	snop  }
0x4: {  	_ = 	snop  }
0x5: {  	_ = 	snop  }
0x6: {  	_ = 	snop  }
0x7: {  	_ = 	snop  }
__scs_overlays_trampoline_lowered:
0x8: {  	[smem:$0x3FAA] =	sst s0  }
0x9: {  	[smem:$0x3FAB] =	sst s1  }
0xa: {  	[smem:$0x3FAC] =	sst s2  }
0xb: {  	[smem:$0x3FAD] =	sst s3  }
0xc: {  	[smem:$0x3FAE] =	sst s4  }
0xd: {  	[smem:$0x3FAF] =	sst s5  }
0xe: {  	[smem:$0x3FB0] =	sst s6  }
0xf: {  	[smem:$0x3FB1] =	sst s7  }
0x10: {  	[smem:$0x3FB2] =	sst s8  }
0x11: {  	[smem:$0x3FB3] =	sst s9;
	s0 =	simm.s32 @!p0 $0x0  }
0x12: {  	s1 =	sld [smem:$0x3F99];
	s0 =	simm.s32 @p0 $0x1  }
0x13: {  	[smem:$0x3FB4] =	sst s0;
	s0 =	simm.s32 @!p1 $0x0  }
0x14: {  	s2 =	sld [smem:$0x3F98];
	s0 =	simm.s32 @p1 $0x1  }
0x15: {  	[smem:$0x3FB5] =	sst s0;
	s0 =	simm.s32 @!p2 $0x0  }
0x16: {  	s3 =	sld [smem:$0x3FDB];
	s0 =	simm.s32 @p2 $0x1  }
0x17: {  	s4 =	simm.s32 $0x1BF5;
	[smem:$0x3FB7] =	sst s0  }
0x18: {  	s0 =	sld [smem:$0x3F9A];
	_ =	swait.ge [sflag:s4], $0x0  }
0x19: {  	s7 =	sld [smem:$0x3F9B]  }
0x1a: {  	s8 =	sadd.s32 $0xFFFFE003, lr  }
0x1b: {  	s9 =	sadd.s32 $0xFFFFFEF7, lr;
	s5 =	simm.s32 $0xFFFFFFFF;
	p2 =	slt.u32 s8, $0xFFFFF086  }
0x1c: {  	p1 =	slt.u32 s9, $0xF7A;
	s5 =	simm.s32 @!p2 $0x0  }
0x1d: {  	s5 =	simm.s32 @p1 $0x1;
	p0 =	seq.s32 s7, s2  }
0x1e: {  	s7 =	smul.u32 @!p0 $0xF7A, s2;
	p2 =	seq.s32 @!p0 s5, $0x0  }
0x1f: {  	s9 =	smul.u32 $0xF7A, s1;
	s8 =	simm.s32 @!p0 $0x1BF5;
	p2 =	por !p2, p0  }
0x20: {  	[sflag:s8] =	ssyncset.s32 @!p0 $0xFFFFF086;
	s6 =	sadd.s32 @!p0 s3, s7;
	s7 =	simm.s32 @!p0 $0x108  }
0x21: {  	s3 =	sadd.s32 s3, s9;
	s6 =	sadd.s32 @!p0 $0x88, s6;
	s7 =	simm.s32 @p2 $0x1082  }
0x22: {  	[simem:s7], [sflag:s8] =	dma.local @!p0 [hbm:s6], $0xF7A  }
0x23: {  	s9 =	sor.u32 $0xD0000000, s2;
	s6 =	simm.s32 $0x108;
	_ =	swait.ge @!p0 [sflag:s8], $0x0  }
0x24: {  	s3 =	sadd.s32 $0x88, s3;
	s6 =	simm.s32 @!p1 $0x1082;
	[sflag:s4] =	ssyncset.s32 $0xFFFFF086  }
0x25: {  	[simem:s6], [sflag:s4] =	dma.local [hbm:s3], $0xF7A  }
0x26: {  	[smem:$0x3F9B] =	sst s1;
	(tag) =	ssettag s2;
	_ =	strace s9  }
0x27: {  	s1 =	sld [smem:$0x3FAB]  }
0x28: {  	s2 =	sld [smem:$0x3FAC]  }
0x29: {  	s4 =	sld [smem:$0x3FAE]  }
0x2a: {  	p0 =	seq.s32 s5, $0x0;
	s5 =	sld [smem:$0x3FAF]  }
0x2b: {  	s6 =	sld [smem:$0x3FB0]  }
0x2c: {  	s7 =	sld [smem:$0x3FB1]  }
0x2d: {  	s3 =	simm.s32 $0x108;
	s8 =	sld [smem:$0x3FB2]  }
0x2e: {  	s3 =	simm.s32 @!p0 $0x1082;
	s9 =	sld [smem:$0x3FB3]  }
0x2f: {  	lr =	sadd.s32 s0, s3;
	s0 =	sld [smem:$0x3FAA]  }
0x30: {  	s3 =	sld [smem:$0x3FAD]  }
0x31: {  	[smem:$0x3FB6] =	sst s10  }
0x32: {  	s10 =	sld [smem:$0x3FB4];
	_ =	sdelay $0x3  }
0x33: {  	p0 =	seq.s32 s10, $0x1;
	s10 =	sld [smem:$0x3FB6];
	_ =	sdelay $0x3  }
0x34: {  	[smem:$0x3FB6] =	sst s10  }
0x35: {  	s10 =	sld [smem:$0x3FB5];
	_ =	sdelay $0x3  }
0x36: {  	p1 =	seq.s32 s10, $0x1;
	s10 =	sld [smem:$0x3FB6];
	_ =	sdelay $0x3  }
0x37: {  	[smem:$0x3FB6] =	sst s10  }
0x38: {  	s10 =	sld [smem:$0x3FB7]  }
0x39: {  	_ = 	snop;
	(pc) =	sbr.ind lr, $3  }
0x3a: {  	_ = 	snop  }
0x3b: {  	_ = 	snop  }
0x3c: {  	p2 =	seq.s32 s10, $0x1;
	s10 =	sld [smem:$0x3FB6]  }
0x3d: {  	_ =	shalt  }
0x3e: {  	_ =	shalt  }
0x3f: {  	_ =	shalt  }
0x40: {  	_ =	shalt  }
0x41: {  	_ =	shalt  }
0x42: {  	_ =	shalt  }
0x43: {  	_ =	shalt  }
0x44: {  	_ =	shalt  }
0x45: {  	_ =	shalt  }
0x46: {  	_ =	shalt  }
0x47: {  	_ =	shalt  }
0x48: {  	_ =	shalt  }
0x49: {  	_ =	shalt  }
0x4a: {  	_ =	shalt  }
0x4b: {  	_ =	shalt  }
0x4c: {  	_ =	shalt  }
0x4d: {  	_ =	shalt  }
0x4e: {  	_ =	shalt  }
0x4f: {  	_ =	shalt  }
0x50: {  	_ =	shalt  }
0x51: {  	_ =	shalt  }
0x52: {  	_ =	shalt  }
0x53: {  	_ =	shalt  }
0x54: {  	_ =	shalt  }
0x55: {  	_ =	shalt  }
0x56: {  	_ =	shalt  }
0x57: {  	_ =	shalt  }
0x58: {  	_ =	shalt  }
0x59: {  	_ =	shalt  }
0x5a: {  	_ =	shalt  }
0x5b: {  	_ =	shalt  }
0x5c: {  	_ =	shalt  }
0x5d: {  	_ =	shalt  }
0x5e: {  	_ =	shalt  }
0x5f: {  	_ =	shalt  }
0x60: {  	_ =	shalt  }
0x61: {  	_ =	shalt  }
0x62: {  	_ =	shalt  }
0x63: {  	_ =	shalt  }
0x64: {  	_ =	shalt  }
0x65: {  	_ =	shalt  }
0x66: {  	_ =	shalt  }
0x67: {  	_ =	shalt  }
0x68: {  	_ =	shalt  }
0x69: {  	_ =	shalt  }
0x6a: {  	_ =	shalt  }
0x6b: {  	_ =	shalt  }
0x6c: {  	_ =	shalt  }
0x6d: {  	_ =	shalt  }
0x6e: {  	_ =	shalt  }
0x6f: {  	_ =	shalt  }
0x70: {  	_ =	shalt  }
0x71: {  	_ =	shalt  }
0x72: {  	_ =	shalt  }
0x73: {  	_ =	shalt  }
0x74: {  	_ =	shalt  }
0x75: {  	_ =	shalt  }
0x76: {  	_ =	shalt  }
0x77: {  	_ =	shalt  }
0x78: {  	_ =	shalt  }
0x79: {  	_ =	shalt  }
0x7a: {  	_ =	shalt  }
0x7b: {  	_ =	shalt  }
0x7c: {  	_ =	shalt  }
0x7d: {  	_ =	shalt  }
0x7e: {  	_ =	shalt  }
0x7f: {  	_ =	shalt  }
0x80: {  	_ =	shalt  }
0x81: {  	_ =	shalt  }
0x82: {  	_ =	shalt  }
0x83: {  	_ =	shalt  }
0x84: {  	_ =	shalt  }
0x85: {  	_ =	shalt  }
0x86: {  	_ =	shalt  }
0x87: {  	_ =	shalt  }
.Lfunc_end0:
.L_simem_size_0:
called_computation_lowered:
.L_overlay_start_0:
0x88: {  	s2 =	sld [smem:$0x3FD9]  }
0x89: {  	s3 =	sld [smem:$0x3FFE];
	_ =	sdelay $0x1  }
0x8a: {  	s1 =	srdreg.scid  }
0x8b: {  	s0 =	sand.u32 $0x1, s1  }
0x8c: {  	s15 =	sshll.u32 s0, $0xA;
	s2 =	sadd.s32 s3, s2  }
0x8d: {  	s2 =	sadd.s32 s2, s15  }
0x8e: {  	[smem:$0x3FC2] =	sst s2  }
0x8f: {  	_ = 	snop  }
0x90: {  	s2 =	sld [smem:$0x3FC9]  }
0x91: {  	s16 =	sld [smem:$0x3FC8]  }
0x92: {  	s4 =	sld [smem:$0x3FC7]  }
0x93: {  	s5 =	sld [smem:$0x3FD0]  }
0x94: {  	s6 =	sld [smem:$0x3FC6]  }
0x95: {  	s7 =	sld [smem:$0x3FC5]  }
0x96: {  	s9 =	simm.s32 $0xA;
	s10 =	simm.s32 $0x10;
	s8 =	sld [smem:$0x3FC4]  }
0x97: {  	[smem:s10], [sflag:s9] =	dma.local [hbm:s5], $0x1  }
0x98: {  	_ =	swait.eq [sflag:s9], $0x1  }
0x99: {  	[sflag:s9] =	ssyncset.done $0x0  }
0x9a: {  	s17 =	sld [smem:$0x10];
	[sflag:s9] =	ssyncadd.s32 $0xFFFFFFFF  }
0x9b: {  	s18 =	sld [smem:$0x11];
	(tm) =	ssettm $0x1  }
0x9c: {  	s19 =	sld [smem:$0x3FFB];
	_ =	sdelay $0x3  }
0x9d: {  	_ =	strace s19  }
0x9e: {  	s10 =	sld [smem:$0x3FFC];
	_ =	sdelay $0x3  }
0x9f: {  	_ =	strace s10  }
0xa0: {  	s10 =	sld [smem:$0x3FFD];
	_ =	sdelay $0x3  }
0xa1: {  	_ =	strace s10  }
0xa2: {  	_ =	strace $0x8FFFFFFF  }
0xa3: {  	s20 =	sld [smem:$0x3FDB];
	_ =	sdelay $0x1  }
0xa4: {  	s11 =	simm.s32 $_scs_section_size  }
0xa5: {  	s12 =	simm.s32 $_size__tile_overlayer_lowered;
	s13 =	simm.s32 $_tile_overlayer_lowered  }
0xa6: {  	s23 =	simm.s32 $0x1BFF;
	s22 =	sshll.u32 s13, $0x1;
	s10 =	sadd.s32 s11, s20  }
0xa7: {  	s14 =	simm.s32 $0x0;
	s21 =	sshll.u32 s12, $0x1;
	s12 =	sadd.s32 s22, s10  }
0xa8: {  	[timem:s14], [sflag:s23] =	dma.local [hbm:s12], s21  }
0xa9: {  	_ =	swait.ge [sflag:s23], s21  }
0xaa: {  	s11 =	ssub.s32 $0x0, s21;
	[sflag:s23] =	ssyncset.done $0x0  }
0xab: {  	[sflag:s23] =	ssyncadd.s32 s11;
	_ =	sdelay $0x1  }
0xac: {  	s24 =	simm.s32 $0x1B8B  }
0xad: {  	_ =	swait.ge [sflag:s24], $0x1  }
0xae: {  	[sflag:s24] =	ssyncset.done $0x0  }
0xaf: {  	s25 =	simm.s32 $0x1B8E;
	[sflag:s24] =	ssyncadd.s32 $0xFFFFFFFF  }
0xb0: {  	s26 =	simm.s32 $execute0_lowered;
	[smem:$0x3FD2] =	sst s25  }
0xb1: {  	s11 =	sshll.u32 s26, $0x1;
	_ =	strace $0x80000046;
	[dreg:$0x1] =	wrdreg $0xFFFFFFFF  }
0xb2: {  	s28 =	simm.s32 $_size_execute0_lowered;
	s10 =	sadd.s32 s10, s11;
	[dreg:$0x0] =	wrdreg $0x0  }
0xb3: {  	s11 =	sshll.u32 s28, $0x1;
	[dreg:$0x2] =	wrdreg s10  }
0xb4: {  	[dreg:$0x3] =	wrdreg s11  }
0xb5: {  	[dreg:$0x4] =	wrdreg $0xC0  }
0xb6: {  	_ =	task [dreg:s14], $0x5FFFF  }
0xb7: {  	[dreg:$0x1] =	wrdreg $0xFFFFFFFF  }
0xb8: {  	[dreg:$0x0] =	wrdreg $0x60  }
0xb9: {  	[dreg:$0x2] =	wrdreg s2  }
0xba: {  	[dreg:$0x3] =	wrdreg s16  }
0xbb: {  	[dreg:$0x4] =	wrdreg s4  }
0xbc: {  	[dreg:$0x5] =	wrdreg s6  }
0xbd: {  	[dreg:$0x6] =	wrdreg s7  }
0xbe: {  	[dreg:$0x7] =	wrdreg s8  }
0xbf: {  	[dreg:$0x8] =	wrdreg s17  }
0xc0: {  	[dreg:$0x9] =	wrdreg s18  }
0xc1: {  	[dreg:$0xa] =	wrdreg $0x9  }
0xc2: {  	_ =	task.clear_ibuf [dreg:s14], $0xBFFFF;
	_ =	strace $0x90000046  }
0xc3: {  	s29 =	simm.s32 $0x9;
	_ =	strace $0x80000048  }
0xc4: {  	_ =	swait.ge [sflag:s29], $0x1  }
0xc5: {  	[sflag:s29] =	ssyncadd.s32 $0xFFFFFFFF  }
0xc6: {  	_ =	strace $0x90000048  }
0xc7: {  	_ =	sfence  }
0xc8: {  	s30 =	sld [smem:$0x0];
	_ =	sdelay $0x2  }
0xc9: {  	s31 =	sshll.u32 s1, $0xD;
	s1 =	sshrl.u32 s1, $0x2  }
0xca: {  	s3 =	sand.u32 $0x4000, s31;
	s1 =	sadd.s32 s1, s30  }
0xcb: {  	s0 =	sor.u32 s3, s0;
	s1 =	sshll.u32 s1, $0x11  }
0xcc: {  	s0 =	sor.u32 s1, s0  }
0xcd: {  	s0 =	sadd.s32 $0x8F2B, s0  }
0xce: {  	[sflag:s0] =	ssyncadd.remote.s32 $0x1  }
0xcf: {  	_ =	sfence.sel $0xFFFF  }
0xd0: {  	[dreg:$0x0] =	wrdreg $0xFFFFFFFF;
	(pc) =	sbr.abs _section_cstart, $3  }
0xd1: {  	[dreg:$0x1] =	wrdreg $0xFFFFFFFF  }
0xd2: {  	_ =	task.clear_ibuf [dreg:s14], $0x2FFFF;
	_ =	strace $0x9FFFFFFF  }
0xd3: {  	(tm) =	ssettm $0x7FFFFFFF  }
tec
execute0_lowered:
.L_overlay_start_1:
0x0: {  	(tag) =	ssettag $0x1  }
0x1: {  	s1 =	rddreg [dreg:$0x0]  }
0x2: {  	s0 =	srdreg.scid;
	s2 =	rddreg [dreg:$0x1]  }
0x3: {  	s11 =	stileid.u32;
	s5 =	rddreg [dreg:$0x5];
	s0 =	sand.u32 $0x1, s0  }
0x4: {  	s31 =	simm.s32 $0x2780;
	s4 =	sshrl.u32 s11, $0x2;
	s3 =	smul.u32 $0x27100, s0  }
0x5: {  	s6 =	sshll.u32 s11, $0x1E;
	s9 =	sshll.u32 s11, $0x9;
	s7 =	smul.u32 $0x9C40, s4  }
0x6: {  	s8 =	ssub.s32 $0x2, s0;
	s6 =	sshra.s32 s6, $0x1F;
	s9 =	sand.u32 $0x200, s9  }
0x7: {  	s6 =	sand.u32 $0x13C00, s6;
	s22 =	sshrl.u32 s8, $0x1;
	s3 =	sadd.s32 s3, s7  }
0x8: {  	s10 =	sor.u32 s9, s6;
	s7 =	ssub.s32 s8, s22;
	s3 =	sshrl.u32 s3, $0x3  }
0x9: {  	s23 =	sshrl.u32 s10, $0x3;
	s30 =	smax.u32 s7, $0x1;
	s7 =	simm.s32 $0x4  }
0xa: {  	s24 =	sadd.s32 $0x1F4, s3;
	s5 =	sadd.s32 s5, s23;
	s26 =	sadd.s32 $0x3E8, s3  }
0xb: {  	s14 =	sadd.s32 $0x5DC, s3;
	s16 =	sadd.s32 $0x7D0, s3;
	s18 =	sadd.s32 $0x9C4, s3  }
0xc: {  	s20 =	sadd.s32 $0xBB8, s3;
	[dreg:$0x9] =	wrdreg s5;
	s25 =	sadd.s32 s1, s24  }
0xd: {  	s13 =	sadd.s32 s1, s26;
	s5 =	sadd.s32 s2, s26;
	s26 =	rddreg [dreg:$0x7]  }
0xe: {  	s21 =	sadd.s32 $0xDAC, s3;
	s12 =	sadd.s32 s2, s24;
	[dreg:$0xa] =	wrdreg s25  }
0xf: {  	s22 =	sadd.s32 $0xFA0, s3;
	s23 =	sshll.u32 s0, $0x4;
	[dreg:$0xb] =	wrdreg s12  }
0x10: {  	s0 =	sshll.u32 s0, $0x2;
	s15 =	sadd.s32 s1, s14;
	[dreg:$0xc] =	wrdreg s13  }
0x11: {  	s8 =	sadd.s32 s2, s14;
	s17 =	sadd.s32 s1, s16;
	[dreg:$0xd] =	wrdreg s5  }
0x12: {  	s19 =	sadd.s32 s1, s18;
	s14 =	sadd.s32 s1, s21;
	[dreg:$0xe] =	wrdreg s15  }
0x13: {  	s0 =	sor.u32 s4, s0;
	s24 =	sshll.u32 s11, $0x7;
	[dreg:$0xf] =	wrdreg s8  }
0x14: {  	s4 =	simm.s32 $0x18B80;
	[dreg:$0x10] =	wrdreg s17;
	s5 =	sadd.s32 s2, s16  }
0x15: {  	[dreg:$0x12] =	wrdreg s19;
	s8 =	sadd.s32 s2, s18;
	s12 =	sadd.s32 s1, s20  }
0x16: {  	s13 =	sadd.s32 s2, s20;
	s15 =	sadd.s32 s2, s21;
	s16 =	sadd.s32 s1, s22  }
0x17: {  	s17 =	sadd.s32 s2, s22;
	s18 =	sadd.s32 s1, s3;
	s25 =	rddreg [dreg:$0x6]  }
0x18: {  	s19 =	sadd.s32 s2, s3;
	s3 =	sadd.s32 $0x1194, s3;
	[dreg:$0x11] =	wrdreg s5  }
0x19: {  	s22 =	simm.s32 $0x0;
	s0 =	smul.u32 $0x27800, s0;
	[dreg:$0x13] =	wrdreg s8  }
0x1a: {  	s20 =	sadd.s32 s1, s3;
	s21 =	sadd.s32 s2, s3;
	[smem:$0x7FF] =	sst s22  }
0x1b: {  	s1 =	sor.u32 s11, s23;
	s2 =	sand.u32 $0x380, s24;
	s11 =	simm.s32 $0x200  }
0x1c: {  	s23 =	simm.s32 $0x400;
	s24 =	simm.s32 $0x4F80;
	s3 =	simm.s32 $0x1  }
0x1d: {  	s5 =	simm.s32 $0xED80;
	s1 =	sshrl.u32 s1, $0x3;
	s0 =	sadd.s32 s6, s0  }
0x1e: {  	s8 =	simm.s32 $0x0;
	s1 =	smul.u32 $0x13C00, s1;
	s0 =	sor.u32 s9, s0  }
0x1f: {  	_ =	strace $0x80000047;
	s6 =	simm.s32 $0x2;
	s0 =	sshrl.u32 s0, $0x3  }
0x20: {  	s1 =	sor.u32 s2, s1;
	s29 =	sadd.s32 s25, s0;
	s25 =	simm.s32 $0x3  }
0x21: {  	s0 =	simm.s32 $0x1C300;
	s2 =	simm.s32 $0x1E300;
	s1 =	sshrl.u32 s1, $0x3  }
0x22: {  	v0 =	vimm.f32 $0.0e+00;
	s28 =	sadd.s32 s26, s1;
	s26 =	simm.s32 $0x1B300;
	s1 =	simm.s32 $0x1D300  }
.LBB2_1:
0x23: {  	s9 =	rddreg [dreg:$0x2]  }
0x24: {  	[tilespmem:s22], [sflag:$0x3] =	stream.linear.gather [hbm4b:s9+s22], $0x2780, $0x38;
	[tilespmem:$0x1F300] =	vst v63  }
0x25: {  	s10 =	rddreg [dreg:$0x3]  }
0x26: {  	[tilespmem:s31], [sflag:$0x3] =	stream.linear.gather [hbm4b:s10+s22], $0x2780, $0x38;
	[tilespmem:$0x1F300] =	vst v63  }
0x27: {  	s9 =	rddreg [dreg:$0x4];
	s10 =	simm.s32 $0x4F00  }
0x28: {  	[tilespmem:s10], [sflag:$0x3] =	stream.linear.gather [hbm4b:s9+s22], $0x80, $0x38;
	[tilespmem:$0x1F300] =	vst v63  }
0x29: {  	s10 =	rddreg [dreg:$0x9];
	s9 =	simm.s32 $0x18BC0  }
0x2a: {  	[tilespmem:s24], [sflag:$0x3] =	stream.strided.gather [hbm4b:s10+s11], $0x9E00, s23, s11, $0x38;
	[tilespmem:$0x1F300] =	vst v63  }
0x2b: {  	[tilespmem:s9+$0xFFFFFFC0] =	vst v0  }
0x2c: {  	[tilespmem:s9+$0x30] =	vst v0  }
0x2d: {  	[tilespmem:s9+$0x20] =	vst v0  }
0x2e: {  	[tilespmem:s9+$0x10] =	vst v0  }
0x2f: {  	[tilespmem:s9+$0x0] =	vst v0  }
0x30: {  	[tilespmem:s9+$0xFFFFFFF0] =	vst v0  }
0x31: {  	s10 =	simm.s32 $0x0;
	[tilespmem:s9+$0xFFFFFFE0] =	vst v0  }
.LBB2_2:
0x32: {  	s10 =	sadd.s32 $0x8, s10;
	[tilespmem:s9+$0xFFFFFFD0] =	vst v0;
	s9 =	sadd.s32 $0x80, s9  }
0x33: {  	[tilespmem:s9+$0xFFFFFFC0] =	vst v0;
	p0 =	slt.u32 s10, $0x268  }
0x34: {  	[tilespmem:s9+$0x30] =	vst v0  }
.Ltmp0:
0x35: {  	[tilespmem:s9+$0x20] =	vst v0;
	(pc) =	sbr.rel @p0 .LBB2_2-.Ltmp0, $4  }
0x36: {  	[tilespmem:s9+$0x10] =	vst v0  }
0x37: {  	[tilespmem:s9+$0x0] =	vst v0  }
0x38: {  	[tilespmem:s9+$0xFFFFFFF0] =	vst v0  }
0x39: {  	[tilespmem:s9+$0xFFFFFFE0] =	vst v0  }
0x3a: {  	[tilespmem:s9+$0xFFFFFFD0] =	vst v0  }
0x3b: {  	s9 =	simm.s32 $0xEE80;
	[tilespmem:$0x1B280] =	vst v0  }
0x3c: {  	[tilespmem:s9+$0xFFFFFF00] =	vst v0  }
0x3d: {  	[tilespmem:s9+$0xF0] =	vst v0  }
0x3e: {  	[tilespmem:s9+$0x70] =	vst v0  }
0x3f: {  	[tilespmem:s9+$0xFFFFFFF0] =	vst v0  }
0x40: {  	[tilespmem:s9+$0xFFFFFF70] =	vst v0  }
0x41: {  	[tilespmem:s9+$0xE0] =	vst v0  }
0x42: {  	[tilespmem:s9+$0x60] =	vst v0  }
0x43: {  	[tilespmem:s9+$0xFFFFFFE0] =	vst v0  }
0x44: {  	[tilespmem:s9+$0xFFFFFF60] =	vst v0  }
0x45: {  	[tilespmem:s9+$0xD0] =	vst v0  }
0x46: {  	[tilespmem:s9+$0x50] =	vst v0  }
0x47: {  	[tilespmem:s9+$0xFFFFFFD0] =	vst v0  }
0x48: {  	[tilespmem:s9+$0xFFFFFF50] =	vst v0  }
0x49: {  	[tilespmem:s9+$0xC0] =	vst v0  }
0x4a: {  	[tilespmem:s9+$0x40] =	vst v0  }
0x4b: {  	[tilespmem:s9+$0xFFFFFFC0] =	vst v0  }
0x4c: {  	[tilespmem:s9+$0xFFFFFF40] =	vst v0  }
0x4d: {  	[tilespmem:s9+$0xB0] =	vst v0  }
0x4e: {  	[tilespmem:s9+$0x30] =	vst v0  }
0x4f: {  	[tilespmem:s9+$0xFFFFFFB0] =	vst v0  }
0x50: {  	[tilespmem:s9+$0xFFFFFF30] =	vst v0  }
0x51: {  	[tilespmem:s9+$0xA0] =	vst v0  }
0x52: {  	[tilespmem:s9+$0x20] =	vst v0  }
0x53: {  	[tilespmem:s9+$0xFFFFFFA0] =	vst v0  }
0x54: {  	[tilespmem:s9+$0xFFFFFF20] =	vst v0  }
0x55: {  	[tilespmem:s9+$0x90] =	vst v0  }
0x56: {  	[tilespmem:s9+$0x10] =	vst v0  }
0x57: {  	[tilespmem:s9+$0xFFFFFF90] =	vst v0  }
0x58: {  	[tilespmem:s9+$0xFFFFFF10] =	vst v0  }
0x59: {  	[tilespmem:s9+$0x80] =	vst v0  }
0x5a: {  	s10 =	simm.s32 $0x0;
	[tilespmem:s9+$0x0] =	vst v0  }
.LBB2_4:
0x5b: {  	s10 =	sadd.s32 $0x8, s10;
	[tilespmem:s9+$0xFFFFFF80] =	vst v0;
	s9 =	sadd.s32 $0x200, s9  }
0x5c: {  	[tilespmem:s9+$0xFFFFFF00] =	vst v0;
	p0 =	slt.u32 s10, $0x268  }
0x5d: {  	[tilespmem:s9+$0xF0] =	vst v0  }
0x5e: {  	[tilespmem:s9+$0x70] =	vst v0  }
0x5f: {  	[tilespmem:s9+$0xFFFFFFF0] =	vst v0  }
0x60: {  	[tilespmem:s9+$0xFFFFFF70] =	vst v0  }
0x61: {  	[tilespmem:s9+$0xE0] =	vst v0  }
0x62: {  	[tilespmem:s9+$0x60] =	vst v0  }
0x63: {  	[tilespmem:s9+$0xFFFFFFE0] =	vst v0  }
0x64: {  	[tilespmem:s9+$0xFFFFFF60] =	vst v0  }
0x65: {  	[tilespmem:s9+$0xD0] =	vst v0  }
0x66: {  	[tilespmem:s9+$0x50] =	vst v0  }
0x67: {  	[tilespmem:s9+$0xFFFFFFD0] =	vst v0  }
0x68: {  	[tilespmem:s9+$0xFFFFFF50] =	vst v0  }
0x69: {  	[tilespmem:s9+$0xC0] =	vst v0  }
0x6a: {  	[tilespmem:s9+$0x40] =	vst v0  }
0x6b: {  	[tilespmem:s9+$0xFFFFFFC0] =	vst v0  }
0x6c: {  	[tilespmem:s9+$0xFFFFFF40] =	vst v0  }
0x6d: {  	[tilespmem:s9+$0xB0] =	vst v0  }
0x6e: {  	[tilespmem:s9+$0x30] =	vst v0  }
0x6f: {  	[tilespmem:s9+$0xFFFFFFB0] =	vst v0  }
0x70: {  	[tilespmem:s9+$0xFFFFFF30] =	vst v0  }
0x71: {  	[tilespmem:s9+$0xA0] =	vst v0  }
0x72: {  	[tilespmem:s9+$0x20] =	vst v0  }
0x73: {  	[tilespmem:s9+$0xFFFFFFA0] =	vst v0  }
0x74: {  	[tilespmem:s9+$0xFFFFFF20] =	vst v0  }
0x75: {  	[tilespmem:s9+$0x90] =	vst v0  }
.Ltmp1:
0x76: {  	[tilespmem:s9+$0x10] =	vst v0;
	(pc) =	sbr.rel @p0 .LBB2_4-.Ltmp1, $4  }
0x77: {  	[tilespmem:s9+$0xFFFFFF90] =	vst v0  }
0x78: {  	[tilespmem:s9+$0xFFFFFF10] =	vst v0  }
0x79: {  	[tilespmem:s9+$0x80] =	vst v0  }
0x7a: {  	[tilespmem:s9+$0x0] =	vst v0  }
0x7b: {  	[tilespmem:s9+$0xFFFFFF80] =	vst v0  }
0x7c: {  	[tilespmem:$0x18980] =	vst v0  }
0x7d: {  	[tilespmem:$0x18A00] =	vst v0  }
0x7e: {  	[tilespmem:$0x18A80] =	vst v0  }
0x7f: {  	[tilespmem:$0x18B00] =	vst v0  }
0x80: {  	_ =	swait.ge [sflag:s25], $0x2780  }
0x81: {  	[sflag:s25] =	ssyncset.done $0x0  }
0x82: {  	[sflag:s25] =	ssyncadd.s32 $0xFFFFD880  }
0x83: {  	_ =	swait.ge [sflag:s25], $0x2780  }
0x84: {  	[sflag:s25] =	ssyncset.done $0x0  }
0x85: {  	[sflag:s25] =	ssyncadd.s32 $0xFFFFD880  }
0x86: {  	_ =	swait.ge [sflag:s25], $0x80  }
0x87: {  	[sflag:s25] =	ssyncset.done $0x0  }
0x88: {  	[sflag:s25] =	ssyncadd.s32 $0xFFFFFF80  }
0x89: {  	_ =	swait.ge [sflag:s25], $0x9E00  }
0x8a: {  	[sflag:s25] =	ssyncset.done $0x0  }
0x8b: {  	[sflag:s25] =	ssyncadd.s32 $0xFFFF6200  }
0x8c: {  	v1 =	vld [tilespmem:$0x4F00];
	[tilespmem:s26], [sflag:$0x1] =	stream.linear.gather [hbm4b:s18+s22], $0xFA0, $0x38  }
0x8d: {  	_ = 	snop  }
0x8e: {  	[tilespmem:s0], [sflag:$0x1] =	stream.linear.gather [hbm4b:s19+s22], $0xFA0, $0x38;
	[tilespmem:$0x1F300] =	vst v63  }
0x8f: {  	s11 =	rddreg [dreg:$0xa]  }
0x90: {  	[tilespmem:s1], [sflag:$0x2] =	stream.linear.gather [hbm4b:s11+s22], $0xFA0, $0x38;
	[tilespmem:$0x1F300] =	vst v63  }
0x91: {  	s10 =	rddreg [dreg:$0xb]  }
0x92: {  	[tilespmem:s2], [sflag:$0x2] =	stream.linear.gather [hbm4b:s10+s22], $0xFA0, $0x38;
	[tilespmem:$0x1F300] =	vst v63  }
0x93: {  	_ =	swait.ge [sflag:s3], $0xFA0  }
0x94: {  	[sflag:s3] =	ssyncset.done $0x0  }
0x95: {  	[sflag:s3] =	ssyncadd.s32 $0xFFFFF060  }
0x96: {  	_ =	swait.ge [sflag:s3], $0xFA0  }
0x97: {  	[sflag:s3] =	ssyncset.done $0x0  }
0x98: {  	s11 =	simm.s32 $0x1B320;
	[sflag:s3] =	ssyncadd.s32 $0xFFFFF060  }
0x99: {  	s10 =	simm.s32 $0x1C320;
	v2 =	vld [tilespmem:s11+$0x20]  }
0x9a: {  	v3 =	vld [tilespmem:s10+$0x20];
	_ =	sdelay $0x6  }
0x9b: {  	v4 =	vld.idx.msk [tilespmem:v2+s22+$0x0], $0xffff  }
0x9c: {  	v5 =	vld.idx.msk [tilespmem:v3+s31+$0x0], $0xffff;
	_ =	sdelay $0x4  }
0x9d: {  	v6 =	vld [tilespmem:s11+$0x10];
	v4 =	vadd.f32 v5, v4;
	v5 =	vadd.f32 v5, v1  }
0x9e: {  	v9 =	vld [tilespmem:s10+$0x10]  }
0x9f: {  	v7 =	vmul.f32 $2.000000030e-01, v4;
	v8 =	vmul.f32 $2.000000030e-01, v5;
	_ =	sdelay $0x1  }
0xa0: {  	v12 =	vld [tilespmem:s10+$0xFFFFFFF0];
	v4 =	vmax.f32 v4, v7;
	v5 =	vmax.f32 v5, v8  }
0xa1: {  	v14 =	vld [tilespmem:s11+$0x0];
	v4 =	vsub.f32 v4, v5  }
0xa2: {  	v11 =	vld [tilespmem:s11+$0xFFFFFFF0]  }
0xa3: {  	v15 =	vld [tilespmem:s10+$0x0];
	v4 =	vmul.f32 $1.442695020e+00, v4  }
0xa4: {  	v5 =	vld.idx.msk [tilespmem:v6+s22+$0x0], $0xffff  }
0xa5: {  	(erf) = vpow2.f32 v4;
	v4 =	vld.idx.msk [tilespmem:v9+s31+$0x0], $0xffff;
	_ =	sdelay $0x1  }
0xa6: {  	v16 =	vld [tilespmem:s11+$0xFFFFFFE0]  }
0xa7: {  	v10 =	vld [tilespmem:s10+$0xFFFFFFE0];
	s10 =	simm.s32 $0x1B370  }
0xa8: {  	v34 =	vld [tilespmem:s10+$0x10]  }
0xa9: {  	v17 =	vld.idx.msk [tilespmem:v14+s22+$0x0], $0xffff;
	v7 =	vshll.u32 v2, $0x2;
	v13 =	vadd.f32 v4, v1;
	v4 =	vadd.f32 v4, v5  }
0xaa: {  	v19 =	vld.idx.msk [tilespmem:v12+s31+$0x0], $0xffff;
	v2 =	vand.u32 $0x7F, v2;
	v7 =	vand.u32 $0xFFFFFE00, v7  }
0xab: {  	v8 =	vor.u32 v2, v7;
	v5 =	vld.idx.msk [tilespmem:v11+s22+$0x0], $0xffff;
	v7 =	vmul.f32 $2.000000030e-01, v13;
	v18 =	vmul.f32 $2.000000030e-01, v4  }
0xac: {  	v20 =	vld.idx.msk [tilespmem:v15+s31+$0x0], $0xffff  }
0xad: {  	v35 =	vld [tilespmem:s10+$0x0];
	v7 =	vmax.f32 v13, v7;
	v4 =	vmax.f32 v4, v18  }
0xae: {  	v21 =	vld.idx.msk [tilespmem:v16+s22+$0x0], $0xffff;
	v2 =	vpop (erf);
	v4 =	vsub.f32 v4, v7;
	v7 =	vshll.u32 v3, $0x2  }
0xaf: {  	v22 =	vadd.f32 v19, v1;
	[tilespmem:v3+s4+$0x0] =	vst.idx.add.f32.msk $0xffff, v2;
	v3 =	vand.u32 $0x7F, v3;
	v7 =	vand.u32 $0xFFFFFE00, v7  }
0xb0: {  	v13 =	vld.idx.msk [tilespmem:v8+s24+$0x0], $0xffff;
	v4 =	vmul.f32 $1.442695020e+00, v4;
	v7 =	vor.u32 v3, v7;
	v3 =	vadd.f32 v19, v5  }
0xb1: {  	v17 =	vadd.f32 v20, v17;
	v18 =	vld.idx.msk [tilespmem:v10+s31+$0x0], $0xffff;
	v19 =	vmul.f32 $2.000000030e-01, v22  }
0xb2: {  	v5 =	vadd.f32 v20, v1;
	(erf) = vpow2.f32 v4;
	v20 =	vmul.f32 $2.000000030e-01, v3  }
0xb3: {  	v4 =	vor.u32 $0x80, v8;
	v19 =	vmax.f32 v22, v19;
	v22 =	vld [tilespmem:s10+$0x20]  }
0xb4: {  	v23 =	vshll.u32 v6, $0x2;
	v29 =	vld.idx.msk [tilespmem:v34+s22+$0x0], $0xffff;
	v24 =	vmul.f32 $2.000000030e-01, v5;
	v3 =	vmax.f32 v3, v20  }
0xb5: {  	s9 =	simm.s32 $0x1C370;
	v37 =	vld.idx.msk [tilespmem:v35+s22+$0x0], $0xffff;
	v25 =	vmul.f32 v2, v13;
	v20 =	vmul.f32 $2.000000030e-01, v17;
	v3 =	vsub.f32 v3, v19  }
0xb6: {  	v6 =	vand.u32 $0x7F, v6;
	v21 =	vadd.f32 v18, v21;
	v18 =	vadd.f32 v18, v1;
	v13 =	vld [tilespmem:s9+$0x20]  }
0xb7: {  	v5 =	vmax.f32 v5, v24;
	[tilespmem:v7+s5+$0x0] =	vst.idx.add.f32.msk $0xffff, v25;
	v17 =	vmax.f32 v17, v20;
	v19 =	vmul.f32 $1.442695020e+00, v3  }
0xb8: {  	v5 =	vsub.f32 v17, v5;
	v3 =	vand.u32 $0xFFFFFE00, v23;
	v20 =	vld.idx.msk [tilespmem:v4+s24+$0x0], $0xffff;
	v4 =	vmul.f32 $2.000000030e-01, v21  }
0xb9: {  	v23 =	vmul.f32 $2.000000030e-01, v18;
	v39 =	vor.u32 v6, v3;
	v3 =	vld [tilespmem:s9+$0xFFFFFFE0];
	(erf) = vpow2.f32 v19  }
0xba: {  	v6 =	vmul.f32 $1.442695020e+00, v5;
	v5 =	vld [tilespmem:s9+$0xFFFFFFF0]  }
0xbb: {  	v26 =	vor.u32 $0x80, v7;
	v4 =	vmax.f32 v21, v4;
	v18 =	vmax.f32 v18, v23;
	v23 =	vld.idx.msk [tilespmem:v22+s22+$0x0], $0xffff;
	v17 =	vpop (erf)  }
0xbc: {  	v4 =	vsub.f32 v4, v18;
	(erf) = vpow2.f32 v6;
	v6 =	vshll.u32 v11, $0x2;
	[tilespmem:v9+s4+$0x0] =	vst.idx.add.f32.msk $0xffff, v17  }
0xbd: {  	v11 =	vand.u32 $0x7F, v11;
	v19 =	vand.u32 $0xFFFFFE00, v6;
	v6 =	vld [tilespmem:s10+$0xFFFFFFE0]  }
0xbe: {  	v4 =	vmul.f32 $1.442695020e+00, v4;
	v18 =	vld.idx.msk [tilespmem:v39+s24+$0x0], $0xffff;
	v24 =	vor.u32 v11, v19;
	v19 =	vshll.u32 v9, $0x2  }
0xbf: {  	v20 =	vmul.f32 v2, v20;
	v11 =	vld [tilespmem:s10+$0xFFFFFFF0];
	v9 =	vand.u32 $0x7F, v9;
	v19 =	vand.u32 $0xFFFFFE00, v19  }
0xc0: {  	v28 =	vld.idx.msk [tilespmem:v13+s31+$0x0], $0xffff;
	v31 =	vor.u32 v9, v19  }
0xc1: {  	v25 =	vshll.u32 v14, $0x2;
	(erf) = vpow2.f32 v4;
	[tilespmem:v26+s5+$0x0] =	vst.idx.add.f32.msk $0xffff, v20  }
0xc2: {  	v9 =	vand.u32 $0x7F, v14;
	v14 =	vand.u32 $0xFFFFFE00, v25;
	v21 =	vld.idx.msk [tilespmem:v3+s31+$0x0], $0xffff;
	v4 =	vpop (erf)  }
0xc3: {  	v25 =	vor.u32 $0x80, v39;
	v27 =	vor.u32 v9, v14;
	v9 =	vmul.f32 v17, v18;
	[tilespmem:v12+s4+$0x0] =	vst.idx.add.f32.msk $0xffff, v4  }
0xc4: {  	v14 =	vld.idx.msk [tilespmem:v24+s24+$0x0], $0xffff  }
0xc5: {  	v18 =	vshll.u32 v16, $0x2;
	v19 =	vpop (erf);
	[tilespmem:v31+s5+$0x0] =	vst.idx.add.f32.msk $0xffff, v9  }
0xc6: {  	v16 =	vand.u32 $0x7F, v16;
	v18 =	vand.u32 $0xFFFFFE00, v18;
	v9 =	vshll.u32 v12, $0x2;
	[tilespmem:v15+s4+$0x0] =	vst.idx.add.f32.msk $0xffff, v19  }
0xc7: {  	v36 =	vor.u32 v16, v18;
	v12 =	vand.u32 $0x7F, v12;
	v30 =	vld.idx.msk [tilespmem:v11+s22+$0x0], $0xffff;
	v16 =	vand.u32 $0xFFFFFE00, v9  }
0xc8: {  	v18 =	vshll.u32 v15, $0x2;
	v25 =	vld.idx.msk [tilespmem:v25+s24+$0x0], $0xffff;
	v12 =	vor.u32 v12, v16  }
0xc9: {  	v18 =	vand.u32 $0xFFFFFE00, v18;
	v15 =	vand.u32 $0x7F, v15;
	v33 =	vld.idx.msk [tilespmem:v27+s24+$0x0], $0xffff  }
0xca: {  	v38 =	vor.u32 $0x80, v24;
	v32 =	vor.u32 v15, v18;
	v18 =	vld [tilespmem:s9+$0x10];
	v9 =	vpop (erf)  }
0xcb: {  	v26 =	vshll.u32 v10, $0x2;
	v42 =	vor.u32 $0x80, v31;
	[tilespmem:v10+s4+$0x0] =	vst.idx.add.f32.msk $0xffff, v9;
	v14 =	vmul.f32 v4, v14  }
0xcc: {  	v41 =	vshll.u32 v3, $0x2;
	v40 =	vand.u32 $0xFFFFFE00, v26;
	v44 =	vadd.f32 v28, v23;
	v20 =	vld.idx.msk [tilespmem:v36+s24+$0x0], $0xffff  }
0xcd: {  	v45 =	vadd.f32 v28, v1;
	v10 =	vand.u32 $0x7F, v10;
	[tilespmem:v12+s5+$0x0] =	vst.idx.add.f32.msk $0xffff, v14;
	v14 =	vor.u32 $0x100, v8  }
0xce: {  	v28 =	vor.u32 v10, v40;
	v10 =	vand.u32 $0xFFFFFE00, v41;
	v41 =	vld.idx.msk [tilespmem:v5+s31+$0x0], $0xffff;
	v25 =	vmul.f32 v17, v25  }
0xcf: {  	v15 =	vor.u32 $0x80, v27;
	v16 =	vmul.f32 v19, v33;
	v38 =	vld.idx.msk [tilespmem:v38+s24+$0x0], $0xffff  }
0xd0: {  	[tilespmem:v42+s5+$0x0] =	vst.idx.add.f32.msk $0xffff, v25  }
0xd1: {  	v59 =	vshll.u32 v22, $0x2;
	v43 =	vor.u32 $0x100, v39;
	v49 =	vshll.u32 v5, $0x2;
	[tilespmem:v32+s5+$0x0] =	vst.idx.add.f32.msk $0xffff, v16  }
0xd2: {  	v26 =	vshll.u32 v13, $0x2;
	v47 =	vmul.f32 $2.000000030e-01, v45;
	v46 =	vld.idx.msk [tilespmem:v14+s24+$0x0], $0xffff;
	v14 =	vmul.f32 $2.000000030e-01, v44  }
0xd3: {  	v39 =	vor.u32 $0x180, v39;
	v26 =	vand.u32 $0xFFFFFE00, v26;
	v23 =	vshll.u32 v34, $0x2;
	v16 =	vld [tilespmem:s9+$0x0]  }
0xd4: {  	v48 =	vor.u32 $0x80, v36;
	v25 =	vmax.f32 v45, v47;
	v15 =	vld.idx.msk [tilespmem:v15+s24+$0x0], $0xffff;
	v14 =	vmax.f32 v44, v14  }
0xd5: {  	v51 =	vor.u32 $0x100, v27;
	v52 =	vor.u32 $0x80, v12;
	v42 =	vld.idx.msk [tilespmem:v6+s22+$0x0], $0xffff;
	v25 =	vsub.f32 v14, v25  }
0xd6: {  	v60 =	vor.u32 $0x80, v32;
	v33 =	vand.u32 $0xFFFFFE00, v59;
	v62 =	vld.idx.msk [tilespmem:v43+s24+$0x0], $0xffff;
	v20 =	vmul.f32 v9, v20  }
0xd7: {  	v47 =	vor.u32 $0x80, v28;
	v43 =	vor.u32 $0x100, v24;
	v45 =	vld.idx.msk [tilespmem:v18+s31+$0x0], $0xffff;
	v63 =	vmul.f32 $1.442695020e+00, v25  }
0xd8: {  	[tilespmem:v28+s5+$0x0] =	vst.idx.add.f32.msk $0xffff, v20;
	v53 =	vmul.f32 v4, v38;
	v38 =	vand.u32 $0x7F, v34;
	v34 =	vand.u32 $0x7F, v35  }
0xd9: {  	v50 =	vld.idx.msk [tilespmem:v48+s24+$0x0], $0xffff;
	v35 =	vshll.u32 v35, $0x2;
	v61 =	vmul.f32 v19, v15;
	(erf) = vpow2.f32 v63  }
0xda: {  	v20 =	vshll.u32 v18, $0x2;
	v48 =	vor.u32 $0x100, v31;
	v35 =	vand.u32 $0xFFFFFE00, v35;
	[tilespmem:v52+s5+$0x0] =	vst.idx.add.f32.msk $0xffff, v53  }
0xdb: {  	v15 =	vshll.u32 v6, $0x2;
	v14 =	vand.u32 $0xFFFFFE00, v49;
	v49 =	vor.u32 $0x100, v36;
	[tilespmem:v60+s5+$0x0] =	vst.idx.add.f32.msk $0xffff, v61  }
0xdc: {  	v15 =	vand.u32 $0xFFFFFE00, v15;
	v25 =	vand.u32 $0xFFFFFE00, v20;
	v20 =	vshll.u32 v16, $0x2;
	v44 =	vld.idx.msk [tilespmem:v16+s31+$0x0], $0xffff  }
0xdd: {  	s11 =	simm.s32 $0x5;
	v40 =	vmul.f32 v2, v46;
	v20 =	vand.u32 $0xFFFFFE00, v20;
	v46 =	vld.idx.msk [tilespmem:v51+s24+$0x0], $0xffff;
	v51 =	vmul.f32 v17, v62  }
.LBB2_6:
0xde: {  	s11 =	sadd.s32 $0x5, s11;
	v50 =	vmul.f32 v9, v50;
	v52 =	vor.u32 $0x100, v28;
	v28 =	vor.u32 $0x180, v28;
	v43 =	vld.idx.msk [tilespmem:v43+s24+$0x0], $0xffff  }
0xdf: {  	v53 =	vor.u32 $0x100, v12;
	v54 =	vor.u32 $0x100, v32;
	p0 =	slt.u32 s11, $0xF5;
	[tilespmem:v48+s5+$0x0] =	vst.idx.add.f32.msk $0xffff, v51;
	v48 =	vor.u32 $0x180, v7  }
0xe0: {  	v22 =	vand.u32 $0x7F, v22;
	v27 =	vor.u32 $0x180, v27;
	[tilespmem:v47+s5+$0x0] =	vst.idx.add.f32.msk $0xffff, v50;
	v47 =	vor.u32 $0x100, v7  }
0xe1: {  	v31 =	vor.u32 $0x180, v31;
	v7 =	vor.u32 v22, v33;
	v33 =	vor.u32 $0x180, v36;
	v22 =	vld.idx.msk [tilespmem:v49+s24+$0x0], $0xffff  }
0xe2: {  	v36 =	vadd.f32 v45, v1;
	v46 =	vmul.f32 v19, v46;
	v50 =	vor.u32 $0x180, v8;
	v49 =	vpop (erf);
	v39 =	vld.idx.msk [tilespmem:v39+s24+$0x0], $0xffff  }
0xe3: {  	v29 =	vadd.f32 v45, v29;
	v45 =	vand.u32 $0x7F, v13;
	v8 =	vmovc v7;
	[tilespmem:v13+s4+$0x0] =	vst.idx.add.f32.msk $0xffff, v49;
	v13 =	vor.u32 $0x180, v24  }
0xe4: {  	v32 =	vor.u32 $0x180, v32;
	v51 =	vmul.f32 $2.000000030e-01, v36;
	v24 =	vadd.f32 v44, v1;
	[tilespmem:v54+s5+$0x0] =	vst.idx.add.f32.msk $0xffff, v46  }
0xe5: {  	v37 =	vadd.f32 v44, v37;
	v44 =	vmul.f32 $2.000000030e-01, v29;
	v43 =	vmul.f32 v4, v43;
	v27 =	vld.idx.msk [tilespmem:v27+s24+$0x0], $0xffff  }
0xe6: {  	v46 =	vadd.f32 v41, v1;
	v36 =	vmax.f32 v36, v51;
	v51 =	vld.idx.msk [tilespmem:v7+s24+$0x0], $0xffff;
	v7 =	vor.u32 v45, v26  }
0xe7: {  	v29 =	vmax.f32 v29, v44;
	v26 =	vadd.f32 v41, v30;
	v30 =	vor.u32 $0x80, v8;
	[tilespmem:v53+s5+$0x0] =	vst.idx.add.f32.msk $0xffff, v43  }
0xe8: {  	v41 =	vadd.f32 v21, v42;
	v42 =	vmul.f32 $2.000000030e-01, v46;
	v17 =	vmul.f32 v39, v17;
	v43 =	vld.idx.msk [tilespmem:v13+s24+$0x0], $0xffff  }
0xe9: {  	v21 =	vadd.f32 v21, v1;
	v22 =	vmul.f32 v9, v22;
	v13 =	vmul.f32 $2.000000030e-01, v26;
	[tilespmem:v47+s5+$0x0] =	vst.idx.add.f32.msk $0xffff, v40  }
0xea: {  	v29 =	vsub.f32 v29, v36;
	v39 =	vmul.f32 $2.000000030e-01, v41;
	v40 =	vmul.f32 $2.000000030e-01, v24;
	v36 =	vld.idx.msk [tilespmem:v50+s24+$0x0], $0xffff  }
0xeb: {  	v13 =	vmax.f32 v26, v13;
	v26 =	vmax.f32 v46, v42;
	v42 =	vmul.f32 $2.000000030e-01, v37;
	[tilespmem:v52+s5+$0x0] =	vst.idx.add.f32.msk $0xffff, v22  }
0xec: {  	s9 =	sadd.s32 $0x50, s9;
	v39 =	vmax.f32 v41, v39;
	v19 =	vmul.f32 v27, v19;
	v22 =	vsub.f32 v13, v26;
	v33 =	vld.idx.msk [tilespmem:v33+s24+$0x0], $0xffff  }
0xed: {  	v27 =	vmul.f32 $1.442695020e+00, v29;
	v24 =	vmax.f32 v24, v40;
	v26 =	vmax.f32 v37, v42;
	v13 =	vld [tilespmem:s9+$0x20]  }
0xee: {  	v22 =	vmul.f32 $1.442695020e+00, v22;
	v24 =	vsub.f32 v26, v24;
	v26 =	vmul.f32 v49, v51;
	[tilespmem:v31+s5+$0x0] =	vst.idx.add.f32.msk $0xffff, v17  }
0xef: {  	v12 =	vor.u32 $0x180, v12;
	v17 =	vmul.f32 $2.000000030e-01, v21;
	(erf) = vpow2.f32 v27;
	[tilespmem:v32+s5+$0x0] =	vst.idx.add.f32.msk $0xffff, v19  }
0xf0: {  	s10 =	sadd.s32 $0x50, s10;
	v19 =	vand.u32 $0xFFFFFE00, v23;
	v23 =	vmul.f32 v36, v2;
	v2 =	vmovc v49;
	[tilespmem:v7+s5+$0x0] =	vst.idx.add.f32.msk $0xffff, v26;
	(erf) = vpow2.f32 v22  }
0xf1: {  	v4 =	vmul.f32 v43, v4;
	v17 =	vmax.f32 v21, v17;
	v21 =	vmul.f32 $1.442695020e+00, v24;
	v22 =	vld [tilespmem:s10+$0x20]  }
0xf2: {  	v17 =	vsub.f32 v39, v17;
	v39 =	vor.u32 v38, v19;
	v24 =	vshll.u32 v13, $0x2;
	v19 =	vld.idx.msk [tilespmem:v30+s24+$0x0], $0xffff  }
0xf3: {  	v9 =	vmul.f32 v33, v9;
	v26 =	vand.u32 $0xFFFFFE00, v24;
	[tilespmem:v48+s5+$0x0] =	vst.idx.add.f32.msk $0xffff, v23  }
0xf4: {  	v29 =	vmul.f32 $1.442695020e+00, v17;
	v17 =	vshll.u32 v11, $0x2;
	[tilespmem:v12+s5+$0x0] =	vst.idx.add.f32.msk $0xffff, v4  }
0xf5: {  	v4 =	vand.u32 $0x7F, v11;
	v11 =	vand.u32 $0xFFFFFE00, v17;
	[tilespmem:v28+s5+$0x0] =	vst.idx.add.f32.msk $0xffff, v9  }
0xf6: {  	v27 =	vor.u32 v34, v35;
	v24 =	vor.u32 v4, v11;
	v28 =	vld [tilespmem:s9+$0xFFFFFFE0];
	v9 =	vshll.u32 v22, $0x2  }
0xf7: {  	v34 =	vld [tilespmem:s10+$0x10];
	v33 =	vand.u32 $0xFFFFFE00, v9  }
0xf8: {  	v37 =	vmul.f32 v2, v19;
	v12 =	vld [tilespmem:s9+$0xFFFFFFF0];
	v17 =	vpop (erf)  }
0xf9: {  	[tilespmem:v18+s4+$0x0] =	vst.idx.add.f32.msk $0xffff, v17;
	v4 =	vpop (erf);
	(erf) = vpow2.f32 v21  }
0xfa: {  	v35 =	vld [tilespmem:s10+$0x0]  }
0xfb: {  	v9 =	vshll.u32 v28, $0x2;
	v19 =	vld.idx.msk [tilespmem:v39+s24+$0x0], $0xffff  }
0xfc: {  	v40 =	vor.u32 $0x80, v39;
	v30 =	vld [tilespmem:s10+$0xFFFFFFE0];
	v38 =	vand.u32 $0xFFFFFE00, v9;
	v23 =	vshll.u32 v34, $0x2  }
0xfd: {  	v11 =	vld [tilespmem:s10+$0xFFFFFFF0];
	v9 =	vshll.u32 v12, $0x2  }
0xfe: {  	v21 =	vld.idx.msk [tilespmem:v28+s31+$0x0], $0xffff;
	v41 =	vand.u32 $0xFFFFFE00, v9;
	(erf) = vpow2.f32 v29  }
0xff: {  	v9 =	vand.u32 $0x7F, v18;
	v42 =	vld.idx.msk [tilespmem:v22+s22+$0x0], $0xffff  }
0x100: {  	v31 =	vor.u32 v9, v25;
	v29 =	vld.idx.msk [tilespmem:v34+s22+$0x0], $0xffff  }
0x101: {  	v18 =	vmul.f32 v17, v19;
	v9 =	vshll.u32 v30, $0x2;
	[tilespmem:v5+s4+$0x0] =	vst.idx.add.f32.msk $0xffff, v4  }
0x102: {  	v44 =	vor.u32 $0x80, v24;
	v9 =	vand.u32 $0xFFFFFE00, v9;
	v25 =	vld.idx.msk [tilespmem:v24+s24+$0x0], $0xffff;
	v19 =	vpop (erf)  }
0x103: {  	v45 =	vor.u32 $0x80, v27;
	[tilespmem:v16+s4+$0x0] =	vst.idx.add.f32.msk $0xffff, v19  }
0x104: {  	v43 =	vld.idx.msk [tilespmem:v13+s31+$0x0], $0xffff  }
0x105: {  	v32 =	vand.u32 $0x7F, v6;
	v6 =	vmov v30;
	[tilespmem:v31+s5+$0x0] =	vst.idx.add.f32.msk $0xffff, v18;
	v18 =	vor.u32 $0x80, v7  }
0x106: {  	v36 =	vor.u32 v32, v15;
	v15 =	vmov v9;
	v30 =	vld.idx.msk [tilespmem:v11+s22+$0x0], $0xffff  }
0x107: {  	v46 =	vld.idx.msk [tilespmem:v27+s24+$0x0], $0xffff;
	v9 =	vpop (erf)  }
0x108: {  	v32 =	vand.u32 $0x7F, v5;
	v5 =	vmov v12;
	v16 =	vand.u32 $0x7F, v16;
	[tilespmem:v3+s4+$0x0] =	vst.idx.add.f32.msk $0xffff, v9  }
0x109: {  	v12 =	vor.u32 v32, v14;
	v14 =	vmovc v41;
	v32 =	vor.u32 v16, v20;
	v20 =	vor.u32 $0x100, v39;
	v16 =	vld.idx.msk [tilespmem:v40+s24+$0x0], $0xffff  }
0x10a: {  	v25 =	vmul.f32 v4, v25;
	v40 =	vadd.f32 v43, v42;
	[tilespmem:v18+s5+$0x0] =	vst.idx.add.f32.msk $0xffff, v37  }
0x10b: {  	v41 =	vadd.f32 v43, v1;
	v43 =	vor.u32 $0x100, v24;
	v42 =	vld.idx.msk [tilespmem:v36+s24+$0x0], $0xffff  }
0x10c: {  	v47 =	vmul.f32 $2.000000030e-01, v40;
	v18 =	vld [tilespmem:s9+$0x10]  }
0x10d: {  	v48 =	vmul.f32 $2.000000030e-01, v41;
	v46 =	vmul.f32 v19, v46;
	v37 =	vld.idx.msk [tilespmem:v35+s22+$0x0], $0xffff  }
0x10e: {  	v49 =	vor.u32 $0x100, v27;
	v40 =	vmax.f32 v40, v47;
	v47 =	vor.u32 $0x100, v8;
	[tilespmem:v12+s5+$0x0] =	vst.idx.add.f32.msk $0xffff, v25  }
0x10f: {  	v25 =	vmax.f32 v41, v48;
	[tilespmem:v32+s5+$0x0] =	vst.idx.add.f32.msk $0xffff, v46;
	v46 =	vmul.f32 v17, v16  }
0x110: {  	v48 =	vor.u32 $0x80, v31;
	v40 =	vsub.f32 v40, v25;
	v45 =	vld.idx.msk [tilespmem:v45+s24+$0x0], $0xffff  }
0x111: {  	v41 =	vand.u32 $0x7F, v3;
	v3 =	vmov v28;
	v16 =	vld [tilespmem:s9+$0x0];
	v25 =	vshll.u32 v18, $0x2  }
0x112: {  	v28 =	vor.u32 v41, v10;
	v10 =	vmovc v38;
	v51 =	vmul.f32 $1.442695020e+00, v40;
	v25 =	vand.u32 $0xFFFFFE00, v25;
	v40 =	vld.idx.msk [tilespmem:v44+s24+$0x0], $0xffff  }
0x113: {  	v38 =	vor.u32 $0x80, v32;
	v44 =	vld.idx.msk [tilespmem:v47+s24+$0x0], $0xffff  }
0x114: {  	v47 =	vor.u32 $0x80, v36;
	v41 =	vld.idx.msk [tilespmem:v5+s31+$0x0], $0xffff  }
0x115: {  	v42 =	vmul.f32 v9, v42;
	[tilespmem:v48+s5+$0x0] =	vst.idx.add.f32.msk $0xffff, v46  }
0x116: {  	v45 =	vmul.f32 v19, v45;
	v46 =	vshll.u32 v16, $0x2;
	v52 =	vld.idx.msk [tilespmem:v20+s24+$0x0], $0xffff  }
0x117: {  	v20 =	vand.u32 $0xFFFFFE00, v46;
	[tilespmem:v28+s5+$0x0] =	vst.idx.add.f32.msk $0xffff, v42  }
0x118: {  	v53 =	vmul.f32 v4, v40;
	[tilespmem:v38+s5+$0x0] =	vst.idx.add.f32.msk $0xffff, v45  }
0x119: {  	v54 =	vor.u32 $0x80, v12;
	v40 =	vmul.f32 v2, v44;
	v50 =	vld.idx.msk [tilespmem:v47+s24+$0x0], $0xffff  }
.Ltmp2:
0x11a: {  	v42 =	vld.idx.msk [tilespmem:v6+s22+$0x0], $0xffff;
	(erf) = vpow2.f32 v51;
	(pc) =	sbr.rel @p0 .LBB2_6-.Ltmp2, $4  }
0x11b: {  	v48 =	vor.u32 $0x100, v31;
	v38 =	vand.u32 $0x7F, v34;
	v45 =	vld.idx.msk [tilespmem:v18+s31+$0x0], $0xffff  }
0x11c: {  	v47 =	vor.u32 $0x80, v28;
	v51 =	vmul.f32 v17, v52;
	v46 =	vld.idx.msk [tilespmem:v49+s24+$0x0], $0xffff  }
0x11d: {  	v34 =	vand.u32 $0x7F, v35;
	v35 =	vshll.u32 v35, $0x2;
	v49 =	vor.u32 $0x100, v36;
	v44 =	vld.idx.msk [tilespmem:v16+s31+$0x0], $0xffff  }
0x11e: {  	v39 =	vor.u32 $0x180, v39;
	v35 =	vand.u32 $0xFFFFFE00, v35;
	[tilespmem:v54+s5+$0x0] =	vst.idx.add.f32.msk $0xffff, v53  }
0x11f: {  	_ = 	snop  }
0x120: {  	v50 =	vmul.f32 v9, v50;
	v52 =	vor.u32 $0x100, v28;
	v53 =	vor.u32 $0x100, v12  }
0x121: {  	v54 =	vor.u32 $0x100, v32;
	v22 =	vand.u32 $0x7F, v22;
	v27 =	vor.u32 $0x180, v27  }
0x122: {  	v55 =	vor.u32 $0x100, v7;
	v36 =	vor.u32 $0x180, v36;
	v29 =	vadd.f32 v45, v29  }
0x123: {  	v31 =	vor.u32 $0x180, v31;
	[tilespmem:v48+s5+$0x0] =	vst.idx.add.f32.msk $0xffff, v51;
	v48 =	vor.u32 $0x180, v8;
	v61 =	vadd.f32 v45, v1  }
0x124: {  	v59 =	vadd.f32 v41, v1;
	v30 =	vadd.f32 v41, v30;
	v8 =	vmul.f32 $2.000000030e-01, v29  }
0x125: {  	v43 =	vld.idx.msk [tilespmem:v43+s24+$0x0], $0xffff;
	v42 =	vadd.f32 v21, v42;
	v21 =	vadd.f32 v21, v1;
	v63 =	vmul.f32 $2.000000030e-01, v61  }
0x126: {  	v56 =	vand.u32 $0x7F, v13;
	v22 =	vor.u32 v22, v33;
	v62 =	vmul.f32 v19, v46;
	[tilespmem:v47+s5+$0x0] =	vst.idx.add.f32.msk $0xffff, v50  }
0x127: {  	v39 =	vld.idx.msk [tilespmem:v39+s24+$0x0], $0xffff;
	v57 =	vadd.f32 v44, v1;
	v33 =	vmax.f32 v61, v63;
	v29 =	vmax.f32 v29, v8  }
0x128: {  	v51 =	vmul.f32 $2.000000030e-01, v21;
	v58 =	vld.idx.msk [tilespmem:v49+s24+$0x0], $0xffff;
	v37 =	vadd.f32 v44, v37;
	v29 =	vsub.f32 v29, v33;
	v8 =	vpop (erf)  }
0x129: {  	v61 =	vmul.f32 $2.000000030e-01, v30;
	[tilespmem:v13+s4+$0x0] =	vst.idx.add.f32.msk $0xffff, v8;
	v13 =	vor.u32 v56, v26;
	v26 =	vmul.f32 $2.000000030e-01, v59  }
0x12a: {  	v24 =	vor.u32 $0x180, v24;
	[tilespmem:v54+s5+$0x0] =	vst.idx.add.f32.msk $0xffff, v62;
	v62 =	vmul.f32 $2.000000030e-01, v57;
	v29 =	vmul.f32 $1.442695020e+00, v29  }
0x12b: {  	v63 =	vmul.f32 $2.000000030e-01, v37;
	[tilespmem:v55+s5+$0x0] =	vst.idx.add.f32.msk $0xffff, v40;
	v30 =	vmax.f32 v30, v61;
	v26 =	vmax.f32 v59, v26  }
0x12c: {  	v21 =	vmax.f32 v21, v51;
	v27 =	vld.idx.msk [tilespmem:v27+s24+$0x0], $0xffff;
	(erf) = vpow2.f32 v29;
	v26 =	vsub.f32 v30, v26  }
0x12d: {  	v60 =	vmul.f32 v4, v43;
	v40 =	vld.idx.msk [tilespmem:v48+s24+$0x0], $0xffff;
	v50 =	vmax.f32 v57, v62;
	v30 =	vmax.f32 v37, v63  }
0x12e: {  	v49 =	vld.idx.msk [tilespmem:v22+s24+$0x0], $0xffff;
	v29 =	vmul.f32 $2.000000030e-01, v42;
	v30 =	vsub.f32 v30, v50;
	v26 =	vmul.f32 $1.442695020e+00, v26  }
0x12f: {  	v17 =	vmul.f32 v39, v17;
	[tilespmem:v53+s5+$0x0] =	vst.idx.add.f32.msk $0xffff, v60;
	v53 =	vor.u32 $0x180, v32;
	v54 =	vmul.f32 v9, v58  }
0x130: {  	v24 =	vld.idx.msk [tilespmem:v24+s24+$0x0], $0xffff;
	v29 =	vmax.f32 v42, v29;
	(erf) = vpow2.f32 v26;
	v26 =	vmul.f32 $1.442695020e+00, v30  }
0x131: {  	v23 =	vand.u32 $0xFFFFFE00, v23;
	[tilespmem:v31+s5+$0x0] =	vst.idx.add.f32.msk $0xffff, v17;
	v21 =	vsub.f32 v29, v21  }
0x132: {  	v23 =	vor.u32 v38, v23;
	[tilespmem:v52+s5+$0x0] =	vst.idx.add.f32.msk $0xffff, v54;
	v19 =	vmul.f32 v27, v19;
	(erf) = vpow2.f32 v26  }
0x133: {  	v29 =	vld.idx.msk [tilespmem:v36+s24+$0x0], $0xffff;
	v27 =	vmul.f32 v8, v49;
	v26 =	vor.u32 $0x80, v22  }
0x134: {  	v7 =	vor.u32 $0x180, v7;
	v2 =	vmul.f32 v40, v2;
	[tilespmem:v53+s5+$0x0] =	vst.idx.add.f32.msk $0xffff, v19;
	v19 =	vshll.u32 v11, $0x2  }
0x135: {  	v11 =	vand.u32 $0x7F, v11;
	v19 =	vand.u32 $0xFFFFFE00, v19;
	v17 =	vmul.f32 $1.442695020e+00, v21;
	[tilespmem:v13+s5+$0x0] =	vst.idx.add.f32.msk $0xffff, v27;
	v21 =	vpop (erf)  }
0x136: {  	v11 =	vor.u32 v11, v19;
	[tilespmem:v18+s4+$0x0] =	vst.idx.add.f32.msk $0xffff, v21  }
0x137: {  	(erf) = vpow2.f32 v17;
	v17 =	vld.idx.msk [tilespmem:v23+s24+$0x0], $0xffff  }
0x138: {  	v18 =	vand.u32 $0x7F, v18;
	v19 =	vld.idx.msk [tilespmem:v26+s24+$0x0], $0xffff;
	v26 =	vor.u32 v34, v35  }
0x139: {  	[tilespmem:v7+s5+$0x0] =	vst.idx.add.f32.msk $0xffff, v2;
	v7 =	vor.u32 v18, v25;
	v2 =	vpop (erf)  }
0x13a: {  	v18 =	vor.u32 $0x80, v23;
	[tilespmem:v5+s4+$0x0] =	vst.idx.add.f32.msk $0xffff, v2  }
0x13b: {  	v30 =	vor.u32 $0x80, v13;
	v25 =	vld.idx.msk [tilespmem:v11+s24+$0x0], $0xffff;
	v27 =	vpop (erf)  }
0x13c: {  	v6 =	vand.u32 $0x7F, v6;
	v17 =	vmul.f32 v21, v17;
	[tilespmem:v16+s4+$0x0] =	vst.idx.add.f32.msk $0xffff, v27  }
0x13d: {  	v6 =	vor.u32 v6, v15;
	v5 =	vand.u32 $0x7F, v5;
	v15 =	vld.idx.msk [tilespmem:v26+s24+$0x0], $0xffff  }
0x13e: {  	v5 =	vor.u32 v5, v14;
	v16 =	vand.u32 $0x7F, v16;
	v14 =	vmul.f32 v8, v19;
	[tilespmem:v7+s5+$0x0] =	vst.idx.add.f32.msk $0xffff, v17  }
0x13f: {  	v16 =	vor.u32 v16, v20;
	v18 =	vld.idx.msk [tilespmem:v18+s24+$0x0], $0xffff  }
0x140: {  	v19 =	vor.u32 $0x80, v26;
	[tilespmem:v30+s5+$0x0] =	vst.idx.add.f32.msk $0xffff, v14;
	v17 =	vpop (erf)  }
0x141: {  	v20 =	vor.u32 $0x80, v11;
	[tilespmem:v3+s4+$0x0] =	vst.idx.add.f32.msk $0xffff, v17;
	v25 =	vmul.f32 v2, v25  }
0x142: {  	v30 =	vor.u32 $0x80, v7;
	v14 =	vld.idx.msk [tilespmem:v6+s24+$0x0], $0xffff;
	v15 =	vmul.f32 v27, v15  }
0x143: {  	v31 =	vor.u32 $0x100, v23;
	v3 =	vand.u32 $0x7F, v3;
	[tilespmem:v5+s5+$0x0] =	vst.idx.add.f32.msk $0xffff, v25  }
0x144: {  	v3 =	vor.u32 v3, v10;
	[tilespmem:v16+s5+$0x0] =	vst.idx.add.f32.msk $0xffff, v15  }
0x145: {  	v10 =	vmul.f32 v21, v18;
	v18 =	vor.u32 $0x80, v6;
	v15 =	vld.idx.msk [tilespmem:v19+s24+$0x0], $0xffff  }
0x146: {  	v20 =	vld.idx.msk [tilespmem:v20+s24+$0x0], $0xffff;
	v19 =	vor.u32 $0x100, v22  }
0x147: {  	v25 =	vor.u32 $0x80, v16;
	[tilespmem:v30+s5+$0x0] =	vst.idx.add.f32.msk $0xffff, v10;
	v14 =	vmul.f32 v17, v14  }
0x148: {  	v10 =	vor.u32 $0x100, v26;
	v30 =	vld.idx.msk [tilespmem:v31+s24+$0x0], $0xffff  }
0x149: {  	[tilespmem:v3+s5+$0x0] =	vst.idx.add.f32.msk $0xffff, v14;
	v14 =	vor.u32 $0x80, v5  }
0x14a: {  	v31 =	vor.u32 $0x100, v11;
	v18 =	vld.idx.msk [tilespmem:v18+s24+$0x0], $0xffff;
	v15 =	vmul.f32 v27, v15  }
0x14b: {  	v56 =	vor.u32 $0x100, v7;
	v19 =	vld.idx.msk [tilespmem:v19+s24+$0x0], $0xffff  }
0x14c: {  	v20 =	vmul.f32 v2, v20;
	[tilespmem:v25+s5+$0x0] =	vst.idx.add.f32.msk $0xffff, v15;
	v15 =	vor.u32 $0x80, v3  }
0x14d: {  	v25 =	vor.u32 $0x100, v6;
	v10 =	vld.idx.msk [tilespmem:v10+s24+$0x0], $0xffff  }
0x14e: {  	v30 =	vmul.f32 v21, v30;
	[tilespmem:v14+s5+$0x0] =	vst.idx.add.f32.msk $0xffff, v20;
	v14 =	vor.u32 $0x180, v23  }
0x14f: {  	v23 =	vor.u32 $0x100, v16;
	v18 =	vmul.f32 v17, v18;
	v20 =	vld.idx.msk [tilespmem:v31+s24+$0x0], $0xffff  }
0x150: {  	v26 =	vor.u32 $0x180, v26;
	[tilespmem:v56+s5+$0x0] =	vst.idx.add.f32.msk $0xffff, v30  }
0x151: {  	v30 =	vor.u32 $0x100, v5;
	[tilespmem:v15+s5+$0x0] =	vst.idx.add.f32.msk $0xffff, v18  }
0x152: {  	v18 =	vor.u32 $0x100, v13;
	v15 =	vld.idx.msk [tilespmem:v25+s24+$0x0], $0xffff;
	v10 =	vmul.f32 v27, v10  }
0x153: {  	v11 =	vor.u32 $0x180, v11;
	v14 =	vld.idx.msk [tilespmem:v14+s24+$0x0], $0xffff  }
0x154: {  	v22 =	vor.u32 $0x180, v22;
	[tilespmem:v23+s5+$0x0] =	vst.idx.add.f32.msk $0xffff, v10;
	v10 =	vmul.f32 v2, v20  }
0x155: {  	v19 =	vmul.f32 v8, v19;
	v20 =	vor.u32 $0x100, v3;
	v23 =	vld.idx.msk [tilespmem:v26+s24+$0x0], $0xffff  }
0x156: {  	v6 =	vor.u32 $0x180, v6;
	[tilespmem:v30+s5+$0x0] =	vst.idx.add.f32.msk $0xffff, v10  }
0x157: {  	v10 =	vor.u32 $0x180, v12;
	[tilespmem:v18+s5+$0x0] =	vst.idx.add.f32.msk $0xffff, v19  }
0x158: {  	v12 =	vor.u32 $0x180, v28;
	v11 =	vld.idx.msk [tilespmem:v11+s24+$0x0], $0xffff;
	v15 =	vmul.f32 v17, v15  }
0x159: {  	v7 =	vor.u32 $0x180, v7;
	v18 =	vld.idx.msk [tilespmem:v22+s24+$0x0], $0xffff  }
0x15a: {  	v4 =	vmul.f32 v24, v4;
	v16 =	vor.u32 $0x180, v16;
	[tilespmem:v20+s5+$0x0] =	vst.idx.add.f32.msk $0xffff, v15  }
0x15b: {  	v9 =	vmul.f32 v29, v9;
	v5 =	vor.u32 $0x180, v5;
	v6 =	vld.idx.msk [tilespmem:v6+s24+$0x0], $0xffff  }
0x15c: {  	v13 =	vor.u32 $0x180, v13;
	[tilespmem:v10+s5+$0x0] =	vst.idx.add.f32.msk $0xffff, v4;
	v4 =	vmul.f32 v14, v21  }
0x15d: {  	v3 =	vor.u32 $0x180, v3;
	[tilespmem:v12+s5+$0x0] =	vst.idx.add.f32.msk $0xffff, v9;
	v9 =	vmul.f32 v23, v27  }
0x15e: {  	v2 =	vmul.f32 v11, v2;
	[tilespmem:v7+s5+$0x0] =	vst.idx.add.f32.msk $0xffff, v4  }
0x15f: {  	v4 =	vmul.f32 v18, v8;
	[tilespmem:v16+s5+$0x0] =	vst.idx.add.f32.msk $0xffff, v9  }
0x160: {  	[tilespmem:v5+s5+$0x0] =	vst.idx.add.f32.msk $0xffff, v2;
	v6 =	vmul.f32 v6, v17  }
0x161: {  	[tilespmem:v13+s5+$0x0] =	vst.idx.add.f32.msk $0xffff, v4  }
0x162: {  	[tilespmem:v3+s5+$0x0] =	vst.idx.add.f32.msk $0xffff, v6  }
0x163: {  	s9 =	rddreg [dreg:$0xc]  }
0x164: {  	[tilespmem:s26], [sflag:$0x1] =	stream.linear.gather [hbm4b:s9+s22], $0xFA0, $0x38;
	[tilespmem:$0x1F300] =	vst v63  }
0x165: {  	s10 =	rddreg [dreg:$0xd]  }
0x166: {  	[tilespmem:s0], [sflag:$0x1] =	stream.linear.gather [hbm4b:s10+s22], $0xFA0, $0x38;
	[tilespmem:$0x1F300] =	vst v63  }
0x167: {  	_ =	swait.ge [sflag:s6], $0xFA0  }
0x168: {  	[sflag:s6] =	ssyncset.done $0x0  }
0x169: {  	[sflag:s6] =	ssyncadd.s32 $0xFFFFF060  }
0x16a: {  	_ =	swait.ge [sflag:s6], $0xFA0  }
0x16b: {  	[sflag:s6] =	ssyncset.done $0x0  }
0x16c: {  	s11 =	simm.s32 $0x1D320;
	[sflag:s6] =	ssyncadd.s32 $0xFFFFF060  }
0x16d: {  	s10 =	simm.s32 $0x1E320;
	v2 =	vld [tilespmem:s11+$0x20]  }
0x16e: {  	v3 =	vld [tilespmem:s10+$0x20];
	_ =	sdelay $0x6  }
0x16f: {  	v4 =	vld.idx.msk [tilespmem:v2+s22+$0x0], $0xffff  }
0x170: {  	v5 =	vld.idx.msk [tilespmem:v3+s31+$0x0], $0xffff;
	_ =	sdelay $0x4  }
0x171: {  	v6 =	vld [tilespmem:s11+$0x10];
	v4 =	vadd.f32 v5, v4;
	v5 =	vadd.f32 v5, v1  }
0x172: {  	v9 =	vld [tilespmem:s10+$0x10]  }
0x173: {  	v7 =	vmul.f32 $2.000000030e-01, v4;
	v8 =	vmul.f32 $2.000000030e-01, v5;
	_ =	sdelay $0x1  }
0x174: {  	v12 =	vld [tilespmem:s10+$0xFFFFFFF0];
	v4 =	vmax.f32 v4, v7;
	v5 =	vmax.f32 v5, v8  }
0x175: {  	v14 =	vld [tilespmem:s11+$0x0];
	v4 =	vsub.f32 v4, v5  }
0x176: {  	v11 =	vld [tilespmem:s11+$0xFFFFFFF0]  }
0x177: {  	v15 =	vld [tilespmem:s10+$0x0];
	v4 =	vmul.f32 $1.442695020e+00, v4  }
0x178: {  	v5 =	vld.idx.msk [tilespmem:v6+s22+$0x0], $0xffff  }
0x179: {  	(erf) = vpow2.f32 v4;
	v4 =	vld.idx.msk [tilespmem:v9+s31+$0x0], $0xffff  }
0x17a: {  	v16 =	vld [tilespmem:s11+$0xFFFFFFE0]  }
0x17b: {  	v10 =	vld [tilespmem:s10+$0xFFFFFFE0];
	s10 =	simm.s32 $0x1D370  }
0x17c: {  	v34 =	vld [tilespmem:s10+$0x10]  }
0x17d: {  	v35 =	vld [tilespmem:s10+$0x0]  }
0x17e: {  	v17 =	vld.idx.msk [tilespmem:v14+s22+$0x0], $0xffff;
	v7 =	vshll.u32 v2, $0x2;
	v13 =	vadd.f32 v4, v1;
	v4 =	vadd.f32 v4, v5  }
0x17f: {  	v19 =	vld.idx.msk [tilespmem:v12+s31+$0x0], $0xffff;
	v2 =	vand.u32 $0x7F, v2;
	v7 =	vand.u32 $0xFFFFFE00, v7  }
0x180: {  	v20 =	vld.idx.msk [tilespmem:v15+s31+$0x0], $0xffff;
	v8 =	vor.u32 v2, v7;
	v7 =	vmul.f32 $2.000000030e-01, v13;
	v18 =	vmul.f32 $2.000000030e-01, v4  }
0x181: {  	v5 =	vld.idx.msk [tilespmem:v11+s22+$0x0], $0xffff  }
0x182: {  	v21 =	vld.idx.msk [tilespmem:v16+s22+$0x0], $0xffff;
	v7 =	vmax.f32 v13, v7;
	v4 =	vmax.f32 v4, v18  }
0x183: {  	v2 =	vpop (erf);
	v18 =	vld.idx.msk [tilespmem:v10+s31+$0x0], $0xffff;
	v4 =	vsub.f32 v4, v7  }
0x184: {  	v22 =	vadd.f32 v19, v1;
	[tilespmem:v3+s4+$0x0] =	vst.idx.add.f32.msk $0xffff, v2;
	v7 =	vshll.u32 v3, $0x2  }
0x185: {  	v3 =	vand.u32 $0x7F, v3;
	v13 =	vld.idx.msk [tilespmem:v8+s24+$0x0], $0xffff;
	v7 =	vand.u32 $0xFFFFFE00, v7;
	v4 =	vmul.f32 $1.442695020e+00, v4  }
0x186: {  	v7 =	vor.u32 v3, v7;
	v3 =	vadd.f32 v19, v5;
	v19 =	vmul.f32 $2.000000030e-01, v22  }
0x187: {  	v17 =	vadd.f32 v20, v17;
	v5 =	vadd.f32 v20, v1;
	(erf) = vpow2.f32 v4  }
0x188: {  	v4 =	vor.u32 $0x80, v8;
	v20 =	vmul.f32 $2.000000030e-01, v3;
	v19 =	vmax.f32 v22, v19;
	v22 =	vld [tilespmem:s10+$0x20]  }
0x189: {  	v29 =	vld.idx.msk [tilespmem:v34+s22+$0x0], $0xffff;
	v24 =	vmul.f32 $2.000000030e-01, v5;
	v21 =	vadd.f32 v18, v21  }
0x18a: {  	s9 =	simm.s32 $0x1E370;
	v37 =	vld.idx.msk [tilespmem:v35+s22+$0x0], $0xffff;
	v25 =	vmul.f32 v2, v13;
	v3 =	vmax.f32 v3, v20;
	v20 =	vmul.f32 $2.000000030e-01, v17  }
0x18b: {  	v23 =	vshll.u32 v6, $0x2;
	v18 =	vadd.f32 v18, v1;
	v13 =	vld [tilespmem:s9+$0x20];
	v3 =	vsub.f32 v3, v19  }
0x18c: {  	v6 =	vand.u32 $0x7F, v6;
	v5 =	vmax.f32 v5, v24;
	[tilespmem:v7+s5+$0x0] =	vst.idx.add.f32.msk $0xffff, v25;
	v17 =	vmax.f32 v17, v20  }
0x18d: {  	v19 =	vmul.f32 $1.442695020e+00, v3;
	v5 =	vsub.f32 v17, v5;
	v3 =	vand.u32 $0xFFFFFE00, v23;
	v20 =	vld.idx.msk [tilespmem:v4+s24+$0x0], $0xffff  }
0x18e: {  	v4 =	vmul.f32 $2.000000030e-01, v21;
	v23 =	vmul.f32 $2.000000030e-01, v18;
	v39 =	vor.u32 v6, v3;
	v3 =	vld [tilespmem:s9+$0xFFFFFFE0]  }
0x18f: {  	(erf) = vpow2.f32 v19;
	v6 =	vmul.f32 $1.442695020e+00, v5;
	v5 =	vld [tilespmem:s9+$0xFFFFFFF0]  }
0x190: {  	v26 =	vor.u32 $0x80, v7;
	v4 =	vmax.f32 v21, v4;
	v18 =	vmax.f32 v18, v23;
	v23 =	vld.idx.msk [tilespmem:v22+s22+$0x0], $0xffff;
	v17 =	vpop (erf)  }
0x191: {  	v4 =	vsub.f32 v4, v18;
	(erf) = vpow2.f32 v6;
	v6 =	vshll.u32 v11, $0x2;
	[tilespmem:v9+s4+$0x0] =	vst.idx.add.f32.msk $0xffff, v17  }
0x192: {  	v19 =	vand.u32 $0xFFFFFE00, v6;
	v6 =	vld [tilespmem:s10+$0xFFFFFFE0]  }
0x193: {  	v11 =	vand.u32 $0x7F, v11;
	v4 =	vmul.f32 $1.442695020e+00, v4;
	v28 =	vld.idx.msk [tilespmem:v13+s31+$0x0], $0xffff  }
0x194: {  	v20 =	vmul.f32 v2, v20;
	v18 =	vld.idx.msk [tilespmem:v39+s24+$0x0], $0xffff;
	v24 =	vor.u32 v11, v19;
	v19 =	vshll.u32 v9, $0x2  }
0x195: {  	v11 =	vld [tilespmem:s10+$0xFFFFFFF0];
	v9 =	vand.u32 $0x7F, v9;
	v19 =	vand.u32 $0xFFFFFE00, v19  }
0x196: {  	[tilespmem:v26+s5+$0x0] =	vst.idx.add.f32.msk $0xffff, v20;
	v31 =	vor.u32 v9, v19  }
0x197: {  	v25 =	vshll.u32 v14, $0x2;
	(erf) = vpow2.f32 v4;
	v21 =	vld.idx.msk [tilespmem:v3+s31+$0x0], $0xffff  }
0x198: {  	v9 =	vand.u32 $0x7F, v14;
	v14 =	vand.u32 $0xFFFFFE00, v25;
	v41 =	vld.idx.msk [tilespmem:v5+s31+$0x0], $0xffff;
	v4 =	vpop (erf)  }
0x199: {  	v25 =	vor.u32 $0x80, v39;
	v27 =	vor.u32 v9, v14;
	v9 =	vmul.f32 v17, v18;
	[tilespmem:v12+s4+$0x0] =	vst.idx.add.f32.msk $0xffff, v4  }
0x19a: {  	v18 =	vshll.u32 v16, $0x2;
	v14 =	vld.idx.msk [tilespmem:v24+s24+$0x0], $0xffff  }
0x19b: {  	v16 =	vand.u32 $0x7F, v16;
	v18 =	vand.u32 $0xFFFFFE00, v18;
	[tilespmem:v31+s5+$0x0] =	vst.idx.add.f32.msk $0xffff, v9;
	v9 =	vshll.u32 v12, $0x2  }
0x19c: {  	v19 =	vpop (erf);
	v36 =	vor.u32 v16, v18;
	v12 =	vand.u32 $0x7F, v12;
	v42 =	vld.idx.msk [tilespmem:v6+s22+$0x0], $0xffff;
	v16 =	vand.u32 $0xFFFFFE00, v9  }
0x19d: {  	[tilespmem:v15+s4+$0x0] =	vst.idx.add.f32.msk $0xffff, v19;
	v12 =	vor.u32 v12, v16  }
0x19e: {  	v18 =	vshll.u32 v15, $0x2;
	v25 =	vld.idx.msk [tilespmem:v25+s24+$0x0], $0xffff  }
0x19f: {  	v58 =	vor.u32 $0x80, v24;
	v18 =	vand.u32 $0xFFFFFE00, v18;
	v15 =	vand.u32 $0x7F, v15;
	v57 =	vld.idx.msk [tilespmem:v27+s24+$0x0], $0xffff  }
0x1a0: {  	v61 =	vor.u32 $0x80, v31;
	v32 =	vor.u32 v15, v18;
	v18 =	vld [tilespmem:s9+$0x10];
	v9 =	vpop (erf);
	v14 =	vmul.f32 v4, v14  }
0x1a1: {  	v60 =	vshll.u32 v22, $0x2;
	[tilespmem:v10+s4+$0x0] =	vst.idx.add.f32.msk $0xffff, v9  }
0x1a2: {  	v33 =	vand.u32 $0xFFFFFE00, v60;
	[tilespmem:v12+s5+$0x0] =	vst.idx.add.f32.msk $0xffff, v14;
	v14 =	vor.u32 $0x100, v8  }
0x1a3: {  	v63 =	vor.u32 $0x100, v39;
	v62 =	vshll.u32 v3, $0x2;
	v20 =	vld.idx.msk [tilespmem:v36+s24+$0x0], $0xffff;
	v25 =	vmul.f32 v17, v25  }
0x1a4: {  	v26 =	vshll.u32 v10, $0x2;
	v15 =	vor.u32 $0x80, v27;
	v16 =	vmul.f32 v19, v57;
	v38 =	vld.idx.msk [tilespmem:v58+s24+$0x0], $0xffff  }
0x1a5: {  	v43 =	vor.u32 $0x100, v24;
	v52 =	vadd.f32 v28, v23;
	v53 =	vadd.f32 v28, v1;
	[tilespmem:v61+s5+$0x0] =	vst.idx.add.f32.msk $0xffff, v25  }
0x1a6: {  	v59 =	vand.u32 $0xFFFFFE00, v26;
	v26 =	vshll.u32 v13, $0x2;
	v39 =	vor.u32 $0x180, v39;
	[tilespmem:v32+s5+$0x0] =	vst.idx.add.f32.msk $0xffff, v16  }
0x1a7: {  	v55 =	vmul.f32 $2.000000030e-01, v53;
	v10 =	vand.u32 $0x7F, v10;
	v46 =	vld.idx.msk [tilespmem:v14+s24+$0x0], $0xffff;
	v14 =	vmul.f32 $2.000000030e-01, v52  }
0x1a8: {  	v26 =	vand.u32 $0xFFFFFE00, v26;
	v48 =	vor.u32 $0x100, v31;
	v28 =	vor.u32 v10, v59;
	v16 =	vld [tilespmem:s9+$0x0]  }
0x1a9: {  	v56 =	vor.u32 $0x80, v36;
	v25 =	vmax.f32 v53, v55;
	v15 =	vld.idx.msk [tilespmem:v15+s24+$0x0], $0xffff;
	v14 =	vmax.f32 v52, v14  }
0x1aa: {  	v30 =	vld.idx.msk [tilespmem:v11+s22+$0x0], $0xffff;
	v10 =	vand.u32 $0xFFFFFE00, v62;
	v62 =	vor.u32 $0x80, v12;
	v25 =	vsub.f32 v14, v25  }
0x1ab: {  	v23 =	vshll.u32 v34, $0x2;
	v54 =	vor.u32 $0x80, v32;
	v59 =	vld.idx.msk [tilespmem:v63+s24+$0x0], $0xffff;
	v20 =	vmul.f32 v9, v20  }
0x1ac: {  	v60 =	vor.u32 $0x100, v27;
	v49 =	vor.u32 $0x100, v36;
	v45 =	vld.idx.msk [tilespmem:v18+s31+$0x0], $0xffff;
	v61 =	vmul.f32 $1.442695020e+00, v25  }
0x1ad: {  	v47 =	vor.u32 $0x80, v28;
	v57 =	vshll.u32 v5, $0x2;
	[tilespmem:v28+s5+$0x0] =	vst.idx.add.f32.msk $0xffff, v20;
	v63 =	vmul.f32 v4, v38  }
0x1ae: {  	v20 =	vshll.u32 v18, $0x2;
	v50 =	vld.idx.msk [tilespmem:v56+s24+$0x0], $0xffff;
	v58 =	vmul.f32 v19, v15;
	(erf) = vpow2.f32 v61  }
0x1af: {  	v38 =	vand.u32 $0x7F, v34;
	v34 =	vand.u32 $0x7F, v35;
	v35 =	vshll.u32 v35, $0x2;
	[tilespmem:v62+s5+$0x0] =	vst.idx.add.f32.msk $0xffff, v63  }
0x1b0: {  	v51 =	vmul.f32 v17, v59;
	v35 =	vand.u32 $0xFFFFFE00, v35;
	v15 =	vshll.u32 v6, $0x2;
	[tilespmem:v54+s5+$0x0] =	vst.idx.add.f32.msk $0xffff, v58  }
0x1b1: {  	v14 =	vand.u32 $0xFFFFFE00, v57;
	v25 =	vand.u32 $0xFFFFFE00, v20;
	v20 =	vshll.u32 v16, $0x2;
	v44 =	vld.idx.msk [tilespmem:v16+s31+$0x0], $0xffff  }
0x1b2: {  	s11 =	simm.s32 $0x5;
	v15 =	vand.u32 $0xFFFFFE00, v15;
	v40 =	vmul.f32 v2, v46;
	v20 =	vand.u32 $0xFFFFFE00, v20;
	v46 =	vld.idx.msk [tilespmem:v60+s24+$0x0], $0xffff  }
.LBB2_8:
0x1b3: {  	s11 =	sadd.s32 $0x5, s11;
	v50 =	vmul.f32 v9, v50;
	v52 =	vor.u32 $0x100, v28;
	v28 =	vor.u32 $0x180, v28;
	v43 =	vld.idx.msk [tilespmem:v43+s24+$0x0], $0xffff  }
0x1b4: {  	v53 =	vor.u32 $0x100, v12;
	v54 =	vor.u32 $0x100, v32;
	p0 =	slt.u32 s11, $0xF5;
	[tilespmem:v48+s5+$0x0] =	vst.idx.add.f32.msk $0xffff, v51;
	v48 =	vor.u32 $0x180, v7  }
0x1b5: {  	v22 =	vand.u32 $0x7F, v22;
	v27 =	vor.u32 $0x180, v27;
	[tilespmem:v47+s5+$0x0] =	vst.idx.add.f32.msk $0xffff, v50;
	v47 =	vor.u32 $0x100, v7  }
0x1b6: {  	v31 =	vor.u32 $0x180, v31;
	v7 =	vor.u32 v22, v33;
	v33 =	vor.u32 $0x180, v36;
	v22 =	vld.idx.msk [tilespmem:v49+s24+$0x0], $0xffff  }
0x1b7: {  	v36 =	vadd.f32 v45, v1;
	v46 =	vmul.f32 v19, v46;
	v50 =	vor.u32 $0x180, v8;
	v49 =	vpop (erf);
	v39 =	vld.idx.msk [tilespmem:v39+s24+$0x0], $0xffff  }
0x1b8: {  	v29 =	vadd.f32 v45, v29;
	v45 =	vand.u32 $0x7F, v13;
	v8 =	vmovc v7;
	[tilespmem:v13+s4+$0x0] =	vst.idx.add.f32.msk $0xffff, v49;
	v13 =	vor.u32 $0x180, v24  }
0x1b9: {  	v32 =	vor.u32 $0x180, v32;
	v51 =	vmul.f32 $2.000000030e-01, v36;
	v24 =	vadd.f32 v44, v1;
	[tilespmem:v54+s5+$0x0] =	vst.idx.add.f32.msk $0xffff, v46  }
0x1ba: {  	v37 =	vadd.f32 v44, v37;
	v44 =	vmul.f32 $2.000000030e-01, v29;
	v43 =	vmul.f32 v4, v43;
	v27 =	vld.idx.msk [tilespmem:v27+s24+$0x0], $0xffff  }
0x1bb: {  	v46 =	vadd.f32 v41, v1;
	v36 =	vmax.f32 v36, v51;
	v51 =	vld.idx.msk [tilespmem:v7+s24+$0x0], $0xffff;
	v7 =	vor.u32 v45, v26  }
0x1bc: {  	v29 =	vmax.f32 v29, v44;
	v26 =	vadd.f32 v41, v30;
	v30 =	vor.u32 $0x80, v8;
	[tilespmem:v53+s5+$0x0] =	vst.idx.add.f32.msk $0xffff, v43  }
0x1bd: {  	v41 =	vadd.f32 v21, v42;
	v42 =	vmul.f32 $2.000000030e-01, v46;
	v17 =	vmul.f32 v39, v17;
	v43 =	vld.idx.msk [tilespmem:v13+s24+$0x0], $0xffff  }
0x1be: {  	v21 =	vadd.f32 v21, v1;
	v22 =	vmul.f32 v9, v22;
	v13 =	vmul.f32 $2.000000030e-01, v26;
	[tilespmem:v47+s5+$0x0] =	vst.idx.add.f32.msk $0xffff, v40  }
0x1bf: {  	v29 =	vsub.f32 v29, v36;
	v39 =	vmul.f32 $2.000000030e-01, v41;
	v40 =	vmul.f32 $2.000000030e-01, v24;
	v36 =	vld.idx.msk [tilespmem:v50+s24+$0x0], $0xffff  }
0x1c0: {  	v13 =	vmax.f32 v26, v13;
	v26 =	vmax.f32 v46, v42;
	v42 =	vmul.f32 $2.000000030e-01, v37;
	[tilespmem:v52+s5+$0x0] =	vst.idx.add.f32.msk $0xffff, v22  }
0x1c1: {  	s9 =	sadd.s32 $0x50, s9;
	v39 =	vmax.f32 v41, v39;
	v19 =	vmul.f32 v27, v19;
	v22 =	vsub.f32 v13, v26;
	v33 =	vld.idx.msk [tilespmem:v33+s24+$0x0], $0xffff  }
0x1c2: {  	v27 =	vmul.f32 $1.442695020e+00, v29;
	v24 =	vmax.f32 v24, v40;
	v26 =	vmax.f32 v37, v42;
	v13 =	vld [tilespmem:s9+$0x20]  }
0x1c3: {  	v22 =	vmul.f32 $1.442695020e+00, v22;
	v24 =	vsub.f32 v26, v24;
	v26 =	vmul.f32 v49, v51;
	[tilespmem:v31+s5+$0x0] =	vst.idx.add.f32.msk $0xffff, v17  }
0x1c4: {  	v12 =	vor.u32 $0x180, v12;
	v17 =	vmul.f32 $2.000000030e-01, v21;
	(erf) = vpow2.f32 v27;
	[tilespmem:v32+s5+$0x0] =	vst.idx.add.f32.msk $0xffff, v19  }
0x1c5: {  	s10 =	sadd.s32 $0x50, s10;
	v19 =	vand.u32 $0xFFFFFE00, v23;
	v23 =	vmul.f32 v36, v2;
	v2 =	vmovc v49;
	[tilespmem:v7+s5+$0x0] =	vst.idx.add.f32.msk $0xffff, v26;
	(erf) = vpow2.f32 v22  }
0x1c6: {  	v4 =	vmul.f32 v43, v4;
	v17 =	vmax.f32 v21, v17;
	v21 =	vmul.f32 $1.442695020e+00, v24;
	v22 =	vld [tilespmem:s10+$0x20]  }
0x1c7: {  	v17 =	vsub.f32 v39, v17;
	v39 =	vor.u32 v38, v19;
	v24 =	vshll.u32 v13, $0x2;
	v19 =	vld.idx.msk [tilespmem:v30+s24+$0x0], $0xffff  }
0x1c8: {  	v9 =	vmul.f32 v33, v9;
	v26 =	vand.u32 $0xFFFFFE00, v24;
	[tilespmem:v48+s5+$0x0] =	vst.idx.add.f32.msk $0xffff, v23  }
0x1c9: {  	v29 =	vmul.f32 $1.442695020e+00, v17;
	v17 =	vshll.u32 v11, $0x2;
	[tilespmem:v12+s5+$0x0] =	vst.idx.add.f32.msk $0xffff, v4  }
0x1ca: {  	v4 =	vand.u32 $0x7F, v11;
	v11 =	vand.u32 $0xFFFFFE00, v17;
	[tilespmem:v28+s5+$0x0] =	vst.idx.add.f32.msk $0xffff, v9  }
0x1cb: {  	v27 =	vor.u32 v34, v35;
	v24 =	vor.u32 v4, v11;
	v28 =	vld [tilespmem:s9+$0xFFFFFFE0];
	v9 =	vshll.u32 v22, $0x2  }
0x1cc: {  	v34 =	vld [tilespmem:s10+$0x10];
	v33 =	vand.u32 $0xFFFFFE00, v9  }
0x1cd: {  	v37 =	vmul.f32 v2, v19;
	v12 =	vld [tilespmem:s9+$0xFFFFFFF0];
	v17 =	vpop (erf)  }
0x1ce: {  	[tilespmem:v18+s4+$0x0] =	vst.idx.add.f32.msk $0xffff, v17;
	v4 =	vpop (erf);
	(erf) = vpow2.f32 v21  }
0x1cf: {  	v35 =	vld [tilespmem:s10+$0x0]  }
0x1d0: {  	v9 =	vshll.u32 v28, $0x2;
	v19 =	vld.idx.msk [tilespmem:v39+s24+$0x0], $0xffff  }
0x1d1: {  	v40 =	vor.u32 $0x80, v39;
	v30 =	vld [tilespmem:s10+$0xFFFFFFE0];
	v38 =	vand.u32 $0xFFFFFE00, v9;
	v23 =	vshll.u32 v34, $0x2  }
0x1d2: {  	v11 =	vld [tilespmem:s10+$0xFFFFFFF0];
	v9 =	vshll.u32 v12, $0x2  }
0x1d3: {  	v21 =	vld.idx.msk [tilespmem:v28+s31+$0x0], $0xffff;
	v41 =	vand.u32 $0xFFFFFE00, v9;
	(erf) = vpow2.f32 v29  }
0x1d4: {  	v9 =	vand.u32 $0x7F, v18;
	v42 =	vld.idx.msk [tilespmem:v22+s22+$0x0], $0xffff  }
0x1d5: {  	v31 =	vor.u32 v9, v25;
	v29 =	vld.idx.msk [tilespmem:v34+s22+$0x0], $0xffff  }
0x1d6: {  	v18 =	vmul.f32 v17, v19;
	v9 =	vshll.u32 v30, $0x2;
	[tilespmem:v5+s4+$0x0] =	vst.idx.add.f32.msk $0xffff, v4  }
0x1d7: {  	v44 =	vor.u32 $0x80, v24;
	v9 =	vand.u32 $0xFFFFFE00, v9;
	v25 =	vld.idx.msk [tilespmem:v24+s24+$0x0], $0xffff;
	v19 =	vpop (erf)  }
0x1d8: {  	v45 =	vor.u32 $0x80, v27;
	[tilespmem:v16+s4+$0x0] =	vst.idx.add.f32.msk $0xffff, v19  }
0x1d9: {  	v43 =	vld.idx.msk [tilespmem:v13+s31+$0x0], $0xffff  }
0x1da: {  	v32 =	vand.u32 $0x7F, v6;
	v6 =	vmov v30;
	[tilespmem:v31+s5+$0x0] =	vst.idx.add.f32.msk $0xffff, v18;
	v18 =	vor.u32 $0x80, v7  }
0x1db: {  	v36 =	vor.u32 v32, v15;
	v15 =	vmov v9;
	v30 =	vld.idx.msk [tilespmem:v11+s22+$0x0], $0xffff  }
0x1dc: {  	v46 =	vld.idx.msk [tilespmem:v27+s24+$0x0], $0xffff;
	v9 =	vpop (erf)  }
0x1dd: {  	v32 =	vand.u32 $0x7F, v5;
	v5 =	vmov v12;
	v16 =	vand.u32 $0x7F, v16;
	[tilespmem:v3+s4+$0x0] =	vst.idx.add.f32.msk $0xffff, v9  }
0x1de: {  	v12 =	vor.u32 v32, v14;
	v14 =	vmovc v41;
	v32 =	vor.u32 v16, v20;
	v20 =	vor.u32 $0x100, v39;
	v16 =	vld.idx.msk [tilespmem:v40+s24+$0x0], $0xffff  }
0x1df: {  	v25 =	vmul.f32 v4, v25;
	v40 =	vadd.f32 v43, v42;
	[tilespmem:v18+s5+$0x0] =	vst.idx.add.f32.msk $0xffff, v37  }
0x1e0: {  	v41 =	vadd.f32 v43, v1;
	v43 =	vor.u32 $0x100, v24;
	v42 =	vld.idx.msk [tilespmem:v36+s24+$0x0], $0xffff  }
0x1e1: {  	v47 =	vmul.f32 $2.000000030e-01, v40;
	v18 =	vld [tilespmem:s9+$0x10]  }
0x1e2: {  	v48 =	vmul.f32 $2.000000030e-01, v41;
	v46 =	vmul.f32 v19, v46;
	v37 =	vld.idx.msk [tilespmem:v35+s22+$0x0], $0xffff  }
0x1e3: {  	v49 =	vor.u32 $0x100, v27;
	v40 =	vmax.f32 v40, v47;
	v47 =	vor.u32 $0x100, v8;
	[tilespmem:v12+s5+$0x0] =	vst.idx.add.f32.msk $0xffff, v25  }
0x1e4: {  	v25 =	vmax.f32 v41, v48;
	[tilespmem:v32+s5+$0x0] =	vst.idx.add.f32.msk $0xffff, v46;
	v46 =	vmul.f32 v17, v16  }
0x1e5: {  	v48 =	vor.u32 $0x80, v31;
	v40 =	vsub.f32 v40, v25;
	v45 =	vld.idx.msk [tilespmem:v45+s24+$0x0], $0xffff  }
0x1e6: {  	v41 =	vand.u32 $0x7F, v3;
	v3 =	vmov v28;
	v16 =	vld [tilespmem:s9+$0x0];
	v25 =	vshll.u32 v18, $0x2  }
0x1e7: {  	v28 =	vor.u32 v41, v10;
	v10 =	vmovc v38;
	v51 =	vmul.f32 $1.442695020e+00, v40;
	v25 =	vand.u32 $0xFFFFFE00, v25;
	v40 =	vld.idx.msk [tilespmem:v44+s24+$0x0], $0xffff  }
0x1e8: {  	v38 =	vor.u32 $0x80, v32;
	v44 =	vld.idx.msk [tilespmem:v47+s24+$0x0], $0xffff  }
0x1e9: {  	v47 =	vor.u32 $0x80, v36;
	v41 =	vld.idx.msk [tilespmem:v5+s31+$0x0], $0xffff  }
0x1ea: {  	v42 =	vmul.f32 v9, v42;
	[tilespmem:v48+s5+$0x0] =	vst.idx.add.f32.msk $0xffff, v46  }
0x1eb: {  	v45 =	vmul.f32 v19, v45;
	v46 =	vshll.u32 v16, $0x2;
	v52 =	vld.idx.msk [tilespmem:v20+s24+$0x0], $0xffff  }
0x1ec: {  	v20 =	vand.u32 $0xFFFFFE00, v46;
	[tilespmem:v28+s5+$0x0] =	vst.idx.add.f32.msk $0xffff, v42  }
0x1ed: {  	v53 =	vmul.f32 v4, v40;
	[tilespmem:v38+s5+$0x0] =	vst.idx.add.f32.msk $0xffff, v45  }
0x1ee: {  	v54 =	vor.u32 $0x80, v12;
	v40 =	vmul.f32 v2, v44;
	v50 =	vld.idx.msk [tilespmem:v47+s24+$0x0], $0xffff  }
.Ltmp3:
0x1ef: {  	v42 =	vld.idx.msk [tilespmem:v6+s22+$0x0], $0xffff;
	(erf) = vpow2.f32 v51;
	(pc) =	sbr.rel @p0 .LBB2_8-.Ltmp3, $4  }
0x1f0: {  	v48 =	vor.u32 $0x100, v31;
	v38 =	vand.u32 $0x7F, v34;
	v45 =	vld.idx.msk [tilespmem:v18+s31+$0x0], $0xffff  }
0x1f1: {  	v47 =	vor.u32 $0x80, v28;
	v51 =	vmul.f32 v17, v52;
	v46 =	vld.idx.msk [tilespmem:v49+s24+$0x0], $0xffff  }
0x1f2: {  	v34 =	vand.u32 $0x7F, v35;
	v35 =	vshll.u32 v35, $0x2;
	v49 =	vor.u32 $0x100, v36;
	v44 =	vld.idx.msk [tilespmem:v16+s31+$0x0], $0xffff  }
0x1f3: {  	v39 =	vor.u32 $0x180, v39;
	v35 =	vand.u32 $0xFFFFFE00, v35;
	[tilespmem:v54+s5+$0x0] =	vst.idx.add.f32.msk $0xffff, v53  }
0x1f4: {  	_ = 	snop  }
0x1f5: {  	v50 =	vmul.f32 v9, v50;
	v52 =	vor.u32 $0x100, v28;
	v53 =	vor.u32 $0x100, v12  }
0x1f6: {  	v54 =	vor.u32 $0x100, v32;
	v22 =	vand.u32 $0x7F, v22;
	v27 =	vor.u32 $0x180, v27  }
0x1f7: {  	v55 =	vor.u32 $0x100, v7;
	v36 =	vor.u32 $0x180, v36;
	v29 =	vadd.f32 v45, v29  }
0x1f8: {  	v31 =	vor.u32 $0x180, v31;
	[tilespmem:v48+s5+$0x0] =	vst.idx.add.f32.msk $0xffff, v51;
	v48 =	vor.u32 $0x180, v8;
	v61 =	vadd.f32 v45, v1  }
0x1f9: {  	v59 =	vadd.f32 v41, v1;
	v30 =	vadd.f32 v41, v30;
	v8 =	vmul.f32 $2.000000030e-01, v29  }
0x1fa: {  	v43 =	vld.idx.msk [tilespmem:v43+s24+$0x0], $0xffff;
	v42 =	vadd.f32 v21, v42;
	v21 =	vadd.f32 v21, v1;
	v63 =	vmul.f32 $2.000000030e-01, v61  }
0x1fb: {  	v56 =	vand.u32 $0x7F, v13;
	v22 =	vor.u32 v22, v33;
	v62 =	vmul.f32 v19, v46;
	[tilespmem:v47+s5+$0x0] =	vst.idx.add.f32.msk $0xffff, v50  }
0x1fc: {  	v39 =	vld.idx.msk [tilespmem:v39+s24+$0x0], $0xffff;
	v57 =	vadd.f32 v44, v1;
	v33 =	vmax.f32 v61, v63;
	v29 =	vmax.f32 v29, v8  }
0x1fd: {  	v51 =	vmul.f32 $2.000000030e-01, v21;
	v58 =	vld.idx.msk [tilespmem:v49+s24+$0x0], $0xffff;
	v37 =	vadd.f32 v44, v37;
	v29 =	vsub.f32 v29, v33;
	v8 =	vpop (erf)  }
0x1fe: {  	v61 =	vmul.f32 $2.000000030e-01, v30;
	[tilespmem:v13+s4+$0x0] =	vst.idx.add.f32.msk $0xffff, v8;
	v13 =	vor.u32 v56, v26;
	v26 =	vmul.f32 $2.000000030e-01, v59  }
0x1ff: {  	v24 =	vor.u32 $0x180, v24;
	[tilespmem:v54+s5+$0x0] =	vst.idx.add.f32.msk $0xffff, v62;
	v62 =	vmul.f32 $2.000000030e-01, v57;
	v29 =	vmul.f32 $1.442695020e+00, v29  }
0x200: {  	v63 =	vmul.f32 $2.000000030e-01, v37;
	[tilespmem:v55+s5+$0x0] =	vst.idx.add.f32.msk $0xffff, v40;
	v30 =	vmax.f32 v30, v61;
	v26 =	vmax.f32 v59, v26  }
0x201: {  	v21 =	vmax.f32 v21, v51;
	v27 =	vld.idx.msk [tilespmem:v27+s24+$0x0], $0xffff;
	(erf) = vpow2.f32 v29;
	v26 =	vsub.f32 v30, v26  }
0x202: {  	v60 =	vmul.f32 v4, v43;
	v40 =	vld.idx.msk [tilespmem:v48+s24+$0x0], $0xffff;
	v50 =	vmax.f32 v57, v62;
	v30 =	vmax.f32 v37, v63  }
0x203: {  	v49 =	vld.idx.msk [tilespmem:v22+s24+$0x0], $0xffff;
	v29 =	vmul.f32 $2.000000030e-01, v42;
	v30 =	vsub.f32 v30, v50;
	v26 =	vmul.f32 $1.442695020e+00, v26  }
0x204: {  	v17 =	vmul.f32 v39, v17;
	[tilespmem:v53+s5+$0x0] =	vst.idx.add.f32.msk $0xffff, v60;
	v53 =	vor.u32 $0x180, v32;
	v54 =	vmul.f32 v9, v58  }
0x205: {  	v24 =	vld.idx.msk [tilespmem:v24+s24+$0x0], $0xffff;
	v29 =	vmax.f32 v42, v29;
	(erf) = vpow2.f32 v26;
	v26 =	vmul.f32 $1.442695020e+00, v30  }
0x206: {  	v23 =	vand.u32 $0xFFFFFE00, v23;
	[tilespmem:v31+s5+$0x0] =	vst.idx.add.f32.msk $0xffff, v17;
	v21 =	vsub.f32 v29, v21  }
0x207: {  	v23 =	vor.u32 v38, v23;
	[tilespmem:v52+s5+$0x0] =	vst.idx.add.f32.msk $0xffff, v54;
	v19 =	vmul.f32 v27, v19;
	(erf) = vpow2.f32 v26  }
0x208: {  	v29 =	vld.idx.msk [tilespmem:v36+s24+$0x0], $0xffff;
	v27 =	vmul.f32 v8, v49;
	v26 =	vor.u32 $0x80, v22  }
0x209: {  	v7 =	vor.u32 $0x180, v7;
	v2 =	vmul.f32 v40, v2;
	[tilespmem:v53+s5+$0x0] =	vst.idx.add.f32.msk $0xffff, v19;
	v19 =	vshll.u32 v11, $0x2  }
0x20a: {  	v11 =	vand.u32 $0x7F, v11;
	v19 =	vand.u32 $0xFFFFFE00, v19;
	v17 =	vmul.f32 $1.442695020e+00, v21;
	[tilespmem:v13+s5+$0x0] =	vst.idx.add.f32.msk $0xffff, v27;
	v21 =	vpop (erf)  }
0x20b: {  	v11 =	vor.u32 v11, v19;
	[tilespmem:v18+s4+$0x0] =	vst.idx.add.f32.msk $0xffff, v21  }
0x20c: {  	(erf) = vpow2.f32 v17;
	v17 =	vld.idx.msk [tilespmem:v23+s24+$0x0], $0xffff  }
0x20d: {  	v18 =	vand.u32 $0x7F, v18;
	v19 =	vld.idx.msk [tilespmem:v26+s24+$0x0], $0xffff;
	v26 =	vor.u32 v34, v35  }
0x20e: {  	[tilespmem:v7+s5+$0x0] =	vst.idx.add.f32.msk $0xffff, v2;
	v7 =	vor.u32 v18, v25;
	v2 =	vpop (erf)  }
0x20f: {  	v18 =	vor.u32 $0x80, v23;
	[tilespmem:v5+s4+$0x0] =	vst.idx.add.f32.msk $0xffff, v2  }
0x210: {  	v30 =	vor.u32 $0x80, v13;
	v25 =	vld.idx.msk [tilespmem:v11+s24+$0x0], $0xffff;
	v27 =	vpop (erf)  }
0x211: {  	v6 =	vand.u32 $0x7F, v6;
	v17 =	vmul.f32 v21, v17;
	[tilespmem:v16+s4+$0x0] =	vst.idx.add.f32.msk $0xffff, v27  }
0x212: {  	v6 =	vor.u32 v6, v15;
	v5 =	vand.u32 $0x7F, v5;
	v15 =	vld.idx.msk [tilespmem:v26+s24+$0x0], $0xffff  }
0x213: {  	v5 =	vor.u32 v5, v14;
	v16 =	vand.u32 $0x7F, v16;
	v14 =	vmul.f32 v8, v19;
	[tilespmem:v7+s5+$0x0] =	vst.idx.add.f32.msk $0xffff, v17  }
0x214: {  	v16 =	vor.u32 v16, v20;
	v18 =	vld.idx.msk [tilespmem:v18+s24+$0x0], $0xffff  }
0x215: {  	v19 =	vor.u32 $0x80, v26;
	[tilespmem:v30+s5+$0x0] =	vst.idx.add.f32.msk $0xffff, v14;
	v17 =	vpop (erf)  }
0x216: {  	v20 =	vor.u32 $0x80, v11;
	[tilespmem:v3+s4+$0x0] =	vst.idx.add.f32.msk $0xffff, v17;
	v25 =	vmul.f32 v2, v25  }
0x217: {  	v30 =	vor.u32 $0x80, v7;
	v14 =	vld.idx.msk [tilespmem:v6+s24+$0x0], $0xffff;
	v15 =	vmul.f32 v27, v15  }
0x218: {  	v31 =	vor.u32 $0x100, v23;
	v3 =	vand.u32 $0x7F, v3;
	[tilespmem:v5+s5+$0x0] =	vst.idx.add.f32.msk $0xffff, v25  }
0x219: {  	v3 =	vor.u32 v3, v10;
	[tilespmem:v16+s5+$0x0] =	vst.idx.add.f32.msk $0xffff, v15  }
0x21a: {  	v10 =	vmul.f32 v21, v18;
	v18 =	vor.u32 $0x80, v6;
	v15 =	vld.idx.msk [tilespmem:v19+s24+$0x0], $0xffff  }
0x21b: {  	v20 =	vld.idx.msk [tilespmem:v20+s24+$0x0], $0xffff;
	v19 =	vor.u32 $0x100, v22  }
0x21c: {  	v25 =	vor.u32 $0x80, v16;
	[tilespmem:v30+s5+$0x0] =	vst.idx.add.f32.msk $0xffff, v10;
	v14 =	vmul.f32 v17, v14  }
0x21d: {  	v10 =	vor.u32 $0x100, v26;
	v30 =	vld.idx.msk [tilespmem:v31+s24+$0x0], $0xffff  }
0x21e: {  	[tilespmem:v3+s5+$0x0] =	vst.idx.add.f32.msk $0xffff, v14;
	v14 =	vor.u32 $0x80, v5  }
0x21f: {  	v31 =	vor.u32 $0x100, v11;
	v18 =	vld.idx.msk [tilespmem:v18+s24+$0x0], $0xffff;
	v15 =	vmul.f32 v27, v15  }
0x220: {  	v56 =	vor.u32 $0x100, v7;
	v19 =	vld.idx.msk [tilespmem:v19+s24+$0x0], $0xffff  }
0x221: {  	v20 =	vmul.f32 v2, v20;
	[tilespmem:v25+s5+$0x0] =	vst.idx.add.f32.msk $0xffff, v15;
	v15 =	vor.u32 $0x80, v3  }
0x222: {  	v25 =	vor.u32 $0x100, v6;
	v10 =	vld.idx.msk [tilespmem:v10+s24+$0x0], $0xffff  }
0x223: {  	v30 =	vmul.f32 v21, v30;
	[tilespmem:v14+s5+$0x0] =	vst.idx.add.f32.msk $0xffff, v20;
	v14 =	vor.u32 $0x180, v23  }
0x224: {  	v23 =	vor.u32 $0x100, v16;
	v18 =	vmul.f32 v17, v18;
	v20 =	vld.idx.msk [tilespmem:v31+s24+$0x0], $0xffff  }
0x225: {  	v26 =	vor.u32 $0x180, v26;
	[tilespmem:v56+s5+$0x0] =	vst.idx.add.f32.msk $0xffff, v30  }
0x226: {  	v30 =	vor.u32 $0x100, v5;
	[tilespmem:v15+s5+$0x0] =	vst.idx.add.f32.msk $0xffff, v18  }
0x227: {  	v18 =	vor.u32 $0x100, v13;
	v15 =	vld.idx.msk [tilespmem:v25+s24+$0x0], $0xffff;
	v10 =	vmul.f32 v27, v10  }
0x228: {  	v11 =	vor.u32 $0x180, v11;
	v14 =	vld.idx.msk [tilespmem:v14+s24+$0x0], $0xffff  }
0x229: {  	v22 =	vor.u32 $0x180, v22;
	[tilespmem:v23+s5+$0x0] =	vst.idx.add.f32.msk $0xffff, v10;
	v10 =	vmul.f32 v2, v20  }
0x22a: {  	v19 =	vmul.f32 v8, v19;
	v20 =	vor.u32 $0x100, v3;
	v23 =	vld.idx.msk [tilespmem:v26+s24+$0x0], $0xffff  }
0x22b: {  	v6 =	vor.u32 $0x180, v6;
	[tilespmem:v30+s5+$0x0] =	vst.idx.add.f32.msk $0xffff, v10  }
0x22c: {  	v10 =	vor.u32 $0x180, v12;
	[tilespmem:v18+s5+$0x0] =	vst.idx.add.f32.msk $0xffff, v19  }
0x22d: {  	v12 =	vor.u32 $0x180, v28;
	v11 =	vld.idx.msk [tilespmem:v11+s24+$0x0], $0xffff;
	v15 =	vmul.f32 v17, v15  }
0x22e: {  	v7 =	vor.u32 $0x180, v7;
	v18 =	vld.idx.msk [tilespmem:v22+s24+$0x0], $0xffff  }
0x22f: {  	v4 =	vmul.f32 v24, v4;
	v16 =	vor.u32 $0x180, v16;
	[tilespmem:v20+s5+$0x0] =	vst.idx.add.f32.msk $0xffff, v15  }
0x230: {  	v9 =	vmul.f32 v29, v9;
	v5 =	vor.u32 $0x180, v5;
	v6 =	vld.idx.msk [tilespmem:v6+s24+$0x0], $0xffff  }
0x231: {  	v13 =	vor.u32 $0x180, v13;
	[tilespmem:v10+s5+$0x0] =	vst.idx.add.f32.msk $0xffff, v4;
	v4 =	vmul.f32 v14, v21  }
0x232: {  	v3 =	vor.u32 $0x180, v3;
	[tilespmem:v12+s5+$0x0] =	vst.idx.add.f32.msk $0xffff, v9;
	v9 =	vmul.f32 v23, v27  }
0x233: {  	v2 =	vmul.f32 v11, v2;
	[tilespmem:v7+s5+$0x0] =	vst.idx.add.f32.msk $0xffff, v4  }
0x234: {  	v4 =	vmul.f32 v18, v8;
	[tilespmem:v16+s5+$0x0] =	vst.idx.add.f32.msk $0xffff, v9  }
0x235: {  	[tilespmem:v5+s5+$0x0] =	vst.idx.add.f32.msk $0xffff, v2;
	v6 =	vmul.f32 v6, v17  }
0x236: {  	[tilespmem:v13+s5+$0x0] =	vst.idx.add.f32.msk $0xffff, v4  }
0x237: {  	[tilespmem:v3+s5+$0x0] =	vst.idx.add.f32.msk $0xffff, v6  }
0x238: {  	s9 =	rddreg [dreg:$0xe]  }
0x239: {  	[tilespmem:s1], [sflag:$0x2] =	stream.linear.gather [hbm4b:s9+s22], $0xFA0, $0x38;
	[tilespmem:$0x1F300] =	vst v63  }
0x23a: {  	s10 =	rddreg [dreg:$0xf]  }
0x23b: {  	[tilespmem:s2], [sflag:$0x2] =	stream.linear.gather [hbm4b:s10+s22], $0xFA0, $0x38;
	[tilespmem:$0x1F300] =	vst v63  }
0x23c: {  	_ =	swait.ge [sflag:s3], $0xFA0  }
0x23d: {  	[sflag:s3] =	ssyncset.done $0x0  }
0x23e: {  	[sflag:s3] =	ssyncadd.s32 $0xFFFFF060  }
0x23f: {  	_ =	swait.ge [sflag:s3], $0xFA0  }
0x240: {  	[sflag:s3] =	ssyncset.done $0x0  }
0x241: {  	s11 =	simm.s32 $0x1B320;
	[sflag:s3] =	ssyncadd.s32 $0xFFFFF060  }
0x242: {  	s10 =	simm.s32 $0x1C320;
	v2 =	vld [tilespmem:s11+$0x20]  }
0x243: {  	v3 =	vld [tilespmem:s10+$0x20];
	_ =	sdelay $0x6  }
0x244: {  	v4 =	vld.idx.msk [tilespmem:v2+s22+$0x0], $0xffff  }
0x245: {  	v5 =	vld.idx.msk [tilespmem:v3+s31+$0x0], $0xffff;
	_ =	sdelay $0x4  }
0x246: {  	v6 =	vld [tilespmem:s11+$0x10];
	v4 =	vadd.f32 v5, v4;
	v5 =	vadd.f32 v5, v1  }
0x247: {  	v9 =	vld [tilespmem:s10+$0x10]  }
0x248: {  	v7 =	vmul.f32 $2.000000030e-01, v4;
	v8 =	vmul.f32 $2.000000030e-01, v5;
	_ =	sdelay $0x1  }
0x249: {  	v12 =	vld [tilespmem:s10+$0xFFFFFFF0];
	v4 =	vmax.f32 v4, v7;
	v5 =	vmax.f32 v5, v8  }
0x24a: {  	v14 =	vld [tilespmem:s11+$0x0];
	v4 =	vsub.f32 v4, v5  }
0x24b: {  	v11 =	vld [tilespmem:s11+$0xFFFFFFF0]  }
0x24c: {  	v15 =	vld [tilespmem:s10+$0x0];
	v4 =	vmul.f32 $1.442695020e+00, v4  }
0x24d: {  	v5 =	vld.idx.msk [tilespmem:v6+s22+$0x0], $0xffff  }
0x24e: {  	(erf) = vpow2.f32 v4;
	v4 =	vld.idx.msk [tilespmem:v9+s31+$0x0], $0xffff  }
0x24f: {  	v16 =	vld [tilespmem:s11+$0xFFFFFFE0]  }
0x250: {  	v10 =	vld [tilespmem:s10+$0xFFFFFFE0];
	s10 =	simm.s32 $0x1B370  }
0x251: {  	v34 =	vld [tilespmem:s10+$0x10]  }
0x252: {  	v35 =	vld [tilespmem:s10+$0x0]  }
0x253: {  	v17 =	vld.idx.msk [tilespmem:v14+s22+$0x0], $0xffff;
	v7 =	vshll.u32 v2, $0x2;
	v13 =	vadd.f32 v4, v1;
	v4 =	vadd.f32 v4, v5  }
0x254: {  	v19 =	vld.idx.msk [tilespmem:v12+s31+$0x0], $0xffff;
	v2 =	vand.u32 $0x7F, v2;
	v7 =	vand.u32 $0xFFFFFE00, v7  }
0x255: {  	v20 =	vld.idx.msk [tilespmem:v15+s31+$0x0], $0xffff;
	v8 =	vor.u32 v2, v7;
	v7 =	vmul.f32 $2.000000030e-01, v13;
	v18 =	vmul.f32 $2.000000030e-01, v4  }
0x256: {  	v5 =	vld.idx.msk [tilespmem:v11+s22+$0x0], $0xffff  }
0x257: {  	v21 =	vld.idx.msk [tilespmem:v16+s22+$0x0], $0xffff;
	v7 =	vmax.f32 v13, v7;
	v4 =	vmax.f32 v4, v18  }
0x258: {  	v2 =	vpop (erf);
	v18 =	vld.idx.msk [tilespmem:v10+s31+$0x0], $0xffff;
	v4 =	vsub.f32 v4, v7  }
0x259: {  	v22 =	vadd.f32 v19, v1;
	[tilespmem:v3+s4+$0x0] =	vst.idx.add.f32.msk $0xffff, v2;
	v7 =	vshll.u32 v3, $0x2  }
0x25a: {  	v3 =	vand.u32 $0x7F, v3;
	v13 =	vld.idx.msk [tilespmem:v8+s24+$0x0], $0xffff;
	v7 =	vand.u32 $0xFFFFFE00, v7;
	v4 =	vmul.f32 $1.442695020e+00, v4  }
0x25b: {  	v7 =	vor.u32 v3, v7;
	v3 =	vadd.f32 v19, v5;
	v19 =	vmul.f32 $2.000000030e-01, v22  }
0x25c: {  	v17 =	vadd.f32 v20, v17;
	v5 =	vadd.f32 v20, v1;
	(erf) = vpow2.f32 v4  }
0x25d: {  	v4 =	vor.u32 $0x80, v8;
	v20 =	vmul.f32 $2.000000030e-01, v3;
	v19 =	vmax.f32 v22, v19;
	v22 =	vld [tilespmem:s10+$0x20]  }
0x25e: {  	v29 =	vld.idx.msk [tilespmem:v34+s22+$0x0], $0xffff;
	v24 =	vmul.f32 $2.000000030e-01, v5;
	v21 =	vadd.f32 v18, v21  }
0x25f: {  	s9 =	simm.s32 $0x1C370;
	v37 =	vld.idx.msk [tilespmem:v35+s22+$0x0], $0xffff;
	v25 =	vmul.f32 v2, v13;
	v3 =	vmax.f32 v3, v20;
	v20 =	vmul.f32 $2.000000030e-01, v17  }
0x260: {  	v23 =	vshll.u32 v6, $0x2;
	v18 =	vadd.f32 v18, v1;
	v13 =	vld [tilespmem:s9+$0x20];
	v3 =	vsub.f32 v3, v19  }
0x261: {  	v6 =	vand.u32 $0x7F, v6;
	v5 =	vmax.f32 v5, v24;
	[tilespmem:v7+s5+$0x0] =	vst.idx.add.f32.msk $0xffff, v25;
	v17 =	vmax.f32 v17, v20  }
0x262: {  	v19 =	vmul.f32 $1.442695020e+00, v3;
	v5 =	vsub.f32 v17, v5;
	v3 =	vand.u32 $0xFFFFFE00, v23;
	v20 =	vld.idx.msk [tilespmem:v4+s24+$0x0], $0xffff  }
0x263: {  	v4 =	vmul.f32 $2.000000030e-01, v21;
	v23 =	vmul.f32 $2.000000030e-01, v18;
	v39 =	vor.u32 v6, v3;
	v3 =	vld [tilespmem:s9+$0xFFFFFFE0]  }
0x264: {  	(erf) = vpow2.f32 v19;
	v6 =	vmul.f32 $1.442695020e+00, v5;
	v5 =	vld [tilespmem:s9+$0xFFFFFFF0]  }
0x265: {  	v26 =	vor.u32 $0x80, v7;
	v4 =	vmax.f32 v21, v4;
	v18 =	vmax.f32 v18, v23;
	v23 =	vld.idx.msk [tilespmem:v22+s22+$0x0], $0xffff;
	v17 =	vpop (erf)  }
0x266: {  	v4 =	vsub.f32 v4, v18;
	(erf) = vpow2.f32 v6;
	v6 =	vshll.u32 v11, $0x2;
	[tilespmem:v9+s4+$0x0] =	vst.idx.add.f32.msk $0xffff, v17  }
0x267: {  	v19 =	vand.u32 $0xFFFFFE00, v6;
	v6 =	vld [tilespmem:s10+$0xFFFFFFE0]  }
0x268: {  	v11 =	vand.u32 $0x7F, v11;
	v4 =	vmul.f32 $1.442695020e+00, v4;
	v28 =	vld.idx.msk [tilespmem:v13+s31+$0x0], $0xffff  }
0x269: {  	v20 =	vmul.f32 v2, v20;
	v18 =	vld.idx.msk [tilespmem:v39+s24+$0x0], $0xffff;
	v24 =	vor.u32 v11, v19;
	v19 =	vshll.u32 v9, $0x2  }
0x26a: {  	v11 =	vld [tilespmem:s10+$0xFFFFFFF0];
	v9 =	vand.u32 $0x7F, v9;
	v19 =	vand.u32 $0xFFFFFE00, v19  }
0x26b: {  	[tilespmem:v26+s5+$0x0] =	vst.idx.add.f32.msk $0xffff, v20;
	v31 =	vor.u32 v9, v19  }
0x26c: {  	v25 =	vshll.u32 v14, $0x2;
	(erf) = vpow2.f32 v4;
	v21 =	vld.idx.msk [tilespmem:v3+s31+$0x0], $0xffff  }
0x26d: {  	v9 =	vand.u32 $0x7F, v14;
	v14 =	vand.u32 $0xFFFFFE00, v25;
	v41 =	vld.idx.msk [tilespmem:v5+s31+$0x0], $0xffff;
	v4 =	vpop (erf)  }
0x26e: {  	v25 =	vor.u32 $0x80, v39;
	v27 =	vor.u32 v9, v14;
	v9 =	vmul.f32 v17, v18;
	[tilespmem:v12+s4+$0x0] =	vst.idx.add.f32.msk $0xffff, v4  }
0x26f: {  	v18 =	vshll.u32 v16, $0x2;
	v14 =	vld.idx.msk [tilespmem:v24+s24+$0x0], $0xffff  }
0x270: {  	v16 =	vand.u32 $0x7F, v16;
	v18 =	vand.u32 $0xFFFFFE00, v18;
	[tilespmem:v31+s5+$0x0] =	vst.idx.add.f32.msk $0xffff, v9;
	v9 =	vshll.u32 v12, $0x2  }
0x271: {  	v19 =	vpop (erf);
	v36 =	vor.u32 v16, v18;
	v12 =	vand.u32 $0x7F, v12;
	v42 =	vld.idx.msk [tilespmem:v6+s22+$0x0], $0xffff;
	v16 =	vand.u32 $0xFFFFFE00, v9  }
0x272: {  	[tilespmem:v15+s4+$0x0] =	vst.idx.add.f32.msk $0xffff, v19;
	v12 =	vor.u32 v12, v16  }
0x273: {  	v18 =	vshll.u32 v15, $0x2;
	v25 =	vld.idx.msk [tilespmem:v25+s24+$0x0], $0xffff  }
0x274: {  	v58 =	vor.u32 $0x80, v24;
	v18 =	vand.u32 $0xFFFFFE00, v18;
	v15 =	vand.u32 $0x7F, v15;
	v57 =	vld.idx.msk [tilespmem:v27+s24+$0x0], $0xffff  }
0x275: {  	v61 =	vor.u32 $0x80, v31;
	v32 =	vor.u32 v15, v18;
	v18 =	vld [tilespmem:s9+$0x10];
	v9 =	vpop (erf);
	v14 =	vmul.f32 v4, v14  }
0x276: {  	v60 =	vshll.u32 v22, $0x2;
	[tilespmem:v10+s4+$0x0] =	vst.idx.add.f32.msk $0xffff, v9  }
0x277: {  	v33 =	vand.u32 $0xFFFFFE00, v60;
	[tilespmem:v12+s5+$0x0] =	vst.idx.add.f32.msk $0xffff, v14;
	v14 =	vor.u32 $0x100, v8  }
0x278: {  	v63 =	vor.u32 $0x100, v39;
	v62 =	vshll.u32 v3, $0x2;
	v20 =	vld.idx.msk [tilespmem:v36+s24+$0x0], $0xffff;
	v25 =	vmul.f32 v17, v25  }
0x279: {  	v26 =	vshll.u32 v10, $0x2;
	v15 =	vor.u32 $0x80, v27;
	v16 =	vmul.f32 v19, v57;
	v38 =	vld.idx.msk [tilespmem:v58+s24+$0x0], $0xffff  }
0x27a: {  	v43 =	vor.u32 $0x100, v24;
	v52 =	vadd.f32 v28, v23;
	v53 =	vadd.f32 v28, v1;
	[tilespmem:v61+s5+$0x0] =	vst.idx.add.f32.msk $0xffff, v25  }
0x27b: {  	v59 =	vand.u32 $0xFFFFFE00, v26;
	v26 =	vshll.u32 v13, $0x2;
	v39 =	vor.u32 $0x180, v39;
	[tilespmem:v32+s5+$0x0] =	vst.idx.add.f32.msk $0xffff, v16  }
0x27c: {  	v55 =	vmul.f32 $2.000000030e-01, v53;
	v10 =	vand.u32 $0x7F, v10;
	v46 =	vld.idx.msk [tilespmem:v14+s24+$0x0], $0xffff;
	v14 =	vmul.f32 $2.000000030e-01, v52  }
0x27d: {  	v26 =	vand.u32 $0xFFFFFE00, v26;
	v48 =	vor.u32 $0x100, v31;
	v28 =	vor.u32 v10, v59;
	v16 =	vld [tilespmem:s9+$0x0]  }
0x27e: {  	v56 =	vor.u32 $0x80, v36;
	v25 =	vmax.f32 v53, v55;
	v15 =	vld.idx.msk [tilespmem:v15+s24+$0x0], $0xffff;
	v14 =	vmax.f32 v52, v14  }
0x27f: {  	v30 =	vld.idx.msk [tilespmem:v11+s22+$0x0], $0xffff;
	v10 =	vand.u32 $0xFFFFFE00, v62;
	v62 =	vor.u32 $0x80, v12;
	v25 =	vsub.f32 v14, v25  }
0x280: {  	v23 =	vshll.u32 v34, $0x2;
	v54 =	vor.u32 $0x80, v32;
	v59 =	vld.idx.msk [tilespmem:v63+s24+$0x0], $0xffff;
	v20 =	vmul.f32 v9, v20  }
0x281: {  	v60 =	vor.u32 $0x100, v27;
	v49 =	vor.u32 $0x100, v36;
	v45 =	vld.idx.msk [tilespmem:v18+s31+$0x0], $0xffff;
	v61 =	vmul.f32 $1.442695020e+00, v25  }
0x282: {  	v47 =	vor.u32 $0x80, v28;
	v57 =	vshll.u32 v5, $0x2;
	[tilespmem:v28+s5+$0x0] =	vst.idx.add.f32.msk $0xffff, v20;
	v63 =	vmul.f32 v4, v38  }
0x283: {  	v20 =	vshll.u32 v18, $0x2;
	v50 =	vld.idx.msk [tilespmem:v56+s24+$0x0], $0xffff;
	v58 =	vmul.f32 v19, v15;
	(erf) = vpow2.f32 v61  }
0x284: {  	v38 =	vand.u32 $0x7F, v34;
	v34 =	vand.u32 $0x7F, v35;
	v35 =	vshll.u32 v35, $0x2;
	[tilespmem:v62+s5+$0x0] =	vst.idx.add.f32.msk $0xffff, v63  }
0x285: {  	v51 =	vmul.f32 v17, v59;
	v35 =	vand.u32 $0xFFFFFE00, v35;
	v15 =	vshll.u32 v6, $0x2;
	[tilespmem:v54+s5+$0x0] =	vst.idx.add.f32.msk $0xffff, v58  }
0x286: {  	v14 =	vand.u32 $0xFFFFFE00, v57;
	v25 =	vand.u32 $0xFFFFFE00, v20;
	v20 =	vshll.u32 v16, $0x2;
	v44 =	vld.idx.msk [tilespmem:v16+s31+$0x0], $0xffff  }
0x287: {  	s11 =	simm.s32 $0x5;
	v15 =	vand.u32 $0xFFFFFE00, v15;
	v40 =	vmul.f32 v2, v46;
	v20 =	vand.u32 $0xFFFFFE00, v20;
	v46 =	vld.idx.msk [tilespmem:v60+s24+$0x0], $0xffff  }
.LBB2_10:
0x288: {  	s11 =	sadd.s32 $0x5, s11;
	v50 =	vmul.f32 v9, v50;
	v52 =	vor.u32 $0x100, v28;
	v28 =	vor.u32 $0x180, v28;
	v43 =	vld.idx.msk [tilespmem:v43+s24+$0x0], $0xffff  }
0x289: {  	v53 =	vor.u32 $0x100, v12;
	v54 =	vor.u32 $0x100, v32;
	p0 =	slt.u32 s11, $0xF5;
	[tilespmem:v48+s5+$0x0] =	vst.idx.add.f32.msk $0xffff, v51;
	v48 =	vor.u32 $0x180, v7  }
0x28a: {  	v22 =	vand.u32 $0x7F, v22;
	v27 =	vor.u32 $0x180, v27;
	[tilespmem:v47+s5+$0x0] =	vst.idx.add.f32.msk $0xffff, v50;
	v47 =	vor.u32 $0x100, v7  }
0x28b: {  	v31 =	vor.u32 $0x180, v31;
	v7 =	vor.u32 v22, v33;
	v33 =	vor.u32 $0x180, v36;
	v22 =	vld.idx.msk [tilespmem:v49+s24+$0x0], $0xffff  }
0x28c: {  	v36 =	vadd.f32 v45, v1;
	v46 =	vmul.f32 v19, v46;
	v50 =	vor.u32 $0x180, v8;
	v49 =	vpop (erf);
	v39 =	vld.idx.msk [tilespmem:v39+s24+$0x0], $0xffff  }
0x28d: {  	v29 =	vadd.f32 v45, v29;
	v45 =	vand.u32 $0x7F, v13;
	v8 =	vmovc v7;
	[tilespmem:v13+s4+$0x0] =	vst.idx.add.f32.msk $0xffff, v49;
	v13 =	vor.u32 $0x180, v24  }
0x28e: {  	v32 =	vor.u32 $0x180, v32;
	v51 =	vmul.f32 $2.000000030e-01, v36;
	v24 =	vadd.f32 v44, v1;
	[tilespmem:v54+s5+$0x0] =	vst.idx.add.f32.msk $0xffff, v46  }
0x28f: {  	v37 =	vadd.f32 v44, v37;
	v44 =	vmul.f32 $2.000000030e-01, v29;
	v43 =	vmul.f32 v4, v43;
	v27 =	vld.idx.msk [tilespmem:v27+s24+$0x0], $0xffff  }
0x290: {  	v46 =	vadd.f32 v41, v1;
	v36 =	vmax.f32 v36, v51;
	v51 =	vld.idx.msk [tilespmem:v7+s24+$0x0], $0xffff;
	v7 =	vor.u32 v45, v26  }
0x291: {  	v29 =	vmax.f32 v29, v44;
	v26 =	vadd.f32 v41, v30;
	v30 =	vor.u32 $0x80, v8;
	[tilespmem:v53+s5+$0x0] =	vst.idx.add.f32.msk $0xffff, v43  }
0x292: {  	v41 =	vadd.f32 v21, v42;
	v42 =	vmul.f32 $2.000000030e-01, v46;
	v17 =	vmul.f32 v39, v17;
	v43 =	vld.idx.msk [tilespmem:v13+s24+$0x0], $0xffff  }
0x293: {  	v21 =	vadd.f32 v21, v1;
	v22 =	vmul.f32 v9, v22;
	v13 =	vmul.f32 $2.000000030e-01, v26;
	[tilespmem:v47+s5+$0x0] =	vst.idx.add.f32.msk $0xffff, v40  }
0x294: {  	v29 =	vsub.f32 v29, v36;
	v39 =	vmul.f32 $2.000000030e-01, v41;
	v40 =	vmul.f32 $2.000000030e-01, v24;
	v36 =	vld.idx.msk [tilespmem:v50+s24+$0x0], $0xffff  }
0x295: {  	v13 =	vmax.f32 v26, v13;
	v26 =	vmax.f32 v46, v42;
	v42 =	vmul.f32 $2.000000030e-01, v37;
	[tilespmem:v52+s5+$0x0] =	vst.idx.add.f32.msk $0xffff, v22  }
0x296: {  	s9 =	sadd.s32 $0x50, s9;
	v39 =	vmax.f32 v41, v39;
	v19 =	vmul.f32 v27, v19;
	v22 =	vsub.f32 v13, v26;
	v33 =	vld.idx.msk [tilespmem:v33+s24+$0x0], $0xffff  }
0x297: {  	v27 =	vmul.f32 $1.442695020e+00, v29;
	v24 =	vmax.f32 v24, v40;
	v26 =	vmax.f32 v37, v42;
	v13 =	vld [tilespmem:s9+$0x20]  }
0x298: {  	v22 =	vmul.f32 $1.442695020e+00, v22;
	v24 =	vsub.f32 v26, v24;
	v26 =	vmul.f32 v49, v51;
	[tilespmem:v31+s5+$0x0] =	vst.idx.add.f32.msk $0xffff, v17  }
0x299: {  	v12 =	vor.u32 $0x180, v12;
	v17 =	vmul.f32 $2.000000030e-01, v21;
	(erf) = vpow2.f32 v27;
	[tilespmem:v32+s5+$0x0] =	vst.idx.add.f32.msk $0xffff, v19  }
0x29a: {  	s10 =	sadd.s32 $0x50, s10;
	v19 =	vand.u32 $0xFFFFFE00, v23;
	v23 =	vmul.f32 v36, v2;
	v2 =	vmovc v49;
	[tilespmem:v7+s5+$0x0] =	vst.idx.add.f32.msk $0xffff, v26;
	(erf) = vpow2.f32 v22  }
0x29b: {  	v4 =	vmul.f32 v43, v4;
	v17 =	vmax.f32 v21, v17;
	v21 =	vmul.f32 $1.442695020e+00, v24;
	v22 =	vld [tilespmem:s10+$0x20]  }
0x29c: {  	v17 =	vsub.f32 v39, v17;
	v39 =	vor.u32 v38, v19;
	v24 =	vshll.u32 v13, $0x2;
	v19 =	vld.idx.msk [tilespmem:v30+s24+$0x0], $0xffff  }
0x29d: {  	v9 =	vmul.f32 v33, v9;
	v26 =	vand.u32 $0xFFFFFE00, v24;
	[tilespmem:v48+s5+$0x0] =	vst.idx.add.f32.msk $0xffff, v23  }
0x29e: {  	v29 =	vmul.f32 $1.442695020e+00, v17;
	v17 =	vshll.u32 v11, $0x2;
	[tilespmem:v12+s5+$0x0] =	vst.idx.add.f32.msk $0xffff, v4  }
0x29f: {  	v4 =	vand.u32 $0x7F, v11;
	v11 =	vand.u32 $0xFFFFFE00, v17;
	[tilespmem:v28+s5+$0x0] =	vst.idx.add.f32.msk $0xffff, v9  }
0x2a0: {  	v27 =	vor.u32 v34, v35;
	v24 =	vor.u32 v4, v11;
	v28 =	vld [tilespmem:s9+$0xFFFFFFE0];
	v9 =	vshll.u32 v22, $0x2  }
0x2a1: {  	v34 =	vld [tilespmem:s10+$0x10];
	v33 =	vand.u32 $0xFFFFFE00, v9  }
0x2a2: {  	v37 =	vmul.f32 v2, v19;
	v12 =	vld [tilespmem:s9+$0xFFFFFFF0];
	v17 =	vpop (erf)  }
0x2a3: {  	[tilespmem:v18+s4+$0x0] =	vst.idx.add.f32.msk $0xffff, v17;
	v4 =	vpop (erf);
	(erf) = vpow2.f32 v21  }
0x2a4: {  	v35 =	vld [tilespmem:s10+$0x0]  }
0x2a5: {  	v9 =	vshll.u32 v28, $0x2;
	v19 =	vld.idx.msk [tilespmem:v39+s24+$0x0], $0xffff  }
0x2a6: {  	v40 =	vor.u32 $0x80, v39;
	v30 =	vld [tilespmem:s10+$0xFFFFFFE0];
	v38 =	vand.u32 $0xFFFFFE00, v9;
	v23 =	vshll.u32 v34, $0x2  }
0x2a7: {  	v11 =	vld [tilespmem:s10+$0xFFFFFFF0];
	v9 =	vshll.u32 v12, $0x2  }
0x2a8: {  	v21 =	vld.idx.msk [tilespmem:v28+s31+$0x0], $0xffff;
	v41 =	vand.u32 $0xFFFFFE00, v9;
	(erf) = vpow2.f32 v29  }
0x2a9: {  	v9 =	vand.u32 $0x7F, v18;
	v42 =	vld.idx.msk [tilespmem:v22+s22+$0x0], $0xffff  }
0x2aa: {  	v31 =	vor.u32 v9, v25;
	v29 =	vld.idx.msk [tilespmem:v34+s22+$0x0], $0xffff  }
0x2ab: {  	v18 =	vmul.f32 v17, v19;
	v9 =	vshll.u32 v30, $0x2;
	[tilespmem:v5+s4+$0x0] =	vst.idx.add.f32.msk $0xffff, v4  }
0x2ac: {  	v44 =	vor.u32 $0x80, v24;
	v9 =	vand.u32 $0xFFFFFE00, v9;
	v25 =	vld.idx.msk [tilespmem:v24+s24+$0x0], $0xffff;
	v19 =	vpop (erf)  }
0x2ad: {  	v45 =	vor.u32 $0x80, v27;
	[tilespmem:v16+s4+$0x0] =	vst.idx.add.f32.msk $0xffff, v19  }
0x2ae: {  	v43 =	vld.idx.msk [tilespmem:v13+s31+$0x0], $0xffff  }
0x2af: {  	v32 =	vand.u32 $0x7F, v6;
	v6 =	vmov v30;
	[tilespmem:v31+s5+$0x0] =	vst.idx.add.f32.msk $0xffff, v18;
	v18 =	vor.u32 $0x80, v7  }
0x2b0: {  	v36 =	vor.u32 v32, v15;
	v15 =	vmov v9;
	v30 =	vld.idx.msk [tilespmem:v11+s22+$0x0], $0xffff  }
0x2b1: {  	v46 =	vld.idx.msk [tilespmem:v27+s24+$0x0], $0xffff;
	v9 =	vpop (erf)  }
0x2b2: {  	v32 =	vand.u32 $0x7F, v5;
	v5 =	vmov v12;
	v16 =	vand.u32 $0x7F, v16;
	[tilespmem:v3+s4+$0x0] =	vst.idx.add.f32.msk $0xffff, v9  }
0x2b3: {  	v12 =	vor.u32 v32, v14;
	v14 =	vmovc v41;
	v32 =	vor.u32 v16, v20;
	v20 =	vor.u32 $0x100, v39;
	v16 =	vld.idx.msk [tilespmem:v40+s24+$0x0], $0xffff  }
0x2b4: {  	v25 =	vmul.f32 v4, v25;
	v40 =	vadd.f32 v43, v42;
	[tilespmem:v18+s5+$0x0] =	vst.idx.add.f32.msk $0xffff, v37  }
0x2b5: {  	v41 =	vadd.f32 v43, v1;
	v43 =	vor.u32 $0x100, v24;
	v42 =	vld.idx.msk [tilespmem:v36+s24+$0x0], $0xffff  }
0x2b6: {  	v47 =	vmul.f32 $2.000000030e-01, v40;
	v18 =	vld [tilespmem:s9+$0x10]  }
0x2b7: {  	v48 =	vmul.f32 $2.000000030e-01, v41;
	v46 =	vmul.f32 v19, v46;
	v37 =	vld.idx.msk [tilespmem:v35+s22+$0x0], $0xffff  }
0x2b8: {  	v49 =	vor.u32 $0x100, v27;
	v40 =	vmax.f32 v40, v47;
	v47 =	vor.u32 $0x100, v8;
	[tilespmem:v12+s5+$0x0] =	vst.idx.add.f32.msk $0xffff, v25  }
0x2b9: {  	v25 =	vmax.f32 v41, v48;
	[tilespmem:v32+s5+$0x0] =	vst.idx.add.f32.msk $0xffff, v46;
	v46 =	vmul.f32 v17, v16  }
0x2ba: {  	v48 =	vor.u32 $0x80, v31;
	v40 =	vsub.f32 v40, v25;
	v45 =	vld.idx.msk [tilespmem:v45+s24+$0x0], $0xffff  }
0x2bb: {  	v41 =	vand.u32 $0x7F, v3;
	v3 =	vmov v28;
	v16 =	vld [tilespmem:s9+$0x0];
	v25 =	vshll.u32 v18, $0x2  }
0x2bc: {  	v28 =	vor.u32 v41, v10;
	v10 =	vmovc v38;
	v51 =	vmul.f32 $1.442695020e+00, v40;
	v25 =	vand.u32 $0xFFFFFE00, v25;
	v40 =	vld.idx.msk [tilespmem:v44+s24+$0x0], $0xffff  }
0x2bd: {  	v38 =	vor.u32 $0x80, v32;
	v44 =	vld.idx.msk [tilespmem:v47+s24+$0x0], $0xffff  }
0x2be: {  	v47 =	vor.u32 $0x80, v36;
	v41 =	vld.idx.msk [tilespmem:v5+s31+$0x0], $0xffff  }
0x2bf: {  	v42 =	vmul.f32 v9, v42;
	[tilespmem:v48+s5+$0x0] =	vst.idx.add.f32.msk $0xffff, v46  }
0x2c0: {  	v45 =	vmul.f32 v19, v45;
	v46 =	vshll.u32 v16, $0x2;
	v52 =	vld.idx.msk [tilespmem:v20+s24+$0x0], $0xffff  }
0x2c1: {  	v20 =	vand.u32 $0xFFFFFE00, v46;
	[tilespmem:v28+s5+$0x0] =	vst.idx.add.f32.msk $0xffff, v42  }
0x2c2: {  	v53 =	vmul.f32 v4, v40;
	[tilespmem:v38+s5+$0x0] =	vst.idx.add.f32.msk $0xffff, v45  }
0x2c3: {  	v54 =	vor.u32 $0x80, v12;
	v40 =	vmul.f32 v2, v44;
	v50 =	vld.idx.msk [tilespmem:v47+s24+$0x0], $0xffff  }
.Ltmp4:
0x2c4: {  	v42 =	vld.idx.msk [tilespmem:v6+s22+$0x0], $0xffff;
	(erf) = vpow2.f32 v51;
	(pc) =	sbr.rel @p0 .LBB2_10-.Ltmp4, $4  }
0x2c5: {  	v48 =	vor.u32 $0x100, v31;
	v38 =	vand.u32 $0x7F, v34;
	v45 =	vld.idx.msk [tilespmem:v18+s31+$0x0], $0xffff  }
0x2c6: {  	v47 =	vor.u32 $0x80, v28;
	v51 =	vmul.f32 v17, v52;
	v46 =	vld.idx.msk [tilespmem:v49+s24+$0x0], $0xffff  }
0x2c7: {  	v34 =	vand.u32 $0x7F, v35;
	v35 =	vshll.u32 v35, $0x2;
	v49 =	vor.u32 $0x100, v36;
	v44 =	vld.idx.msk [tilespmem:v16+s31+$0x0], $0xffff  }
0x2c8: {  	v39 =	vor.u32 $0x180, v39;
	v35 =	vand.u32 $0xFFFFFE00, v35;
	[tilespmem:v54+s5+$0x0] =	vst.idx.add.f32.msk $0xffff, v53  }
0x2c9: {  	_ = 	snop  }
0x2ca: {  	v50 =	vmul.f32 v9, v50;
	v52 =	vor.u32 $0x100, v28;
	v53 =	vor.u32 $0x100, v12  }
0x2cb: {  	v54 =	vor.u32 $0x100, v32;
	v22 =	vand.u32 $0x7F, v22;
	v27 =	vor.u32 $0x180, v27  }
0x2cc: {  	v55 =	vor.u32 $0x100, v7;
	v36 =	vor.u32 $0x180, v36;
	v29 =	vadd.f32 v45, v29  }
0x2cd: {  	v31 =	vor.u32 $0x180, v31;
	[tilespmem:v48+s5+$0x0] =	vst.idx.add.f32.msk $0xffff, v51;
	v48 =	vor.u32 $0x180, v8;
	v61 =	vadd.f32 v45, v1  }
0x2ce: {  	v59 =	vadd.f32 v41, v1;
	v30 =	vadd.f32 v41, v30;
	v8 =	vmul.f32 $2.000000030e-01, v29  }
0x2cf: {  	v43 =	vld.idx.msk [tilespmem:v43+s24+$0x0], $0xffff;
	v42 =	vadd.f32 v21, v42;
	v21 =	vadd.f32 v21, v1;
	v63 =	vmul.f32 $2.000000030e-01, v61  }
0x2d0: {  	v56 =	vand.u32 $0x7F, v13;
	v22 =	vor.u32 v22, v33;
	v62 =	vmul.f32 v19, v46;
	[tilespmem:v47+s5+$0x0] =	vst.idx.add.f32.msk $0xffff, v50  }
0x2d1: {  	v39 =	vld.idx.msk [tilespmem:v39+s24+$0x0], $0xffff;
	v57 =	vadd.f32 v44, v1;
	v33 =	vmax.f32 v61, v63;
	v29 =	vmax.f32 v29, v8  }
0x2d2: {  	v51 =	vmul.f32 $2.000000030e-01, v21;
	v58 =	vld.idx.msk [tilespmem:v49+s24+$0x0], $0xffff;
	v37 =	vadd.f32 v44, v37;
	v29 =	vsub.f32 v29, v33;
	v8 =	vpop (erf)  }
0x2d3: {  	v61 =	vmul.f32 $2.000000030e-01, v30;
	[tilespmem:v13+s4+$0x0] =	vst.idx.add.f32.msk $0xffff, v8;
	v13 =	vor.u32 v56, v26;
	v26 =	vmul.f32 $2.000000030e-01, v59  }
0x2d4: {  	v24 =	vor.u32 $0x180, v24;
	[tilespmem:v54+s5+$0x0] =	vst.idx.add.f32.msk $0xffff, v62;
	v62 =	vmul.f32 $2.000000030e-01, v57;
	v29 =	vmul.f32 $1.442695020e+00, v29  }
0x2d5: {  	v63 =	vmul.f32 $2.000000030e-01, v37;
	[tilespmem:v55+s5+$0x0] =	vst.idx.add.f32.msk $0xffff, v40;
	v30 =	vmax.f32 v30, v61;
	v26 =	vmax.f32 v59, v26  }
0x2d6: {  	v21 =	vmax.f32 v21, v51;
	v27 =	vld.idx.msk [tilespmem:v27+s24+$0x0], $0xffff;
	(erf) = vpow2.f32 v29;
	v26 =	vsub.f32 v30, v26  }
0x2d7: {  	v60 =	vmul.f32 v4, v43;
	v40 =	vld.idx.msk [tilespmem:v48+s24+$0x0], $0xffff;
	v50 =	vmax.f32 v57, v62;
	v30 =	vmax.f32 v37, v63  }
0x2d8: {  	v49 =	vld.idx.msk [tilespmem:v22+s24+$0x0], $0xffff;
	v29 =	vmul.f32 $2.000000030e-01, v42;
	v30 =	vsub.f32 v30, v50;
	v26 =	vmul.f32 $1.442695020e+00, v26  }
0x2d9: {  	v17 =	vmul.f32 v39, v17;
	[tilespmem:v53+s5+$0x0] =	vst.idx.add.f32.msk $0xffff, v60;
	v53 =	vor.u32 $0x180, v32;
	v54 =	vmul.f32 v9, v58  }
0x2da: {  	v24 =	vld.idx.msk [tilespmem:v24+s24+$0x0], $0xffff;
	v29 =	vmax.f32 v42, v29;
	(erf) = vpow2.f32 v26;
	v26 =	vmul.f32 $1.442695020e+00, v30  }
0x2db: {  	v23 =	vand.u32 $0xFFFFFE00, v23;
	[tilespmem:v31+s5+$0x0] =	vst.idx.add.f32.msk $0xffff, v17;
	v21 =	vsub.f32 v29, v21  }
0x2dc: {  	v23 =	vor.u32 v38, v23;
	[tilespmem:v52+s5+$0x0] =	vst.idx.add.f32.msk $0xffff, v54;
	v19 =	vmul.f32 v27, v19;
	(erf) = vpow2.f32 v26  }
0x2dd: {  	v29 =	vld.idx.msk [tilespmem:v36+s24+$0x0], $0xffff;
	v27 =	vmul.f32 v8, v49;
	v26 =	vor.u32 $0x80, v22  }
0x2de: {  	v7 =	vor.u32 $0x180, v7;
	v2 =	vmul.f32 v40, v2;
	[tilespmem:v53+s5+$0x0] =	vst.idx.add.f32.msk $0xffff, v19;
	v19 =	vshll.u32 v11, $0x2  }
0x2df: {  	v11 =	vand.u32 $0x7F, v11;
	v19 =	vand.u32 $0xFFFFFE00, v19;
	v17 =	vmul.f32 $1.442695020e+00, v21;
	[tilespmem:v13+s5+$0x0] =	vst.idx.add.f32.msk $0xffff, v27;
	v21 =	vpop (erf)  }
0x2e0: {  	v11 =	vor.u32 v11, v19;
	[tilespmem:v18+s4+$0x0] =	vst.idx.add.f32.msk $0xffff, v21  }
0x2e1: {  	(erf) = vpow2.f32 v17;
	v17 =	vld.idx.msk [tilespmem:v23+s24+$0x0], $0xffff  }
0x2e2: {  	v18 =	vand.u32 $0x7F, v18;
	v19 =	vld.idx.msk [tilespmem:v26+s24+$0x0], $0xffff;
	v26 =	vor.u32 v34, v35  }
0x2e3: {  	[tilespmem:v7+s5+$0x0] =	vst.idx.add.f32.msk $0xffff, v2;
	v7 =	vor.u32 v18, v25;
	v2 =	vpop (erf)  }
0x2e4: {  	v18 =	vor.u32 $0x80, v23;
	[tilespmem:v5+s4+$0x0] =	vst.idx.add.f32.msk $0xffff, v2  }
0x2e5: {  	v30 =	vor.u32 $0x80, v13;
	v25 =	vld.idx.msk [tilespmem:v11+s24+$0x0], $0xffff;
	v27 =	vpop (erf)  }
0x2e6: {  	v6 =	vand.u32 $0x7F, v6;
	v17 =	vmul.f32 v21, v17;
	[tilespmem:v16+s4+$0x0] =	vst.idx.add.f32.msk $0xffff, v27  }
0x2e7: {  	v6 =	vor.u32 v6, v15;
	v5 =	vand.u32 $0x7F, v5;
	v15 =	vld.idx.msk [tilespmem:v26+s24+$0x0], $0xffff  }
0x2e8: {  	v5 =	vor.u32 v5, v14;
	v16 =	vand.u32 $0x7F, v16;
	v14 =	vmul.f32 v8, v19;
	[tilespmem:v7+s5+$0x0] =	vst.idx.add.f32.msk $0xffff, v17  }
0x2e9: {  	v16 =	vor.u32 v16, v20;
	v18 =	vld.idx.msk [tilespmem:v18+s24+$0x0], $0xffff  }
0x2ea: {  	v19 =	vor.u32 $0x80, v26;
	[tilespmem:v30+s5+$0x0] =	vst.idx.add.f32.msk $0xffff, v14;
	v17 =	vpop (erf)  }
0x2eb: {  	v20 =	vor.u32 $0x80, v11;
	[tilespmem:v3+s4+$0x0] =	vst.idx.add.f32.msk $0xffff, v17;
	v25 =	vmul.f32 v2, v25  }
0x2ec: {  	v30 =	vor.u32 $0x80, v7;
	v14 =	vld.idx.msk [tilespmem:v6+s24+$0x0], $0xffff;
	v15 =	vmul.f32 v27, v15  }
0x2ed: {  	v31 =	vor.u32 $0x100, v23;
	v3 =	vand.u32 $0x7F, v3;
	[tilespmem:v5+s5+$0x0] =	vst.idx.add.f32.msk $0xffff, v25  }
0x2ee: {  	v3 =	vor.u32 v3, v10;
	[tilespmem:v16+s5+$0x0] =	vst.idx.add.f32.msk $0xffff, v15  }
0x2ef: {  	v10 =	vmul.f32 v21, v18;
	v18 =	vor.u32 $0x80, v6;
	v15 =	vld.idx.msk [tilespmem:v19+s24+$0x0], $0xffff  }
0x2f0: {  	v20 =	vld.idx.msk [tilespmem:v20+s24+$0x0], $0xffff;
	v19 =	vor.u32 $0x100, v22  }
0x2f1: {  	v25 =	vor.u32 $0x80, v16;
	[tilespmem:v30+s5+$0x0] =	vst.idx.add.f32.msk $0xffff, v10;
	v14 =	vmul.f32 v17, v14  }
0x2f2: {  	v10 =	vor.u32 $0x100, v26;
	v30 =	vld.idx.msk [tilespmem:v31+s24+$0x0], $0xffff  }
0x2f3: {  	[tilespmem:v3+s5+$0x0] =	vst.idx.add.f32.msk $0xffff, v14;
	v14 =	vor.u32 $0x80, v5  }
0x2f4: {  	v31 =	vor.u32 $0x100, v11;
	v18 =	vld.idx.msk [tilespmem:v18+s24+$0x0], $0xffff;
	v15 =	vmul.f32 v27, v15  }
0x2f5: {  	v56 =	vor.u32 $0x100, v7;
	v19 =	vld.idx.msk [tilespmem:v19+s24+$0x0], $0xffff  }
0x2f6: {  	v20 =	vmul.f32 v2, v20;
	[tilespmem:v25+s5+$0x0] =	vst.idx.add.f32.msk $0xffff, v15;
	v15 =	vor.u32 $0x80, v3  }
0x2f7: {  	v25 =	vor.u32 $0x100, v6;
	v10 =	vld.idx.msk [tilespmem:v10+s24+$0x0], $0xffff  }
0x2f8: {  	v30 =	vmul.f32 v21, v30;
	[tilespmem:v14+s5+$0x0] =	vst.idx.add.f32.msk $0xffff, v20;
	v14 =	vor.u32 $0x180, v23  }
0x2f9: {  	v23 =	vor.u32 $0x100, v16;
	v18 =	vmul.f32 v17, v18;
	v20 =	vld.idx.msk [tilespmem:v31+s24+$0x0], $0xffff  }
0x2fa: {  	v26 =	vor.u32 $0x180, v26;
	[tilespmem:v56+s5+$0x0] =	vst.idx.add.f32.msk $0xffff, v30  }
0x2fb: {  	v30 =	vor.u32 $0x100, v5;
	[tilespmem:v15+s5+$0x0] =	vst.idx.add.f32.msk $0xffff, v18  }
0x2fc: {  	v18 =	vor.u32 $0x100, v13;
	v15 =	vld.idx.msk [tilespmem:v25+s24+$0x0], $0xffff;
	v10 =	vmul.f32 v27, v10  }
0x2fd: {  	v11 =	vor.u32 $0x180, v11;
	v14 =	vld.idx.msk [tilespmem:v14+s24+$0x0], $0xffff  }
0x2fe: {  	v22 =	vor.u32 $0x180, v22;
	[tilespmem:v23+s5+$0x0] =	vst.idx.add.f32.msk $0xffff, v10;
	v10 =	vmul.f32 v2, v20  }
0x2ff: {  	v19 =	vmul.f32 v8, v19;
	v20 =	vor.u32 $0x100, v3;
	v23 =	vld.idx.msk [tilespmem:v26+s24+$0x0], $0xffff  }
0x300: {  	v6 =	vor.u32 $0x180, v6;
	[tilespmem:v30+s5+$0x0] =	vst.idx.add.f32.msk $0xffff, v10  }
0x301: {  	v10 =	vor.u32 $0x180, v12;
	[tilespmem:v18+s5+$0x0] =	vst.idx.add.f32.msk $0xffff, v19  }
0x302: {  	v12 =	vor.u32 $0x180, v28;
	v11 =	vld.idx.msk [tilespmem:v11+s24+$0x0], $0xffff;
	v15 =	vmul.f32 v17, v15  }
0x303: {  	v7 =	vor.u32 $0x180, v7;
	v18 =	vld.idx.msk [tilespmem:v22+s24+$0x0], $0xffff  }
0x304: {  	v4 =	vmul.f32 v24, v4;
	v16 =	vor.u32 $0x180, v16;
	[tilespmem:v20+s5+$0x0] =	vst.idx.add.f32.msk $0xffff, v15  }
0x305: {  	v9 =	vmul.f32 v29, v9;
	v5 =	vor.u32 $0x180, v5;
	v6 =	vld.idx.msk [tilespmem:v6+s24+$0x0], $0xffff  }
0x306: {  	v13 =	vor.u32 $0x180, v13;
	[tilespmem:v10+s5+$0x0] =	vst.idx.add.f32.msk $0xffff, v4;
	v4 =	vmul.f32 v14, v21  }
0x307: {  	v3 =	vor.u32 $0x180, v3;
	[tilespmem:v12+s5+$0x0] =	vst.idx.add.f32.msk $0xffff, v9;
	v9 =	vmul.f32 v23, v27  }
0x308: {  	v2 =	vmul.f32 v11, v2;
	[tilespmem:v7+s5+$0x0] =	vst.idx.add.f32.msk $0xffff, v4  }
0x309: {  	v4 =	vmul.f32 v18, v8;
	[tilespmem:v16+s5+$0x0] =	vst.idx.add.f32.msk $0xffff, v9  }
0x30a: {  	[tilespmem:v5+s5+$0x0] =	vst.idx.add.f32.msk $0xffff, v2;
	v6 =	vmul.f32 v6, v17  }
0x30b: {  	[tilespmem:v13+s5+$0x0] =	vst.idx.add.f32.msk $0xffff, v4  }
0x30c: {  	[tilespmem:v3+s5+$0x0] =	vst.idx.add.f32.msk $0xffff, v6  }
0x30d: {  	s9 =	rddreg [dreg:$0x10]  }
0x30e: {  	[tilespmem:s26], [sflag:$0x1] =	stream.linear.gather [hbm4b:s9+s22], $0xFA0, $0x38;
	[tilespmem:$0x1F300] =	vst v63  }
0x30f: {  	s10 =	rddreg [dreg:$0x11]  }
0x310: {  	[tilespmem:s0], [sflag:$0x1] =	stream.linear.gather [hbm4b:s10+s22], $0xFA0, $0x38;
	[tilespmem:$0x1F300] =	vst v63  }
0x311: {  	_ =	swait.ge [sflag:s6], $0xFA0  }
0x312: {  	[sflag:s6] =	ssyncset.done $0x0  }
0x313: {  	[sflag:s6] =	ssyncadd.s32 $0xFFFFF060  }
0x314: {  	_ =	swait.ge [sflag:s6], $0xFA0  }
0x315: {  	[sflag:s6] =	ssyncset.done $0x0  }
0x316: {  	s11 =	simm.s32 $0x1D320;
	[sflag:s6] =	ssyncadd.s32 $0xFFFFF060  }
0x317: {  	s10 =	simm.s32 $0x1E320;
	v2 =	vld [tilespmem:s11+$0x20]  }
0x318: {  	v3 =	vld [tilespmem:s10+$0x20];
	_ =	sdelay $0x6  }
0x319: {  	v4 =	vld.idx.msk [tilespmem:v2+s22+$0x0], $0xffff  }
0x31a: {  	v5 =	vld.idx.msk [tilespmem:v3+s31+$0x0], $0xffff;
	_ =	sdelay $0x4  }
0x31b: {  	v6 =	vld [tilespmem:s11+$0x10];
	v4 =	vadd.f32 v5, v4;
	v5 =	vadd.f32 v5, v1  }
0x31c: {  	v9 =	vld [tilespmem:s10+$0x10]  }
0x31d: {  	v7 =	vmul.f32 $2.000000030e-01, v4;
	v8 =	vmul.f32 $2.000000030e-01, v5;
	_ =	sdelay $0x1  }
0x31e: {  	v12 =	vld [tilespmem:s10+$0xFFFFFFF0];
	v4 =	vmax.f32 v4, v7;
	v5 =	vmax.f32 v5, v8  }
0x31f: {  	v14 =	vld [tilespmem:s11+$0x0];
	v4 =	vsub.f32 v4, v5  }
0x320: {  	v11 =	vld [tilespmem:s11+$0xFFFFFFF0]  }
0x321: {  	v15 =	vld [tilespmem:s10+$0x0];
	v4 =	vmul.f32 $1.442695020e+00, v4  }
0x322: {  	v5 =	vld.idx.msk [tilespmem:v6+s22+$0x0], $0xffff  }
0x323: {  	(erf) = vpow2.f32 v4;
	v4 =	vld.idx.msk [tilespmem:v9+s31+$0x0], $0xffff  }
0x324: {  	v16 =	vld [tilespmem:s11+$0xFFFFFFE0]  }
0x325: {  	v10 =	vld [tilespmem:s10+$0xFFFFFFE0];
	s10 =	simm.s32 $0x1D370  }
0x326: {  	v34 =	vld [tilespmem:s10+$0x10]  }
0x327: {  	v35 =	vld [tilespmem:s10+$0x0]  }
0x328: {  	v17 =	vld.idx.msk [tilespmem:v14+s22+$0x0], $0xffff;
	v7 =	vshll.u32 v2, $0x2;
	v13 =	vadd.f32 v4, v1;
	v4 =	vadd.f32 v4, v5  }
0x329: {  	v19 =	vld.idx.msk [tilespmem:v12+s31+$0x0], $0xffff;
	v2 =	vand.u32 $0x7F, v2;
	v7 =	vand.u32 $0xFFFFFE00, v7  }
0x32a: {  	v20 =	vld.idx.msk [tilespmem:v15+s31+$0x0], $0xffff;
	v8 =	vor.u32 v2, v7;
	v7 =	vmul.f32 $2.000000030e-01, v13;
	v18 =	vmul.f32 $2.000000030e-01, v4  }
0x32b: {  	v5 =	vld.idx.msk [tilespmem:v11+s22+$0x0], $0xffff  }
0x32c: {  	v21 =	vld.idx.msk [tilespmem:v16+s22+$0x0], $0xffff;
	v7 =	vmax.f32 v13, v7;
	v4 =	vmax.f32 v4, v18  }
0x32d: {  	v2 =	vpop (erf);
	v18 =	vld.idx.msk [tilespmem:v10+s31+$0x0], $0xffff;
	v4 =	vsub.f32 v4, v7  }
0x32e: {  	v22 =	vadd.f32 v19, v1;
	[tilespmem:v3+s4+$0x0] =	vst.idx.add.f32.msk $0xffff, v2;
	v7 =	vshll.u32 v3, $0x2  }
0x32f: {  	v3 =	vand.u32 $0x7F, v3;
	v13 =	vld.idx.msk [tilespmem:v8+s24+$0x0], $0xffff;
	v7 =	vand.u32 $0xFFFFFE00, v7;
	v4 =	vmul.f32 $1.442695020e+00, v4  }
0x330: {  	v7 =	vor.u32 v3, v7;
	v3 =	vadd.f32 v19, v5;
	v19 =	vmul.f32 $2.000000030e-01, v22  }
0x331: {  	v17 =	vadd.f32 v20, v17;
	v5 =	vadd.f32 v20, v1;
	(erf) = vpow2.f32 v4  }
0x332: {  	v4 =	vor.u32 $0x80, v8;
	v20 =	vmul.f32 $2.000000030e-01, v3;
	v19 =	vmax.f32 v22, v19;
	v22 =	vld [tilespmem:s10+$0x20]  }
0x333: {  	v29 =	vld.idx.msk [tilespmem:v34+s22+$0x0], $0xffff;
	v24 =	vmul.f32 $2.000000030e-01, v5;
	v21 =	vadd.f32 v18, v21  }
0x334: {  	s9 =	simm.s32 $0x1E370;
	v37 =	vld.idx.msk [tilespmem:v35+s22+$0x0], $0xffff;
	v25 =	vmul.f32 v2, v13;
	v3 =	vmax.f32 v3, v20;
	v20 =	vmul.f32 $2.000000030e-01, v17  }
0x335: {  	v23 =	vshll.u32 v6, $0x2;
	v18 =	vadd.f32 v18, v1;
	v13 =	vld [tilespmem:s9+$0x20];
	v3 =	vsub.f32 v3, v19  }
0x336: {  	v6 =	vand.u32 $0x7F, v6;
	v5 =	vmax.f32 v5, v24;
	[tilespmem:v7+s5+$0x0] =	vst.idx.add.f32.msk $0xffff, v25;
	v17 =	vmax.f32 v17, v20  }
0x337: {  	v19 =	vmul.f32 $1.442695020e+00, v3;
	v5 =	vsub.f32 v17, v5;
	v3 =	vand.u32 $0xFFFFFE00, v23;
	v20 =	vld.idx.msk [tilespmem:v4+s24+$0x0], $0xffff  }
0x338: {  	v4 =	vmul.f32 $2.000000030e-01, v21;
	v23 =	vmul.f32 $2.000000030e-01, v18;
	v39 =	vor.u32 v6, v3;
	v3 =	vld [tilespmem:s9+$0xFFFFFFE0]  }
0x339: {  	(erf) = vpow2.f32 v19;
	v6 =	vmul.f32 $1.442695020e+00, v5;
	v5 =	vld [tilespmem:s9+$0xFFFFFFF0]  }
0x33a: {  	v26 =	vor.u32 $0x80, v7;
	v4 =	vmax.f32 v21, v4;
	v18 =	vmax.f32 v18, v23;
	v23 =	vld.idx.msk [tilespmem:v22+s22+$0x0], $0xffff;
	v17 =	vpop (erf)  }
0x33b: {  	v4 =	vsub.f32 v4, v18;
	(erf) = vpow2.f32 v6;
	v6 =	vshll.u32 v11, $0x2;
	[tilespmem:v9+s4+$0x0] =	vst.idx.add.f32.msk $0xffff, v17  }
0x33c: {  	v19 =	vand.u32 $0xFFFFFE00, v6;
	v6 =	vld [tilespmem:s10+$0xFFFFFFE0]  }
0x33d: {  	v11 =	vand.u32 $0x7F, v11;
	v4 =	vmul.f32 $1.442695020e+00, v4;
	v28 =	vld.idx.msk [tilespmem:v13+s31+$0x0], $0xffff  }
0x33e: {  	v20 =	vmul.f32 v2, v20;
	v18 =	vld.idx.msk [tilespmem:v39+s24+$0x0], $0xffff;
	v24 =	vor.u32 v11, v19;
	v19 =	vshll.u32 v9, $0x2  }
0x33f: {  	v11 =	vld [tilespmem:s10+$0xFFFFFFF0];
	v9 =	vand.u32 $0x7F, v9;
	v19 =	vand.u32 $0xFFFFFE00, v19  }
0x340: {  	[tilespmem:v26+s5+$0x0] =	vst.idx.add.f32.msk $0xffff, v20;
	v31 =	vor.u32 v9, v19  }
0x341: {  	v25 =	vshll.u32 v14, $0x2;
	(erf) = vpow2.f32 v4;
	v21 =	vld.idx.msk [tilespmem:v3+s31+$0x0], $0xffff  }
0x342: {  	v9 =	vand.u32 $0x7F, v14;
	v14 =	vand.u32 $0xFFFFFE00, v25;
	v41 =	vld.idx.msk [tilespmem:v5+s31+$0x0], $0xffff;
	v4 =	vpop (erf)  }
0x343: {  	v25 =	vor.u32 $0x80, v39;
	v27 =	vor.u32 v9, v14;
	v9 =	vmul.f32 v17, v18;
	[tilespmem:v12+s4+$0x0] =	vst.idx.add.f32.msk $0xffff, v4  }
0x344: {  	v18 =	vshll.u32 v16, $0x2;
	v14 =	vld.idx.msk [tilespmem:v24+s24+$0x0], $0xffff  }
0x345: {  	v16 =	vand.u32 $0x7F, v16;
	v18 =	vand.u32 $0xFFFFFE00, v18;
	[tilespmem:v31+s5+$0x0] =	vst.idx.add.f32.msk $0xffff, v9;
	v9 =	vshll.u32 v12, $0x2  }
0x346: {  	v19 =	vpop (erf);
	v36 =	vor.u32 v16, v18;
	v12 =	vand.u32 $0x7F, v12;
	v42 =	vld.idx.msk [tilespmem:v6+s22+$0x0], $0xffff;
	v16 =	vand.u32 $0xFFFFFE00, v9  }
0x347: {  	[tilespmem:v15+s4+$0x0] =	vst.idx.add.f32.msk $0xffff, v19;
	v12 =	vor.u32 v12, v16  }
0x348: {  	v18 =	vshll.u32 v15, $0x2;
	v25 =	vld.idx.msk [tilespmem:v25+s24+$0x0], $0xffff  }
0x349: {  	v58 =	vor.u32 $0x80, v24;
	v18 =	vand.u32 $0xFFFFFE00, v18;
	v15 =	vand.u32 $0x7F, v15;
	v57 =	vld.idx.msk [tilespmem:v27+s24+$0x0], $0xffff  }
0x34a: {  	v61 =	vor.u32 $0x80, v31;
	v32 =	vor.u32 v15, v18;
	v18 =	vld [tilespmem:s9+$0x10];
	v9 =	vpop (erf);
	v14 =	vmul.f32 v4, v14  }
0x34b: {  	v60 =	vshll.u32 v22, $0x2;
	[tilespmem:v10+s4+$0x0] =	vst.idx.add.f32.msk $0xffff, v9  }
0x34c: {  	v33 =	vand.u32 $0xFFFFFE00, v60;
	[tilespmem:v12+s5+$0x0] =	vst.idx.add.f32.msk $0xffff, v14;
	v14 =	vor.u32 $0x100, v8  }
0x34d: {  	v63 =	vor.u32 $0x100, v39;
	v62 =	vshll.u32 v3, $0x2;
	v20 =	vld.idx.msk [tilespmem:v36+s24+$0x0], $0xffff;
	v25 =	vmul.f32 v17, v25  }
0x34e: {  	v26 =	vshll.u32 v10, $0x2;
	v15 =	vor.u32 $0x80, v27;
	v16 =	vmul.f32 v19, v57;
	v38 =	vld.idx.msk [tilespmem:v58+s24+$0x0], $0xffff  }
0x34f: {  	v43 =	vor.u32 $0x100, v24;
	v52 =	vadd.f32 v28, v23;
	v53 =	vadd.f32 v28, v1;
	[tilespmem:v61+s5+$0x0] =	vst.idx.add.f32.msk $0xffff, v25  }
0x350: {  	v59 =	vand.u32 $0xFFFFFE00, v26;
	v26 =	vshll.u32 v13, $0x2;
	v39 =	vor.u32 $0x180, v39;
	[tilespmem:v32+s5+$0x0] =	vst.idx.add.f32.msk $0xffff, v16  }
0x351: {  	v55 =	vmul.f32 $2.000000030e-01, v53;
	v10 =	vand.u32 $0x7F, v10;
	v46 =	vld.idx.msk [tilespmem:v14+s24+$0x0], $0xffff;
	v14 =	vmul.f32 $2.000000030e-01, v52  }
0x352: {  	v26 =	vand.u32 $0xFFFFFE00, v26;
	v48 =	vor.u32 $0x100, v31;
	v28 =	vor.u32 v10, v59;
	v16 =	vld [tilespmem:s9+$0x0]  }
0x353: {  	v56 =	vor.u32 $0x80, v36;
	v25 =	vmax.f32 v53, v55;
	v15 =	vld.idx.msk [tilespmem:v15+s24+$0x0], $0xffff;
	v14 =	vmax.f32 v52, v14  }
0x354: {  	v30 =	vld.idx.msk [tilespmem:v11+s22+$0x0], $0xffff;
	v10 =	vand.u32 $0xFFFFFE00, v62;
	v62 =	vor.u32 $0x80, v12;
	v25 =	vsub.f32 v14, v25  }
0x355: {  	v23 =	vshll.u32 v34, $0x2;
	v54 =	vor.u32 $0x80, v32;
	v59 =	vld.idx.msk [tilespmem:v63+s24+$0x0], $0xffff;
	v20 =	vmul.f32 v9, v20  }
0x356: {  	v60 =	vor.u32 $0x100, v27;
	v49 =	vor.u32 $0x100, v36;
	v45 =	vld.idx.msk [tilespmem:v18+s31+$0x0], $0xffff;
	v61 =	vmul.f32 $1.442695020e+00, v25  }
0x357: {  	v47 =	vor.u32 $0x80, v28;
	v57 =	vshll.u32 v5, $0x2;
	[tilespmem:v28+s5+$0x0] =	vst.idx.add.f32.msk $0xffff, v20;
	v63 =	vmul.f32 v4, v38  }
0x358: {  	v20 =	vshll.u32 v18, $0x2;
	v50 =	vld.idx.msk [tilespmem:v56+s24+$0x0], $0xffff;
	v58 =	vmul.f32 v19, v15;
	(erf) = vpow2.f32 v61  }
0x359: {  	v38 =	vand.u32 $0x7F, v34;
	v34 =	vand.u32 $0x7F, v35;
	v35 =	vshll.u32 v35, $0x2;
	[tilespmem:v62+s5+$0x0] =	vst.idx.add.f32.msk $0xffff, v63  }
0x35a: {  	v51 =	vmul.f32 v17, v59;
	v35 =	vand.u32 $0xFFFFFE00, v35;
	v15 =	vshll.u32 v6, $0x2;
	[tilespmem:v54+s5+$0x0] =	vst.idx.add.f32.msk $0xffff, v58  }
0x35b: {  	v14 =	vand.u32 $0xFFFFFE00, v57;
	v25 =	vand.u32 $0xFFFFFE00, v20;
	v20 =	vshll.u32 v16, $0x2;
	v44 =	vld.idx.msk [tilespmem:v16+s31+$0x0], $0xffff  }
0x35c: {  	s11 =	simm.s32 $0x5;
	v15 =	vand.u32 $0xFFFFFE00, v15;
	v40 =	vmul.f32 v2, v46;
	v20 =	vand.u32 $0xFFFFFE00, v20;
	v46 =	vld.idx.msk [tilespmem:v60+s24+$0x0], $0xffff  }
.LBB2_12:
0x35d: {  	s11 =	sadd.s32 $0x5, s11;
	v50 =	vmul.f32 v9, v50;
	v52 =	vor.u32 $0x100, v28;
	v28 =	vor.u32 $0x180, v28;
	v43 =	vld.idx.msk [tilespmem:v43+s24+$0x0], $0xffff  }
0x35e: {  	v53 =	vor.u32 $0x100, v12;
	v54 =	vor.u32 $0x100, v32;
	p0 =	slt.u32 s11, $0xF5;
	[tilespmem:v48+s5+$0x0] =	vst.idx.add.f32.msk $0xffff, v51;
	v48 =	vor.u32 $0x180, v7  }
0x35f: {  	v22 =	vand.u32 $0x7F, v22;
	v27 =	vor.u32 $0x180, v27;
	[tilespmem:v47+s5+$0x0] =	vst.idx.add.f32.msk $0xffff, v50;
	v47 =	vor.u32 $0x100, v7  }
0x360: {  	v31 =	vor.u32 $0x180, v31;
	v7 =	vor.u32 v22, v33;
	v33 =	vor.u32 $0x180, v36;
	v22 =	vld.idx.msk [tilespmem:v49+s24+$0x0], $0xffff  }
0x361: {  	v36 =	vadd.f32 v45, v1;
	v46 =	vmul.f32 v19, v46;
	v50 =	vor.u32 $0x180, v8;
	v49 =	vpop (erf);
	v39 =	vld.idx.msk [tilespmem:v39+s24+$0x0], $0xffff  }
0x362: {  	v29 =	vadd.f32 v45, v29;
	v45 =	vand.u32 $0x7F, v13;
	v8 =	vmovc v7;
	[tilespmem:v13+s4+$0x0] =	vst.idx.add.f32.msk $0xffff, v49;
	v13 =	vor.u32 $0x180, v24  }
0x363: {  	v32 =	vor.u32 $0x180, v32;
	v51 =	vmul.f32 $2.000000030e-01, v36;
	v24 =	vadd.f32 v44, v1;
	[tilespmem:v54+s5+$0x0] =	vst.idx.add.f32.msk $0xffff, v46  }
0x364: {  	v37 =	vadd.f32 v44, v37;
	v44 =	vmul.f32 $2.000000030e-01, v29;
	v43 =	vmul.f32 v4, v43;
	v27 =	vld.idx.msk [tilespmem:v27+s24+$0x0], $0xffff  }
0x365: {  	v46 =	vadd.f32 v41, v1;
	v36 =	vmax.f32 v36, v51;
	v51 =	vld.idx.msk [tilespmem:v7+s24+$0x0], $0xffff;
	v7 =	vor.u32 v45, v26  }
0x366: {  	v29 =	vmax.f32 v29, v44;
	v26 =	vadd.f32 v41, v30;
	v30 =	vor.u32 $0x80, v8;
	[tilespmem:v53+s5+$0x0] =	vst.idx.add.f32.msk $0xffff, v43  }
0x367: {  	v41 =	vadd.f32 v21, v42;
	v42 =	vmul.f32 $2.000000030e-01, v46;
	v17 =	vmul.f32 v39, v17;
	v43 =	vld.idx.msk [tilespmem:v13+s24+$0x0], $0xffff  }
0x368: {  	v21 =	vadd.f32 v21, v1;
	v22 =	vmul.f32 v9, v22;
	v13 =	vmul.f32 $2.000000030e-01, v26;
	[tilespmem:v47+s5+$0x0] =	vst.idx.add.f32.msk $0xffff, v40  }
0x369: {  	v29 =	vsub.f32 v29, v36;
	v39 =	vmul.f32 $2.000000030e-01, v41;
	v40 =	vmul.f32 $2.000000030e-01, v24;
	v36 =	vld.idx.msk [tilespmem:v50+s24+$0x0], $0xffff  }
0x36a: {  	v13 =	vmax.f32 v26, v13;
	v26 =	vmax.f32 v46, v42;
	v42 =	vmul.f32 $2.000000030e-01, v37;
	[tilespmem:v52+s5+$0x0] =	vst.idx.add.f32.msk $0xffff, v22  }
0x36b: {  	s9 =	sadd.s32 $0x50, s9;
	v39 =	vmax.f32 v41, v39;
	v19 =	vmul.f32 v27, v19;
	v22 =	vsub.f32 v13, v26;
	v33 =	vld.idx.msk [tilespmem:v33+s24+$0x0], $0xffff  }
0x36c: {  	v27 =	vmul.f32 $1.442695020e+00, v29;
	v24 =	vmax.f32 v24, v40;
	v26 =	vmax.f32 v37, v42;
	v13 =	vld [tilespmem:s9+$0x20]  }
0x36d: {  	v22 =	vmul.f32 $1.442695020e+00, v22;
	v24 =	vsub.f32 v26, v24;
	v26 =	vmul.f32 v49, v51;
	[tilespmem:v31+s5+$0x0] =	vst.idx.add.f32.msk $0xffff, v17  }
0x36e: {  	v12 =	vor.u32 $0x180, v12;
	v17 =	vmul.f32 $2.000000030e-01, v21;
	(erf) = vpow2.f32 v27;
	[tilespmem:v32+s5+$0x0] =	vst.idx.add.f32.msk $0xffff, v19  }
0x36f: {  	s10 =	sadd.s32 $0x50, s10;
	v19 =	vand.u32 $0xFFFFFE00, v23;
	v23 =	vmul.f32 v36, v2;
	v2 =	vmovc v49;
	[tilespmem:v7+s5+$0x0] =	vst.idx.add.f32.msk $0xffff, v26;
	(erf) = vpow2.f32 v22  }
0x370: {  	v4 =	vmul.f32 v43, v4;
	v17 =	vmax.f32 v21, v17;
	v21 =	vmul.f32 $1.442695020e+00, v24;
	v22 =	vld [tilespmem:s10+$0x20]  }
0x371: {  	v17 =	vsub.f32 v39, v17;
	v39 =	vor.u32 v38, v19;
	v24 =	vshll.u32 v13, $0x2;
	v19 =	vld.idx.msk [tilespmem:v30+s24+$0x0], $0xffff  }
0x372: {  	v9 =	vmul.f32 v33, v9;
	v26 =	vand.u32 $0xFFFFFE00, v24;
	[tilespmem:v48+s5+$0x0] =	vst.idx.add.f32.msk $0xffff, v23  }
0x373: {  	v29 =	vmul.f32 $1.442695020e+00, v17;
	v17 =	vshll.u32 v11, $0x2;
	[tilespmem:v12+s5+$0x0] =	vst.idx.add.f32.msk $0xffff, v4  }
0x374: {  	v4 =	vand.u32 $0x7F, v11;
	v11 =	vand.u32 $0xFFFFFE00, v17;
	[tilespmem:v28+s5+$0x0] =	vst.idx.add.f32.msk $0xffff, v9  }
0x375: {  	v27 =	vor.u32 v34, v35;
	v24 =	vor.u32 v4, v11;
	v28 =	vld [tilespmem:s9+$0xFFFFFFE0];
	v9 =	vshll.u32 v22, $0x2  }
0x376: {  	v34 =	vld [tilespmem:s10+$0x10];
	v33 =	vand.u32 $0xFFFFFE00, v9  }
0x377: {  	v37 =	vmul.f32 v2, v19;
	v12 =	vld [tilespmem:s9+$0xFFFFFFF0];
	v17 =	vpop (erf)  }
0x378: {  	[tilespmem:v18+s4+$0x0] =	vst.idx.add.f32.msk $0xffff, v17;
	v4 =	vpop (erf);
	(erf) = vpow2.f32 v21  }
0x379: {  	v35 =	vld [tilespmem:s10+$0x0]  }
0x37a: {  	v9 =	vshll.u32 v28, $0x2;
	v19 =	vld.idx.msk [tilespmem:v39+s24+$0x0], $0xffff  }
0x37b: {  	v40 =	vor.u32 $0x80, v39;
	v30 =	vld [tilespmem:s10+$0xFFFFFFE0];
	v38 =	vand.u32 $0xFFFFFE00, v9;
	v23 =	vshll.u32 v34, $0x2  }
0x37c: {  	v11 =	vld [tilespmem:s10+$0xFFFFFFF0];
	v9 =	vshll.u32 v12, $0x2  }
0x37d: {  	v21 =	vld.idx.msk [tilespmem:v28+s31+$0x0], $0xffff;
	v41 =	vand.u32 $0xFFFFFE00, v9;
	(erf) = vpow2.f32 v29  }
0x37e: {  	v9 =	vand.u32 $0x7F, v18;
	v42 =	vld.idx.msk [tilespmem:v22+s22+$0x0], $0xffff  }
0x37f: {  	v31 =	vor.u32 v9, v25;
	v29 =	vld.idx.msk [tilespmem:v34+s22+$0x0], $0xffff  }
0x380: {  	v18 =	vmul.f32 v17, v19;
	v9 =	vshll.u32 v30, $0x2;
	[tilespmem:v5+s4+$0x0] =	vst.idx.add.f32.msk $0xffff, v4  }
0x381: {  	v44 =	vor.u32 $0x80, v24;
	v9 =	vand.u32 $0xFFFFFE00, v9;
	v25 =	vld.idx.msk [tilespmem:v24+s24+$0x0], $0xffff;
	v19 =	vpop (erf)  }
0x382: {  	v45 =	vor.u32 $0x80, v27;
	[tilespmem:v16+s4+$0x0] =	vst.idx.add.f32.msk $0xffff, v19  }
0x383: {  	v43 =	vld.idx.msk [tilespmem:v13+s31+$0x0], $0xffff  }
0x384: {  	v32 =	vand.u32 $0x7F, v6;
	v6 =	vmov v30;
	[tilespmem:v31+s5+$0x0] =	vst.idx.add.f32.msk $0xffff, v18;
	v18 =	vor.u32 $0x80, v7  }
0x385: {  	v36 =	vor.u32 v32, v15;
	v15 =	vmov v9;
	v30 =	vld.idx.msk [tilespmem:v11+s22+$0x0], $0xffff  }
0x386: {  	v46 =	vld.idx.msk [tilespmem:v27+s24+$0x0], $0xffff;
	v9 =	vpop (erf)  }
0x387: {  	v32 =	vand.u32 $0x7F, v5;
	v5 =	vmov v12;
	v16 =	vand.u32 $0x7F, v16;
	[tilespmem:v3+s4+$0x0] =	vst.idx.add.f32.msk $0xffff, v9  }
0x388: {  	v12 =	vor.u32 v32, v14;
	v14 =	vmovc v41;
	v32 =	vor.u32 v16, v20;
	v20 =	vor.u32 $0x100, v39;
	v16 =	vld.idx.msk [tilespmem:v40+s24+$0x0], $0xffff  }
0x389: {  	v25 =	vmul.f32 v4, v25;
	v40 =	vadd.f32 v43, v42;
	[tilespmem:v18+s5+$0x0] =	vst.idx.add.f32.msk $0xffff, v37  }
0x38a: {  	v41 =	vadd.f32 v43, v1;
	v43 =	vor.u32 $0x100, v24;
	v42 =	vld.idx.msk [tilespmem:v36+s24+$0x0], $0xffff  }
0x38b: {  	v47 =	vmul.f32 $2.000000030e-01, v40;
	v18 =	vld [tilespmem:s9+$0x10]  }
0x38c: {  	v48 =	vmul.f32 $2.000000030e-01, v41;
	v46 =	vmul.f32 v19, v46;
	v37 =	vld.idx.msk [tilespmem:v35+s22+$0x0], $0xffff  }
0x38d: {  	v49 =	vor.u32 $0x100, v27;
	v40 =	vmax.f32 v40, v47;
	v47 =	vor.u32 $0x100, v8;
	[tilespmem:v12+s5+$0x0] =	vst.idx.add.f32.msk $0xffff, v25  }
0x38e: {  	v25 =	vmax.f32 v41, v48;
	[tilespmem:v32+s5+$0x0] =	vst.idx.add.f32.msk $0xffff, v46;
	v46 =	vmul.f32 v17, v16  }
0x38f: {  	v48 =	vor.u32 $0x80, v31;
	v40 =	vsub.f32 v40, v25;
	v45 =	vld.idx.msk [tilespmem:v45+s24+$0x0], $0xffff  }
0x390: {  	v41 =	vand.u32 $0x7F, v3;
	v3 =	vmov v28;
	v16 =	vld [tilespmem:s9+$0x0];
	v25 =	vshll.u32 v18, $0x2  }
0x391: {  	v28 =	vor.u32 v41, v10;
	v10 =	vmovc v38;
	v51 =	vmul.f32 $1.442695020e+00, v40;
	v25 =	vand.u32 $0xFFFFFE00, v25;
	v40 =	vld.idx.msk [tilespmem:v44+s24+$0x0], $0xffff  }
0x392: {  	v38 =	vor.u32 $0x80, v32;
	v44 =	vld.idx.msk [tilespmem:v47+s24+$0x0], $0xffff  }
0x393: {  	v47 =	vor.u32 $0x80, v36;
	v41 =	vld.idx.msk [tilespmem:v5+s31+$0x0], $0xffff  }
0x394: {  	v42 =	vmul.f32 v9, v42;
	[tilespmem:v48+s5+$0x0] =	vst.idx.add.f32.msk $0xffff, v46  }
0x395: {  	v45 =	vmul.f32 v19, v45;
	v46 =	vshll.u32 v16, $0x2;
	v52 =	vld.idx.msk [tilespmem:v20+s24+$0x0], $0xffff  }
0x396: {  	v20 =	vand.u32 $0xFFFFFE00, v46;
	[tilespmem:v28+s5+$0x0] =	vst.idx.add.f32.msk $0xffff, v42  }
0x397: {  	v53 =	vmul.f32 v4, v40;
	[tilespmem:v38+s5+$0x0] =	vst.idx.add.f32.msk $0xffff, v45  }
0x398: {  	v54 =	vor.u32 $0x80, v12;
	v40 =	vmul.f32 v2, v44;
	v50 =	vld.idx.msk [tilespmem:v47+s24+$0x0], $0xffff  }
.Ltmp5:
0x399: {  	v42 =	vld.idx.msk [tilespmem:v6+s22+$0x0], $0xffff;
	(erf) = vpow2.f32 v51;
	(pc) =	sbr.rel @p0 .LBB2_12-.Ltmp5, $4  }
0x39a: {  	v48 =	vor.u32 $0x100, v31;
	v38 =	vand.u32 $0x7F, v34;
	v45 =	vld.idx.msk [tilespmem:v18+s31+$0x0], $0xffff  }
0x39b: {  	v47 =	vor.u32 $0x80, v28;
	v51 =	vmul.f32 v17, v52;
	v46 =	vld.idx.msk [tilespmem:v49+s24+$0x0], $0xffff  }
0x39c: {  	v34 =	vand.u32 $0x7F, v35;
	v35 =	vshll.u32 v35, $0x2;
	v49 =	vor.u32 $0x100, v36;
	v44 =	vld.idx.msk [tilespmem:v16+s31+$0x0], $0xffff  }
0x39d: {  	v39 =	vor.u32 $0x180, v39;
	v35 =	vand.u32 $0xFFFFFE00, v35;
	[tilespmem:v54+s5+$0x0] =	vst.idx.add.f32.msk $0xffff, v53  }
0x39e: {  	_ = 	snop  }
0x39f: {  	v50 =	vmul.f32 v9, v50;
	v52 =	vor.u32 $0x100, v28;
	v53 =	vor.u32 $0x100, v12  }
0x3a0: {  	v54 =	vor.u32 $0x100, v32;
	v22 =	vand.u32 $0x7F, v22;
	v27 =	vor.u32 $0x180, v27  }
0x3a1: {  	v55 =	vor.u32 $0x100, v7;
	v36 =	vor.u32 $0x180, v36;
	v29 =	vadd.f32 v45, v29  }
0x3a2: {  	v31 =	vor.u32 $0x180, v31;
	[tilespmem:v48+s5+$0x0] =	vst.idx.add.f32.msk $0xffff, v51;
	v48 =	vor.u32 $0x180, v8;
	v61 =	vadd.f32 v45, v1  }
0x3a3: {  	v59 =	vadd.f32 v41, v1;
	v30 =	vadd.f32 v41, v30;
	v8 =	vmul.f32 $2.000000030e-01, v29  }
0x3a4: {  	v43 =	vld.idx.msk [tilespmem:v43+s24+$0x0], $0xffff;
	v42 =	vadd.f32 v21, v42;
	v21 =	vadd.f32 v21, v1;
	v63 =	vmul.f32 $2.000000030e-01, v61  }
0x3a5: {  	v56 =	vand.u32 $0x7F, v13;
	v22 =	vor.u32 v22, v33;
	v62 =	vmul.f32 v19, v46;
	[tilespmem:v47+s5+$0x0] =	vst.idx.add.f32.msk $0xffff, v50  }
0x3a6: {  	v39 =	vld.idx.msk [tilespmem:v39+s24+$0x0], $0xffff;
	v57 =	vadd.f32 v44, v1;
	v33 =	vmax.f32 v61, v63;
	v29 =	vmax.f32 v29, v8  }
0x3a7: {  	v51 =	vmul.f32 $2.000000030e-01, v21;
	v58 =	vld.idx.msk [tilespmem:v49+s24+$0x0], $0xffff;
	v37 =	vadd.f32 v44, v37;
	v29 =	vsub.f32 v29, v33;
	v8 =	vpop (erf)  }
0x3a8: {  	v61 =	vmul.f32 $2.000000030e-01, v30;
	[tilespmem:v13+s4+$0x0] =	vst.idx.add.f32.msk $0xffff, v8;
	v13 =	vor.u32 v56, v26;
	v26 =	vmul.f32 $2.000000030e-01, v59  }
0x3a9: {  	v24 =	vor.u32 $0x180, v24;
	[tilespmem:v54+s5+$0x0] =	vst.idx.add.f32.msk $0xffff, v62;
	v62 =	vmul.f32 $2.000000030e-01, v57;
	v29 =	vmul.f32 $1.442695020e+00, v29  }
0x3aa: {  	v63 =	vmul.f32 $2.000000030e-01, v37;
	[tilespmem:v55+s5+$0x0] =	vst.idx.add.f32.msk $0xffff, v40;
	v30 =	vmax.f32 v30, v61;
	v26 =	vmax.f32 v59, v26  }
0x3ab: {  	v21 =	vmax.f32 v21, v51;
	v27 =	vld.idx.msk [tilespmem:v27+s24+$0x0], $0xffff;
	(erf) = vpow2.f32 v29;
	v26 =	vsub.f32 v30, v26  }
0x3ac: {  	v60 =	vmul.f32 v4, v43;
	v40 =	vld.idx.msk [tilespmem:v48+s24+$0x0], $0xffff;
	v50 =	vmax.f32 v57, v62;
	v30 =	vmax.f32 v37, v63  }
0x3ad: {  	v49 =	vld.idx.msk [tilespmem:v22+s24+$0x0], $0xffff;
	v29 =	vmul.f32 $2.000000030e-01, v42;
	v30 =	vsub.f32 v30, v50;
	v26 =	vmul.f32 $1.442695020e+00, v26  }
0x3ae: {  	v17 =	vmul.f32 v39, v17;
	[tilespmem:v53+s5+$0x0] =	vst.idx.add.f32.msk $0xffff, v60;
	v53 =	vor.u32 $0x180, v32;
	v54 =	vmul.f32 v9, v58  }
0x3af: {  	v24 =	vld.idx.msk [tilespmem:v24+s24+$0x0], $0xffff;
	v29 =	vmax.f32 v42, v29;
	(erf) = vpow2.f32 v26;
	v26 =	vmul.f32 $1.442695020e+00, v30  }
0x3b0: {  	v23 =	vand.u32 $0xFFFFFE00, v23;
	[tilespmem:v31+s5+$0x0] =	vst.idx.add.f32.msk $0xffff, v17;
	v21 =	vsub.f32 v29, v21  }
0x3b1: {  	v23 =	vor.u32 v38, v23;
	[tilespmem:v52+s5+$0x0] =	vst.idx.add.f32.msk $0xffff, v54;
	v19 =	vmul.f32 v27, v19;
	(erf) = vpow2.f32 v26  }
0x3b2: {  	v29 =	vld.idx.msk [tilespmem:v36+s24+$0x0], $0xffff;
	v27 =	vmul.f32 v8, v49;
	v26 =	vor.u32 $0x80, v22  }
0x3b3: {  	v7 =	vor.u32 $0x180, v7;
	v2 =	vmul.f32 v40, v2;
	[tilespmem:v53+s5+$0x0] =	vst.idx.add.f32.msk $0xffff, v19;
	v19 =	vshll.u32 v11, $0x2  }
0x3b4: {  	v11 =	vand.u32 $0x7F, v11;
	v19 =	vand.u32 $0xFFFFFE00, v19;
	v17 =	vmul.f32 $1.442695020e+00, v21;
	[tilespmem:v13+s5+$0x0] =	vst.idx.add.f32.msk $0xffff, v27;
	v21 =	vpop (erf)  }
0x3b5: {  	v11 =	vor.u32 v11, v19;
	[tilespmem:v18+s4+$0x0] =	vst.idx.add.f32.msk $0xffff, v21  }
0x3b6: {  	(erf) = vpow2.f32 v17;
	v17 =	vld.idx.msk [tilespmem:v23+s24+$0x0], $0xffff  }
0x3b7: {  	v18 =	vand.u32 $0x7F, v18;
	v19 =	vld.idx.msk [tilespmem:v26+s24+$0x0], $0xffff;
	v26 =	vor.u32 v34, v35  }
0x3b8: {  	[tilespmem:v7+s5+$0x0] =	vst.idx.add.f32.msk $0xffff, v2;
	v7 =	vor.u32 v18, v25;
	v2 =	vpop (erf)  }
0x3b9: {  	v18 =	vor.u32 $0x80, v23;
	[tilespmem:v5+s4+$0x0] =	vst.idx.add.f32.msk $0xffff, v2  }
0x3ba: {  	v30 =	vor.u32 $0x80, v13;
	v25 =	vld.idx.msk [tilespmem:v11+s24+$0x0], $0xffff;
	v27 =	vpop (erf)  }
0x3bb: {  	v6 =	vand.u32 $0x7F, v6;
	v17 =	vmul.f32 v21, v17;
	[tilespmem:v16+s4+$0x0] =	vst.idx.add.f32.msk $0xffff, v27  }
0x3bc: {  	v6 =	vor.u32 v6, v15;
	v5 =	vand.u32 $0x7F, v5;
	v15 =	vld.idx.msk [tilespmem:v26+s24+$0x0], $0xffff  }
0x3bd: {  	v5 =	vor.u32 v5, v14;
	v16 =	vand.u32 $0x7F, v16;
	v14 =	vmul.f32 v8, v19;
	[tilespmem:v7+s5+$0x0] =	vst.idx.add.f32.msk $0xffff, v17  }
0x3be: {  	v16 =	vor.u32 v16, v20;
	v18 =	vld.idx.msk [tilespmem:v18+s24+$0x0], $0xffff  }
0x3bf: {  	v19 =	vor.u32 $0x80, v26;
	[tilespmem:v30+s5+$0x0] =	vst.idx.add.f32.msk $0xffff, v14;
	v17 =	vpop (erf)  }
0x3c0: {  	v20 =	vor.u32 $0x80, v11;
	[tilespmem:v3+s4+$0x0] =	vst.idx.add.f32.msk $0xffff, v17;
	v25 =	vmul.f32 v2, v25  }
0x3c1: {  	v30 =	vor.u32 $0x80, v7;
	v14 =	vld.idx.msk [tilespmem:v6+s24+$0x0], $0xffff;
	v15 =	vmul.f32 v27, v15  }
0x3c2: {  	v31 =	vor.u32 $0x100, v23;
	v3 =	vand.u32 $0x7F, v3;
	[tilespmem:v5+s5+$0x0] =	vst.idx.add.f32.msk $0xffff, v25  }
0x3c3: {  	v3 =	vor.u32 v3, v10;
	[tilespmem:v16+s5+$0x0] =	vst.idx.add.f32.msk $0xffff, v15  }
0x3c4: {  	v10 =	vmul.f32 v21, v18;
	v18 =	vor.u32 $0x80, v6;
	v15 =	vld.idx.msk [tilespmem:v19+s24+$0x0], $0xffff  }
0x3c5: {  	v20 =	vld.idx.msk [tilespmem:v20+s24+$0x0], $0xffff;
	v19 =	vor.u32 $0x100, v22  }
0x3c6: {  	v25 =	vor.u32 $0x80, v16;
	[tilespmem:v30+s5+$0x0] =	vst.idx.add.f32.msk $0xffff, v10;
	v14 =	vmul.f32 v17, v14  }
0x3c7: {  	v10 =	vor.u32 $0x100, v26;
	v30 =	vld.idx.msk [tilespmem:v31+s24+$0x0], $0xffff  }
0x3c8: {  	[tilespmem:v3+s5+$0x0] =	vst.idx.add.f32.msk $0xffff, v14;
	v14 =	vor.u32 $0x80, v5  }
0x3c9: {  	v31 =	vor.u32 $0x100, v11;
	v18 =	vld.idx.msk [tilespmem:v18+s24+$0x0], $0xffff;
	v15 =	vmul.f32 v27, v15  }
0x3ca: {  	v56 =	vor.u32 $0x100, v7;
	v19 =	vld.idx.msk [tilespmem:v19+s24+$0x0], $0xffff  }
0x3cb: {  	v20 =	vmul.f32 v2, v20;
	[tilespmem:v25+s5+$0x0] =	vst.idx.add.f32.msk $0xffff, v15;
	v15 =	vor.u32 $0x80, v3  }
0x3cc: {  	v25 =	vor.u32 $0x100, v6;
	v10 =	vld.idx.msk [tilespmem:v10+s24+$0x0], $0xffff  }
0x3cd: {  	v30 =	vmul.f32 v21, v30;
	[tilespmem:v14+s5+$0x0] =	vst.idx.add.f32.msk $0xffff, v20;
	v14 =	vor.u32 $0x180, v23  }
0x3ce: {  	v23 =	vor.u32 $0x100, v16;
	v18 =	vmul.f32 v17, v18;
	v20 =	vld.idx.msk [tilespmem:v31+s24+$0x0], $0xffff  }
0x3cf: {  	v26 =	vor.u32 $0x180, v26;
	[tilespmem:v56+s5+$0x0] =	vst.idx.add.f32.msk $0xffff, v30  }
0x3d0: {  	v30 =	vor.u32 $0x100, v5;
	[tilespmem:v15+s5+$0x0] =	vst.idx.add.f32.msk $0xffff, v18  }
0x3d1: {  	v18 =	vor.u32 $0x100, v13;
	v15 =	vld.idx.msk [tilespmem:v25+s24+$0x0], $0xffff;
	v10 =	vmul.f32 v27, v10  }
0x3d2: {  	v11 =	vor.u32 $0x180, v11;
	v14 =	vld.idx.msk [tilespmem:v14+s24+$0x0], $0xffff  }
0x3d3: {  	v22 =	vor.u32 $0x180, v22;
	[tilespmem:v23+s5+$0x0] =	vst.idx.add.f32.msk $0xffff, v10;
	v10 =	vmul.f32 v2, v20  }
0x3d4: {  	v19 =	vmul.f32 v8, v19;
	v20 =	vor.u32 $0x100, v3;
	v23 =	vld.idx.msk [tilespmem:v26+s24+$0x0], $0xffff  }
0x3d5: {  	v6 =	vor.u32 $0x180, v6;
	[tilespmem:v30+s5+$0x0] =	vst.idx.add.f32.msk $0xffff, v10  }
0x3d6: {  	v10 =	vor.u32 $0x180, v12;
	[tilespmem:v18+s5+$0x0] =	vst.idx.add.f32.msk $0xffff, v19  }
0x3d7: {  	v12 =	vor.u32 $0x180, v28;
	v11 =	vld.idx.msk [tilespmem:v11+s24+$0x0], $0xffff;
	v15 =	vmul.f32 v17, v15  }
0x3d8: {  	v7 =	vor.u32 $0x180, v7;
	v18 =	vld.idx.msk [tilespmem:v22+s24+$0x0], $0xffff  }
0x3d9: {  	v4 =	vmul.f32 v24, v4;
	v16 =	vor.u32 $0x180, v16;
	[tilespmem:v20+s5+$0x0] =	vst.idx.add.f32.msk $0xffff, v15  }
0x3da: {  	v9 =	vmul.f32 v29, v9;
	v5 =	vor.u32 $0x180, v5;
	v6 =	vld.idx.msk [tilespmem:v6+s24+$0x0], $0xffff  }
0x3db: {  	v13 =	vor.u32 $0x180, v13;
	[tilespmem:v10+s5+$0x0] =	vst.idx.add.f32.msk $0xffff, v4;
	v4 =	vmul.f32 v14, v21  }
0x3dc: {  	v3 =	vor.u32 $0x180, v3;
	[tilespmem:v12+s5+$0x0] =	vst.idx.add.f32.msk $0xffff, v9;
	v9 =	vmul.f32 v23, v27  }
0x3dd: {  	v2 =	vmul.f32 v11, v2;
	[tilespmem:v7+s5+$0x0] =	vst.idx.add.f32.msk $0xffff, v4  }
0x3de: {  	v4 =	vmul.f32 v18, v8;
	[tilespmem:v16+s5+$0x0] =	vst.idx.add.f32.msk $0xffff, v9  }
0x3df: {  	[tilespmem:v5+s5+$0x0] =	vst.idx.add.f32.msk $0xffff, v2;
	v6 =	vmul.f32 v6, v17  }
0x3e0: {  	[tilespmem:v13+s5+$0x0] =	vst.idx.add.f32.msk $0xffff, v4  }
0x3e1: {  	[tilespmem:v3+s5+$0x0] =	vst.idx.add.f32.msk $0xffff, v6  }
0x3e2: {  	s9 =	rddreg [dreg:$0x12]  }
0x3e3: {  	[tilespmem:s1], [sflag:$0x2] =	stream.linear.gather [hbm4b:s9+s22], $0xFA0, $0x38;
	[tilespmem:$0x1F300] =	vst v63  }
0x3e4: {  	s10 =	rddreg [dreg:$0x13]  }
0x3e5: {  	[tilespmem:s2], [sflag:$0x2] =	stream.linear.gather [hbm4b:s10+s22], $0xFA0, $0x38;
	[tilespmem:$0x1F300] =	vst v63  }
0x3e6: {  	_ =	swait.ge [sflag:s3], $0xFA0  }
0x3e7: {  	[sflag:s3] =	ssyncset.done $0x0  }
0x3e8: {  	[sflag:s3] =	ssyncadd.s32 $0xFFFFF060  }
0x3e9: {  	_ =	swait.ge [sflag:s3], $0xFA0  }
0x3ea: {  	[sflag:s3] =	ssyncset.done $0x0  }
0x3eb: {  	s11 =	simm.s32 $0x1B320;
	[sflag:s3] =	ssyncadd.s32 $0xFFFFF060  }
0x3ec: {  	s10 =	simm.s32 $0x1C320;
	v2 =	vld [tilespmem:s11+$0x20]  }
0x3ed: {  	v3 =	vld [tilespmem:s10+$0x20];
	_ =	sdelay $0x6  }
0x3ee: {  	v4 =	vld.idx.msk [tilespmem:v2+s22+$0x0], $0xffff  }
0x3ef: {  	v5 =	vld.idx.msk [tilespmem:v3+s31+$0x0], $0xffff;
	_ =	sdelay $0x4  }
0x3f0: {  	v6 =	vld [tilespmem:s11+$0x10];
	v4 =	vadd.f32 v5, v4;
	v5 =	vadd.f32 v5, v1  }
0x3f1: {  	v9 =	vld [tilespmem:s10+$0x10]  }
0x3f2: {  	v7 =	vmul.f32 $2.000000030e-01, v4;
	v8 =	vmul.f32 $2.000000030e-01, v5;
	_ =	sdelay $0x1  }
0x3f3: {  	v12 =	vld [tilespmem:s10+$0xFFFFFFF0];
	v4 =	vmax.f32 v4, v7;
	v5 =	vmax.f32 v5, v8  }
0x3f4: {  	v14 =	vld [tilespmem:s11+$0x0];
	v4 =	vsub.f32 v4, v5  }
0x3f5: {  	v11 =	vld [tilespmem:s11+$0xFFFFFFF0]  }
0x3f6: {  	v15 =	vld [tilespmem:s10+$0x0];
	v4 =	vmul.f32 $1.442695020e+00, v4  }
0x3f7: {  	v5 =	vld.idx.msk [tilespmem:v6+s22+$0x0], $0xffff  }
0x3f8: {  	(erf) = vpow2.f32 v4;
	v4 =	vld.idx.msk [tilespmem:v9+s31+$0x0], $0xffff  }
0x3f9: {  	v16 =	vld [tilespmem:s11+$0xFFFFFFE0]  }
0x3fa: {  	v10 =	vld [tilespmem:s10+$0xFFFFFFE0];
	s10 =	simm.s32 $0x1B370  }
0x3fb: {  	v34 =	vld [tilespmem:s10+$0x10]  }
0x3fc: {  	v35 =	vld [tilespmem:s10+$0x0]  }
0x3fd: {  	v17 =	vld.idx.msk [tilespmem:v14+s22+$0x0], $0xffff;
	v7 =	vshll.u32 v2, $0x2;
	v13 =	vadd.f32 v4, v1;
	v4 =	vadd.f32 v4, v5  }
0x3fe: {  	v19 =	vld.idx.msk [tilespmem:v12+s31+$0x0], $0xffff;
	v2 =	vand.u32 $0x7F, v2;
	v7 =	vand.u32 $0xFFFFFE00, v7  }
0x3ff: {  	v20 =	vld.idx.msk [tilespmem:v15+s31+$0x0], $0xffff;
	v8 =	vor.u32 v2, v7;
	v7 =	vmul.f32 $2.000000030e-01, v13;
	v18 =	vmul.f32 $2.000000030e-01, v4  }
0x400: {  	v5 =	vld.idx.msk [tilespmem:v11+s22+$0x0], $0xffff  }
0x401: {  	v21 =	vld.idx.msk [tilespmem:v16+s22+$0x0], $0xffff;
	v7 =	vmax.f32 v13, v7;
	v4 =	vmax.f32 v4, v18  }
0x402: {  	v2 =	vpop (erf);
	v18 =	vld.idx.msk [tilespmem:v10+s31+$0x0], $0xffff;
	v4 =	vsub.f32 v4, v7  }
0x403: {  	v22 =	vadd.f32 v19, v1;
	[tilespmem:v3+s4+$0x0] =	vst.idx.add.f32.msk $0xffff, v2;
	v7 =	vshll.u32 v3, $0x2  }
0x404: {  	v3 =	vand.u32 $0x7F, v3;
	v13 =	vld.idx.msk [tilespmem:v8+s24+$0x0], $0xffff;
	v7 =	vand.u32 $0xFFFFFE00, v7;
	v4 =	vmul.f32 $1.442695020e+00, v4  }
0x405: {  	v7 =	vor.u32 v3, v7;
	v3 =	vadd.f32 v19, v5;
	v19 =	vmul.f32 $2.000000030e-01, v22  }
0x406: {  	v17 =	vadd.f32 v20, v17;
	v5 =	vadd.f32 v20, v1;
	(erf) = vpow2.f32 v4  }
0x407: {  	v4 =	vor.u32 $0x80, v8;
	v20 =	vmul.f32 $2.000000030e-01, v3;
	v19 =	vmax.f32 v22, v19;
	v22 =	vld [tilespmem:s10+$0x20]  }
0x408: {  	v29 =	vld.idx.msk [tilespmem:v34+s22+$0x0], $0xffff;
	v24 =	vmul.f32 $2.000000030e-01, v5;
	v21 =	vadd.f32 v18, v21  }
0x409: {  	s9 =	simm.s32 $0x1C370;
	v37 =	vld.idx.msk [tilespmem:v35+s22+$0x0], $0xffff;
	v25 =	vmul.f32 v2, v13;
	v3 =	vmax.f32 v3, v20;
	v20 =	vmul.f32 $2.000000030e-01, v17  }
0x40a: {  	v23 =	vshll.u32 v6, $0x2;
	v18 =	vadd.f32 v18, v1;
	v13 =	vld [tilespmem:s9+$0x20];
	v3 =	vsub.f32 v3, v19  }
0x40b: {  	v6 =	vand.u32 $0x7F, v6;
	v5 =	vmax.f32 v5, v24;
	[tilespmem:v7+s5+$0x0] =	vst.idx.add.f32.msk $0xffff, v25;
	v17 =	vmax.f32 v17, v20  }
0x40c: {  	v19 =	vmul.f32 $1.442695020e+00, v3;
	v5 =	vsub.f32 v17, v5;
	v3 =	vand.u32 $0xFFFFFE00, v23;
	v20 =	vld.idx.msk [tilespmem:v4+s24+$0x0], $0xffff  }
0x40d: {  	v4 =	vmul.f32 $2.000000030e-01, v21;
	v23 =	vmul.f32 $2.000000030e-01, v18;
	v39 =	vor.u32 v6, v3;
	v3 =	vld [tilespmem:s9+$0xFFFFFFE0]  }
0x40e: {  	(erf) = vpow2.f32 v19;
	v6 =	vmul.f32 $1.442695020e+00, v5;
	v5 =	vld [tilespmem:s9+$0xFFFFFFF0]  }
0x40f: {  	v26 =	vor.u32 $0x80, v7;
	v4 =	vmax.f32 v21, v4;
	v18 =	vmax.f32 v18, v23;
	v23 =	vld.idx.msk [tilespmem:v22+s22+$0x0], $0xffff;
	v17 =	vpop (erf)  }
0x410: {  	v4 =	vsub.f32 v4, v18;
	(erf) = vpow2.f32 v6;
	v6 =	vshll.u32 v11, $0x2;
	[tilespmem:v9+s4+$0x0] =	vst.idx.add.f32.msk $0xffff, v17  }
0x411: {  	v19 =	vand.u32 $0xFFFFFE00, v6;
	v6 =	vld [tilespmem:s10+$0xFFFFFFE0]  }
0x412: {  	v11 =	vand.u32 $0x7F, v11;
	v4 =	vmul.f32 $1.442695020e+00, v4;
	v28 =	vld.idx.msk [tilespmem:v13+s31+$0x0], $0xffff  }
0x413: {  	v20 =	vmul.f32 v2, v20;
	v18 =	vld.idx.msk [tilespmem:v39+s24+$0x0], $0xffff;
	v24 =	vor.u32 v11, v19;
	v19 =	vshll.u32 v9, $0x2  }
0x414: {  	v11 =	vld [tilespmem:s10+$0xFFFFFFF0];
	v9 =	vand.u32 $0x7F, v9;
	v19 =	vand.u32 $0xFFFFFE00, v19  }
0x415: {  	[tilespmem:v26+s5+$0x0] =	vst.idx.add.f32.msk $0xffff, v20;
	v31 =	vor.u32 v9, v19  }
0x416: {  	v25 =	vshll.u32 v14, $0x2;
	(erf) = vpow2.f32 v4;
	v21 =	vld.idx.msk [tilespmem:v3+s31+$0x0], $0xffff  }
0x417: {  	v9 =	vand.u32 $0x7F, v14;
	v14 =	vand.u32 $0xFFFFFE00, v25;
	v41 =	vld.idx.msk [tilespmem:v5+s31+$0x0], $0xffff;
	v4 =	vpop (erf)  }
0x418: {  	v25 =	vor.u32 $0x80, v39;
	v27 =	vor.u32 v9, v14;
	v9 =	vmul.f32 v17, v18;
	[tilespmem:v12+s4+$0x0] =	vst.idx.add.f32.msk $0xffff, v4  }
0x419: {  	v18 =	vshll.u32 v16, $0x2;
	v14 =	vld.idx.msk [tilespmem:v24+s24+$0x0], $0xffff  }
0x41a: {  	v16 =	vand.u32 $0x7F, v16;
	v18 =	vand.u32 $0xFFFFFE00, v18;
	[tilespmem:v31+s5+$0x0] =	vst.idx.add.f32.msk $0xffff, v9;
	v9 =	vshll.u32 v12, $0x2  }
0x41b: {  	v19 =	vpop (erf);
	v36 =	vor.u32 v16, v18;
	v12 =	vand.u32 $0x7F, v12;
	v42 =	vld.idx.msk [tilespmem:v6+s22+$0x0], $0xffff;
	v16 =	vand.u32 $0xFFFFFE00, v9  }
0x41c: {  	[tilespmem:v15+s4+$0x0] =	vst.idx.add.f32.msk $0xffff, v19;
	v12 =	vor.u32 v12, v16  }
0x41d: {  	v18 =	vshll.u32 v15, $0x2;
	v25 =	vld.idx.msk [tilespmem:v25+s24+$0x0], $0xffff  }
0x41e: {  	v58 =	vor.u32 $0x80, v24;
	v18 =	vand.u32 $0xFFFFFE00, v18;
	v15 =	vand.u32 $0x7F, v15;
	v57 =	vld.idx.msk [tilespmem:v27+s24+$0x0], $0xffff  }
0x41f: {  	v61 =	vor.u32 $0x80, v31;
	v32 =	vor.u32 v15, v18;
	v18 =	vld [tilespmem:s9+$0x10];
	v9 =	vpop (erf);
	v14 =	vmul.f32 v4, v14  }
0x420: {  	v60 =	vshll.u32 v22, $0x2;
	[tilespmem:v10+s4+$0x0] =	vst.idx.add.f32.msk $0xffff, v9  }
0x421: {  	v33 =	vand.u32 $0xFFFFFE00, v60;
	[tilespmem:v12+s5+$0x0] =	vst.idx.add.f32.msk $0xffff, v14;
	v14 =	vor.u32 $0x100, v8  }
0x422: {  	v63 =	vor.u32 $0x100, v39;
	v62 =	vshll.u32 v3, $0x2;
	v20 =	vld.idx.msk [tilespmem:v36+s24+$0x0], $0xffff;
	v25 =	vmul.f32 v17, v25  }
0x423: {  	v26 =	vshll.u32 v10, $0x2;
	v15 =	vor.u32 $0x80, v27;
	v16 =	vmul.f32 v19, v57;
	v38 =	vld.idx.msk [tilespmem:v58+s24+$0x0], $0xffff  }
0x424: {  	v43 =	vor.u32 $0x100, v24;
	v52 =	vadd.f32 v28, v23;
	v53 =	vadd.f32 v28, v1;
	[tilespmem:v61+s5+$0x0] =	vst.idx.add.f32.msk $0xffff, v25  }
0x425: {  	v59 =	vand.u32 $0xFFFFFE00, v26;
	v26 =	vshll.u32 v13, $0x2;
	v39 =	vor.u32 $0x180, v39;
	[tilespmem:v32+s5+$0x0] =	vst.idx.add.f32.msk $0xffff, v16  }
0x426: {  	v55 =	vmul.f32 $2.000000030e-01, v53;
	v10 =	vand.u32 $0x7F, v10;
	v46 =	vld.idx.msk [tilespmem:v14+s24+$0x0], $0xffff;
	v14 =	vmul.f32 $2.000000030e-01, v52  }
0x427: {  	v26 =	vand.u32 $0xFFFFFE00, v26;
	v48 =	vor.u32 $0x100, v31;
	v28 =	vor.u32 v10, v59;
	v16 =	vld [tilespmem:s9+$0x0]  }
0x428: {  	v56 =	vor.u32 $0x80, v36;
	v25 =	vmax.f32 v53, v55;
	v15 =	vld.idx.msk [tilespmem:v15+s24+$0x0], $0xffff;
	v14 =	vmax.f32 v52, v14  }
0x429: {  	v30 =	vld.idx.msk [tilespmem:v11+s22+$0x0], $0xffff;
	v10 =	vand.u32 $0xFFFFFE00, v62;
	v62 =	vor.u32 $0x80, v12;
	v25 =	vsub.f32 v14, v25  }
0x42a: {  	v23 =	vshll.u32 v34, $0x2;
	v54 =	vor.u32 $0x80, v32;
	v59 =	vld.idx.msk [tilespmem:v63+s24+$0x0], $0xffff;
	v20 =	vmul.f32 v9, v20  }
0x42b: {  	v60 =	vor.u32 $0x100, v27;
	v49 =	vor.u32 $0x100, v36;
	v45 =	vld.idx.msk [tilespmem:v18+s31+$0x0], $0xffff;
	v61 =	vmul.f32 $1.442695020e+00, v25  }
0x42c: {  	v47 =	vor.u32 $0x80, v28;
	v57 =	vshll.u32 v5, $0x2;
	[tilespmem:v28+s5+$0x0] =	vst.idx.add.f32.msk $0xffff, v20;
	v63 =	vmul.f32 v4, v38  }
0x42d: {  	v20 =	vshll.u32 v18, $0x2;
	v50 =	vld.idx.msk [tilespmem:v56+s24+$0x0], $0xffff;
	v58 =	vmul.f32 v19, v15;
	(erf) = vpow2.f32 v61  }
0x42e: {  	v38 =	vand.u32 $0x7F, v34;
	v34 =	vand.u32 $0x7F, v35;
	v35 =	vshll.u32 v35, $0x2;
	[tilespmem:v62+s5+$0x0] =	vst.idx.add.f32.msk $0xffff, v63  }
0x42f: {  	v51 =	vmul.f32 v17, v59;
	v35 =	vand.u32 $0xFFFFFE00, v35;
	v15 =	vshll.u32 v6, $0x2;
	[tilespmem:v54+s5+$0x0] =	vst.idx.add.f32.msk $0xffff, v58  }
0x430: {  	v14 =	vand.u32 $0xFFFFFE00, v57;
	v25 =	vand.u32 $0xFFFFFE00, v20;
	v20 =	vshll.u32 v16, $0x2;
	v44 =	vld.idx.msk [tilespmem:v16+s31+$0x0], $0xffff  }
0x431: {  	s11 =	simm.s32 $0x5;
	v15 =	vand.u32 $0xFFFFFE00, v15;
	v40 =	vmul.f32 v2, v46;
	v20 =	vand.u32 $0xFFFFFE00, v20;
	v46 =	vld.idx.msk [tilespmem:v60+s24+$0x0], $0xffff  }
.LBB2_14:
0x432: {  	s11 =	sadd.s32 $0x5, s11;
	v50 =	vmul.f32 v9, v50;
	v52 =	vor.u32 $0x100, v28;
	v28 =	vor.u32 $0x180, v28;
	v43 =	vld.idx.msk [tilespmem:v43+s24+$0x0], $0xffff  }
0x433: {  	v53 =	vor.u32 $0x100, v12;
	v54 =	vor.u32 $0x100, v32;
	p0 =	slt.u32 s11, $0xF5;
	[tilespmem:v48+s5+$0x0] =	vst.idx.add.f32.msk $0xffff, v51;
	v48 =	vor.u32 $0x180, v7  }
0x434: {  	v22 =	vand.u32 $0x7F, v22;
	v27 =	vor.u32 $0x180, v27;
	[tilespmem:v47+s5+$0x0] =	vst.idx.add.f32.msk $0xffff, v50;
	v47 =	vor.u32 $0x100, v7  }
0x435: {  	v31 =	vor.u32 $0x180, v31;
	v7 =	vor.u32 v22, v33;
	v33 =	vor.u32 $0x180, v36;
	v22 =	vld.idx.msk [tilespmem:v49+s24+$0x0], $0xffff  }
0x436: {  	v36 =	vadd.f32 v45, v1;
	v46 =	vmul.f32 v19, v46;
	v50 =	vor.u32 $0x180, v8;
	v49 =	vpop (erf);
	v39 =	vld.idx.msk [tilespmem:v39+s24+$0x0], $0xffff  }
0x437: {  	v29 =	vadd.f32 v45, v29;
	v45 =	vand.u32 $0x7F, v13;
	v8 =	vmovc v7;
	[tilespmem:v13+s4+$0x0] =	vst.idx.add.f32.msk $0xffff, v49;
	v13 =	vor.u32 $0x180, v24  }
0x438: {  	v32 =	vor.u32 $0x180, v32;
	v51 =	vmul.f32 $2.000000030e-01, v36;
	v24 =	vadd.f32 v44, v1;
	[tilespmem:v54+s5+$0x0] =	vst.idx.add.f32.msk $0xffff, v46  }
0x439: {  	v37 =	vadd.f32 v44, v37;
	v44 =	vmul.f32 $2.000000030e-01, v29;
	v43 =	vmul.f32 v4, v43;
	v27 =	vld.idx.msk [tilespmem:v27+s24+$0x0], $0xffff  }
0x43a: {  	v46 =	vadd.f32 v41, v1;
	v36 =	vmax.f32 v36, v51;
	v51 =	vld.idx.msk [tilespmem:v7+s24+$0x0], $0xffff;
	v7 =	vor.u32 v45, v26  }
0x43b: {  	v29 =	vmax.f32 v29, v44;
	v26 =	vadd.f32 v41, v30;
	v30 =	vor.u32 $0x80, v8;
	[tilespmem:v53+s5+$0x0] =	vst.idx.add.f32.msk $0xffff, v43  }
0x43c: {  	v41 =	vadd.f32 v21, v42;
	v42 =	vmul.f32 $2.000000030e-01, v46;
	v17 =	vmul.f32 v39, v17;
	v43 =	vld.idx.msk [tilespmem:v13+s24+$0x0], $0xffff  }
0x43d: {  	v21 =	vadd.f32 v21, v1;
	v22 =	vmul.f32 v9, v22;
	v13 =	vmul.f32 $2.000000030e-01, v26;
	[tilespmem:v47+s5+$0x0] =	vst.idx.add.f32.msk $0xffff, v40  }
0x43e: {  	v29 =	vsub.f32 v29, v36;
	v39 =	vmul.f32 $2.000000030e-01, v41;
	v40 =	vmul.f32 $2.000000030e-01, v24;
	v36 =	vld.idx.msk [tilespmem:v50+s24+$0x0], $0xffff  }
0x43f: {  	v13 =	vmax.f32 v26, v13;
	v26 =	vmax.f32 v46, v42;
	v42 =	vmul.f32 $2.000000030e-01, v37;
	[tilespmem:v52+s5+$0x0] =	vst.idx.add.f32.msk $0xffff, v22  }
0x440: {  	s9 =	sadd.s32 $0x50, s9;
	v39 =	vmax.f32 v41, v39;
	v19 =	vmul.f32 v27, v19;
	v22 =	vsub.f32 v13, v26;
	v33 =	vld.idx.msk [tilespmem:v33+s24+$0x0], $0xffff  }
0x441: {  	v27 =	vmul.f32 $1.442695020e+00, v29;
	v24 =	vmax.f32 v24, v40;
	v26 =	vmax.f32 v37, v42;
	v13 =	vld [tilespmem:s9+$0x20]  }
0x442: {  	v22 =	vmul.f32 $1.442695020e+00, v22;
	v24 =	vsub.f32 v26, v24;
	v26 =	vmul.f32 v49, v51;
	[tilespmem:v31+s5+$0x0] =	vst.idx.add.f32.msk $0xffff, v17  }
0x443: {  	v12 =	vor.u32 $0x180, v12;
	v17 =	vmul.f32 $2.000000030e-01, v21;
	(erf) = vpow2.f32 v27;
	[tilespmem:v32+s5+$0x0] =	vst.idx.add.f32.msk $0xffff, v19  }
0x444: {  	s10 =	sadd.s32 $0x50, s10;
	v19 =	vand.u32 $0xFFFFFE00, v23;
	v23 =	vmul.f32 v36, v2;
	v2 =	vmovc v49;
	[tilespmem:v7+s5+$0x0] =	vst.idx.add.f32.msk $0xffff, v26;
	(erf) = vpow2.f32 v22  }
0x445: {  	v4 =	vmul.f32 v43, v4;
	v17 =	vmax.f32 v21, v17;
	v21 =	vmul.f32 $1.442695020e+00, v24;
	v22 =	vld [tilespmem:s10+$0x20]  }
0x446: {  	v17 =	vsub.f32 v39, v17;
	v39 =	vor.u32 v38, v19;
	v24 =	vshll.u32 v13, $0x2;
	v19 =	vld.idx.msk [tilespmem:v30+s24+$0x0], $0xffff  }
0x447: {  	v9 =	vmul.f32 v33, v9;
	v26 =	vand.u32 $0xFFFFFE00, v24;
	[tilespmem:v48+s5+$0x0] =	vst.idx.add.f32.msk $0xffff, v23  }
0x448: {  	v29 =	vmul.f32 $1.442695020e+00, v17;
	v17 =	vshll.u32 v11, $0x2;
	[tilespmem:v12+s5+$0x0] =	vst.idx.add.f32.msk $0xffff, v4  }
0x449: {  	v4 =	vand.u32 $0x7F, v11;
	v11 =	vand.u32 $0xFFFFFE00, v17;
	[tilespmem:v28+s5+$0x0] =	vst.idx.add.f32.msk $0xffff, v9  }
0x44a: {  	v27 =	vor.u32 v34, v35;
	v24 =	vor.u32 v4, v11;
	v28 =	vld [tilespmem:s9+$0xFFFFFFE0];
	v9 =	vshll.u32 v22, $0x2  }
0x44b: {  	v34 =	vld [tilespmem:s10+$0x10];
	v33 =	vand.u32 $0xFFFFFE00, v9  }
0x44c: {  	v37 =	vmul.f32 v2, v19;
	v12 =	vld [tilespmem:s9+$0xFFFFFFF0];
	v17 =	vpop (erf)  }
0x44d: {  	[tilespmem:v18+s4+$0x0] =	vst.idx.add.f32.msk $0xffff, v17;
	v4 =	vpop (erf);
	(erf) = vpow2.f32 v21  }
0x44e: {  	v35 =	vld [tilespmem:s10+$0x0]  }
0x44f: {  	v9 =	vshll.u32 v28, $0x2;
	v19 =	vld.idx.msk [tilespmem:v39+s24+$0x0], $0xffff  }
0x450: {  	v40 =	vor.u32 $0x80, v39;
	v30 =	vld [tilespmem:s10+$0xFFFFFFE0];
	v38 =	vand.u32 $0xFFFFFE00, v9;
	v23 =	vshll.u32 v34, $0x2  }
0x451: {  	v11 =	vld [tilespmem:s10+$0xFFFFFFF0];
	v9 =	vshll.u32 v12, $0x2  }
0x452: {  	v21 =	vld.idx.msk [tilespmem:v28+s31+$0x0], $0xffff;
	v41 =	vand.u32 $0xFFFFFE00, v9;
	(erf) = vpow2.f32 v29  }
0x453: {  	v9 =	vand.u32 $0x7F, v18;
	v42 =	vld.idx.msk [tilespmem:v22+s22+$0x0], $0xffff  }
0x454: {  	v31 =	vor.u32 v9, v25;
	v29 =	vld.idx.msk [tilespmem:v34+s22+$0x0], $0xffff  }
0x455: {  	v18 =	vmul.f32 v17, v19;
	v9 =	vshll.u32 v30, $0x2;
	[tilespmem:v5+s4+$0x0] =	vst.idx.add.f32.msk $0xffff, v4  }
0x456: {  	v44 =	vor.u32 $0x80, v24;
	v9 =	vand.u32 $0xFFFFFE00, v9;
	v25 =	vld.idx.msk [tilespmem:v24+s24+$0x0], $0xffff;
	v19 =	vpop (erf)  }
0x457: {  	v45 =	vor.u32 $0x80, v27;
	[tilespmem:v16+s4+$0x0] =	vst.idx.add.f32.msk $0xffff, v19  }
0x458: {  	v43 =	vld.idx.msk [tilespmem:v13+s31+$0x0], $0xffff  }
0x459: {  	v32 =	vand.u32 $0x7F, v6;
	v6 =	vmov v30;
	[tilespmem:v31+s5+$0x0] =	vst.idx.add.f32.msk $0xffff, v18;
	v18 =	vor.u32 $0x80, v7  }
0x45a: {  	v36 =	vor.u32 v32, v15;
	v15 =	vmov v9;
	v30 =	vld.idx.msk [tilespmem:v11+s22+$0x0], $0xffff  }
0x45b: {  	v46 =	vld.idx.msk [tilespmem:v27+s24+$0x0], $0xffff;
	v9 =	vpop (erf)  }
0x45c: {  	v32 =	vand.u32 $0x7F, v5;
	v5 =	vmov v12;
	v16 =	vand.u32 $0x7F, v16;
	[tilespmem:v3+s4+$0x0] =	vst.idx.add.f32.msk $0xffff, v9  }
0x45d: {  	v12 =	vor.u32 v32, v14;
	v14 =	vmovc v41;
	v32 =	vor.u32 v16, v20;
	v20 =	vor.u32 $0x100, v39;
	v16 =	vld.idx.msk [tilespmem:v40+s24+$0x0], $0xffff  }
0x45e: {  	v25 =	vmul.f32 v4, v25;
	v40 =	vadd.f32 v43, v42;
	[tilespmem:v18+s5+$0x0] =	vst.idx.add.f32.msk $0xffff, v37  }
0x45f: {  	v41 =	vadd.f32 v43, v1;
	v43 =	vor.u32 $0x100, v24;
	v42 =	vld.idx.msk [tilespmem:v36+s24+$0x0], $0xffff  }
0x460: {  	v47 =	vmul.f32 $2.000000030e-01, v40;
	v18 =	vld [tilespmem:s9+$0x10]  }
0x461: {  	v48 =	vmul.f32 $2.000000030e-01, v41;
	v46 =	vmul.f32 v19, v46;
	v37 =	vld.idx.msk [tilespmem:v35+s22+$0x0], $0xffff  }
0x462: {  	v49 =	vor.u32 $0x100, v27;
	v40 =	vmax.f32 v40, v47;
	v47 =	vor.u32 $0x100, v8;
	[tilespmem:v12+s5+$0x0] =	vst.idx.add.f32.msk $0xffff, v25  }
0x463: {  	v25 =	vmax.f32 v41, v48;
	[tilespmem:v32+s5+$0x0] =	vst.idx.add.f32.msk $0xffff, v46;
	v46 =	vmul.f32 v17, v16  }
0x464: {  	v48 =	vor.u32 $0x80, v31;
	v40 =	vsub.f32 v40, v25;
	v45 =	vld.idx.msk [tilespmem:v45+s24+$0x0], $0xffff  }
0x465: {  	v41 =	vand.u32 $0x7F, v3;
	v3 =	vmov v28;
	v16 =	vld [tilespmem:s9+$0x0];
	v25 =	vshll.u32 v18, $0x2  }
0x466: {  	v28 =	vor.u32 v41, v10;
	v10 =	vmovc v38;
	v51 =	vmul.f32 $1.442695020e+00, v40;
	v25 =	vand.u32 $0xFFFFFE00, v25;
	v40 =	vld.idx.msk [tilespmem:v44+s24+$0x0], $0xffff  }
0x467: {  	v38 =	vor.u32 $0x80, v32;
	v44 =	vld.idx.msk [tilespmem:v47+s24+$0x0], $0xffff  }
0x468: {  	v47 =	vor.u32 $0x80, v36;
	v41 =	vld.idx.msk [tilespmem:v5+s31+$0x0], $0xffff  }
0x469: {  	v42 =	vmul.f32 v9, v42;
	[tilespmem:v48+s5+$0x0] =	vst.idx.add.f32.msk $0xffff, v46  }
0x46a: {  	v45 =	vmul.f32 v19, v45;
	v46 =	vshll.u32 v16, $0x2;
	v52 =	vld.idx.msk [tilespmem:v20+s24+$0x0], $0xffff  }
0x46b: {  	v20 =	vand.u32 $0xFFFFFE00, v46;
	[tilespmem:v28+s5+$0x0] =	vst.idx.add.f32.msk $0xffff, v42  }
0x46c: {  	v53 =	vmul.f32 v4, v40;
	[tilespmem:v38+s5+$0x0] =	vst.idx.add.f32.msk $0xffff, v45  }
0x46d: {  	v54 =	vor.u32 $0x80, v12;
	v40 =	vmul.f32 v2, v44;
	v50 =	vld.idx.msk [tilespmem:v47+s24+$0x0], $0xffff  }
.Ltmp6:
0x46e: {  	v42 =	vld.idx.msk [tilespmem:v6+s22+$0x0], $0xffff;
	(erf) = vpow2.f32 v51;
	(pc) =	sbr.rel @p0 .LBB2_14-.Ltmp6, $4  }
0x46f: {  	v48 =	vor.u32 $0x100, v31;
	v38 =	vand.u32 $0x7F, v34;
	v45 =	vld.idx.msk [tilespmem:v18+s31+$0x0], $0xffff  }
0x470: {  	v47 =	vor.u32 $0x80, v28;
	v51 =	vmul.f32 v17, v52;
	v46 =	vld.idx.msk [tilespmem:v49+s24+$0x0], $0xffff  }
0x471: {  	v34 =	vand.u32 $0x7F, v35;
	v35 =	vshll.u32 v35, $0x2;
	v49 =	vor.u32 $0x100, v36;
	v44 =	vld.idx.msk [tilespmem:v16+s31+$0x0], $0xffff  }
0x472: {  	v39 =	vor.u32 $0x180, v39;
	v35 =	vand.u32 $0xFFFFFE00, v35;
	[tilespmem:v54+s5+$0x0] =	vst.idx.add.f32.msk $0xffff, v53  }
0x473: {  	_ = 	snop  }
0x474: {  	v50 =	vmul.f32 v9, v50;
	v52 =	vor.u32 $0x100, v28;
	v53 =	vor.u32 $0x100, v12  }
0x475: {  	v54 =	vor.u32 $0x100, v32;
	v22 =	vand.u32 $0x7F, v22;
	v27 =	vor.u32 $0x180, v27  }
0x476: {  	v55 =	vor.u32 $0x100, v7;
	v36 =	vor.u32 $0x180, v36;
	v29 =	vadd.f32 v45, v29  }
0x477: {  	v31 =	vor.u32 $0x180, v31;
	[tilespmem:v48+s5+$0x0] =	vst.idx.add.f32.msk $0xffff, v51;
	v48 =	vor.u32 $0x180, v8;
	v61 =	vadd.f32 v45, v1  }
0x478: {  	v59 =	vadd.f32 v41, v1;
	v30 =	vadd.f32 v41, v30;
	v8 =	vmul.f32 $2.000000030e-01, v29  }
0x479: {  	v43 =	vld.idx.msk [tilespmem:v43+s24+$0x0], $0xffff;
	v42 =	vadd.f32 v21, v42;
	v21 =	vadd.f32 v21, v1;
	v63 =	vmul.f32 $2.000000030e-01, v61  }
0x47a: {  	v56 =	vand.u32 $0x7F, v13;
	v22 =	vor.u32 v22, v33;
	v62 =	vmul.f32 v19, v46;
	[tilespmem:v47+s5+$0x0] =	vst.idx.add.f32.msk $0xffff, v50  }
0x47b: {  	v39 =	vld.idx.msk [tilespmem:v39+s24+$0x0], $0xffff;
	v57 =	vadd.f32 v44, v1;
	v33 =	vmax.f32 v61, v63;
	v29 =	vmax.f32 v29, v8  }
0x47c: {  	v51 =	vmul.f32 $2.000000030e-01, v21;
	v58 =	vld.idx.msk [tilespmem:v49+s24+$0x0], $0xffff;
	v37 =	vadd.f32 v44, v37;
	v29 =	vsub.f32 v29, v33;
	v8 =	vpop (erf)  }
0x47d: {  	v61 =	vmul.f32 $2.000000030e-01, v30;
	[tilespmem:v13+s4+$0x0] =	vst.idx.add.f32.msk $0xffff, v8;
	v13 =	vor.u32 v56, v26;
	v26 =	vmul.f32 $2.000000030e-01, v59  }
0x47e: {  	v24 =	vor.u32 $0x180, v24;
	[tilespmem:v54+s5+$0x0] =	vst.idx.add.f32.msk $0xffff, v62;
	v62 =	vmul.f32 $2.000000030e-01, v57;
	v29 =	vmul.f32 $1.442695020e+00, v29  }
0x47f: {  	v63 =	vmul.f32 $2.000000030e-01, v37;
	[tilespmem:v55+s5+$0x0] =	vst.idx.add.f32.msk $0xffff, v40;
	v30 =	vmax.f32 v30, v61;
	v26 =	vmax.f32 v59, v26  }
0x480: {  	v21 =	vmax.f32 v21, v51;
	v27 =	vld.idx.msk [tilespmem:v27+s24+$0x0], $0xffff;
	(erf) = vpow2.f32 v29;
	v26 =	vsub.f32 v30, v26  }
0x481: {  	v60 =	vmul.f32 v4, v43;
	v40 =	vld.idx.msk [tilespmem:v48+s24+$0x0], $0xffff;
	v50 =	vmax.f32 v57, v62;
	v30 =	vmax.f32 v37, v63  }
0x482: {  	v49 =	vld.idx.msk [tilespmem:v22+s24+$0x0], $0xffff;
	v29 =	vmul.f32 $2.000000030e-01, v42;
	v30 =	vsub.f32 v30, v50;
	v26 =	vmul.f32 $1.442695020e+00, v26  }
0x483: {  	v17 =	vmul.f32 v39, v17;
	[tilespmem:v53+s5+$0x0] =	vst.idx.add.f32.msk $0xffff, v60;
	v53 =	vor.u32 $0x180, v32;
	v54 =	vmul.f32 v9, v58  }
0x484: {  	v24 =	vld.idx.msk [tilespmem:v24+s24+$0x0], $0xffff;
	v29 =	vmax.f32 v42, v29;
	(erf) = vpow2.f32 v26;
	v26 =	vmul.f32 $1.442695020e+00, v30  }
0x485: {  	v23 =	vand.u32 $0xFFFFFE00, v23;
	[tilespmem:v31+s5+$0x0] =	vst.idx.add.f32.msk $0xffff, v17;
	v21 =	vsub.f32 v29, v21  }
0x486: {  	v23 =	vor.u32 v38, v23;
	[tilespmem:v52+s5+$0x0] =	vst.idx.add.f32.msk $0xffff, v54;
	v19 =	vmul.f32 v27, v19;
	(erf) = vpow2.f32 v26  }
0x487: {  	v29 =	vld.idx.msk [tilespmem:v36+s24+$0x0], $0xffff;
	v27 =	vmul.f32 v8, v49;
	v26 =	vor.u32 $0x80, v22  }
0x488: {  	v7 =	vor.u32 $0x180, v7;
	v2 =	vmul.f32 v40, v2;
	[tilespmem:v53+s5+$0x0] =	vst.idx.add.f32.msk $0xffff, v19;
	v19 =	vshll.u32 v11, $0x2  }
0x489: {  	v11 =	vand.u32 $0x7F, v11;
	v19 =	vand.u32 $0xFFFFFE00, v19;
	v17 =	vmul.f32 $1.442695020e+00, v21;
	[tilespmem:v13+s5+$0x0] =	vst.idx.add.f32.msk $0xffff, v27;
	v21 =	vpop (erf)  }
0x48a: {  	v11 =	vor.u32 v11, v19;
	[tilespmem:v18+s4+$0x0] =	vst.idx.add.f32.msk $0xffff, v21  }
0x48b: {  	(erf) = vpow2.f32 v17;
	v17 =	vld.idx.msk [tilespmem:v23+s24+$0x0], $0xffff  }
0x48c: {  	v18 =	vand.u32 $0x7F, v18;
	v19 =	vld.idx.msk [tilespmem:v26+s24+$0x0], $0xffff;
	v26 =	vor.u32 v34, v35  }
0x48d: {  	[tilespmem:v7+s5+$0x0] =	vst.idx.add.f32.msk $0xffff, v2;
	v7 =	vor.u32 v18, v25;
	v2 =	vpop (erf)  }
0x48e: {  	v18 =	vor.u32 $0x80, v23;
	[tilespmem:v5+s4+$0x0] =	vst.idx.add.f32.msk $0xffff, v2  }
0x48f: {  	v30 =	vor.u32 $0x80, v13;
	v25 =	vld.idx.msk [tilespmem:v11+s24+$0x0], $0xffff;
	v27 =	vpop (erf)  }
0x490: {  	v6 =	vand.u32 $0x7F, v6;
	v17 =	vmul.f32 v21, v17;
	[tilespmem:v16+s4+$0x0] =	vst.idx.add.f32.msk $0xffff, v27  }
0x491: {  	v6 =	vor.u32 v6, v15;
	v5 =	vand.u32 $0x7F, v5;
	v15 =	vld.idx.msk [tilespmem:v26+s24+$0x0], $0xffff  }
0x492: {  	v5 =	vor.u32 v5, v14;
	v16 =	vand.u32 $0x7F, v16;
	v14 =	vmul.f32 v8, v19;
	[tilespmem:v7+s5+$0x0] =	vst.idx.add.f32.msk $0xffff, v17  }
0x493: {  	v16 =	vor.u32 v16, v20;
	v18 =	vld.idx.msk [tilespmem:v18+s24+$0x0], $0xffff  }
0x494: {  	v19 =	vor.u32 $0x80, v26;
	[tilespmem:v30+s5+$0x0] =	vst.idx.add.f32.msk $0xffff, v14;
	v17 =	vpop (erf)  }
0x495: {  	v20 =	vor.u32 $0x80, v11;
	[tilespmem:v3+s4+$0x0] =	vst.idx.add.f32.msk $0xffff, v17;
	v25 =	vmul.f32 v2, v25  }
0x496: {  	v30 =	vor.u32 $0x80, v7;
	v14 =	vld.idx.msk [tilespmem:v6+s24+$0x0], $0xffff;
	v15 =	vmul.f32 v27, v15  }
0x497: {  	v31 =	vor.u32 $0x100, v23;
	v3 =	vand.u32 $0x7F, v3;
	[tilespmem:v5+s5+$0x0] =	vst.idx.add.f32.msk $0xffff, v25  }
0x498: {  	v3 =	vor.u32 v3, v10;
	[tilespmem:v16+s5+$0x0] =	vst.idx.add.f32.msk $0xffff, v15  }
0x499: {  	v10 =	vmul.f32 v21, v18;
	v18 =	vor.u32 $0x80, v6;
	v15 =	vld.idx.msk [tilespmem:v19+s24+$0x0], $0xffff  }
0x49a: {  	v20 =	vld.idx.msk [tilespmem:v20+s24+$0x0], $0xffff;
	v19 =	vor.u32 $0x100, v22  }
0x49b: {  	v25 =	vor.u32 $0x80, v16;
	[tilespmem:v30+s5+$0x0] =	vst.idx.add.f32.msk $0xffff, v10;
	v14 =	vmul.f32 v17, v14  }
0x49c: {  	v10 =	vor.u32 $0x100, v26;
	v30 =	vld.idx.msk [tilespmem:v31+s24+$0x0], $0xffff  }
0x49d: {  	[tilespmem:v3+s5+$0x0] =	vst.idx.add.f32.msk $0xffff, v14;
	v14 =	vor.u32 $0x80, v5  }
0x49e: {  	v31 =	vor.u32 $0x100, v11;
	v18 =	vld.idx.msk [tilespmem:v18+s24+$0x0], $0xffff;
	v15 =	vmul.f32 v27, v15  }
0x49f: {  	v56 =	vor.u32 $0x100, v7;
	v19 =	vld.idx.msk [tilespmem:v19+s24+$0x0], $0xffff  }
0x4a0: {  	v20 =	vmul.f32 v2, v20;
	[tilespmem:v25+s5+$0x0] =	vst.idx.add.f32.msk $0xffff, v15;
	v15 =	vor.u32 $0x80, v3  }
0x4a1: {  	v25 =	vor.u32 $0x100, v6;
	v10 =	vld.idx.msk [tilespmem:v10+s24+$0x0], $0xffff  }
0x4a2: {  	v30 =	vmul.f32 v21, v30;
	[tilespmem:v14+s5+$0x0] =	vst.idx.add.f32.msk $0xffff, v20;
	v14 =	vor.u32 $0x180, v23  }
0x4a3: {  	v23 =	vor.u32 $0x100, v16;
	v18 =	vmul.f32 v17, v18;
	v20 =	vld.idx.msk [tilespmem:v31+s24+$0x0], $0xffff  }
0x4a4: {  	v26 =	vor.u32 $0x180, v26;
	[tilespmem:v56+s5+$0x0] =	vst.idx.add.f32.msk $0xffff, v30  }
0x4a5: {  	v30 =	vor.u32 $0x100, v5;
	[tilespmem:v15+s5+$0x0] =	vst.idx.add.f32.msk $0xffff, v18  }
0x4a6: {  	v18 =	vor.u32 $0x100, v13;
	v15 =	vld.idx.msk [tilespmem:v25+s24+$0x0], $0xffff;
	v10 =	vmul.f32 v27, v10  }
0x4a7: {  	v11 =	vor.u32 $0x180, v11;
	v14 =	vld.idx.msk [tilespmem:v14+s24+$0x0], $0xffff  }
0x4a8: {  	v22 =	vor.u32 $0x180, v22;
	[tilespmem:v23+s5+$0x0] =	vst.idx.add.f32.msk $0xffff, v10;
	v10 =	vmul.f32 v2, v20  }
0x4a9: {  	v19 =	vmul.f32 v8, v19;
	v20 =	vor.u32 $0x100, v3;
	v23 =	vld.idx.msk [tilespmem:v26+s24+$0x0], $0xffff  }
0x4aa: {  	v6 =	vor.u32 $0x180, v6;
	[tilespmem:v30+s5+$0x0] =	vst.idx.add.f32.msk $0xffff, v10  }
0x4ab: {  	v10 =	vor.u32 $0x180, v12;
	[tilespmem:v18+s5+$0x0] =	vst.idx.add.f32.msk $0xffff, v19  }
0x4ac: {  	v12 =	vor.u32 $0x180, v28;
	v11 =	vld.idx.msk [tilespmem:v11+s24+$0x0], $0xffff;
	v15 =	vmul.f32 v17, v15  }
0x4ad: {  	v7 =	vor.u32 $0x180, v7;
	v18 =	vld.idx.msk [tilespmem:v22+s24+$0x0], $0xffff  }
0x4ae: {  	v4 =	vmul.f32 v24, v4;
	v16 =	vor.u32 $0x180, v16;
	[tilespmem:v20+s5+$0x0] =	vst.idx.add.f32.msk $0xffff, v15  }
0x4af: {  	v9 =	vmul.f32 v29, v9;
	v5 =	vor.u32 $0x180, v5;
	v6 =	vld.idx.msk [tilespmem:v6+s24+$0x0], $0xffff  }
0x4b0: {  	v13 =	vor.u32 $0x180, v13;
	[tilespmem:v10+s5+$0x0] =	vst.idx.add.f32.msk $0xffff, v4;
	v4 =	vmul.f32 v14, v21  }
0x4b1: {  	v3 =	vor.u32 $0x180, v3;
	[tilespmem:v12+s5+$0x0] =	vst.idx.add.f32.msk $0xffff, v9;
	v9 =	vmul.f32 v23, v27  }
0x4b2: {  	v2 =	vmul.f32 v11, v2;
	[tilespmem:v7+s5+$0x0] =	vst.idx.add.f32.msk $0xffff, v4  }
0x4b3: {  	v4 =	vmul.f32 v18, v8;
	[tilespmem:v16+s5+$0x0] =	vst.idx.add.f32.msk $0xffff, v9  }
0x4b4: {  	[tilespmem:v5+s5+$0x0] =	vst.idx.add.f32.msk $0xffff, v2;
	v6 =	vmul.f32 v6, v17  }
0x4b5: {  	[tilespmem:v13+s5+$0x0] =	vst.idx.add.f32.msk $0xffff, v4  }
0x4b6: {  	[tilespmem:v3+s5+$0x0] =	vst.idx.add.f32.msk $0xffff, v6  }
0x4b7: {  	[tilespmem:s26], [sflag:$0x1] =	stream.linear.gather [hbm4b:s12+s22], $0xFA0, $0x38;
	[tilespmem:$0x1F300] =	vst v63  }
0x4b8: {  	_ = 	snop  }
0x4b9: {  	[tilespmem:s0], [sflag:$0x1] =	stream.linear.gather [hbm4b:s13+s22], $0xFA0, $0x38;
	[tilespmem:$0x1F300] =	vst v63  }
0x4ba: {  	_ =	swait.ge [sflag:s6], $0xFA0  }
0x4bb: {  	[sflag:s6] =	ssyncset.done $0x0  }
0x4bc: {  	[sflag:s6] =	ssyncadd.s32 $0xFFFFF060  }
0x4bd: {  	_ =	swait.ge [sflag:s6], $0xFA0  }
0x4be: {  	[sflag:s6] =	ssyncset.done $0x0  }
0x4bf: {  	s9 =	simm.s32 $0x1D320;
	[sflag:s6] =	ssyncadd.s32 $0xFFFFF060  }
0x4c0: {  	s10 =	simm.s32 $0x1E320;
	v2 =	vld [tilespmem:s9+$0x20]  }
0x4c1: {  	v3 =	vld [tilespmem:s10+$0x20];
	_ =	sdelay $0x6  }
0x4c2: {  	v4 =	vld.idx.msk [tilespmem:v2+s22+$0x0], $0xffff  }
0x4c3: {  	v5 =	vld.idx.msk [tilespmem:v3+s31+$0x0], $0xffff;
	_ =	sdelay $0x4  }
0x4c4: {  	v6 =	vld [tilespmem:s9+$0x10];
	v4 =	vadd.f32 v5, v4;
	v5 =	vadd.f32 v5, v1  }
0x4c5: {  	v9 =	vld [tilespmem:s10+$0x10]  }
0x4c6: {  	v7 =	vmul.f32 $2.000000030e-01, v4;
	v8 =	vmul.f32 $2.000000030e-01, v5;
	_ =	sdelay $0x1  }
0x4c7: {  	v12 =	vld [tilespmem:s10+$0xFFFFFFF0];
	v4 =	vmax.f32 v4, v7;
	v5 =	vmax.f32 v5, v8  }
0x4c8: {  	v14 =	vld [tilespmem:s9+$0x0];
	v4 =	vsub.f32 v4, v5  }
0x4c9: {  	v11 =	vld [tilespmem:s9+$0xFFFFFFF0]  }
0x4ca: {  	v15 =	vld [tilespmem:s10+$0x0];
	v4 =	vmul.f32 $1.442695020e+00, v4  }
0x4cb: {  	v5 =	vld.idx.msk [tilespmem:v6+s22+$0x0], $0xffff  }
0x4cc: {  	(erf) = vpow2.f32 v4;
	v4 =	vld.idx.msk [tilespmem:v9+s31+$0x0], $0xffff  }
0x4cd: {  	v16 =	vld [tilespmem:s9+$0xFFFFFFE0]  }
0x4ce: {  	v10 =	vld [tilespmem:s10+$0xFFFFFFE0];
	s10 =	simm.s32 $0x1D370  }
0x4cf: {  	v34 =	vld [tilespmem:s10+$0x10]  }
0x4d0: {  	v35 =	vld [tilespmem:s10+$0x0]  }
0x4d1: {  	v17 =	vld.idx.msk [tilespmem:v14+s22+$0x0], $0xffff;
	v7 =	vshll.u32 v2, $0x2;
	v13 =	vadd.f32 v4, v1;
	v4 =	vadd.f32 v4, v5  }
0x4d2: {  	v19 =	vld.idx.msk [tilespmem:v12+s31+$0x0], $0xffff;
	v2 =	vand.u32 $0x7F, v2;
	v7 =	vand.u32 $0xFFFFFE00, v7  }
0x4d3: {  	v20 =	vld.idx.msk [tilespmem:v15+s31+$0x0], $0xffff;
	v8 =	vor.u32 v2, v7;
	v7 =	vmul.f32 $2.000000030e-01, v13;
	v18 =	vmul.f32 $2.000000030e-01, v4  }
0x4d4: {  	v5 =	vld.idx.msk [tilespmem:v11+s22+$0x0], $0xffff  }
0x4d5: {  	v21 =	vld.idx.msk [tilespmem:v16+s22+$0x0], $0xffff;
	v7 =	vmax.f32 v13, v7;
	v4 =	vmax.f32 v4, v18  }
0x4d6: {  	v2 =	vpop (erf);
	v18 =	vld.idx.msk [tilespmem:v10+s31+$0x0], $0xffff;
	v4 =	vsub.f32 v4, v7  }
0x4d7: {  	v22 =	vadd.f32 v19, v1;
	[tilespmem:v3+s4+$0x0] =	vst.idx.add.f32.msk $0xffff, v2;
	v7 =	vshll.u32 v3, $0x2  }
0x4d8: {  	v3 =	vand.u32 $0x7F, v3;
	v13 =	vld.idx.msk [tilespmem:v8+s24+$0x0], $0xffff;
	v7 =	vand.u32 $0xFFFFFE00, v7;
	v4 =	vmul.f32 $1.442695020e+00, v4  }
0x4d9: {  	v7 =	vor.u32 v3, v7;
	v3 =	vadd.f32 v19, v5;
	v19 =	vmul.f32 $2.000000030e-01, v22  }
0x4da: {  	v17 =	vadd.f32 v20, v17;
	v5 =	vadd.f32 v20, v1;
	(erf) = vpow2.f32 v4  }
0x4db: {  	v4 =	vor.u32 $0x80, v8;
	v20 =	vmul.f32 $2.000000030e-01, v3;
	v19 =	vmax.f32 v22, v19;
	v22 =	vld [tilespmem:s10+$0x20]  }
0x4dc: {  	v29 =	vld.idx.msk [tilespmem:v34+s22+$0x0], $0xffff;
	v24 =	vmul.f32 $2.000000030e-01, v5;
	v21 =	vadd.f32 v18, v21  }
0x4dd: {  	s9 =	simm.s32 $0x1E370;
	v37 =	vld.idx.msk [tilespmem:v35+s22+$0x0], $0xffff;
	v25 =	vmul.f32 v2, v13;
	v3 =	vmax.f32 v3, v20;
	v20 =	vmul.f32 $2.000000030e-01, v17  }
0x4de: {  	v23 =	vshll.u32 v6, $0x2;
	v18 =	vadd.f32 v18, v1;
	v13 =	vld [tilespmem:s9+$0x20];
	v3 =	vsub.f32 v3, v19  }
0x4df: {  	v6 =	vand.u32 $0x7F, v6;
	v5 =	vmax.f32 v5, v24;
	[tilespmem:v7+s5+$0x0] =	vst.idx.add.f32.msk $0xffff, v25;
	v17 =	vmax.f32 v17, v20  }
0x4e0: {  	v19 =	vmul.f32 $1.442695020e+00, v3;
	v5 =	vsub.f32 v17, v5;
	v3 =	vand.u32 $0xFFFFFE00, v23;
	v20 =	vld.idx.msk [tilespmem:v4+s24+$0x0], $0xffff  }
0x4e1: {  	v4 =	vmul.f32 $2.000000030e-01, v21;
	v23 =	vmul.f32 $2.000000030e-01, v18;
	v39 =	vor.u32 v6, v3;
	v3 =	vld [tilespmem:s9+$0xFFFFFFE0]  }
0x4e2: {  	(erf) = vpow2.f32 v19;
	v6 =	vmul.f32 $1.442695020e+00, v5;
	v5 =	vld [tilespmem:s9+$0xFFFFFFF0]  }
0x4e3: {  	v26 =	vor.u32 $0x80, v7;
	v4 =	vmax.f32 v21, v4;
	v18 =	vmax.f32 v18, v23;
	v23 =	vld.idx.msk [tilespmem:v22+s22+$0x0], $0xffff;
	v17 =	vpop (erf)  }
0x4e4: {  	v4 =	vsub.f32 v4, v18;
	(erf) = vpow2.f32 v6;
	v6 =	vshll.u32 v11, $0x2;
	[tilespmem:v9+s4+$0x0] =	vst.idx.add.f32.msk $0xffff, v17  }
0x4e5: {  	v19 =	vand.u32 $0xFFFFFE00, v6;
	v6 =	vld [tilespmem:s10+$0xFFFFFFE0]  }
0x4e6: {  	v11 =	vand.u32 $0x7F, v11;
	v4 =	vmul.f32 $1.442695020e+00, v4;
	v28 =	vld.idx.msk [tilespmem:v13+s31+$0x0], $0xffff  }
0x4e7: {  	v20 =	vmul.f32 v2, v20;
	v18 =	vld.idx.msk [tilespmem:v39+s24+$0x0], $0xffff;
	v24 =	vor.u32 v11, v19;
	v19 =	vshll.u32 v9, $0x2  }
0x4e8: {  	v11 =	vld [tilespmem:s10+$0xFFFFFFF0];
	v9 =	vand.u32 $0x7F, v9;
	v19 =	vand.u32 $0xFFFFFE00, v19  }
0x4e9: {  	[tilespmem:v26+s5+$0x0] =	vst.idx.add.f32.msk $0xffff, v20;
	v31 =	vor.u32 v9, v19  }
0x4ea: {  	v25 =	vshll.u32 v14, $0x2;
	(erf) = vpow2.f32 v4;
	v21 =	vld.idx.msk [tilespmem:v3+s31+$0x0], $0xffff  }
0x4eb: {  	v9 =	vand.u32 $0x7F, v14;
	v14 =	vand.u32 $0xFFFFFE00, v25;
	v41 =	vld.idx.msk [tilespmem:v5+s31+$0x0], $0xffff;
	v4 =	vpop (erf)  }
0x4ec: {  	v25 =	vor.u32 $0x80, v39;
	v27 =	vor.u32 v9, v14;
	v9 =	vmul.f32 v17, v18;
	[tilespmem:v12+s4+$0x0] =	vst.idx.add.f32.msk $0xffff, v4  }
0x4ed: {  	v18 =	vshll.u32 v16, $0x2;
	v14 =	vld.idx.msk [tilespmem:v24+s24+$0x0], $0xffff  }
0x4ee: {  	v16 =	vand.u32 $0x7F, v16;
	v18 =	vand.u32 $0xFFFFFE00, v18;
	[tilespmem:v31+s5+$0x0] =	vst.idx.add.f32.msk $0xffff, v9;
	v9 =	vshll.u32 v12, $0x2  }
0x4ef: {  	v19 =	vpop (erf);
	v36 =	vor.u32 v16, v18;
	v12 =	vand.u32 $0x7F, v12;
	v42 =	vld.idx.msk [tilespmem:v6+s22+$0x0], $0xffff;
	v16 =	vand.u32 $0xFFFFFE00, v9  }
0x4f0: {  	[tilespmem:v15+s4+$0x0] =	vst.idx.add.f32.msk $0xffff, v19;
	v12 =	vor.u32 v12, v16  }
0x4f1: {  	v18 =	vshll.u32 v15, $0x2;
	v25 =	vld.idx.msk [tilespmem:v25+s24+$0x0], $0xffff  }
0x4f2: {  	v58 =	vor.u32 $0x80, v24;
	v18 =	vand.u32 $0xFFFFFE00, v18;
	v15 =	vand.u32 $0x7F, v15;
	v57 =	vld.idx.msk [tilespmem:v27+s24+$0x0], $0xffff  }
0x4f3: {  	v61 =	vor.u32 $0x80, v31;
	v32 =	vor.u32 v15, v18;
	v18 =	vld [tilespmem:s9+$0x10];
	v9 =	vpop (erf);
	v14 =	vmul.f32 v4, v14  }
0x4f4: {  	v60 =	vshll.u32 v22, $0x2;
	[tilespmem:v10+s4+$0x0] =	vst.idx.add.f32.msk $0xffff, v9  }
0x4f5: {  	v33 =	vand.u32 $0xFFFFFE00, v60;
	[tilespmem:v12+s5+$0x0] =	vst.idx.add.f32.msk $0xffff, v14;
	v14 =	vor.u32 $0x100, v8  }
0x4f6: {  	v63 =	vor.u32 $0x100, v39;
	v62 =	vshll.u32 v3, $0x2;
	v20 =	vld.idx.msk [tilespmem:v36+s24+$0x0], $0xffff;
	v25 =	vmul.f32 v17, v25  }
0x4f7: {  	v26 =	vshll.u32 v10, $0x2;
	v15 =	vor.u32 $0x80, v27;
	v16 =	vmul.f32 v19, v57;
	v38 =	vld.idx.msk [tilespmem:v58+s24+$0x0], $0xffff  }
0x4f8: {  	v43 =	vor.u32 $0x100, v24;
	v52 =	vadd.f32 v28, v23;
	v53 =	vadd.f32 v28, v1;
	[tilespmem:v61+s5+$0x0] =	vst.idx.add.f32.msk $0xffff, v25  }
0x4f9: {  	v59 =	vand.u32 $0xFFFFFE00, v26;
	v26 =	vshll.u32 v13, $0x2;
	v39 =	vor.u32 $0x180, v39;
	[tilespmem:v32+s5+$0x0] =	vst.idx.add.f32.msk $0xffff, v16  }
0x4fa: {  	v55 =	vmul.f32 $2.000000030e-01, v53;
	v10 =	vand.u32 $0x7F, v10;
	v46 =	vld.idx.msk [tilespmem:v14+s24+$0x0], $0xffff;
	v14 =	vmul.f32 $2.000000030e-01, v52  }
0x4fb: {  	v26 =	vand.u32 $0xFFFFFE00, v26;
	v48 =	vor.u32 $0x100, v31;
	v28 =	vor.u32 v10, v59;
	v16 =	vld [tilespmem:s9+$0x0]  }
0x4fc: {  	v56 =	vor.u32 $0x80, v36;
	v25 =	vmax.f32 v53, v55;
	v15 =	vld.idx.msk [tilespmem:v15+s24+$0x0], $0xffff;
	v14 =	vmax.f32 v52, v14  }
0x4fd: {  	v30 =	vld.idx.msk [tilespmem:v11+s22+$0x0], $0xffff;
	v10 =	vand.u32 $0xFFFFFE00, v62;
	v62 =	vor.u32 $0x80, v12;
	v25 =	vsub.f32 v14, v25  }
0x4fe: {  	v23 =	vshll.u32 v34, $0x2;
	v54 =	vor.u32 $0x80, v32;
	v59 =	vld.idx.msk [tilespmem:v63+s24+$0x0], $0xffff;
	v20 =	vmul.f32 v9, v20  }
0x4ff: {  	v60 =	vor.u32 $0x100, v27;
	v49 =	vor.u32 $0x100, v36;
	v45 =	vld.idx.msk [tilespmem:v18+s31+$0x0], $0xffff;
	v61 =	vmul.f32 $1.442695020e+00, v25  }
0x500: {  	v47 =	vor.u32 $0x80, v28;
	v57 =	vshll.u32 v5, $0x2;
	[tilespmem:v28+s5+$0x0] =	vst.idx.add.f32.msk $0xffff, v20;
	v63 =	vmul.f32 v4, v38  }
0x501: {  	v20 =	vshll.u32 v18, $0x2;
	v50 =	vld.idx.msk [tilespmem:v56+s24+$0x0], $0xffff;
	v58 =	vmul.f32 v19, v15;
	(erf) = vpow2.f32 v61  }
0x502: {  	v38 =	vand.u32 $0x7F, v34;
	v34 =	vand.u32 $0x7F, v35;
	v35 =	vshll.u32 v35, $0x2;
	[tilespmem:v62+s5+$0x0] =	vst.idx.add.f32.msk $0xffff, v63  }
0x503: {  	v51 =	vmul.f32 v17, v59;
	v35 =	vand.u32 $0xFFFFFE00, v35;
	v15 =	vshll.u32 v6, $0x2;
	[tilespmem:v54+s5+$0x0] =	vst.idx.add.f32.msk $0xffff, v58  }
0x504: {  	v14 =	vand.u32 $0xFFFFFE00, v57;
	v25 =	vand.u32 $0xFFFFFE00, v20;
	v20 =	vshll.u32 v16, $0x2;
	v44 =	vld.idx.msk [tilespmem:v16+s31+$0x0], $0xffff  }
0x505: {  	s11 =	simm.s32 $0x5;
	v15 =	vand.u32 $0xFFFFFE00, v15;
	v40 =	vmul.f32 v2, v46;
	v20 =	vand.u32 $0xFFFFFE00, v20;
	v46 =	vld.idx.msk [tilespmem:v60+s24+$0x0], $0xffff  }
.LBB2_16:
0x506: {  	s11 =	sadd.s32 $0x5, s11;
	v50 =	vmul.f32 v9, v50;
	v52 =	vor.u32 $0x100, v28;
	v28 =	vor.u32 $0x180, v28;
	v43 =	vld.idx.msk [tilespmem:v43+s24+$0x0], $0xffff  }
0x507: {  	v53 =	vor.u32 $0x100, v12;
	v54 =	vor.u32 $0x100, v32;
	p0 =	slt.u32 s11, $0xF5;
	[tilespmem:v48+s5+$0x0] =	vst.idx.add.f32.msk $0xffff, v51;
	v48 =	vor.u32 $0x180, v7  }
0x508: {  	v22 =	vand.u32 $0x7F, v22;
	v27 =	vor.u32 $0x180, v27;
	[tilespmem:v47+s5+$0x0] =	vst.idx.add.f32.msk $0xffff, v50;
	v47 =	vor.u32 $0x100, v7  }
0x509: {  	v31 =	vor.u32 $0x180, v31;
	v7 =	vor.u32 v22, v33;
	v33 =	vor.u32 $0x180, v36;
	v22 =	vld.idx.msk [tilespmem:v49+s24+$0x0], $0xffff  }
0x50a: {  	v36 =	vadd.f32 v45, v1;
	v46 =	vmul.f32 v19, v46;
	v50 =	vor.u32 $0x180, v8;
	v49 =	vpop (erf);
	v39 =	vld.idx.msk [tilespmem:v39+s24+$0x0], $0xffff  }
0x50b: {  	v29 =	vadd.f32 v45, v29;
	v45 =	vand.u32 $0x7F, v13;
	v8 =	vmovc v7;
	[tilespmem:v13+s4+$0x0] =	vst.idx.add.f32.msk $0xffff, v49;
	v13 =	vor.u32 $0x180, v24  }
0x50c: {  	v32 =	vor.u32 $0x180, v32;
	v51 =	vmul.f32 $2.000000030e-01, v36;
	v24 =	vadd.f32 v44, v1;
	[tilespmem:v54+s5+$0x0] =	vst.idx.add.f32.msk $0xffff, v46  }
0x50d: {  	v37 =	vadd.f32 v44, v37;
	v44 =	vmul.f32 $2.000000030e-01, v29;
	v43 =	vmul.f32 v4, v43;
	v27 =	vld.idx.msk [tilespmem:v27+s24+$0x0], $0xffff  }
0x50e: {  	v46 =	vadd.f32 v41, v1;
	v36 =	vmax.f32 v36, v51;
	v51 =	vld.idx.msk [tilespmem:v7+s24+$0x0], $0xffff;
	v7 =	vor.u32 v45, v26  }
0x50f: {  	v29 =	vmax.f32 v29, v44;
	v26 =	vadd.f32 v41, v30;
	v30 =	vor.u32 $0x80, v8;
	[tilespmem:v53+s5+$0x0] =	vst.idx.add.f32.msk $0xffff, v43  }
0x510: {  	v41 =	vadd.f32 v21, v42;
	v42 =	vmul.f32 $2.000000030e-01, v46;
	v17 =	vmul.f32 v39, v17;
	v43 =	vld.idx.msk [tilespmem:v13+s24+$0x0], $0xffff  }
0x511: {  	v21 =	vadd.f32 v21, v1;
	v22 =	vmul.f32 v9, v22;
	v13 =	vmul.f32 $2.000000030e-01, v26;
	[tilespmem:v47+s5+$0x0] =	vst.idx.add.f32.msk $0xffff, v40  }
0x512: {  	v29 =	vsub.f32 v29, v36;
	v39 =	vmul.f32 $2.000000030e-01, v41;
	v40 =	vmul.f32 $2.000000030e-01, v24;
	v36 =	vld.idx.msk [tilespmem:v50+s24+$0x0], $0xffff  }
0x513: {  	v13 =	vmax.f32 v26, v13;
	v26 =	vmax.f32 v46, v42;
	v42 =	vmul.f32 $2.000000030e-01, v37;
	[tilespmem:v52+s5+$0x0] =	vst.idx.add.f32.msk $0xffff, v22  }
0x514: {  	s9 =	sadd.s32 $0x50, s9;
	v39 =	vmax.f32 v41, v39;
	v19 =	vmul.f32 v27, v19;
	v22 =	vsub.f32 v13, v26;
	v33 =	vld.idx.msk [tilespmem:v33+s24+$0x0], $0xffff  }
0x515: {  	v27 =	vmul.f32 $1.442695020e+00, v29;
	v24 =	vmax.f32 v24, v40;
	v26 =	vmax.f32 v37, v42;
	v13 =	vld [tilespmem:s9+$0x20]  }
0x516: {  	v22 =	vmul.f32 $1.442695020e+00, v22;
	v24 =	vsub.f32 v26, v24;
	v26 =	vmul.f32 v49, v51;
	[tilespmem:v31+s5+$0x0] =	vst.idx.add.f32.msk $0xffff, v17  }
0x517: {  	v12 =	vor.u32 $0x180, v12;
	v17 =	vmul.f32 $2.000000030e-01, v21;
	(erf) = vpow2.f32 v27;
	[tilespmem:v32+s5+$0x0] =	vst.idx.add.f32.msk $0xffff, v19  }
0x518: {  	s10 =	sadd.s32 $0x50, s10;
	v19 =	vand.u32 $0xFFFFFE00, v23;
	v23 =	vmul.f32 v36, v2;
	v2 =	vmovc v49;
	[tilespmem:v7+s5+$0x0] =	vst.idx.add.f32.msk $0xffff, v26;
	(erf) = vpow2.f32 v22  }
0x519: {  	v4 =	vmul.f32 v43, v4;
	v17 =	vmax.f32 v21, v17;
	v21 =	vmul.f32 $1.442695020e+00, v24;
	v22 =	vld [tilespmem:s10+$0x20]  }
0x51a: {  	v17 =	vsub.f32 v39, v17;
	v39 =	vor.u32 v38, v19;
	v24 =	vshll.u32 v13, $0x2;
	v19 =	vld.idx.msk [tilespmem:v30+s24+$0x0], $0xffff  }
0x51b: {  	v9 =	vmul.f32 v33, v9;
	v26 =	vand.u32 $0xFFFFFE00, v24;
	[tilespmem:v48+s5+$0x0] =	vst.idx.add.f32.msk $0xffff, v23  }
0x51c: {  	v29 =	vmul.f32 $1.442695020e+00, v17;
	v17 =	vshll.u32 v11, $0x2;
	[tilespmem:v12+s5+$0x0] =	vst.idx.add.f32.msk $0xffff, v4  }
0x51d: {  	v4 =	vand.u32 $0x7F, v11;
	v11 =	vand.u32 $0xFFFFFE00, v17;
	[tilespmem:v28+s5+$0x0] =	vst.idx.add.f32.msk $0xffff, v9  }
0x51e: {  	v27 =	vor.u32 v34, v35;
	v24 =	vor.u32 v4, v11;
	v28 =	vld [tilespmem:s9+$0xFFFFFFE0];
	v9 =	vshll.u32 v22, $0x2  }
0x51f: {  	v34 =	vld [tilespmem:s10+$0x10];
	v33 =	vand.u32 $0xFFFFFE00, v9  }
0x520: {  	v37 =	vmul.f32 v2, v19;
	v12 =	vld [tilespmem:s9+$0xFFFFFFF0];
	v17 =	vpop (erf)  }
0x521: {  	[tilespmem:v18+s4+$0x0] =	vst.idx.add.f32.msk $0xffff, v17;
	v4 =	vpop (erf);
	(erf) = vpow2.f32 v21  }
0x522: {  	v35 =	vld [tilespmem:s10+$0x0]  }
0x523: {  	v9 =	vshll.u32 v28, $0x2;
	v19 =	vld.idx.msk [tilespmem:v39+s24+$0x0], $0xffff  }
0x524: {  	v40 =	vor.u32 $0x80, v39;
	v30 =	vld [tilespmem:s10+$0xFFFFFFE0];
	v38 =	vand.u32 $0xFFFFFE00, v9;
	v23 =	vshll.u32 v34, $0x2  }
0x525: {  	v11 =	vld [tilespmem:s10+$0xFFFFFFF0];
	v9 =	vshll.u32 v12, $0x2  }
0x526: {  	v21 =	vld.idx.msk [tilespmem:v28+s31+$0x0], $0xffff;
	v41 =	vand.u32 $0xFFFFFE00, v9;
	(erf) = vpow2.f32 v29  }
0x527: {  	v9 =	vand.u32 $0x7F, v18;
	v42 =	vld.idx.msk [tilespmem:v22+s22+$0x0], $0xffff  }
0x528: {  	v31 =	vor.u32 v9, v25;
	v29 =	vld.idx.msk [tilespmem:v34+s22+$0x0], $0xffff  }
0x529: {  	v18 =	vmul.f32 v17, v19;
	v9 =	vshll.u32 v30, $0x2;
	[tilespmem:v5+s4+$0x0] =	vst.idx.add.f32.msk $0xffff, v4  }
0x52a: {  	v44 =	vor.u32 $0x80, v24;
	v9 =	vand.u32 $0xFFFFFE00, v9;
	v25 =	vld.idx.msk [tilespmem:v24+s24+$0x0], $0xffff;
	v19 =	vpop (erf)  }
0x52b: {  	v45 =	vor.u32 $0x80, v27;
	[tilespmem:v16+s4+$0x0] =	vst.idx.add.f32.msk $0xffff, v19  }
0x52c: {  	v43 =	vld.idx.msk [tilespmem:v13+s31+$0x0], $0xffff  }
0x52d: {  	v32 =	vand.u32 $0x7F, v6;
	v6 =	vmov v30;
	[tilespmem:v31+s5+$0x0] =	vst.idx.add.f32.msk $0xffff, v18;
	v18 =	vor.u32 $0x80, v7  }
0x52e: {  	v36 =	vor.u32 v32, v15;
	v15 =	vmov v9;
	v30 =	vld.idx.msk [tilespmem:v11+s22+$0x0], $0xffff  }
0x52f: {  	v46 =	vld.idx.msk [tilespmem:v27+s24+$0x0], $0xffff;
	v9 =	vpop (erf)  }
0x530: {  	v32 =	vand.u32 $0x7F, v5;
	v5 =	vmov v12;
	v16 =	vand.u32 $0x7F, v16;
	[tilespmem:v3+s4+$0x0] =	vst.idx.add.f32.msk $0xffff, v9  }
0x531: {  	v12 =	vor.u32 v32, v14;
	v14 =	vmovc v41;
	v32 =	vor.u32 v16, v20;
	v20 =	vor.u32 $0x100, v39;
	v16 =	vld.idx.msk [tilespmem:v40+s24+$0x0], $0xffff  }
0x532: {  	v25 =	vmul.f32 v4, v25;
	v40 =	vadd.f32 v43, v42;
	[tilespmem:v18+s5+$0x0] =	vst.idx.add.f32.msk $0xffff, v37  }
0x533: {  	v41 =	vadd.f32 v43, v1;
	v43 =	vor.u32 $0x100, v24;
	v42 =	vld.idx.msk [tilespmem:v36+s24+$0x0], $0xffff  }
0x534: {  	v47 =	vmul.f32 $2.000000030e-01, v40;
	v18 =	vld [tilespmem:s9+$0x10]  }
0x535: {  	v48 =	vmul.f32 $2.000000030e-01, v41;
	v46 =	vmul.f32 v19, v46;
	v37 =	vld.idx.msk [tilespmem:v35+s22+$0x0], $0xffff  }
0x536: {  	v49 =	vor.u32 $0x100, v27;
	v40 =	vmax.f32 v40, v47;
	v47 =	vor.u32 $0x100, v8;
	[tilespmem:v12+s5+$0x0] =	vst.idx.add.f32.msk $0xffff, v25  }
0x537: {  	v25 =	vmax.f32 v41, v48;
	[tilespmem:v32+s5+$0x0] =	vst.idx.add.f32.msk $0xffff, v46;
	v46 =	vmul.f32 v17, v16  }
0x538: {  	v48 =	vor.u32 $0x80, v31;
	v40 =	vsub.f32 v40, v25;
	v45 =	vld.idx.msk [tilespmem:v45+s24+$0x0], $0xffff  }
0x539: {  	v41 =	vand.u32 $0x7F, v3;
	v3 =	vmov v28;
	v16 =	vld [tilespmem:s9+$0x0];
	v25 =	vshll.u32 v18, $0x2  }
0x53a: {  	v28 =	vor.u32 v41, v10;
	v10 =	vmovc v38;
	v51 =	vmul.f32 $1.442695020e+00, v40;
	v25 =	vand.u32 $0xFFFFFE00, v25;
	v40 =	vld.idx.msk [tilespmem:v44+s24+$0x0], $0xffff  }
0x53b: {  	v38 =	vor.u32 $0x80, v32;
	v44 =	vld.idx.msk [tilespmem:v47+s24+$0x0], $0xffff  }
0x53c: {  	v47 =	vor.u32 $0x80, v36;
	v41 =	vld.idx.msk [tilespmem:v5+s31+$0x0], $0xffff  }
0x53d: {  	v42 =	vmul.f32 v9, v42;
	[tilespmem:v48+s5+$0x0] =	vst.idx.add.f32.msk $0xffff, v46  }
0x53e: {  	v45 =	vmul.f32 v19, v45;
	v46 =	vshll.u32 v16, $0x2;
	v52 =	vld.idx.msk [tilespmem:v20+s24+$0x0], $0xffff  }
0x53f: {  	v20 =	vand.u32 $0xFFFFFE00, v46;
	[tilespmem:v28+s5+$0x0] =	vst.idx.add.f32.msk $0xffff, v42  }
0x540: {  	v53 =	vmul.f32 v4, v40;
	[tilespmem:v38+s5+$0x0] =	vst.idx.add.f32.msk $0xffff, v45  }
0x541: {  	v54 =	vor.u32 $0x80, v12;
	v40 =	vmul.f32 v2, v44;
	v50 =	vld.idx.msk [tilespmem:v47+s24+$0x0], $0xffff  }
.Ltmp7:
0x542: {  	v42 =	vld.idx.msk [tilespmem:v6+s22+$0x0], $0xffff;
	(erf) = vpow2.f32 v51;
	(pc) =	sbr.rel @p0 .LBB2_16-.Ltmp7, $4  }
0x543: {  	v48 =	vor.u32 $0x100, v31;
	v38 =	vand.u32 $0x7F, v34;
	v45 =	vld.idx.msk [tilespmem:v18+s31+$0x0], $0xffff  }
0x544: {  	v47 =	vor.u32 $0x80, v28;
	v51 =	vmul.f32 v17, v52;
	v46 =	vld.idx.msk [tilespmem:v49+s24+$0x0], $0xffff  }
0x545: {  	v34 =	vand.u32 $0x7F, v35;
	v35 =	vshll.u32 v35, $0x2;
	v49 =	vor.u32 $0x100, v36;
	v44 =	vld.idx.msk [tilespmem:v16+s31+$0x0], $0xffff  }
0x546: {  	v39 =	vor.u32 $0x180, v39;
	v35 =	vand.u32 $0xFFFFFE00, v35;
	[tilespmem:v54+s5+$0x0] =	vst.idx.add.f32.msk $0xffff, v53  }
0x547: {  	_ = 	snop  }
0x548: {  	v50 =	vmul.f32 v9, v50;
	v52 =	vor.u32 $0x100, v28;
	v53 =	vor.u32 $0x100, v12  }
0x549: {  	v54 =	vor.u32 $0x100, v32;
	v22 =	vand.u32 $0x7F, v22;
	v27 =	vor.u32 $0x180, v27  }
0x54a: {  	v55 =	vor.u32 $0x100, v7;
	v36 =	vor.u32 $0x180, v36;
	v29 =	vadd.f32 v45, v29  }
0x54b: {  	v31 =	vor.u32 $0x180, v31;
	[tilespmem:v48+s5+$0x0] =	vst.idx.add.f32.msk $0xffff, v51;
	v48 =	vor.u32 $0x180, v8;
	v61 =	vadd.f32 v45, v1  }
0x54c: {  	v59 =	vadd.f32 v41, v1;
	v30 =	vadd.f32 v41, v30;
	v8 =	vmul.f32 $2.000000030e-01, v29  }
0x54d: {  	v43 =	vld.idx.msk [tilespmem:v43+s24+$0x0], $0xffff;
	v42 =	vadd.f32 v21, v42;
	v21 =	vadd.f32 v21, v1;
	v63 =	vmul.f32 $2.000000030e-01, v61  }
0x54e: {  	v56 =	vand.u32 $0x7F, v13;
	v22 =	vor.u32 v22, v33;
	v62 =	vmul.f32 v19, v46;
	[tilespmem:v47+s5+$0x0] =	vst.idx.add.f32.msk $0xffff, v50  }
0x54f: {  	v39 =	vld.idx.msk [tilespmem:v39+s24+$0x0], $0xffff;
	v57 =	vadd.f32 v44, v1;
	v33 =	vmax.f32 v61, v63;
	v29 =	vmax.f32 v29, v8  }
0x550: {  	v51 =	vmul.f32 $2.000000030e-01, v21;
	v58 =	vld.idx.msk [tilespmem:v49+s24+$0x0], $0xffff;
	v37 =	vadd.f32 v44, v37;
	v29 =	vsub.f32 v29, v33;
	v8 =	vpop (erf)  }
0x551: {  	v61 =	vmul.f32 $2.000000030e-01, v30;
	[tilespmem:v13+s4+$0x0] =	vst.idx.add.f32.msk $0xffff, v8;
	v13 =	vor.u32 v56, v26;
	v26 =	vmul.f32 $2.000000030e-01, v59  }
0x552: {  	v24 =	vor.u32 $0x180, v24;
	[tilespmem:v54+s5+$0x0] =	vst.idx.add.f32.msk $0xffff, v62;
	v62 =	vmul.f32 $2.000000030e-01, v57;
	v29 =	vmul.f32 $1.442695020e+00, v29  }
0x553: {  	v63 =	vmul.f32 $2.000000030e-01, v37;
	[tilespmem:v55+s5+$0x0] =	vst.idx.add.f32.msk $0xffff, v40;
	v30 =	vmax.f32 v30, v61;
	v26 =	vmax.f32 v59, v26  }
0x554: {  	v21 =	vmax.f32 v21, v51;
	v27 =	vld.idx.msk [tilespmem:v27+s24+$0x0], $0xffff;
	(erf) = vpow2.f32 v29;
	v26 =	vsub.f32 v30, v26  }
0x555: {  	v60 =	vmul.f32 v4, v43;
	v40 =	vld.idx.msk [tilespmem:v48+s24+$0x0], $0xffff;
	v50 =	vmax.f32 v57, v62;
	v30 =	vmax.f32 v37, v63  }
0x556: {  	v49 =	vld.idx.msk [tilespmem:v22+s24+$0x0], $0xffff;
	v29 =	vmul.f32 $2.000000030e-01, v42;
	v30 =	vsub.f32 v30, v50;
	v26 =	vmul.f32 $1.442695020e+00, v26  }
0x557: {  	v17 =	vmul.f32 v39, v17;
	[tilespmem:v53+s5+$0x0] =	vst.idx.add.f32.msk $0xffff, v60;
	v53 =	vor.u32 $0x180, v32;
	v54 =	vmul.f32 v9, v58  }
0x558: {  	v24 =	vld.idx.msk [tilespmem:v24+s24+$0x0], $0xffff;
	v29 =	vmax.f32 v42, v29;
	(erf) = vpow2.f32 v26;
	v26 =	vmul.f32 $1.442695020e+00, v30  }
0x559: {  	v23 =	vand.u32 $0xFFFFFE00, v23;
	[tilespmem:v31+s5+$0x0] =	vst.idx.add.f32.msk $0xffff, v17;
	v21 =	vsub.f32 v29, v21  }
0x55a: {  	v23 =	vor.u32 v38, v23;
	[tilespmem:v52+s5+$0x0] =	vst.idx.add.f32.msk $0xffff, v54;
	v19 =	vmul.f32 v27, v19;
	(erf) = vpow2.f32 v26  }
0x55b: {  	v29 =	vld.idx.msk [tilespmem:v36+s24+$0x0], $0xffff;
	v27 =	vmul.f32 v8, v49;
	v26 =	vor.u32 $0x80, v22  }
0x55c: {  	v7 =	vor.u32 $0x180, v7;
	v2 =	vmul.f32 v40, v2;
	[tilespmem:v53+s5+$0x0] =	vst.idx.add.f32.msk $0xffff, v19;
	v19 =	vshll.u32 v11, $0x2  }
0x55d: {  	v11 =	vand.u32 $0x7F, v11;
	v19 =	vand.u32 $0xFFFFFE00, v19;
	v17 =	vmul.f32 $1.442695020e+00, v21;
	[tilespmem:v13+s5+$0x0] =	vst.idx.add.f32.msk $0xffff, v27;
	v21 =	vpop (erf)  }
0x55e: {  	v11 =	vor.u32 v11, v19;
	[tilespmem:v18+s4+$0x0] =	vst.idx.add.f32.msk $0xffff, v21  }
0x55f: {  	(erf) = vpow2.f32 v17;
	v17 =	vld.idx.msk [tilespmem:v23+s24+$0x0], $0xffff  }
0x560: {  	v18 =	vand.u32 $0x7F, v18;
	v19 =	vld.idx.msk [tilespmem:v26+s24+$0x0], $0xffff;
	v26 =	vor.u32 v34, v35  }
0x561: {  	[tilespmem:v7+s5+$0x0] =	vst.idx.add.f32.msk $0xffff, v2;
	v7 =	vor.u32 v18, v25;
	v2 =	vpop (erf)  }
0x562: {  	v18 =	vor.u32 $0x80, v23;
	[tilespmem:v5+s4+$0x0] =	vst.idx.add.f32.msk $0xffff, v2  }
0x563: {  	v30 =	vor.u32 $0x80, v13;
	v25 =	vld.idx.msk [tilespmem:v11+s24+$0x0], $0xffff;
	v27 =	vpop (erf)  }
0x564: {  	v6 =	vand.u32 $0x7F, v6;
	v17 =	vmul.f32 v21, v17;
	[tilespmem:v16+s4+$0x0] =	vst.idx.add.f32.msk $0xffff, v27  }
0x565: {  	v6 =	vor.u32 v6, v15;
	v5 =	vand.u32 $0x7F, v5;
	v15 =	vld.idx.msk [tilespmem:v26+s24+$0x0], $0xffff  }
0x566: {  	v5 =	vor.u32 v5, v14;
	v16 =	vand.u32 $0x7F, v16;
	v14 =	vmul.f32 v8, v19;
	[tilespmem:v7+s5+$0x0] =	vst.idx.add.f32.msk $0xffff, v17  }
0x567: {  	v16 =	vor.u32 v16, v20;
	v18 =	vld.idx.msk [tilespmem:v18+s24+$0x0], $0xffff  }
0x568: {  	v19 =	vor.u32 $0x80, v26;
	[tilespmem:v30+s5+$0x0] =	vst.idx.add.f32.msk $0xffff, v14;
	v17 =	vpop (erf)  }
0x569: {  	v20 =	vor.u32 $0x80, v11;
	[tilespmem:v3+s4+$0x0] =	vst.idx.add.f32.msk $0xffff, v17;
	v25 =	vmul.f32 v2, v25  }
0x56a: {  	v30 =	vor.u32 $0x80, v7;
	v14 =	vld.idx.msk [tilespmem:v6+s24+$0x0], $0xffff;
	v15 =	vmul.f32 v27, v15  }
0x56b: {  	v31 =	vor.u32 $0x100, v23;
	v3 =	vand.u32 $0x7F, v3;
	[tilespmem:v5+s5+$0x0] =	vst.idx.add.f32.msk $0xffff, v25  }
0x56c: {  	v3 =	vor.u32 v3, v10;
	[tilespmem:v16+s5+$0x0] =	vst.idx.add.f32.msk $0xffff, v15  }
0x56d: {  	v10 =	vmul.f32 v21, v18;
	v18 =	vor.u32 $0x80, v6;
	v15 =	vld.idx.msk [tilespmem:v19+s24+$0x0], $0xffff  }
0x56e: {  	v20 =	vld.idx.msk [tilespmem:v20+s24+$0x0], $0xffff;
	v19 =	vor.u32 $0x100, v22  }
0x56f: {  	v25 =	vor.u32 $0x80, v16;
	[tilespmem:v30+s5+$0x0] =	vst.idx.add.f32.msk $0xffff, v10;
	v14 =	vmul.f32 v17, v14  }
0x570: {  	v10 =	vor.u32 $0x100, v26;
	v30 =	vld.idx.msk [tilespmem:v31+s24+$0x0], $0xffff  }
0x571: {  	[tilespmem:v3+s5+$0x0] =	vst.idx.add.f32.msk $0xffff, v14;
	v14 =	vor.u32 $0x80, v5  }
0x572: {  	v31 =	vor.u32 $0x100, v11;
	v18 =	vld.idx.msk [tilespmem:v18+s24+$0x0], $0xffff;
	v15 =	vmul.f32 v27, v15  }
0x573: {  	v56 =	vor.u32 $0x100, v7;
	v19 =	vld.idx.msk [tilespmem:v19+s24+$0x0], $0xffff  }
0x574: {  	v20 =	vmul.f32 v2, v20;
	[tilespmem:v25+s5+$0x0] =	vst.idx.add.f32.msk $0xffff, v15;
	v15 =	vor.u32 $0x80, v3  }
0x575: {  	v25 =	vor.u32 $0x100, v6;
	v10 =	vld.idx.msk [tilespmem:v10+s24+$0x0], $0xffff  }
0x576: {  	v30 =	vmul.f32 v21, v30;
	[tilespmem:v14+s5+$0x0] =	vst.idx.add.f32.msk $0xffff, v20;
	v14 =	vor.u32 $0x180, v23  }
0x577: {  	v23 =	vor.u32 $0x100, v16;
	v18 =	vmul.f32 v17, v18;
	v20 =	vld.idx.msk [tilespmem:v31+s24+$0x0], $0xffff  }
0x578: {  	v26 =	vor.u32 $0x180, v26;
	[tilespmem:v56+s5+$0x0] =	vst.idx.add.f32.msk $0xffff, v30  }
0x579: {  	v30 =	vor.u32 $0x100, v5;
	[tilespmem:v15+s5+$0x0] =	vst.idx.add.f32.msk $0xffff, v18  }
0x57a: {  	v18 =	vor.u32 $0x100, v13;
	v15 =	vld.idx.msk [tilespmem:v25+s24+$0x0], $0xffff;
	v10 =	vmul.f32 v27, v10  }
0x57b: {  	v11 =	vor.u32 $0x180, v11;
	v14 =	vld.idx.msk [tilespmem:v14+s24+$0x0], $0xffff  }
0x57c: {  	v22 =	vor.u32 $0x180, v22;
	[tilespmem:v23+s5+$0x0] =	vst.idx.add.f32.msk $0xffff, v10;
	v10 =	vmul.f32 v2, v20  }
0x57d: {  	v19 =	vmul.f32 v8, v19;
	v20 =	vor.u32 $0x100, v3;
	v23 =	vld.idx.msk [tilespmem:v26+s24+$0x0], $0xffff  }
0x57e: {  	v6 =	vor.u32 $0x180, v6;
	[tilespmem:v30+s5+$0x0] =	vst.idx.add.f32.msk $0xffff, v10  }
0x57f: {  	v10 =	vor.u32 $0x180, v12;
	[tilespmem:v18+s5+$0x0] =	vst.idx.add.f32.msk $0xffff, v19  }
0x580: {  	v12 =	vor.u32 $0x180, v28;
	v11 =	vld.idx.msk [tilespmem:v11+s24+$0x0], $0xffff;
	v15 =	vmul.f32 v17, v15  }
0x581: {  	v7 =	vor.u32 $0x180, v7;
	v18 =	vld.idx.msk [tilespmem:v22+s24+$0x0], $0xffff  }
0x582: {  	v4 =	vmul.f32 v24, v4;
	v16 =	vor.u32 $0x180, v16;
	[tilespmem:v20+s5+$0x0] =	vst.idx.add.f32.msk $0xffff, v15  }
0x583: {  	v9 =	vmul.f32 v29, v9;
	v5 =	vor.u32 $0x180, v5;
	v6 =	vld.idx.msk [tilespmem:v6+s24+$0x0], $0xffff  }
0x584: {  	v13 =	vor.u32 $0x180, v13;
	[tilespmem:v10+s5+$0x0] =	vst.idx.add.f32.msk $0xffff, v4;
	v4 =	vmul.f32 v14, v21  }
0x585: {  	v3 =	vor.u32 $0x180, v3;
	[tilespmem:v12+s5+$0x0] =	vst.idx.add.f32.msk $0xffff, v9;
	v9 =	vmul.f32 v23, v27  }
0x586: {  	v2 =	vmul.f32 v11, v2;
	[tilespmem:v7+s5+$0x0] =	vst.idx.add.f32.msk $0xffff, v4  }
0x587: {  	v4 =	vmul.f32 v18, v8;
	[tilespmem:v16+s5+$0x0] =	vst.idx.add.f32.msk $0xffff, v9  }
0x588: {  	[tilespmem:v5+s5+$0x0] =	vst.idx.add.f32.msk $0xffff, v2;
	v6 =	vmul.f32 v6, v17  }
0x589: {  	[tilespmem:v13+s5+$0x0] =	vst.idx.add.f32.msk $0xffff, v4  }
0x58a: {  	[tilespmem:v3+s5+$0x0] =	vst.idx.add.f32.msk $0xffff, v6  }
0x58b: {  	[tilespmem:s1], [sflag:$0x2] =	stream.linear.gather [hbm4b:s14+s22], $0xFA0, $0x38;
	[tilespmem:$0x1F300] =	vst v63  }
0x58c: {  	_ = 	snop  }
0x58d: {  	[tilespmem:s2], [sflag:$0x2] =	stream.linear.gather [hbm4b:s15+s22], $0xFA0, $0x38;
	[tilespmem:$0x1F300] =	vst v63  }
0x58e: {  	_ =	swait.ge [sflag:s3], $0xFA0  }
0x58f: {  	[sflag:s3] =	ssyncset.done $0x0  }
0x590: {  	[sflag:s3] =	ssyncadd.s32 $0xFFFFF060  }
0x591: {  	_ =	swait.ge [sflag:s3], $0xFA0  }
0x592: {  	[sflag:s3] =	ssyncset.done $0x0  }
0x593: {  	s9 =	simm.s32 $0x1B320;
	[sflag:s3] =	ssyncadd.s32 $0xFFFFF060  }
0x594: {  	s10 =	simm.s32 $0x1C320;
	v2 =	vld [tilespmem:s9+$0x20]  }
0x595: {  	v3 =	vld [tilespmem:s10+$0x20];
	_ =	sdelay $0x6  }
0x596: {  	v4 =	vld.idx.msk [tilespmem:v2+s22+$0x0], $0xffff  }
0x597: {  	v5 =	vld.idx.msk [tilespmem:v3+s31+$0x0], $0xffff;
	_ =	sdelay $0x4  }
0x598: {  	v6 =	vld [tilespmem:s9+$0x10];
	v4 =	vadd.f32 v5, v4;
	v5 =	vadd.f32 v5, v1  }
0x599: {  	v9 =	vld [tilespmem:s10+$0x10]  }
0x59a: {  	v7 =	vmul.f32 $2.000000030e-01, v4;
	v8 =	vmul.f32 $2.000000030e-01, v5;
	_ =	sdelay $0x1  }
0x59b: {  	v12 =	vld [tilespmem:s10+$0xFFFFFFF0];
	v4 =	vmax.f32 v4, v7;
	v5 =	vmax.f32 v5, v8  }
0x59c: {  	v14 =	vld [tilespmem:s9+$0x0];
	v4 =	vsub.f32 v4, v5  }
0x59d: {  	v11 =	vld [tilespmem:s9+$0xFFFFFFF0]  }
0x59e: {  	v15 =	vld [tilespmem:s10+$0x0];
	v4 =	vmul.f32 $1.442695020e+00, v4  }
0x59f: {  	v5 =	vld.idx.msk [tilespmem:v6+s22+$0x0], $0xffff  }
0x5a0: {  	(erf) = vpow2.f32 v4;
	v4 =	vld.idx.msk [tilespmem:v9+s31+$0x0], $0xffff  }
0x5a1: {  	v16 =	vld [tilespmem:s9+$0xFFFFFFE0]  }
0x5a2: {  	v10 =	vld [tilespmem:s10+$0xFFFFFFE0];
	s10 =	simm.s32 $0x1B370  }
0x5a3: {  	v34 =	vld [tilespmem:s10+$0x10]  }
0x5a4: {  	v35 =	vld [tilespmem:s10+$0x0]  }
0x5a5: {  	v17 =	vld.idx.msk [tilespmem:v14+s22+$0x0], $0xffff;
	v7 =	vshll.u32 v2, $0x2;
	v13 =	vadd.f32 v4, v1;
	v4 =	vadd.f32 v4, v5  }
0x5a6: {  	v19 =	vld.idx.msk [tilespmem:v12+s31+$0x0], $0xffff;
	v2 =	vand.u32 $0x7F, v2;
	v7 =	vand.u32 $0xFFFFFE00, v7  }
0x5a7: {  	v20 =	vld.idx.msk [tilespmem:v15+s31+$0x0], $0xffff;
	v8 =	vor.u32 v2, v7;
	v7 =	vmul.f32 $2.000000030e-01, v13;
	v18 =	vmul.f32 $2.000000030e-01, v4  }
0x5a8: {  	v5 =	vld.idx.msk [tilespmem:v11+s22+$0x0], $0xffff  }
0x5a9: {  	v21 =	vld.idx.msk [tilespmem:v16+s22+$0x0], $0xffff;
	v7 =	vmax.f32 v13, v7;
	v4 =	vmax.f32 v4, v18  }
0x5aa: {  	v2 =	vpop (erf);
	v18 =	vld.idx.msk [tilespmem:v10+s31+$0x0], $0xffff;
	v4 =	vsub.f32 v4, v7  }
0x5ab: {  	v22 =	vadd.f32 v19, v1;
	[tilespmem:v3+s4+$0x0] =	vst.idx.add.f32.msk $0xffff, v2;
	v7 =	vshll.u32 v3, $0x2  }
0x5ac: {  	v3 =	vand.u32 $0x7F, v3;
	v13 =	vld.idx.msk [tilespmem:v8+s24+$0x0], $0xffff;
	v7 =	vand.u32 $0xFFFFFE00, v7;
	v4 =	vmul.f32 $1.442695020e+00, v4  }
0x5ad: {  	v7 =	vor.u32 v3, v7;
	v3 =	vadd.f32 v19, v5;
	v19 =	vmul.f32 $2.000000030e-01, v22  }
0x5ae: {  	v17 =	vadd.f32 v20, v17;
	v5 =	vadd.f32 v20, v1;
	(erf) = vpow2.f32 v4  }
0x5af: {  	v4 =	vor.u32 $0x80, v8;
	v20 =	vmul.f32 $2.000000030e-01, v3;
	v19 =	vmax.f32 v22, v19;
	v22 =	vld [tilespmem:s10+$0x20]  }
0x5b0: {  	v29 =	vld.idx.msk [tilespmem:v34+s22+$0x0], $0xffff;
	v24 =	vmul.f32 $2.000000030e-01, v5;
	v21 =	vadd.f32 v18, v21  }
0x5b1: {  	s9 =	simm.s32 $0x1C370;
	v37 =	vld.idx.msk [tilespmem:v35+s22+$0x0], $0xffff;
	v25 =	vmul.f32 v2, v13;
	v3 =	vmax.f32 v3, v20;
	v20 =	vmul.f32 $2.000000030e-01, v17  }
0x5b2: {  	v23 =	vshll.u32 v6, $0x2;
	v18 =	vadd.f32 v18, v1;
	v13 =	vld [tilespmem:s9+$0x20];
	v3 =	vsub.f32 v3, v19  }
0x5b3: {  	v6 =	vand.u32 $0x7F, v6;
	v5 =	vmax.f32 v5, v24;
	[tilespmem:v7+s5+$0x0] =	vst.idx.add.f32.msk $0xffff, v25;
	v17 =	vmax.f32 v17, v20  }
0x5b4: {  	v19 =	vmul.f32 $1.442695020e+00, v3;
	v5 =	vsub.f32 v17, v5;
	v3 =	vand.u32 $0xFFFFFE00, v23;
	v20 =	vld.idx.msk [tilespmem:v4+s24+$0x0], $0xffff  }
0x5b5: {  	v4 =	vmul.f32 $2.000000030e-01, v21;
	v23 =	vmul.f32 $2.000000030e-01, v18;
	v39 =	vor.u32 v6, v3;
	v3 =	vld [tilespmem:s9+$0xFFFFFFE0]  }
0x5b6: {  	(erf) = vpow2.f32 v19;
	v6 =	vmul.f32 $1.442695020e+00, v5;
	v5 =	vld [tilespmem:s9+$0xFFFFFFF0]  }
0x5b7: {  	v26 =	vor.u32 $0x80, v7;
	v4 =	vmax.f32 v21, v4;
	v18 =	vmax.f32 v18, v23;
	v23 =	vld.idx.msk [tilespmem:v22+s22+$0x0], $0xffff;
	v17 =	vpop (erf)  }
0x5b8: {  	v4 =	vsub.f32 v4, v18;
	(erf) = vpow2.f32 v6;
	v6 =	vshll.u32 v11, $0x2;
	[tilespmem:v9+s4+$0x0] =	vst.idx.add.f32.msk $0xffff, v17  }
0x5b9: {  	v19 =	vand.u32 $0xFFFFFE00, v6;
	v6 =	vld [tilespmem:s10+$0xFFFFFFE0]  }
0x5ba: {  	v11 =	vand.u32 $0x7F, v11;
	v4 =	vmul.f32 $1.442695020e+00, v4;
	v28 =	vld.idx.msk [tilespmem:v13+s31+$0x0], $0xffff  }
0x5bb: {  	v20 =	vmul.f32 v2, v20;
	v18 =	vld.idx.msk [tilespmem:v39+s24+$0x0], $0xffff;
	v24 =	vor.u32 v11, v19;
	v19 =	vshll.u32 v9, $0x2  }
0x5bc: {  	v11 =	vld [tilespmem:s10+$0xFFFFFFF0];
	v9 =	vand.u32 $0x7F, v9;
	v19 =	vand.u32 $0xFFFFFE00, v19  }
0x5bd: {  	[tilespmem:v26+s5+$0x0] =	vst.idx.add.f32.msk $0xffff, v20;
	v31 =	vor.u32 v9, v19  }
0x5be: {  	v25 =	vshll.u32 v14, $0x2;
	(erf) = vpow2.f32 v4;
	v21 =	vld.idx.msk [tilespmem:v3+s31+$0x0], $0xffff  }
0x5bf: {  	v9 =	vand.u32 $0x7F, v14;
	v14 =	vand.u32 $0xFFFFFE00, v25;
	v41 =	vld.idx.msk [tilespmem:v5+s31+$0x0], $0xffff;
	v4 =	vpop (erf)  }
0x5c0: {  	v25 =	vor.u32 $0x80, v39;
	v27 =	vor.u32 v9, v14;
	v9 =	vmul.f32 v17, v18;
	[tilespmem:v12+s4+$0x0] =	vst.idx.add.f32.msk $0xffff, v4  }
0x5c1: {  	v18 =	vshll.u32 v16, $0x2;
	v14 =	vld.idx.msk [tilespmem:v24+s24+$0x0], $0xffff  }
0x5c2: {  	v16 =	vand.u32 $0x7F, v16;
	v18 =	vand.u32 $0xFFFFFE00, v18;
	[tilespmem:v31+s5+$0x0] =	vst.idx.add.f32.msk $0xffff, v9;
	v9 =	vshll.u32 v12, $0x2  }
0x5c3: {  	v19 =	vpop (erf);
	v36 =	vor.u32 v16, v18;
	v12 =	vand.u32 $0x7F, v12;
	v42 =	vld.idx.msk [tilespmem:v6+s22+$0x0], $0xffff;
	v16 =	vand.u32 $0xFFFFFE00, v9  }
0x5c4: {  	[tilespmem:v15+s4+$0x0] =	vst.idx.add.f32.msk $0xffff, v19;
	v12 =	vor.u32 v12, v16  }
0x5c5: {  	v18 =	vshll.u32 v15, $0x2;
	v25 =	vld.idx.msk [tilespmem:v25+s24+$0x0], $0xffff  }
0x5c6: {  	v58 =	vor.u32 $0x80, v24;
	v18 =	vand.u32 $0xFFFFFE00, v18;
	v15 =	vand.u32 $0x7F, v15;
	v57 =	vld.idx.msk [tilespmem:v27+s24+$0x0], $0xffff  }
0x5c7: {  	v61 =	vor.u32 $0x80, v31;
	v32 =	vor.u32 v15, v18;
	v18 =	vld [tilespmem:s9+$0x10];
	v9 =	vpop (erf);
	v14 =	vmul.f32 v4, v14  }
0x5c8: {  	v60 =	vshll.u32 v22, $0x2;
	[tilespmem:v10+s4+$0x0] =	vst.idx.add.f32.msk $0xffff, v9  }
0x5c9: {  	v33 =	vand.u32 $0xFFFFFE00, v60;
	[tilespmem:v12+s5+$0x0] =	vst.idx.add.f32.msk $0xffff, v14;
	v14 =	vor.u32 $0x100, v8  }
0x5ca: {  	v63 =	vor.u32 $0x100, v39;
	v62 =	vshll.u32 v3, $0x2;
	v20 =	vld.idx.msk [tilespmem:v36+s24+$0x0], $0xffff;
	v25 =	vmul.f32 v17, v25  }
0x5cb: {  	v26 =	vshll.u32 v10, $0x2;
	v15 =	vor.u32 $0x80, v27;
	v16 =	vmul.f32 v19, v57;
	v38 =	vld.idx.msk [tilespmem:v58+s24+$0x0], $0xffff  }
0x5cc: {  	v43 =	vor.u32 $0x100, v24;
	v52 =	vadd.f32 v28, v23;
	v53 =	vadd.f32 v28, v1;
	[tilespmem:v61+s5+$0x0] =	vst.idx.add.f32.msk $0xffff, v25  }
0x5cd: {  	v59 =	vand.u32 $0xFFFFFE00, v26;
	v26 =	vshll.u32 v13, $0x2;
	v39 =	vor.u32 $0x180, v39;
	[tilespmem:v32+s5+$0x0] =	vst.idx.add.f32.msk $0xffff, v16  }
0x5ce: {  	v55 =	vmul.f32 $2.000000030e-01, v53;
	v10 =	vand.u32 $0x7F, v10;
	v46 =	vld.idx.msk [tilespmem:v14+s24+$0x0], $0xffff;
	v14 =	vmul.f32 $2.000000030e-01, v52  }
0x5cf: {  	v26 =	vand.u32 $0xFFFFFE00, v26;
	v48 =	vor.u32 $0x100, v31;
	v28 =	vor.u32 v10, v59;
	v16 =	vld [tilespmem:s9+$0x0]  }
0x5d0: {  	v56 =	vor.u32 $0x80, v36;
	v25 =	vmax.f32 v53, v55;
	v15 =	vld.idx.msk [tilespmem:v15+s24+$0x0], $0xffff;
	v14 =	vmax.f32 v52, v14  }
0x5d1: {  	v30 =	vld.idx.msk [tilespmem:v11+s22+$0x0], $0xffff;
	v10 =	vand.u32 $0xFFFFFE00, v62;
	v62 =	vor.u32 $0x80, v12;
	v25 =	vsub.f32 v14, v25  }
0x5d2: {  	v23 =	vshll.u32 v34, $0x2;
	v54 =	vor.u32 $0x80, v32;
	v59 =	vld.idx.msk [tilespmem:v63+s24+$0x0], $0xffff;
	v20 =	vmul.f32 v9, v20  }
0x5d3: {  	v60 =	vor.u32 $0x100, v27;
	v49 =	vor.u32 $0x100, v36;
	v45 =	vld.idx.msk [tilespmem:v18+s31+$0x0], $0xffff;
	v61 =	vmul.f32 $1.442695020e+00, v25  }
0x5d4: {  	v47 =	vor.u32 $0x80, v28;
	v57 =	vshll.u32 v5, $0x2;
	[tilespmem:v28+s5+$0x0] =	vst.idx.add.f32.msk $0xffff, v20;
	v63 =	vmul.f32 v4, v38  }
0x5d5: {  	v20 =	vshll.u32 v18, $0x2;
	v50 =	vld.idx.msk [tilespmem:v56+s24+$0x0], $0xffff;
	v58 =	vmul.f32 v19, v15;
	(erf) = vpow2.f32 v61  }
0x5d6: {  	v38 =	vand.u32 $0x7F, v34;
	v34 =	vand.u32 $0x7F, v35;
	v35 =	vshll.u32 v35, $0x2;
	[tilespmem:v62+s5+$0x0] =	vst.idx.add.f32.msk $0xffff, v63  }
0x5d7: {  	v51 =	vmul.f32 v17, v59;
	v35 =	vand.u32 $0xFFFFFE00, v35;
	v15 =	vshll.u32 v6, $0x2;
	[tilespmem:v54+s5+$0x0] =	vst.idx.add.f32.msk $0xffff, v58  }
0x5d8: {  	v14 =	vand.u32 $0xFFFFFE00, v57;
	v25 =	vand.u32 $0xFFFFFE00, v20;
	v20 =	vshll.u32 v16, $0x2;
	v44 =	vld.idx.msk [tilespmem:v16+s31+$0x0], $0xffff  }
0x5d9: {  	s11 =	simm.s32 $0x5;
	v15 =	vand.u32 $0xFFFFFE00, v15;
	v40 =	vmul.f32 v2, v46;
	v20 =	vand.u32 $0xFFFFFE00, v20;
	v46 =	vld.idx.msk [tilespmem:v60+s24+$0x0], $0xffff  }
.LBB2_18:
0x5da: {  	s11 =	sadd.s32 $0x5, s11;
	v50 =	vmul.f32 v9, v50;
	v52 =	vor.u32 $0x100, v28;
	v28 =	vor.u32 $0x180, v28;
	v43 =	vld.idx.msk [tilespmem:v43+s24+$0x0], $0xffff  }
0x5db: {  	v53 =	vor.u32 $0x100, v12;
	v54 =	vor.u32 $0x100, v32;
	p0 =	slt.u32 s11, $0xF5;
	[tilespmem:v48+s5+$0x0] =	vst.idx.add.f32.msk $0xffff, v51;
	v48 =	vor.u32 $0x180, v7  }
0x5dc: {  	v22 =	vand.u32 $0x7F, v22;
	v27 =	vor.u32 $0x180, v27;
	[tilespmem:v47+s5+$0x0] =	vst.idx.add.f32.msk $0xffff, v50;
	v47 =	vor.u32 $0x100, v7  }
0x5dd: {  	v31 =	vor.u32 $0x180, v31;
	v7 =	vor.u32 v22, v33;
	v33 =	vor.u32 $0x180, v36;
	v22 =	vld.idx.msk [tilespmem:v49+s24+$0x0], $0xffff  }
0x5de: {  	v36 =	vadd.f32 v45, v1;
	v46 =	vmul.f32 v19, v46;
	v50 =	vor.u32 $0x180, v8;
	v49 =	vpop (erf);
	v39 =	vld.idx.msk [tilespmem:v39+s24+$0x0], $0xffff  }
0x5df: {  	v29 =	vadd.f32 v45, v29;
	v45 =	vand.u32 $0x7F, v13;
	v8 =	vmovc v7;
	[tilespmem:v13+s4+$0x0] =	vst.idx.add.f32.msk $0xffff, v49;
	v13 =	vor.u32 $0x180, v24  }
0x5e0: {  	v32 =	vor.u32 $0x180, v32;
	v51 =	vmul.f32 $2.000000030e-01, v36;
	v24 =	vadd.f32 v44, v1;
	[tilespmem:v54+s5+$0x0] =	vst.idx.add.f32.msk $0xffff, v46  }
0x5e1: {  	v37 =	vadd.f32 v44, v37;
	v44 =	vmul.f32 $2.000000030e-01, v29;
	v43 =	vmul.f32 v4, v43;
	v27 =	vld.idx.msk [tilespmem:v27+s24+$0x0], $0xffff  }
0x5e2: {  	v46 =	vadd.f32 v41, v1;
	v36 =	vmax.f32 v36, v51;
	v51 =	vld.idx.msk [tilespmem:v7+s24+$0x0], $0xffff;
	v7 =	vor.u32 v45, v26  }
0x5e3: {  	v29 =	vmax.f32 v29, v44;
	v26 =	vadd.f32 v41, v30;
	v30 =	vor.u32 $0x80, v8;
	[tilespmem:v53+s5+$0x0] =	vst.idx.add.f32.msk $0xffff, v43  }
0x5e4: {  	v41 =	vadd.f32 v21, v42;
	v42 =	vmul.f32 $2.000000030e-01, v46;
	v17 =	vmul.f32 v39, v17;
	v43 =	vld.idx.msk [tilespmem:v13+s24+$0x0], $0xffff  }
0x5e5: {  	v21 =	vadd.f32 v21, v1;
	v22 =	vmul.f32 v9, v22;
	v13 =	vmul.f32 $2.000000030e-01, v26;
	[tilespmem:v47+s5+$0x0] =	vst.idx.add.f32.msk $0xffff, v40  }
0x5e6: {  	v29 =	vsub.f32 v29, v36;
	v39 =	vmul.f32 $2.000000030e-01, v41;
	v40 =	vmul.f32 $2.000000030e-01, v24;
	v36 =	vld.idx.msk [tilespmem:v50+s24+$0x0], $0xffff  }
0x5e7: {  	v13 =	vmax.f32 v26, v13;
	v26 =	vmax.f32 v46, v42;
	v42 =	vmul.f32 $2.000000030e-01, v37;
	[tilespmem:v52+s5+$0x0] =	vst.idx.add.f32.msk $0xffff, v22  }
0x5e8: {  	s9 =	sadd.s32 $0x50, s9;
	v39 =	vmax.f32 v41, v39;
	v19 =	vmul.f32 v27, v19;
	v22 =	vsub.f32 v13, v26;
	v33 =	vld.idx.msk [tilespmem:v33+s24+$0x0], $0xffff  }
0x5e9: {  	v27 =	vmul.f32 $1.442695020e+00, v29;
	v24 =	vmax.f32 v24, v40;
	v26 =	vmax.f32 v37, v42;
	v13 =	vld [tilespmem:s9+$0x20]  }
0x5ea: {  	v22 =	vmul.f32 $1.442695020e+00, v22;
	v24 =	vsub.f32 v26, v24;
	v26 =	vmul.f32 v49, v51;
	[tilespmem:v31+s5+$0x0] =	vst.idx.add.f32.msk $0xffff, v17  }
0x5eb: {  	v12 =	vor.u32 $0x180, v12;
	v17 =	vmul.f32 $2.000000030e-01, v21;
	(erf) = vpow2.f32 v27;
	[tilespmem:v32+s5+$0x0] =	vst.idx.add.f32.msk $0xffff, v19  }
0x5ec: {  	s10 =	sadd.s32 $0x50, s10;
	v19 =	vand.u32 $0xFFFFFE00, v23;
	v23 =	vmul.f32 v36, v2;
	v2 =	vmovc v49;
	[tilespmem:v7+s5+$0x0] =	vst.idx.add.f32.msk $0xffff, v26;
	(erf) = vpow2.f32 v22  }
0x5ed: {  	v4 =	vmul.f32 v43, v4;
	v17 =	vmax.f32 v21, v17;
	v21 =	vmul.f32 $1.442695020e+00, v24;
	v22 =	vld [tilespmem:s10+$0x20]  }
0x5ee: {  	v17 =	vsub.f32 v39, v17;
	v39 =	vor.u32 v38, v19;
	v24 =	vshll.u32 v13, $0x2;
	v19 =	vld.idx.msk [tilespmem:v30+s24+$0x0], $0xffff  }
0x5ef: {  	v9 =	vmul.f32 v33, v9;
	v26 =	vand.u32 $0xFFFFFE00, v24;
	[tilespmem:v48+s5+$0x0] =	vst.idx.add.f32.msk $0xffff, v23  }
0x5f0: {  	v29 =	vmul.f32 $1.442695020e+00, v17;
	v17 =	vshll.u32 v11, $0x2;
	[tilespmem:v12+s5+$0x0] =	vst.idx.add.f32.msk $0xffff, v4  }
0x5f1: {  	v4 =	vand.u32 $0x7F, v11;
	v11 =	vand.u32 $0xFFFFFE00, v17;
	[tilespmem:v28+s5+$0x0] =	vst.idx.add.f32.msk $0xffff, v9  }
0x5f2: {  	v27 =	vor.u32 v34, v35;
	v24 =	vor.u32 v4, v11;
	v28 =	vld [tilespmem:s9+$0xFFFFFFE0];
	v9 =	vshll.u32 v22, $0x2  }
0x5f3: {  	v34 =	vld [tilespmem:s10+$0x10];
	v33 =	vand.u32 $0xFFFFFE00, v9  }
0x5f4: {  	v37 =	vmul.f32 v2, v19;
	v12 =	vld [tilespmem:s9+$0xFFFFFFF0];
	v17 =	vpop (erf)  }
0x5f5: {  	[tilespmem:v18+s4+$0x0] =	vst.idx.add.f32.msk $0xffff, v17;
	v4 =	vpop (erf);
	(erf) = vpow2.f32 v21  }
0x5f6: {  	v35 =	vld [tilespmem:s10+$0x0]  }
0x5f7: {  	v9 =	vshll.u32 v28, $0x2;
	v19 =	vld.idx.msk [tilespmem:v39+s24+$0x0], $0xffff  }
0x5f8: {  	v40 =	vor.u32 $0x80, v39;
	v30 =	vld [tilespmem:s10+$0xFFFFFFE0];
	v38 =	vand.u32 $0xFFFFFE00, v9;
	v23 =	vshll.u32 v34, $0x2  }
0x5f9: {  	v11 =	vld [tilespmem:s10+$0xFFFFFFF0];
	v9 =	vshll.u32 v12, $0x2  }
0x5fa: {  	v21 =	vld.idx.msk [tilespmem:v28+s31+$0x0], $0xffff;
	v41 =	vand.u32 $0xFFFFFE00, v9;
	(erf) = vpow2.f32 v29  }
0x5fb: {  	v9 =	vand.u32 $0x7F, v18;
	v42 =	vld.idx.msk [tilespmem:v22+s22+$0x0], $0xffff  }
0x5fc: {  	v31 =	vor.u32 v9, v25;
	v29 =	vld.idx.msk [tilespmem:v34+s22+$0x0], $0xffff  }
0x5fd: {  	v18 =	vmul.f32 v17, v19;
	v9 =	vshll.u32 v30, $0x2;
	[tilespmem:v5+s4+$0x0] =	vst.idx.add.f32.msk $0xffff, v4  }
0x5fe: {  	v44 =	vor.u32 $0x80, v24;
	v9 =	vand.u32 $0xFFFFFE00, v9;
	v25 =	vld.idx.msk [tilespmem:v24+s24+$0x0], $0xffff;
	v19 =	vpop (erf)  }
0x5ff: {  	v45 =	vor.u32 $0x80, v27;
	[tilespmem:v16+s4+$0x0] =	vst.idx.add.f32.msk $0xffff, v19  }
0x600: {  	v43 =	vld.idx.msk [tilespmem:v13+s31+$0x0], $0xffff  }
0x601: {  	v32 =	vand.u32 $0x7F, v6;
	v6 =	vmov v30;
	[tilespmem:v31+s5+$0x0] =	vst.idx.add.f32.msk $0xffff, v18;
	v18 =	vor.u32 $0x80, v7  }
0x602: {  	v36 =	vor.u32 v32, v15;
	v15 =	vmov v9;
	v30 =	vld.idx.msk [tilespmem:v11+s22+$0x0], $0xffff  }
0x603: {  	v46 =	vld.idx.msk [tilespmem:v27+s24+$0x0], $0xffff;
	v9 =	vpop (erf)  }
0x604: {  	v32 =	vand.u32 $0x7F, v5;
	v5 =	vmov v12;
	v16 =	vand.u32 $0x7F, v16;
	[tilespmem:v3+s4+$0x0] =	vst.idx.add.f32.msk $0xffff, v9  }
0x605: {  	v12 =	vor.u32 v32, v14;
	v14 =	vmovc v41;
	v32 =	vor.u32 v16, v20;
	v20 =	vor.u32 $0x100, v39;
	v16 =	vld.idx.msk [tilespmem:v40+s24+$0x0], $0xffff  }
0x606: {  	v25 =	vmul.f32 v4, v25;
	v40 =	vadd.f32 v43, v42;
	[tilespmem:v18+s5+$0x0] =	vst.idx.add.f32.msk $0xffff, v37  }
0x607: {  	v41 =	vadd.f32 v43, v1;
	v43 =	vor.u32 $0x100, v24;
	v42 =	vld.idx.msk [tilespmem:v36+s24+$0x0], $0xffff  }
0x608: {  	v47 =	vmul.f32 $2.000000030e-01, v40;
	v18 =	vld [tilespmem:s9+$0x10]  }
0x609: {  	v48 =	vmul.f32 $2.000000030e-01, v41;
	v46 =	vmul.f32 v19, v46;
	v37 =	vld.idx.msk [tilespmem:v35+s22+$0x0], $0xffff  }
0x60a: {  	v49 =	vor.u32 $0x100, v27;
	v40 =	vmax.f32 v40, v47;
	v47 =	vor.u32 $0x100, v8;
	[tilespmem:v12+s5+$0x0] =	vst.idx.add.f32.msk $0xffff, v25  }
0x60b: {  	v25 =	vmax.f32 v41, v48;
	[tilespmem:v32+s5+$0x0] =	vst.idx.add.f32.msk $0xffff, v46;
	v46 =	vmul.f32 v17, v16  }
0x60c: {  	v48 =	vor.u32 $0x80, v31;
	v40 =	vsub.f32 v40, v25;
	v45 =	vld.idx.msk [tilespmem:v45+s24+$0x0], $0xffff  }
0x60d: {  	v41 =	vand.u32 $0x7F, v3;
	v3 =	vmov v28;
	v16 =	vld [tilespmem:s9+$0x0];
	v25 =	vshll.u32 v18, $0x2  }
0x60e: {  	v28 =	vor.u32 v41, v10;
	v10 =	vmovc v38;
	v51 =	vmul.f32 $1.442695020e+00, v40;
	v25 =	vand.u32 $0xFFFFFE00, v25;
	v40 =	vld.idx.msk [tilespmem:v44+s24+$0x0], $0xffff  }
0x60f: {  	v38 =	vor.u32 $0x80, v32;
	v44 =	vld.idx.msk [tilespmem:v47+s24+$0x0], $0xffff  }
0x610: {  	v47 =	vor.u32 $0x80, v36;
	v41 =	vld.idx.msk [tilespmem:v5+s31+$0x0], $0xffff  }
0x611: {  	v42 =	vmul.f32 v9, v42;
	[tilespmem:v48+s5+$0x0] =	vst.idx.add.f32.msk $0xffff, v46  }
0x612: {  	v45 =	vmul.f32 v19, v45;
	v46 =	vshll.u32 v16, $0x2;
	v52 =	vld.idx.msk [tilespmem:v20+s24+$0x0], $0xffff  }
0x613: {  	v20 =	vand.u32 $0xFFFFFE00, v46;
	[tilespmem:v28+s5+$0x0] =	vst.idx.add.f32.msk $0xffff, v42  }
0x614: {  	v53 =	vmul.f32 v4, v40;
	[tilespmem:v38+s5+$0x0] =	vst.idx.add.f32.msk $0xffff, v45  }
0x615: {  	v54 =	vor.u32 $0x80, v12;
	v40 =	vmul.f32 v2, v44;
	v50 =	vld.idx.msk [tilespmem:v47+s24+$0x0], $0xffff  }
.Ltmp8:
0x616: {  	v42 =	vld.idx.msk [tilespmem:v6+s22+$0x0], $0xffff;
	(erf) = vpow2.f32 v51;
	(pc) =	sbr.rel @p0 .LBB2_18-.Ltmp8, $4  }
0x617: {  	v48 =	vor.u32 $0x100, v31;
	v38 =	vand.u32 $0x7F, v34;
	v45 =	vld.idx.msk [tilespmem:v18+s31+$0x0], $0xffff  }
0x618: {  	v47 =	vor.u32 $0x80, v28;
	v51 =	vmul.f32 v17, v52;
	v46 =	vld.idx.msk [tilespmem:v49+s24+$0x0], $0xffff  }
0x619: {  	v34 =	vand.u32 $0x7F, v35;
	v35 =	vshll.u32 v35, $0x2;
	v49 =	vor.u32 $0x100, v36;
	v44 =	vld.idx.msk [tilespmem:v16+s31+$0x0], $0xffff  }
0x61a: {  	v39 =	vor.u32 $0x180, v39;
	v35 =	vand.u32 $0xFFFFFE00, v35;
	[tilespmem:v54+s5+$0x0] =	vst.idx.add.f32.msk $0xffff, v53  }
0x61b: {  	_ = 	snop  }
0x61c: {  	v50 =	vmul.f32 v9, v50;
	v52 =	vor.u32 $0x100, v28;
	v53 =	vor.u32 $0x100, v12  }
0x61d: {  	v54 =	vor.u32 $0x100, v32;
	v22 =	vand.u32 $0x7F, v22;
	v27 =	vor.u32 $0x180, v27  }
0x61e: {  	v55 =	vor.u32 $0x100, v7;
	v36 =	vor.u32 $0x180, v36;
	v29 =	vadd.f32 v45, v29  }
0x61f: {  	v31 =	vor.u32 $0x180, v31;
	[tilespmem:v48+s5+$0x0] =	vst.idx.add.f32.msk $0xffff, v51;
	v48 =	vor.u32 $0x180, v8;
	v61 =	vadd.f32 v45, v1  }
0x620: {  	v59 =	vadd.f32 v41, v1;
	v30 =	vadd.f32 v41, v30;
	v8 =	vmul.f32 $2.000000030e-01, v29  }
0x621: {  	v43 =	vld.idx.msk [tilespmem:v43+s24+$0x0], $0xffff;
	v42 =	vadd.f32 v21, v42;
	v21 =	vadd.f32 v21, v1;
	v63 =	vmul.f32 $2.000000030e-01, v61  }
0x622: {  	v56 =	vand.u32 $0x7F, v13;
	v22 =	vor.u32 v22, v33;
	v62 =	vmul.f32 v19, v46;
	[tilespmem:v47+s5+$0x0] =	vst.idx.add.f32.msk $0xffff, v50  }
0x623: {  	v39 =	vld.idx.msk [tilespmem:v39+s24+$0x0], $0xffff;
	v57 =	vadd.f32 v44, v1;
	v33 =	vmax.f32 v61, v63;
	v29 =	vmax.f32 v29, v8  }
0x624: {  	v51 =	vmul.f32 $2.000000030e-01, v21;
	v58 =	vld.idx.msk [tilespmem:v49+s24+$0x0], $0xffff;
	v37 =	vadd.f32 v44, v37;
	v29 =	vsub.f32 v29, v33;
	v8 =	vpop (erf)  }
0x625: {  	v61 =	vmul.f32 $2.000000030e-01, v30;
	[tilespmem:v13+s4+$0x0] =	vst.idx.add.f32.msk $0xffff, v8;
	v13 =	vor.u32 v56, v26;
	v26 =	vmul.f32 $2.000000030e-01, v59  }
0x626: {  	v24 =	vor.u32 $0x180, v24;
	[tilespmem:v54+s5+$0x0] =	vst.idx.add.f32.msk $0xffff, v62;
	v62 =	vmul.f32 $2.000000030e-01, v57;
	v29 =	vmul.f32 $1.442695020e+00, v29  }
0x627: {  	v63 =	vmul.f32 $2.000000030e-01, v37;
	[tilespmem:v55+s5+$0x0] =	vst.idx.add.f32.msk $0xffff, v40;
	v30 =	vmax.f32 v30, v61;
	v26 =	vmax.f32 v59, v26  }
0x628: {  	v21 =	vmax.f32 v21, v51;
	v27 =	vld.idx.msk [tilespmem:v27+s24+$0x0], $0xffff;
	(erf) = vpow2.f32 v29;
	v26 =	vsub.f32 v30, v26  }
0x629: {  	v60 =	vmul.f32 v4, v43;
	v40 =	vld.idx.msk [tilespmem:v48+s24+$0x0], $0xffff;
	v50 =	vmax.f32 v57, v62;
	v30 =	vmax.f32 v37, v63  }
0x62a: {  	v49 =	vld.idx.msk [tilespmem:v22+s24+$0x0], $0xffff;
	v29 =	vmul.f32 $2.000000030e-01, v42;
	v30 =	vsub.f32 v30, v50;
	v26 =	vmul.f32 $1.442695020e+00, v26  }
0x62b: {  	v17 =	vmul.f32 v39, v17;
	[tilespmem:v53+s5+$0x0] =	vst.idx.add.f32.msk $0xffff, v60;
	v53 =	vor.u32 $0x180, v32;
	v54 =	vmul.f32 v9, v58  }
0x62c: {  	v24 =	vld.idx.msk [tilespmem:v24+s24+$0x0], $0xffff;
	v29 =	vmax.f32 v42, v29;
	(erf) = vpow2.f32 v26;
	v26 =	vmul.f32 $1.442695020e+00, v30  }
0x62d: {  	v23 =	vand.u32 $0xFFFFFE00, v23;
	[tilespmem:v31+s5+$0x0] =	vst.idx.add.f32.msk $0xffff, v17;
	v21 =	vsub.f32 v29, v21  }
0x62e: {  	v23 =	vor.u32 v38, v23;
	[tilespmem:v52+s5+$0x0] =	vst.idx.add.f32.msk $0xffff, v54;
	v19 =	vmul.f32 v27, v19;
	(erf) = vpow2.f32 v26  }
0x62f: {  	v29 =	vld.idx.msk [tilespmem:v36+s24+$0x0], $0xffff;
	v27 =	vmul.f32 v8, v49;
	v26 =	vor.u32 $0x80, v22  }
0x630: {  	v7 =	vor.u32 $0x180, v7;
	v2 =	vmul.f32 v40, v2;
	[tilespmem:v53+s5+$0x0] =	vst.idx.add.f32.msk $0xffff, v19;
	v19 =	vshll.u32 v11, $0x2  }
0x631: {  	v11 =	vand.u32 $0x7F, v11;
	v19 =	vand.u32 $0xFFFFFE00, v19;
	v17 =	vmul.f32 $1.442695020e+00, v21;
	[tilespmem:v13+s5+$0x0] =	vst.idx.add.f32.msk $0xffff, v27;
	v21 =	vpop (erf)  }
0x632: {  	v11 =	vor.u32 v11, v19;
	[tilespmem:v18+s4+$0x0] =	vst.idx.add.f32.msk $0xffff, v21  }
0x633: {  	(erf) = vpow2.f32 v17;
	v17 =	vld.idx.msk [tilespmem:v23+s24+$0x0], $0xffff  }
0x634: {  	v18 =	vand.u32 $0x7F, v18;
	v19 =	vld.idx.msk [tilespmem:v26+s24+$0x0], $0xffff;
	v26 =	vor.u32 v34, v35  }
0x635: {  	[tilespmem:v7+s5+$0x0] =	vst.idx.add.f32.msk $0xffff, v2;
	v7 =	vor.u32 v18, v25;
	v2 =	vpop (erf)  }
0x636: {  	v18 =	vor.u32 $0x80, v23;
	[tilespmem:v5+s4+$0x0] =	vst.idx.add.f32.msk $0xffff, v2  }
0x637: {  	v30 =	vor.u32 $0x80, v13;
	v25 =	vld.idx.msk [tilespmem:v11+s24+$0x0], $0xffff;
	v27 =	vpop (erf)  }
0x638: {  	v6 =	vand.u32 $0x7F, v6;
	v17 =	vmul.f32 v21, v17;
	[tilespmem:v16+s4+$0x0] =	vst.idx.add.f32.msk $0xffff, v27  }
0x639: {  	v6 =	vor.u32 v6, v15;
	v5 =	vand.u32 $0x7F, v5;
	v15 =	vld.idx.msk [tilespmem:v26+s24+$0x0], $0xffff  }
0x63a: {  	v5 =	vor.u32 v5, v14;
	v16 =	vand.u32 $0x7F, v16;
	v14 =	vmul.f32 v8, v19;
	[tilespmem:v7+s5+$0x0] =	vst.idx.add.f32.msk $0xffff, v17  }
0x63b: {  	v16 =	vor.u32 v16, v20;
	v18 =	vld.idx.msk [tilespmem:v18+s24+$0x0], $0xffff  }
0x63c: {  	v19 =	vor.u32 $0x80, v26;
	[tilespmem:v30+s5+$0x0] =	vst.idx.add.f32.msk $0xffff, v14;
	v17 =	vpop (erf)  }
0x63d: {  	v20 =	vor.u32 $0x80, v11;
	[tilespmem:v3+s4+$0x0] =	vst.idx.add.f32.msk $0xffff, v17;
	v25 =	vmul.f32 v2, v25  }
0x63e: {  	v30 =	vor.u32 $0x80, v7;
	v14 =	vld.idx.msk [tilespmem:v6+s24+$0x0], $0xffff;
	v15 =	vmul.f32 v27, v15  }
0x63f: {  	v31 =	vor.u32 $0x100, v23;
	v3 =	vand.u32 $0x7F, v3;
	[tilespmem:v5+s5+$0x0] =	vst.idx.add.f32.msk $0xffff, v25  }
0x640: {  	v3 =	vor.u32 v3, v10;
	[tilespmem:v16+s5+$0x0] =	vst.idx.add.f32.msk $0xffff, v15  }
0x641: {  	v10 =	vmul.f32 v21, v18;
	v18 =	vor.u32 $0x80, v6;
	v15 =	vld.idx.msk [tilespmem:v19+s24+$0x0], $0xffff  }
0x642: {  	v20 =	vld.idx.msk [tilespmem:v20+s24+$0x0], $0xffff;
	v19 =	vor.u32 $0x100, v22  }
0x643: {  	v25 =	vor.u32 $0x80, v16;
	[tilespmem:v30+s5+$0x0] =	vst.idx.add.f32.msk $0xffff, v10;
	v14 =	vmul.f32 v17, v14  }
0x644: {  	v10 =	vor.u32 $0x100, v26;
	v30 =	vld.idx.msk [tilespmem:v31+s24+$0x0], $0xffff  }
0x645: {  	[tilespmem:v3+s5+$0x0] =	vst.idx.add.f32.msk $0xffff, v14;
	v14 =	vor.u32 $0x80, v5  }
0x646: {  	v31 =	vor.u32 $0x100, v11;
	v18 =	vld.idx.msk [tilespmem:v18+s24+$0x0], $0xffff;
	v15 =	vmul.f32 v27, v15  }
0x647: {  	v56 =	vor.u32 $0x100, v7;
	v19 =	vld.idx.msk [tilespmem:v19+s24+$0x0], $0xffff  }
0x648: {  	v20 =	vmul.f32 v2, v20;
	[tilespmem:v25+s5+$0x0] =	vst.idx.add.f32.msk $0xffff, v15;
	v15 =	vor.u32 $0x80, v3  }
0x649: {  	v25 =	vor.u32 $0x100, v6;
	v10 =	vld.idx.msk [tilespmem:v10+s24+$0x0], $0xffff  }
0x64a: {  	v30 =	vmul.f32 v21, v30;
	[tilespmem:v14+s5+$0x0] =	vst.idx.add.f32.msk $0xffff, v20;
	v14 =	vor.u32 $0x180, v23  }
0x64b: {  	v23 =	vor.u32 $0x100, v16;
	v18 =	vmul.f32 v17, v18;
	v20 =	vld.idx.msk [tilespmem:v31+s24+$0x0], $0xffff  }
0x64c: {  	v26 =	vor.u32 $0x180, v26;
	[tilespmem:v56+s5+$0x0] =	vst.idx.add.f32.msk $0xffff, v30  }
0x64d: {  	v30 =	vor.u32 $0x100, v5;
	[tilespmem:v15+s5+$0x0] =	vst.idx.add.f32.msk $0xffff, v18  }
0x64e: {  	v18 =	vor.u32 $0x100, v13;
	v15 =	vld.idx.msk [tilespmem:v25+s24+$0x0], $0xffff;
	v10 =	vmul.f32 v27, v10  }
0x64f: {  	v11 =	vor.u32 $0x180, v11;
	v14 =	vld.idx.msk [tilespmem:v14+s24+$0x0], $0xffff  }
0x650: {  	v22 =	vor.u32 $0x180, v22;
	[tilespmem:v23+s5+$0x0] =	vst.idx.add.f32.msk $0xffff, v10;
	v10 =	vmul.f32 v2, v20  }
0x651: {  	v19 =	vmul.f32 v8, v19;
	v20 =	vor.u32 $0x100, v3;
	v23 =	vld.idx.msk [tilespmem:v26+s24+$0x0], $0xffff  }
0x652: {  	v6 =	vor.u32 $0x180, v6;
	[tilespmem:v30+s5+$0x0] =	vst.idx.add.f32.msk $0xffff, v10  }
0x653: {  	v10 =	vor.u32 $0x180, v12;
	[tilespmem:v18+s5+$0x0] =	vst.idx.add.f32.msk $0xffff, v19  }
0x654: {  	v12 =	vor.u32 $0x180, v28;
	v11 =	vld.idx.msk [tilespmem:v11+s24+$0x0], $0xffff;
	v15 =	vmul.f32 v17, v15  }
0x655: {  	v7 =	vor.u32 $0x180, v7;
	v18 =	vld.idx.msk [tilespmem:v22+s24+$0x0], $0xffff  }
0x656: {  	v4 =	vmul.f32 v24, v4;
	v16 =	vor.u32 $0x180, v16;
	[tilespmem:v20+s5+$0x0] =	vst.idx.add.f32.msk $0xffff, v15  }
0x657: {  	v9 =	vmul.f32 v29, v9;
	v5 =	vor.u32 $0x180, v5;
	v6 =	vld.idx.msk [tilespmem:v6+s24+$0x0], $0xffff  }
0x658: {  	v13 =	vor.u32 $0x180, v13;
	[tilespmem:v10+s5+$0x0] =	vst.idx.add.f32.msk $0xffff, v4;
	v4 =	vmul.f32 v14, v21  }
0x659: {  	v3 =	vor.u32 $0x180, v3;
	[tilespmem:v12+s5+$0x0] =	vst.idx.add.f32.msk $0xffff, v9;
	v9 =	vmul.f32 v23, v27  }
0x65a: {  	v2 =	vmul.f32 v11, v2;
	[tilespmem:v7+s5+$0x0] =	vst.idx.add.f32.msk $0xffff, v4  }
0x65b: {  	v4 =	vmul.f32 v18, v8;
	[tilespmem:v16+s5+$0x0] =	vst.idx.add.f32.msk $0xffff, v9  }
0x65c: {  	[tilespmem:v5+s5+$0x0] =	vst.idx.add.f32.msk $0xffff, v2;
	v6 =	vmul.f32 v6, v17  }
0x65d: {  	[tilespmem:v13+s5+$0x0] =	vst.idx.add.f32.msk $0xffff, v4  }
0x65e: {  	[tilespmem:v3+s5+$0x0] =	vst.idx.add.f32.msk $0xffff, v6  }
0x65f: {  	[tilespmem:s26], [sflag:$0x1] =	stream.linear.gather [hbm4b:s16+s22], $0xFA0, $0x38;
	[tilespmem:$0x1F300] =	vst v63  }
0x660: {  	_ = 	snop  }
0x661: {  	[tilespmem:s0], [sflag:$0x1] =	stream.linear.gather [hbm4b:s17+s22], $0xFA0, $0x38;
	[tilespmem:$0x1F300] =	vst v63  }
0x662: {  	_ =	swait.ge [sflag:s6], $0xFA0  }
0x663: {  	[sflag:s6] =	ssyncset.done $0x0  }
0x664: {  	[sflag:s6] =	ssyncadd.s32 $0xFFFFF060  }
0x665: {  	_ =	swait.ge [sflag:s6], $0xFA0  }
0x666: {  	[sflag:s6] =	ssyncset.done $0x0  }
0x667: {  	s9 =	simm.s32 $0x1D320;
	[sflag:s6] =	ssyncadd.s32 $0xFFFFF060  }
0x668: {  	s10 =	simm.s32 $0x1E320;
	v2 =	vld [tilespmem:s9+$0x20]  }
0x669: {  	v3 =	vld [tilespmem:s10+$0x20];
	_ =	sdelay $0x6  }
0x66a: {  	v4 =	vld.idx.msk [tilespmem:v2+s22+$0x0], $0xffff  }
0x66b: {  	v5 =	vld.idx.msk [tilespmem:v3+s31+$0x0], $0xffff;
	_ =	sdelay $0x4  }
0x66c: {  	v6 =	vld [tilespmem:s9+$0x10];
	v4 =	vadd.f32 v5, v4;
	v5 =	vadd.f32 v5, v1  }
0x66d: {  	v9 =	vld [tilespmem:s10+$0x10]  }
0x66e: {  	v7 =	vmul.f32 $2.000000030e-01, v4;
	v8 =	vmul.f32 $2.000000030e-01, v5;
	_ =	sdelay $0x1  }
0x66f: {  	v12 =	vld [tilespmem:s10+$0xFFFFFFF0];
	v4 =	vmax.f32 v4, v7;
	v5 =	vmax.f32 v5, v8  }
0x670: {  	v14 =	vld [tilespmem:s9+$0x0];
	v4 =	vsub.f32 v4, v5  }
0x671: {  	v11 =	vld [tilespmem:s9+$0xFFFFFFF0]  }
0x672: {  	v15 =	vld [tilespmem:s10+$0x0];
	v4 =	vmul.f32 $1.442695020e+00, v4  }
0x673: {  	v5 =	vld.idx.msk [tilespmem:v6+s22+$0x0], $0xffff  }
0x674: {  	(erf) = vpow2.f32 v4;
	v4 =	vld.idx.msk [tilespmem:v9+s31+$0x0], $0xffff  }
0x675: {  	v16 =	vld [tilespmem:s9+$0xFFFFFFE0]  }
0x676: {  	v10 =	vld [tilespmem:s10+$0xFFFFFFE0];
	s10 =	simm.s32 $0x1D370  }
0x677: {  	v34 =	vld [tilespmem:s10+$0x10]  }
0x678: {  	v35 =	vld [tilespmem:s10+$0x0]  }
0x679: {  	v17 =	vld.idx.msk [tilespmem:v14+s22+$0x0], $0xffff;
	v7 =	vshll.u32 v2, $0x2;
	v13 =	vadd.f32 v4, v1;
	v4 =	vadd.f32 v4, v5  }
0x67a: {  	v19 =	vld.idx.msk [tilespmem:v12+s31+$0x0], $0xffff;
	v2 =	vand.u32 $0x7F, v2;
	v7 =	vand.u32 $0xFFFFFE00, v7  }
0x67b: {  	v20 =	vld.idx.msk [tilespmem:v15+s31+$0x0], $0xffff;
	v8 =	vor.u32 v2, v7;
	v7 =	vmul.f32 $2.000000030e-01, v13;
	v18 =	vmul.f32 $2.000000030e-01, v4  }
0x67c: {  	v5 =	vld.idx.msk [tilespmem:v11+s22+$0x0], $0xffff  }
0x67d: {  	v21 =	vld.idx.msk [tilespmem:v16+s22+$0x0], $0xffff;
	v7 =	vmax.f32 v13, v7;
	v4 =	vmax.f32 v4, v18  }
0x67e: {  	v2 =	vpop (erf);
	v18 =	vld.idx.msk [tilespmem:v10+s31+$0x0], $0xffff;
	v4 =	vsub.f32 v4, v7  }
0x67f: {  	v22 =	vadd.f32 v19, v1;
	[tilespmem:v3+s4+$0x0] =	vst.idx.add.f32.msk $0xffff, v2;
	v7 =	vshll.u32 v3, $0x2  }
0x680: {  	v3 =	vand.u32 $0x7F, v3;
	v13 =	vld.idx.msk [tilespmem:v8+s24+$0x0], $0xffff;
	v7 =	vand.u32 $0xFFFFFE00, v7;
	v4 =	vmul.f32 $1.442695020e+00, v4  }
0x681: {  	v7 =	vor.u32 v3, v7;
	v3 =	vadd.f32 v19, v5;
	v19 =	vmul.f32 $2.000000030e-01, v22  }
0x682: {  	v17 =	vadd.f32 v20, v17;
	v5 =	vadd.f32 v20, v1;
	(erf) = vpow2.f32 v4  }
0x683: {  	v4 =	vor.u32 $0x80, v8;
	v20 =	vmul.f32 $2.000000030e-01, v3;
	v19 =	vmax.f32 v22, v19;
	v22 =	vld [tilespmem:s10+$0x20]  }
0x684: {  	v29 =	vld.idx.msk [tilespmem:v34+s22+$0x0], $0xffff;
	v24 =	vmul.f32 $2.000000030e-01, v5;
	v21 =	vadd.f32 v18, v21  }
0x685: {  	s9 =	simm.s32 $0x1E370;
	v37 =	vld.idx.msk [tilespmem:v35+s22+$0x0], $0xffff;
	v25 =	vmul.f32 v2, v13;
	v3 =	vmax.f32 v3, v20;
	v20 =	vmul.f32 $2.000000030e-01, v17  }
0x686: {  	v23 =	vshll.u32 v6, $0x2;
	v18 =	vadd.f32 v18, v1;
	v13 =	vld [tilespmem:s9+$0x20];
	v3 =	vsub.f32 v3, v19  }
0x687: {  	v6 =	vand.u32 $0x7F, v6;
	v5 =	vmax.f32 v5, v24;
	[tilespmem:v7+s5+$0x0] =	vst.idx.add.f32.msk $0xffff, v25;
	v17 =	vmax.f32 v17, v20  }
0x688: {  	v19 =	vmul.f32 $1.442695020e+00, v3;
	v5 =	vsub.f32 v17, v5;
	v3 =	vand.u32 $0xFFFFFE00, v23;
	v20 =	vld.idx.msk [tilespmem:v4+s24+$0x0], $0xffff  }
0x689: {  	v4 =	vmul.f32 $2.000000030e-01, v21;
	v23 =	vmul.f32 $2.000000030e-01, v18;
	v39 =	vor.u32 v6, v3;
	v3 =	vld [tilespmem:s9+$0xFFFFFFE0]  }
0x68a: {  	(erf) = vpow2.f32 v19;
	v6 =	vmul.f32 $1.442695020e+00, v5;
	v5 =	vld [tilespmem:s9+$0xFFFFFFF0]  }
0x68b: {  	v26 =	vor.u32 $0x80, v7;
	v4 =	vmax.f32 v21, v4;
	v18 =	vmax.f32 v18, v23;
	v23 =	vld.idx.msk [tilespmem:v22+s22+$0x0], $0xffff;
	v17 =	vpop (erf)  }
0x68c: {  	v4 =	vsub.f32 v4, v18;
	(erf) = vpow2.f32 v6;
	v6 =	vshll.u32 v11, $0x2;
	[tilespmem:v9+s4+$0x0] =	vst.idx.add.f32.msk $0xffff, v17  }
0x68d: {  	v19 =	vand.u32 $0xFFFFFE00, v6;
	v6 =	vld [tilespmem:s10+$0xFFFFFFE0]  }
0x68e: {  	v11 =	vand.u32 $0x7F, v11;
	v4 =	vmul.f32 $1.442695020e+00, v4;
	v28 =	vld.idx.msk [tilespmem:v13+s31+$0x0], $0xffff  }
0x68f: {  	v20 =	vmul.f32 v2, v20;
	v18 =	vld.idx.msk [tilespmem:v39+s24+$0x0], $0xffff;
	v24 =	vor.u32 v11, v19;
	v19 =	vshll.u32 v9, $0x2  }
0x690: {  	v11 =	vld [tilespmem:s10+$0xFFFFFFF0];
	v9 =	vand.u32 $0x7F, v9;
	v19 =	vand.u32 $0xFFFFFE00, v19  }
0x691: {  	[tilespmem:v26+s5+$0x0] =	vst.idx.add.f32.msk $0xffff, v20;
	v31 =	vor.u32 v9, v19  }
0x692: {  	v25 =	vshll.u32 v14, $0x2;
	(erf) = vpow2.f32 v4;
	v21 =	vld.idx.msk [tilespmem:v3+s31+$0x0], $0xffff  }
0x693: {  	v9 =	vand.u32 $0x7F, v14;
	v14 =	vand.u32 $0xFFFFFE00, v25;
	v41 =	vld.idx.msk [tilespmem:v5+s31+$0x0], $0xffff;
	v4 =	vpop (erf)  }
0x694: {  	v25 =	vor.u32 $0x80, v39;
	v27 =	vor.u32 v9, v14;
	v9 =	vmul.f32 v17, v18;
	[tilespmem:v12+s4+$0x0] =	vst.idx.add.f32.msk $0xffff, v4  }
0x695: {  	v18 =	vshll.u32 v16, $0x2;
	v14 =	vld.idx.msk [tilespmem:v24+s24+$0x0], $0xffff  }
0x696: {  	v16 =	vand.u32 $0x7F, v16;
	v18 =	vand.u32 $0xFFFFFE00, v18;
	[tilespmem:v31+s5+$0x0] =	vst.idx.add.f32.msk $0xffff, v9;
	v9 =	vshll.u32 v12, $0x2  }
0x697: {  	v19 =	vpop (erf);
	v36 =	vor.u32 v16, v18;
	v12 =	vand.u32 $0x7F, v12;
	v42 =	vld.idx.msk [tilespmem:v6+s22+$0x0], $0xffff;
	v16 =	vand.u32 $0xFFFFFE00, v9  }
0x698: {  	[tilespmem:v15+s4+$0x0] =	vst.idx.add.f32.msk $0xffff, v19;
	v12 =	vor.u32 v12, v16  }
0x699: {  	v18 =	vshll.u32 v15, $0x2;
	v25 =	vld.idx.msk [tilespmem:v25+s24+$0x0], $0xffff  }
0x69a: {  	v58 =	vor.u32 $0x80, v24;
	v18 =	vand.u32 $0xFFFFFE00, v18;
	v15 =	vand.u32 $0x7F, v15;
	v57 =	vld.idx.msk [tilespmem:v27+s24+$0x0], $0xffff  }
0x69b: {  	v61 =	vor.u32 $0x80, v31;
	v32 =	vor.u32 v15, v18;
	v18 =	vld [tilespmem:s9+$0x10];
	v9 =	vpop (erf);
	v14 =	vmul.f32 v4, v14  }
0x69c: {  	v60 =	vshll.u32 v22, $0x2;
	[tilespmem:v10+s4+$0x0] =	vst.idx.add.f32.msk $0xffff, v9  }
0x69d: {  	v33 =	vand.u32 $0xFFFFFE00, v60;
	[tilespmem:v12+s5+$0x0] =	vst.idx.add.f32.msk $0xffff, v14;
	v14 =	vor.u32 $0x100, v8  }
0x69e: {  	v63 =	vor.u32 $0x100, v39;
	v62 =	vshll.u32 v3, $0x2;
	v20 =	vld.idx.msk [tilespmem:v36+s24+$0x0], $0xffff;
	v25 =	vmul.f32 v17, v25  }
0x69f: {  	v26 =	vshll.u32 v10, $0x2;
	v15 =	vor.u32 $0x80, v27;
	v16 =	vmul.f32 v19, v57;
	v38 =	vld.idx.msk [tilespmem:v58+s24+$0x0], $0xffff  }
0x6a0: {  	v43 =	vor.u32 $0x100, v24;
	v52 =	vadd.f32 v28, v23;
	v53 =	vadd.f32 v28, v1;
	[tilespmem:v61+s5+$0x0] =	vst.idx.add.f32.msk $0xffff, v25  }
0x6a1: {  	v59 =	vand.u32 $0xFFFFFE00, v26;
	v26 =	vshll.u32 v13, $0x2;
	v39 =	vor.u32 $0x180, v39;
	[tilespmem:v32+s5+$0x0] =	vst.idx.add.f32.msk $0xffff, v16  }
0x6a2: {  	v55 =	vmul.f32 $2.000000030e-01, v53;
	v10 =	vand.u32 $0x7F, v10;
	v46 =	vld.idx.msk [tilespmem:v14+s24+$0x0], $0xffff;
	v14 =	vmul.f32 $2.000000030e-01, v52  }
0x6a3: {  	v26 =	vand.u32 $0xFFFFFE00, v26;
	v48 =	vor.u32 $0x100, v31;
	v28 =	vor.u32 v10, v59;
	v16 =	vld [tilespmem:s9+$0x0]  }
0x6a4: {  	v56 =	vor.u32 $0x80, v36;
	v25 =	vmax.f32 v53, v55;
	v15 =	vld.idx.msk [tilespmem:v15+s24+$0x0], $0xffff;
	v14 =	vmax.f32 v52, v14  }
0x6a5: {  	v30 =	vld.idx.msk [tilespmem:v11+s22+$0x0], $0xffff;
	v10 =	vand.u32 $0xFFFFFE00, v62;
	v62 =	vor.u32 $0x80, v12;
	v25 =	vsub.f32 v14, v25  }
0x6a6: {  	v23 =	vshll.u32 v34, $0x2;
	v54 =	vor.u32 $0x80, v32;
	v59 =	vld.idx.msk [tilespmem:v63+s24+$0x0], $0xffff;
	v20 =	vmul.f32 v9, v20  }
0x6a7: {  	v60 =	vor.u32 $0x100, v27;
	v49 =	vor.u32 $0x100, v36;
	v45 =	vld.idx.msk [tilespmem:v18+s31+$0x0], $0xffff;
	v61 =	vmul.f32 $1.442695020e+00, v25  }
0x6a8: {  	v47 =	vor.u32 $0x80, v28;
	v57 =	vshll.u32 v5, $0x2;
	[tilespmem:v28+s5+$0x0] =	vst.idx.add.f32.msk $0xffff, v20;
	v63 =	vmul.f32 v4, v38  }
0x6a9: {  	v20 =	vshll.u32 v18, $0x2;
	v50 =	vld.idx.msk [tilespmem:v56+s24+$0x0], $0xffff;
	v58 =	vmul.f32 v19, v15;
	(erf) = vpow2.f32 v61  }
0x6aa: {  	v38 =	vand.u32 $0x7F, v34;
	v34 =	vand.u32 $0x7F, v35;
	v35 =	vshll.u32 v35, $0x2;
	[tilespmem:v62+s5+$0x0] =	vst.idx.add.f32.msk $0xffff, v63  }
0x6ab: {  	v51 =	vmul.f32 v17, v59;
	v35 =	vand.u32 $0xFFFFFE00, v35;
	v15 =	vshll.u32 v6, $0x2;
	[tilespmem:v54+s5+$0x0] =	vst.idx.add.f32.msk $0xffff, v58  }
0x6ac: {  	v14 =	vand.u32 $0xFFFFFE00, v57;
	v25 =	vand.u32 $0xFFFFFE00, v20;
	v20 =	vshll.u32 v16, $0x2;
	v44 =	vld.idx.msk [tilespmem:v16+s31+$0x0], $0xffff  }
0x6ad: {  	s11 =	simm.s32 $0x5;
	v15 =	vand.u32 $0xFFFFFE00, v15;
	v40 =	vmul.f32 v2, v46;
	v20 =	vand.u32 $0xFFFFFE00, v20;
	v46 =	vld.idx.msk [tilespmem:v60+s24+$0x0], $0xffff  }
.LBB2_20:
0x6ae: {  	s11 =	sadd.s32 $0x5, s11;
	v50 =	vmul.f32 v9, v50;
	v52 =	vor.u32 $0x100, v28;
	v28 =	vor.u32 $0x180, v28;
	v43 =	vld.idx.msk [tilespmem:v43+s24+$0x0], $0xffff  }
0x6af: {  	v53 =	vor.u32 $0x100, v12;
	v54 =	vor.u32 $0x100, v32;
	p0 =	slt.u32 s11, $0xF5;
	[tilespmem:v48+s5+$0x0] =	vst.idx.add.f32.msk $0xffff, v51;
	v48 =	vor.u32 $0x180, v7  }
0x6b0: {  	v22 =	vand.u32 $0x7F, v22;
	v27 =	vor.u32 $0x180, v27;
	[tilespmem:v47+s5+$0x0] =	vst.idx.add.f32.msk $0xffff, v50;
	v47 =	vor.u32 $0x100, v7  }
0x6b1: {  	v31 =	vor.u32 $0x180, v31;
	v7 =	vor.u32 v22, v33;
	v33 =	vor.u32 $0x180, v36;
	v22 =	vld.idx.msk [tilespmem:v49+s24+$0x0], $0xffff  }
0x6b2: {  	v36 =	vadd.f32 v45, v1;
	v46 =	vmul.f32 v19, v46;
	v50 =	vor.u32 $0x180, v8;
	v49 =	vpop (erf);
	v39 =	vld.idx.msk [tilespmem:v39+s24+$0x0], $0xffff  }
0x6b3: {  	v29 =	vadd.f32 v45, v29;
	v45 =	vand.u32 $0x7F, v13;
	v8 =	vmovc v7;
	[tilespmem:v13+s4+$0x0] =	vst.idx.add.f32.msk $0xffff, v49;
	v13 =	vor.u32 $0x180, v24  }
0x6b4: {  	v32 =	vor.u32 $0x180, v32;
	v51 =	vmul.f32 $2.000000030e-01, v36;
	v24 =	vadd.f32 v44, v1;
	[tilespmem:v54+s5+$0x0] =	vst.idx.add.f32.msk $0xffff, v46  }
0x6b5: {  	v37 =	vadd.f32 v44, v37;
	v44 =	vmul.f32 $2.000000030e-01, v29;
	v43 =	vmul.f32 v4, v43;
	v27 =	vld.idx.msk [tilespmem:v27+s24+$0x0], $0xffff  }
0x6b6: {  	v46 =	vadd.f32 v41, v1;
	v36 =	vmax.f32 v36, v51;
	v51 =	vld.idx.msk [tilespmem:v7+s24+$0x0], $0xffff;
	v7 =	vor.u32 v45, v26  }
0x6b7: {  	v29 =	vmax.f32 v29, v44;
	v26 =	vadd.f32 v41, v30;
	v30 =	vor.u32 $0x80, v8;
	[tilespmem:v53+s5+$0x0] =	vst.idx.add.f32.msk $0xffff, v43  }
0x6b8: {  	v41 =	vadd.f32 v21, v42;
	v42 =	vmul.f32 $2.000000030e-01, v46;
	v17 =	vmul.f32 v39, v17;
	v43 =	vld.idx.msk [tilespmem:v13+s24+$0x0], $0xffff  }
0x6b9: {  	v21 =	vadd.f32 v21, v1;
	v22 =	vmul.f32 v9, v22;
	v13 =	vmul.f32 $2.000000030e-01, v26;
	[tilespmem:v47+s5+$0x0] =	vst.idx.add.f32.msk $0xffff, v40  }
0x6ba: {  	v29 =	vsub.f32 v29, v36;
	v39 =	vmul.f32 $2.000000030e-01, v41;
	v40 =	vmul.f32 $2.000000030e-01, v24;
	v36 =	vld.idx.msk [tilespmem:v50+s24+$0x0], $0xffff  }
0x6bb: {  	v13 =	vmax.f32 v26, v13;
	v26 =	vmax.f32 v46, v42;
	v42 =	vmul.f32 $2.000000030e-01, v37;
	[tilespmem:v52+s5+$0x0] =	vst.idx.add.f32.msk $0xffff, v22  }
0x6bc: {  	s9 =	sadd.s32 $0x50, s9;
	v39 =	vmax.f32 v41, v39;
	v19 =	vmul.f32 v27, v19;
	v22 =	vsub.f32 v13, v26;
	v33 =	vld.idx.msk [tilespmem:v33+s24+$0x0], $0xffff  }
0x6bd: {  	v27 =	vmul.f32 $1.442695020e+00, v29;
	v24 =	vmax.f32 v24, v40;
	v26 =	vmax.f32 v37, v42;
	v13 =	vld [tilespmem:s9+$0x20]  }
0x6be: {  	v22 =	vmul.f32 $1.442695020e+00, v22;
	v24 =	vsub.f32 v26, v24;
	v26 =	vmul.f32 v49, v51;
	[tilespmem:v31+s5+$0x0] =	vst.idx.add.f32.msk $0xffff, v17  }
0x6bf: {  	v12 =	vor.u32 $0x180, v12;
	v17 =	vmul.f32 $2.000000030e-01, v21;
	(erf) = vpow2.f32 v27;
	[tilespmem:v32+s5+$0x0] =	vst.idx.add.f32.msk $0xffff, v19  }
0x6c0: {  	s10 =	sadd.s32 $0x50, s10;
	v19 =	vand.u32 $0xFFFFFE00, v23;
	v23 =	vmul.f32 v36, v2;
	v2 =	vmovc v49;
	[tilespmem:v7+s5+$0x0] =	vst.idx.add.f32.msk $0xffff, v26;
	(erf) = vpow2.f32 v22  }
0x6c1: {  	v4 =	vmul.f32 v43, v4;
	v17 =	vmax.f32 v21, v17;
	v21 =	vmul.f32 $1.442695020e+00, v24;
	v22 =	vld [tilespmem:s10+$0x20]  }
0x6c2: {  	v17 =	vsub.f32 v39, v17;
	v39 =	vor.u32 v38, v19;
	v24 =	vshll.u32 v13, $0x2;
	v19 =	vld.idx.msk [tilespmem:v30+s24+$0x0], $0xffff  }
0x6c3: {  	v9 =	vmul.f32 v33, v9;
	v26 =	vand.u32 $0xFFFFFE00, v24;
	[tilespmem:v48+s5+$0x0] =	vst.idx.add.f32.msk $0xffff, v23  }
0x6c4: {  	v29 =	vmul.f32 $1.442695020e+00, v17;
	v17 =	vshll.u32 v11, $0x2;
	[tilespmem:v12+s5+$0x0] =	vst.idx.add.f32.msk $0xffff, v4  }
0x6c5: {  	v4 =	vand.u32 $0x7F, v11;
	v11 =	vand.u32 $0xFFFFFE00, v17;
	[tilespmem:v28+s5+$0x0] =	vst.idx.add.f32.msk $0xffff, v9  }
0x6c6: {  	v27 =	vor.u32 v34, v35;
	v24 =	vor.u32 v4, v11;
	v28 =	vld [tilespmem:s9+$0xFFFFFFE0];
	v9 =	vshll.u32 v22, $0x2  }
0x6c7: {  	v34 =	vld [tilespmem:s10+$0x10];
	v33 =	vand.u32 $0xFFFFFE00, v9  }
0x6c8: {  	v37 =	vmul.f32 v2, v19;
	v12 =	vld [tilespmem:s9+$0xFFFFFFF0];
	v17 =	vpop (erf)  }
0x6c9: {  	[tilespmem:v18+s4+$0x0] =	vst.idx.add.f32.msk $0xffff, v17;
	v4 =	vpop (erf);
	(erf) = vpow2.f32 v21  }
0x6ca: {  	v35 =	vld [tilespmem:s10+$0x0]  }
0x6cb: {  	v9 =	vshll.u32 v28, $0x2;
	v19 =	vld.idx.msk [tilespmem:v39+s24+$0x0], $0xffff  }
0x6cc: {  	v40 =	vor.u32 $0x80, v39;
	v30 =	vld [tilespmem:s10+$0xFFFFFFE0];
	v38 =	vand.u32 $0xFFFFFE00, v9;
	v23 =	vshll.u32 v34, $0x2  }
0x6cd: {  	v11 =	vld [tilespmem:s10+$0xFFFFFFF0];
	v9 =	vshll.u32 v12, $0x2  }
0x6ce: {  	v21 =	vld.idx.msk [tilespmem:v28+s31+$0x0], $0xffff;
	v41 =	vand.u32 $0xFFFFFE00, v9;
	(erf) = vpow2.f32 v29  }
0x6cf: {  	v9 =	vand.u32 $0x7F, v18;
	v42 =	vld.idx.msk [tilespmem:v22+s22+$0x0], $0xffff  }
0x6d0: {  	v31 =	vor.u32 v9, v25;
	v29 =	vld.idx.msk [tilespmem:v34+s22+$0x0], $0xffff  }
0x6d1: {  	v18 =	vmul.f32 v17, v19;
	v9 =	vshll.u32 v30, $0x2;
	[tilespmem:v5+s4+$0x0] =	vst.idx.add.f32.msk $0xffff, v4  }
0x6d2: {  	v44 =	vor.u32 $0x80, v24;
	v9 =	vand.u32 $0xFFFFFE00, v9;
	v25 =	vld.idx.msk [tilespmem:v24+s24+$0x0], $0xffff;
	v19 =	vpop (erf)  }
0x6d3: {  	v45 =	vor.u32 $0x80, v27;
	[tilespmem:v16+s4+$0x0] =	vst.idx.add.f32.msk $0xffff, v19  }
0x6d4: {  	v43 =	vld.idx.msk [tilespmem:v13+s31+$0x0], $0xffff  }
0x6d5: {  	v32 =	vand.u32 $0x7F, v6;
	v6 =	vmov v30;
	[tilespmem:v31+s5+$0x0] =	vst.idx.add.f32.msk $0xffff, v18;
	v18 =	vor.u32 $0x80, v7  }
0x6d6: {  	v36 =	vor.u32 v32, v15;
	v15 =	vmov v9;
	v30 =	vld.idx.msk [tilespmem:v11+s22+$0x0], $0xffff  }
0x6d7: {  	v46 =	vld.idx.msk [tilespmem:v27+s24+$0x0], $0xffff;
	v9 =	vpop (erf)  }
0x6d8: {  	v32 =	vand.u32 $0x7F, v5;
	v5 =	vmov v12;
	v16 =	vand.u32 $0x7F, v16;
	[tilespmem:v3+s4+$0x0] =	vst.idx.add.f32.msk $0xffff, v9  }
0x6d9: {  	v12 =	vor.u32 v32, v14;
	v14 =	vmovc v41;
	v32 =	vor.u32 v16, v20;
	v20 =	vor.u32 $0x100, v39;
	v16 =	vld.idx.msk [tilespmem:v40+s24+$0x0], $0xffff  }
0x6da: {  	v25 =	vmul.f32 v4, v25;
	v40 =	vadd.f32 v43, v42;
	[tilespmem:v18+s5+$0x0] =	vst.idx.add.f32.msk $0xffff, v37  }
0x6db: {  	v41 =	vadd.f32 v43, v1;
	v43 =	vor.u32 $0x100, v24;
	v42 =	vld.idx.msk [tilespmem:v36+s24+$0x0], $0xffff  }
0x6dc: {  	v47 =	vmul.f32 $2.000000030e-01, v40;
	v18 =	vld [tilespmem:s9+$0x10]  }
0x6dd: {  	v48 =	vmul.f32 $2.000000030e-01, v41;
	v46 =	vmul.f32 v19, v46;
	v37 =	vld.idx.msk [tilespmem:v35+s22+$0x0], $0xffff  }
0x6de: {  	v49 =	vor.u32 $0x100, v27;
	v40 =	vmax.f32 v40, v47;
	v47 =	vor.u32 $0x100, v8;
	[tilespmem:v12+s5+$0x0] =	vst.idx.add.f32.msk $0xffff, v25  }
0x6df: {  	v25 =	vmax.f32 v41, v48;
	[tilespmem:v32+s5+$0x0] =	vst.idx.add.f32.msk $0xffff, v46;
	v46 =	vmul.f32 v17, v16  }
0x6e0: {  	v48 =	vor.u32 $0x80, v31;
	v40 =	vsub.f32 v40, v25;
	v45 =	vld.idx.msk [tilespmem:v45+s24+$0x0], $0xffff  }
0x6e1: {  	v41 =	vand.u32 $0x7F, v3;
	v3 =	vmov v28;
	v16 =	vld [tilespmem:s9+$0x0];
	v25 =	vshll.u32 v18, $0x2  }
0x6e2: {  	v28 =	vor.u32 v41, v10;
	v10 =	vmovc v38;
	v51 =	vmul.f32 $1.442695020e+00, v40;
	v25 =	vand.u32 $0xFFFFFE00, v25;
	v40 =	vld.idx.msk [tilespmem:v44+s24+$0x0], $0xffff  }
0x6e3: {  	v38 =	vor.u32 $0x80, v32;
	v44 =	vld.idx.msk [tilespmem:v47+s24+$0x0], $0xffff  }
0x6e4: {  	v47 =	vor.u32 $0x80, v36;
	v41 =	vld.idx.msk [tilespmem:v5+s31+$0x0], $0xffff  }
0x6e5: {  	v42 =	vmul.f32 v9, v42;
	[tilespmem:v48+s5+$0x0] =	vst.idx.add.f32.msk $0xffff, v46  }
0x6e6: {  	v45 =	vmul.f32 v19, v45;
	v46 =	vshll.u32 v16, $0x2;
	v52 =	vld.idx.msk [tilespmem:v20+s24+$0x0], $0xffff  }
0x6e7: {  	v20 =	vand.u32 $0xFFFFFE00, v46;
	[tilespmem:v28+s5+$0x0] =	vst.idx.add.f32.msk $0xffff, v42  }
0x6e8: {  	v53 =	vmul.f32 v4, v40;
	[tilespmem:v38+s5+$0x0] =	vst.idx.add.f32.msk $0xffff, v45  }
0x6e9: {  	v54 =	vor.u32 $0x80, v12;
	v40 =	vmul.f32 v2, v44;
	v50 =	vld.idx.msk [tilespmem:v47+s24+$0x0], $0xffff  }
.Ltmp9:
0x6ea: {  	v42 =	vld.idx.msk [tilespmem:v6+s22+$0x0], $0xffff;
	(erf) = vpow2.f32 v51;
	(pc) =	sbr.rel @p0 .LBB2_20-.Ltmp9, $4  }
0x6eb: {  	v48 =	vor.u32 $0x100, v31;
	v38 =	vand.u32 $0x7F, v34;
	v45 =	vld.idx.msk [tilespmem:v18+s31+$0x0], $0xffff  }
0x6ec: {  	v47 =	vor.u32 $0x80, v28;
	v51 =	vmul.f32 v17, v52;
	v46 =	vld.idx.msk [tilespmem:v49+s24+$0x0], $0xffff  }
0x6ed: {  	v34 =	vand.u32 $0x7F, v35;
	v35 =	vshll.u32 v35, $0x2;
	v49 =	vor.u32 $0x100, v36;
	v44 =	vld.idx.msk [tilespmem:v16+s31+$0x0], $0xffff  }
0x6ee: {  	v39 =	vor.u32 $0x180, v39;
	v35 =	vand.u32 $0xFFFFFE00, v35;
	[tilespmem:v54+s5+$0x0] =	vst.idx.add.f32.msk $0xffff, v53  }
0x6ef: {  	_ = 	snop  }
0x6f0: {  	v50 =	vmul.f32 v9, v50;
	v52 =	vor.u32 $0x100, v28;
	v53 =	vor.u32 $0x100, v12  }
0x6f1: {  	v54 =	vor.u32 $0x100, v32;
	v22 =	vand.u32 $0x7F, v22;
	v27 =	vor.u32 $0x180, v27  }
0x6f2: {  	v55 =	vor.u32 $0x100, v7;
	v36 =	vor.u32 $0x180, v36;
	v29 =	vadd.f32 v45, v29  }
0x6f3: {  	v31 =	vor.u32 $0x180, v31;
	[tilespmem:v48+s5+$0x0] =	vst.idx.add.f32.msk $0xffff, v51;
	v48 =	vor.u32 $0x180, v8;
	v61 =	vadd.f32 v45, v1  }
0x6f4: {  	v59 =	vadd.f32 v41, v1;
	v30 =	vadd.f32 v41, v30;
	v8 =	vmul.f32 $2.000000030e-01, v29  }
0x6f5: {  	v43 =	vld.idx.msk [tilespmem:v43+s24+$0x0], $0xffff;
	v42 =	vadd.f32 v21, v42;
	v21 =	vadd.f32 v21, v1;
	v63 =	vmul.f32 $2.000000030e-01, v61  }
0x6f6: {  	v56 =	vand.u32 $0x7F, v13;
	v22 =	vor.u32 v22, v33;
	v62 =	vmul.f32 v19, v46;
	[tilespmem:v47+s5+$0x0] =	vst.idx.add.f32.msk $0xffff, v50  }
0x6f7: {  	v39 =	vld.idx.msk [tilespmem:v39+s24+$0x0], $0xffff;
	v57 =	vadd.f32 v44, v1;
	v33 =	vmax.f32 v61, v63;
	v29 =	vmax.f32 v29, v8  }
0x6f8: {  	v51 =	vmul.f32 $2.000000030e-01, v21;
	v58 =	vld.idx.msk [tilespmem:v49+s24+$0x0], $0xffff;
	v37 =	vadd.f32 v44, v37;
	v29 =	vsub.f32 v29, v33;
	v8 =	vpop (erf)  }
0x6f9: {  	v61 =	vmul.f32 $2.000000030e-01, v30;
	[tilespmem:v13+s4+$0x0] =	vst.idx.add.f32.msk $0xffff, v8;
	v13 =	vor.u32 v56, v26;
	v26 =	vmul.f32 $2.000000030e-01, v59  }
0x6fa: {  	v24 =	vor.u32 $0x180, v24;
	[tilespmem:v54+s5+$0x0] =	vst.idx.add.f32.msk $0xffff, v62;
	v62 =	vmul.f32 $2.000000030e-01, v57;
	v29 =	vmul.f32 $1.442695020e+00, v29  }
0x6fb: {  	v63 =	vmul.f32 $2.000000030e-01, v37;
	[tilespmem:v55+s5+$0x0] =	vst.idx.add.f32.msk $0xffff, v40;
	v30 =	vmax.f32 v30, v61;
	v26 =	vmax.f32 v59, v26  }
0x6fc: {  	v21 =	vmax.f32 v21, v51;
	v27 =	vld.idx.msk [tilespmem:v27+s24+$0x0], $0xffff;
	(erf) = vpow2.f32 v29;
	v26 =	vsub.f32 v30, v26  }
0x6fd: {  	v60 =	vmul.f32 v4, v43;
	v40 =	vld.idx.msk [tilespmem:v48+s24+$0x0], $0xffff;
	v50 =	vmax.f32 v57, v62;
	v30 =	vmax.f32 v37, v63  }
0x6fe: {  	v49 =	vld.idx.msk [tilespmem:v22+s24+$0x0], $0xffff;
	v29 =	vmul.f32 $2.000000030e-01, v42;
	v30 =	vsub.f32 v30, v50;
	v26 =	vmul.f32 $1.442695020e+00, v26  }
0x6ff: {  	v17 =	vmul.f32 v39, v17;
	[tilespmem:v53+s5+$0x0] =	vst.idx.add.f32.msk $0xffff, v60;
	v53 =	vor.u32 $0x180, v32;
	v54 =	vmul.f32 v9, v58  }
0x700: {  	v24 =	vld.idx.msk [tilespmem:v24+s24+$0x0], $0xffff;
	v29 =	vmax.f32 v42, v29;
	(erf) = vpow2.f32 v26;
	v26 =	vmul.f32 $1.442695020e+00, v30  }
0x701: {  	v23 =	vand.u32 $0xFFFFFE00, v23;
	[tilespmem:v31+s5+$0x0] =	vst.idx.add.f32.msk $0xffff, v17;
	v21 =	vsub.f32 v29, v21  }
0x702: {  	v23 =	vor.u32 v38, v23;
	[tilespmem:v52+s5+$0x0] =	vst.idx.add.f32.msk $0xffff, v54;
	v19 =	vmul.f32 v27, v19;
	(erf) = vpow2.f32 v26  }
0x703: {  	v29 =	vld.idx.msk [tilespmem:v36+s24+$0x0], $0xffff;
	v27 =	vmul.f32 v8, v49;
	v26 =	vor.u32 $0x80, v22  }
0x704: {  	v7 =	vor.u32 $0x180, v7;
	v2 =	vmul.f32 v40, v2;
	[tilespmem:v53+s5+$0x0] =	vst.idx.add.f32.msk $0xffff, v19;
	v19 =	vshll.u32 v11, $0x2  }
0x705: {  	v11 =	vand.u32 $0x7F, v11;
	v19 =	vand.u32 $0xFFFFFE00, v19;
	v17 =	vmul.f32 $1.442695020e+00, v21;
	[tilespmem:v13+s5+$0x0] =	vst.idx.add.f32.msk $0xffff, v27;
	v21 =	vpop (erf)  }
0x706: {  	v11 =	vor.u32 v11, v19;
	[tilespmem:v18+s4+$0x0] =	vst.idx.add.f32.msk $0xffff, v21  }
0x707: {  	(erf) = vpow2.f32 v17;
	v17 =	vld.idx.msk [tilespmem:v23+s24+$0x0], $0xffff  }
0x708: {  	v18 =	vand.u32 $0x7F, v18;
	v19 =	vld.idx.msk [tilespmem:v26+s24+$0x0], $0xffff;
	v26 =	vor.u32 v34, v35  }
0x709: {  	[tilespmem:v7+s5+$0x0] =	vst.idx.add.f32.msk $0xffff, v2;
	v7 =	vor.u32 v18, v25;
	v2 =	vpop (erf)  }
0x70a: {  	v18 =	vor.u32 $0x80, v23;
	[tilespmem:v5+s4+$0x0] =	vst.idx.add.f32.msk $0xffff, v2  }
0x70b: {  	v30 =	vor.u32 $0x80, v13;
	v25 =	vld.idx.msk [tilespmem:v11+s24+$0x0], $0xffff;
	v27 =	vpop (erf)  }
0x70c: {  	v6 =	vand.u32 $0x7F, v6;
	v17 =	vmul.f32 v21, v17;
	[tilespmem:v16+s4+$0x0] =	vst.idx.add.f32.msk $0xffff, v27  }
0x70d: {  	v6 =	vor.u32 v6, v15;
	v5 =	vand.u32 $0x7F, v5;
	v15 =	vld.idx.msk [tilespmem:v26+s24+$0x0], $0xffff  }
0x70e: {  	v5 =	vor.u32 v5, v14;
	v16 =	vand.u32 $0x7F, v16;
	v14 =	vmul.f32 v8, v19;
	[tilespmem:v7+s5+$0x0] =	vst.idx.add.f32.msk $0xffff, v17  }
0x70f: {  	v16 =	vor.u32 v16, v20;
	v18 =	vld.idx.msk [tilespmem:v18+s24+$0x0], $0xffff  }
0x710: {  	v19 =	vor.u32 $0x80, v26;
	[tilespmem:v30+s5+$0x0] =	vst.idx.add.f32.msk $0xffff, v14;
	v17 =	vpop (erf)  }
0x711: {  	v20 =	vor.u32 $0x80, v11;
	[tilespmem:v3+s4+$0x0] =	vst.idx.add.f32.msk $0xffff, v17;
	v25 =	vmul.f32 v2, v25  }
0x712: {  	v30 =	vor.u32 $0x80, v7;
	v14 =	vld.idx.msk [tilespmem:v6+s24+$0x0], $0xffff;
	v15 =	vmul.f32 v27, v15  }
0x713: {  	v31 =	vor.u32 $0x100, v23;
	v3 =	vand.u32 $0x7F, v3;
	[tilespmem:v5+s5+$0x0] =	vst.idx.add.f32.msk $0xffff, v25  }
0x714: {  	v3 =	vor.u32 v3, v10;
	[tilespmem:v16+s5+$0x0] =	vst.idx.add.f32.msk $0xffff, v15  }
0x715: {  	v10 =	vmul.f32 v21, v18;
	v18 =	vor.u32 $0x80, v6;
	v15 =	vld.idx.msk [tilespmem:v19+s24+$0x0], $0xffff  }
0x716: {  	v20 =	vld.idx.msk [tilespmem:v20+s24+$0x0], $0xffff;
	v19 =	vor.u32 $0x100, v22  }
0x717: {  	v25 =	vor.u32 $0x80, v16;
	[tilespmem:v30+s5+$0x0] =	vst.idx.add.f32.msk $0xffff, v10;
	v14 =	vmul.f32 v17, v14  }
0x718: {  	v10 =	vor.u32 $0x100, v26;
	v30 =	vld.idx.msk [tilespmem:v31+s24+$0x0], $0xffff  }
0x719: {  	[tilespmem:v3+s5+$0x0] =	vst.idx.add.f32.msk $0xffff, v14;
	v14 =	vor.u32 $0x80, v5  }
0x71a: {  	v31 =	vor.u32 $0x100, v11;
	v18 =	vld.idx.msk [tilespmem:v18+s24+$0x0], $0xffff;
	v15 =	vmul.f32 v27, v15  }
0x71b: {  	v56 =	vor.u32 $0x100, v7;
	v19 =	vld.idx.msk [tilespmem:v19+s24+$0x0], $0xffff  }
0x71c: {  	v20 =	vmul.f32 v2, v20;
	[tilespmem:v25+s5+$0x0] =	vst.idx.add.f32.msk $0xffff, v15;
	v15 =	vor.u32 $0x80, v3  }
0x71d: {  	v25 =	vor.u32 $0x100, v6;
	v10 =	vld.idx.msk [tilespmem:v10+s24+$0x0], $0xffff  }
0x71e: {  	v30 =	vmul.f32 v21, v30;
	[tilespmem:v14+s5+$0x0] =	vst.idx.add.f32.msk $0xffff, v20;
	v14 =	vor.u32 $0x180, v23  }
0x71f: {  	v23 =	vor.u32 $0x100, v16;
	v18 =	vmul.f32 v17, v18;
	v20 =	vld.idx.msk [tilespmem:v31+s24+$0x0], $0xffff  }
0x720: {  	v26 =	vor.u32 $0x180, v26;
	[tilespmem:v56+s5+$0x0] =	vst.idx.add.f32.msk $0xffff, v30  }
0x721: {  	v30 =	vor.u32 $0x100, v5;
	[tilespmem:v15+s5+$0x0] =	vst.idx.add.f32.msk $0xffff, v18  }
0x722: {  	v18 =	vor.u32 $0x100, v13;
	v15 =	vld.idx.msk [tilespmem:v25+s24+$0x0], $0xffff;
	v10 =	vmul.f32 v27, v10  }
0x723: {  	v11 =	vor.u32 $0x180, v11;
	v14 =	vld.idx.msk [tilespmem:v14+s24+$0x0], $0xffff  }
0x724: {  	v22 =	vor.u32 $0x180, v22;
	[tilespmem:v23+s5+$0x0] =	vst.idx.add.f32.msk $0xffff, v10;
	v10 =	vmul.f32 v2, v20  }
0x725: {  	v19 =	vmul.f32 v8, v19;
	v20 =	vor.u32 $0x100, v3;
	v23 =	vld.idx.msk [tilespmem:v26+s24+$0x0], $0xffff  }
0x726: {  	v6 =	vor.u32 $0x180, v6;
	[tilespmem:v30+s5+$0x0] =	vst.idx.add.f32.msk $0xffff, v10  }
0x727: {  	v10 =	vor.u32 $0x180, v12;
	[tilespmem:v18+s5+$0x0] =	vst.idx.add.f32.msk $0xffff, v19  }
0x728: {  	v12 =	vor.u32 $0x180, v28;
	v11 =	vld.idx.msk [tilespmem:v11+s24+$0x0], $0xffff;
	v15 =	vmul.f32 v17, v15  }
0x729: {  	v7 =	vor.u32 $0x180, v7;
	v18 =	vld.idx.msk [tilespmem:v22+s24+$0x0], $0xffff  }
0x72a: {  	v4 =	vmul.f32 v24, v4;
	v16 =	vor.u32 $0x180, v16;
	[tilespmem:v20+s5+$0x0] =	vst.idx.add.f32.msk $0xffff, v15  }
0x72b: {  	v9 =	vmul.f32 v29, v9;
	v5 =	vor.u32 $0x180, v5;
	v6 =	vld.idx.msk [tilespmem:v6+s24+$0x0], $0xffff  }
0x72c: {  	v13 =	vor.u32 $0x180, v13;
	[tilespmem:v10+s5+$0x0] =	vst.idx.add.f32.msk $0xffff, v4;
	v4 =	vmul.f32 v14, v21  }
0x72d: {  	v3 =	vor.u32 $0x180, v3;
	[tilespmem:v12+s5+$0x0] =	vst.idx.add.f32.msk $0xffff, v9;
	v9 =	vmul.f32 v23, v27  }
0x72e: {  	v2 =	vmul.f32 v11, v2;
	[tilespmem:v7+s5+$0x0] =	vst.idx.add.f32.msk $0xffff, v4  }
0x72f: {  	v4 =	vmul.f32 v18, v8;
	[tilespmem:v16+s5+$0x0] =	vst.idx.add.f32.msk $0xffff, v9  }
0x730: {  	[tilespmem:v5+s5+$0x0] =	vst.idx.add.f32.msk $0xffff, v2;
	v6 =	vmul.f32 v6, v17  }
0x731: {  	[tilespmem:v13+s5+$0x0] =	vst.idx.add.f32.msk $0xffff, v4  }
0x732: {  	[tilespmem:v3+s5+$0x0] =	vst.idx.add.f32.msk $0xffff, v6  }
0x733: {  	[tilespmem:s1], [sflag:$0x2] =	stream.linear.gather [hbm4b:s20+s22], $0xFA0, $0x38;
	[tilespmem:$0x1F300] =	vst v63  }
0x734: {  	_ = 	snop  }
0x735: {  	[tilespmem:s2], [sflag:$0x2] =	stream.linear.gather [hbm4b:s21+s22], $0xFA0, $0x38;
	[tilespmem:$0x1F300] =	vst v63  }
0x736: {  	_ =	swait.ge [sflag:s3], $0xFA0  }
0x737: {  	[sflag:s3] =	ssyncset.done $0x0  }
0x738: {  	[sflag:s3] =	ssyncadd.s32 $0xFFFFF060  }
0x739: {  	_ =	swait.ge [sflag:s3], $0xFA0  }
0x73a: {  	[sflag:s3] =	ssyncset.done $0x0  }
0x73b: {  	s9 =	simm.s32 $0x1B320;
	[sflag:s3] =	ssyncadd.s32 $0xFFFFF060  }
0x73c: {  	s10 =	simm.s32 $0x1C320;
	v2 =	vld [tilespmem:s9+$0x20]  }
0x73d: {  	v3 =	vld [tilespmem:s10+$0x20];
	_ =	sdelay $0x6  }
0x73e: {  	v4 =	vld.idx.msk [tilespmem:v2+s22+$0x0], $0xffff  }
0x73f: {  	v5 =	vld.idx.msk [tilespmem:v3+s31+$0x0], $0xffff;
	_ =	sdelay $0x4  }
0x740: {  	v6 =	vld [tilespmem:s9+$0x10];
	v4 =	vadd.f32 v5, v4;
	v5 =	vadd.f32 v5, v1  }
0x741: {  	v9 =	vld [tilespmem:s10+$0x10]  }
0x742: {  	v7 =	vmul.f32 $2.000000030e-01, v4;
	v8 =	vmul.f32 $2.000000030e-01, v5;
	_ =	sdelay $0x1  }
0x743: {  	v12 =	vld [tilespmem:s10+$0xFFFFFFF0];
	v4 =	vmax.f32 v4, v7;
	v5 =	vmax.f32 v5, v8  }
0x744: {  	v14 =	vld [tilespmem:s9+$0x0];
	v4 =	vsub.f32 v4, v5  }
0x745: {  	v11 =	vld [tilespmem:s9+$0xFFFFFFF0]  }
0x746: {  	v15 =	vld [tilespmem:s10+$0x0];
	v4 =	vmul.f32 $1.442695020e+00, v4  }
0x747: {  	v5 =	vld.idx.msk [tilespmem:v6+s22+$0x0], $0xffff  }
0x748: {  	(erf) = vpow2.f32 v4;
	v4 =	vld.idx.msk [tilespmem:v9+s31+$0x0], $0xffff  }
0x749: {  	v16 =	vld [tilespmem:s9+$0xFFFFFFE0]  }
0x74a: {  	v10 =	vld [tilespmem:s10+$0xFFFFFFE0];
	s10 =	simm.s32 $0x1B370  }
0x74b: {  	v34 =	vld [tilespmem:s10+$0x10]  }
0x74c: {  	v35 =	vld [tilespmem:s10+$0x0]  }
0x74d: {  	v17 =	vld.idx.msk [tilespmem:v14+s22+$0x0], $0xffff;
	v7 =	vshll.u32 v2, $0x2;
	v13 =	vadd.f32 v4, v1;
	v4 =	vadd.f32 v4, v5  }
0x74e: {  	v19 =	vld.idx.msk [tilespmem:v12+s31+$0x0], $0xffff;
	v2 =	vand.u32 $0x7F, v2;
	v7 =	vand.u32 $0xFFFFFE00, v7  }
0x74f: {  	v20 =	vld.idx.msk [tilespmem:v15+s31+$0x0], $0xffff;
	v8 =	vor.u32 v2, v7;
	v7 =	vmul.f32 $2.000000030e-01, v13;
	v18 =	vmul.f32 $2.000000030e-01, v4  }
0x750: {  	v5 =	vld.idx.msk [tilespmem:v11+s22+$0x0], $0xffff  }
0x751: {  	v21 =	vld.idx.msk [tilespmem:v16+s22+$0x0], $0xffff;
	v7 =	vmax.f32 v13, v7;
	v4 =	vmax.f32 v4, v18  }
0x752: {  	v2 =	vpop (erf);
	v18 =	vld.idx.msk [tilespmem:v10+s31+$0x0], $0xffff;
	v4 =	vsub.f32 v4, v7  }
0x753: {  	v22 =	vadd.f32 v19, v1;
	[tilespmem:v3+s4+$0x0] =	vst.idx.add.f32.msk $0xffff, v2;
	v7 =	vshll.u32 v3, $0x2  }
0x754: {  	v3 =	vand.u32 $0x7F, v3;
	v13 =	vld.idx.msk [tilespmem:v8+s24+$0x0], $0xffff;
	v7 =	vand.u32 $0xFFFFFE00, v7;
	v4 =	vmul.f32 $1.442695020e+00, v4  }
0x755: {  	v7 =	vor.u32 v3, v7;
	v3 =	vadd.f32 v19, v5;
	v19 =	vmul.f32 $2.000000030e-01, v22  }
0x756: {  	v17 =	vadd.f32 v20, v17;
	v5 =	vadd.f32 v20, v1;
	(erf) = vpow2.f32 v4  }
0x757: {  	v4 =	vor.u32 $0x80, v8;
	v20 =	vmul.f32 $2.000000030e-01, v3;
	v19 =	vmax.f32 v22, v19;
	v22 =	vld [tilespmem:s10+$0x20]  }
0x758: {  	v29 =	vld.idx.msk [tilespmem:v34+s22+$0x0], $0xffff;
	v24 =	vmul.f32 $2.000000030e-01, v5;
	v21 =	vadd.f32 v18, v21  }
0x759: {  	s9 =	simm.s32 $0x1C370;
	v37 =	vld.idx.msk [tilespmem:v35+s22+$0x0], $0xffff;
	v25 =	vmul.f32 v2, v13;
	v3 =	vmax.f32 v3, v20;
	v20 =	vmul.f32 $2.000000030e-01, v17  }
0x75a: {  	v23 =	vshll.u32 v6, $0x2;
	v18 =	vadd.f32 v18, v1;
	v13 =	vld [tilespmem:s9+$0x20];
	v3 =	vsub.f32 v3, v19  }
0x75b: {  	v6 =	vand.u32 $0x7F, v6;
	v5 =	vmax.f32 v5, v24;
	[tilespmem:v7+s5+$0x0] =	vst.idx.add.f32.msk $0xffff, v25;
	v17 =	vmax.f32 v17, v20  }
0x75c: {  	v19 =	vmul.f32 $1.442695020e+00, v3;
	v5 =	vsub.f32 v17, v5;
	v3 =	vand.u32 $0xFFFFFE00, v23;
	v20 =	vld.idx.msk [tilespmem:v4+s24+$0x0], $0xffff  }
0x75d: {  	v4 =	vmul.f32 $2.000000030e-01, v21;
	v23 =	vmul.f32 $2.000000030e-01, v18;
	v39 =	vor.u32 v6, v3;
	v3 =	vld [tilespmem:s9+$0xFFFFFFE0]  }
0x75e: {  	(erf) = vpow2.f32 v19;
	v6 =	vmul.f32 $1.442695020e+00, v5;
	v5 =	vld [tilespmem:s9+$0xFFFFFFF0]  }
0x75f: {  	v26 =	vor.u32 $0x80, v7;
	v4 =	vmax.f32 v21, v4;
	v18 =	vmax.f32 v18, v23;
	v23 =	vld.idx.msk [tilespmem:v22+s22+$0x0], $0xffff;
	v17 =	vpop (erf)  }
0x760: {  	v4 =	vsub.f32 v4, v18;
	(erf) = vpow2.f32 v6;
	v6 =	vshll.u32 v11, $0x2;
	[tilespmem:v9+s4+$0x0] =	vst.idx.add.f32.msk $0xffff, v17  }
0x761: {  	v19 =	vand.u32 $0xFFFFFE00, v6;
	v6 =	vld [tilespmem:s10+$0xFFFFFFE0]  }
0x762: {  	v11 =	vand.u32 $0x7F, v11;
	v4 =	vmul.f32 $1.442695020e+00, v4;
	v28 =	vld.idx.msk [tilespmem:v13+s31+$0x0], $0xffff  }
0x763: {  	v20 =	vmul.f32 v2, v20;
	v18 =	vld.idx.msk [tilespmem:v39+s24+$0x0], $0xffff;
	v24 =	vor.u32 v11, v19;
	v19 =	vshll.u32 v9, $0x2  }
0x764: {  	v11 =	vld [tilespmem:s10+$0xFFFFFFF0];
	v9 =	vand.u32 $0x7F, v9;
	v19 =	vand.u32 $0xFFFFFE00, v19  }
0x765: {  	[tilespmem:v26+s5+$0x0] =	vst.idx.add.f32.msk $0xffff, v20;
	v31 =	vor.u32 v9, v19  }
0x766: {  	v25 =	vshll.u32 v14, $0x2;
	(erf) = vpow2.f32 v4;
	v21 =	vld.idx.msk [tilespmem:v3+s31+$0x0], $0xffff  }
0x767: {  	v9 =	vand.u32 $0x7F, v14;
	v14 =	vand.u32 $0xFFFFFE00, v25;
	v41 =	vld.idx.msk [tilespmem:v5+s31+$0x0], $0xffff;
	v4 =	vpop (erf)  }
0x768: {  	v25 =	vor.u32 $0x80, v39;
	v27 =	vor.u32 v9, v14;
	v9 =	vmul.f32 v17, v18;
	[tilespmem:v12+s4+$0x0] =	vst.idx.add.f32.msk $0xffff, v4  }
0x769: {  	v18 =	vshll.u32 v16, $0x2;
	v14 =	vld.idx.msk [tilespmem:v24+s24+$0x0], $0xffff  }
0x76a: {  	v16 =	vand.u32 $0x7F, v16;
	v18 =	vand.u32 $0xFFFFFE00, v18;
	[tilespmem:v31+s5+$0x0] =	vst.idx.add.f32.msk $0xffff, v9;
	v9 =	vshll.u32 v12, $0x2  }
0x76b: {  	v19 =	vpop (erf);
	v36 =	vor.u32 v16, v18;
	v12 =	vand.u32 $0x7F, v12;
	v42 =	vld.idx.msk [tilespmem:v6+s22+$0x0], $0xffff;
	v16 =	vand.u32 $0xFFFFFE00, v9  }
0x76c: {  	[tilespmem:v15+s4+$0x0] =	vst.idx.add.f32.msk $0xffff, v19;
	v12 =	vor.u32 v12, v16  }
0x76d: {  	v18 =	vshll.u32 v15, $0x2;
	v25 =	vld.idx.msk [tilespmem:v25+s24+$0x0], $0xffff  }
0x76e: {  	v58 =	vor.u32 $0x80, v24;
	v18 =	vand.u32 $0xFFFFFE00, v18;
	v15 =	vand.u32 $0x7F, v15;
	v57 =	vld.idx.msk [tilespmem:v27+s24+$0x0], $0xffff  }
0x76f: {  	v61 =	vor.u32 $0x80, v31;
	v32 =	vor.u32 v15, v18;
	v18 =	vld [tilespmem:s9+$0x10];
	v9 =	vpop (erf);
	v14 =	vmul.f32 v4, v14  }
0x770: {  	v60 =	vshll.u32 v22, $0x2;
	[tilespmem:v10+s4+$0x0] =	vst.idx.add.f32.msk $0xffff, v9  }
0x771: {  	v33 =	vand.u32 $0xFFFFFE00, v60;
	[tilespmem:v12+s5+$0x0] =	vst.idx.add.f32.msk $0xffff, v14;
	v14 =	vor.u32 $0x100, v8  }
0x772: {  	v63 =	vor.u32 $0x100, v39;
	v62 =	vshll.u32 v3, $0x2;
	v20 =	vld.idx.msk [tilespmem:v36+s24+$0x0], $0xffff;
	v25 =	vmul.f32 v17, v25  }
0x773: {  	v26 =	vshll.u32 v10, $0x2;
	v15 =	vor.u32 $0x80, v27;
	v16 =	vmul.f32 v19, v57;
	v38 =	vld.idx.msk [tilespmem:v58+s24+$0x0], $0xffff  }
0x774: {  	v43 =	vor.u32 $0x100, v24;
	v52 =	vadd.f32 v28, v23;
	v53 =	vadd.f32 v28, v1;
	[tilespmem:v61+s5+$0x0] =	vst.idx.add.f32.msk $0xffff, v25  }
0x775: {  	v59 =	vand.u32 $0xFFFFFE00, v26;
	v26 =	vshll.u32 v13, $0x2;
	v39 =	vor.u32 $0x180, v39;
	[tilespmem:v32+s5+$0x0] =	vst.idx.add.f32.msk $0xffff, v16  }
0x776: {  	v55 =	vmul.f32 $2.000000030e-01, v53;
	v10 =	vand.u32 $0x7F, v10;
	v46 =	vld.idx.msk [tilespmem:v14+s24+$0x0], $0xffff;
	v14 =	vmul.f32 $2.000000030e-01, v52  }
0x777: {  	v26 =	vand.u32 $0xFFFFFE00, v26;
	v48 =	vor.u32 $0x100, v31;
	v28 =	vor.u32 v10, v59;
	v16 =	vld [tilespmem:s9+$0x0]  }
0x778: {  	v56 =	vor.u32 $0x80, v36;
	v25 =	vmax.f32 v53, v55;
	v15 =	vld.idx.msk [tilespmem:v15+s24+$0x0], $0xffff;
	v14 =	vmax.f32 v52, v14  }
0x779: {  	v30 =	vld.idx.msk [tilespmem:v11+s22+$0x0], $0xffff;
	v10 =	vand.u32 $0xFFFFFE00, v62;
	v62 =	vor.u32 $0x80, v12;
	v25 =	vsub.f32 v14, v25  }
0x77a: {  	v23 =	vshll.u32 v34, $0x2;
	v54 =	vor.u32 $0x80, v32;
	v59 =	vld.idx.msk [tilespmem:v63+s24+$0x0], $0xffff;
	v20 =	vmul.f32 v9, v20  }
0x77b: {  	v60 =	vor.u32 $0x100, v27;
	v49 =	vor.u32 $0x100, v36;
	v45 =	vld.idx.msk [tilespmem:v18+s31+$0x0], $0xffff;
	v61 =	vmul.f32 $1.442695020e+00, v25  }
0x77c: {  	v47 =	vor.u32 $0x80, v28;
	v57 =	vshll.u32 v5, $0x2;
	[tilespmem:v28+s5+$0x0] =	vst.idx.add.f32.msk $0xffff, v20;
	v63 =	vmul.f32 v4, v38  }
0x77d: {  	v20 =	vshll.u32 v18, $0x2;
	v50 =	vld.idx.msk [tilespmem:v56+s24+$0x0], $0xffff;
	v58 =	vmul.f32 v19, v15;
	(erf) = vpow2.f32 v61  }
0x77e: {  	v38 =	vand.u32 $0x7F, v34;
	v34 =	vand.u32 $0x7F, v35;
	v35 =	vshll.u32 v35, $0x2;
	[tilespmem:v62+s5+$0x0] =	vst.idx.add.f32.msk $0xffff, v63  }
0x77f: {  	v51 =	vmul.f32 v17, v59;
	v35 =	vand.u32 $0xFFFFFE00, v35;
	v15 =	vshll.u32 v6, $0x2;
	[tilespmem:v54+s5+$0x0] =	vst.idx.add.f32.msk $0xffff, v58  }
0x780: {  	v14 =	vand.u32 $0xFFFFFE00, v57;
	v25 =	vand.u32 $0xFFFFFE00, v20;
	v20 =	vshll.u32 v16, $0x2;
	v44 =	vld.idx.msk [tilespmem:v16+s31+$0x0], $0xffff  }
0x781: {  	s11 =	simm.s32 $0x5;
	v15 =	vand.u32 $0xFFFFFE00, v15;
	v40 =	vmul.f32 v2, v46;
	v20 =	vand.u32 $0xFFFFFE00, v20;
	v46 =	vld.idx.msk [tilespmem:v60+s24+$0x0], $0xffff  }
.LBB2_22:
0x782: {  	s11 =	sadd.s32 $0x5, s11;
	v50 =	vmul.f32 v9, v50;
	v52 =	vor.u32 $0x100, v28;
	v28 =	vor.u32 $0x180, v28;
	v43 =	vld.idx.msk [tilespmem:v43+s24+$0x0], $0xffff  }
0x783: {  	v53 =	vor.u32 $0x100, v12;
	v54 =	vor.u32 $0x100, v32;
	p0 =	slt.u32 s11, $0xF5;
	[tilespmem:v48+s5+$0x0] =	vst.idx.add.f32.msk $0xffff, v51;
	v48 =	vor.u32 $0x180, v7  }
0x784: {  	v22 =	vand.u32 $0x7F, v22;
	v27 =	vor.u32 $0x180, v27;
	[tilespmem:v47+s5+$0x0] =	vst.idx.add.f32.msk $0xffff, v50;
	v47 =	vor.u32 $0x100, v7  }
0x785: {  	v31 =	vor.u32 $0x180, v31;
	v7 =	vor.u32 v22, v33;
	v33 =	vor.u32 $0x180, v36;
	v22 =	vld.idx.msk [tilespmem:v49+s24+$0x0], $0xffff  }
0x786: {  	v36 =	vadd.f32 v45, v1;
	v46 =	vmul.f32 v19, v46;
	v50 =	vor.u32 $0x180, v8;
	v49 =	vpop (erf);
	v39 =	vld.idx.msk [tilespmem:v39+s24+$0x0], $0xffff  }
0x787: {  	v29 =	vadd.f32 v45, v29;
	v45 =	vand.u32 $0x7F, v13;
	v8 =	vmovc v7;
	[tilespmem:v13+s4+$0x0] =	vst.idx.add.f32.msk $0xffff, v49;
	v13 =	vor.u32 $0x180, v24  }
0x788: {  	v32 =	vor.u32 $0x180, v32;
	v51 =	vmul.f32 $2.000000030e-01, v36;
	v24 =	vadd.f32 v44, v1;
	[tilespmem:v54+s5+$0x0] =	vst.idx.add.f32.msk $0xffff, v46  }
0x789: {  	v37 =	vadd.f32 v44, v37;
	v44 =	vmul.f32 $2.000000030e-01, v29;
	v43 =	vmul.f32 v4, v43;
	v27 =	vld.idx.msk [tilespmem:v27+s24+$0x0], $0xffff  }
0x78a: {  	v46 =	vadd.f32 v41, v1;
	v36 =	vmax.f32 v36, v51;
	v51 =	vld.idx.msk [tilespmem:v7+s24+$0x0], $0xffff;
	v7 =	vor.u32 v45, v26  }
0x78b: {  	v29 =	vmax.f32 v29, v44;
	v26 =	vadd.f32 v41, v30;
	v30 =	vor.u32 $0x80, v8;
	[tilespmem:v53+s5+$0x0] =	vst.idx.add.f32.msk $0xffff, v43  }
0x78c: {  	v41 =	vadd.f32 v21, v42;
	v42 =	vmul.f32 $2.000000030e-01, v46;
	v17 =	vmul.f32 v39, v17;
	v43 =	vld.idx.msk [tilespmem:v13+s24+$0x0], $0xffff  }
0x78d: {  	v21 =	vadd.f32 v21, v1;
	v22 =	vmul.f32 v9, v22;
	v13 =	vmul.f32 $2.000000030e-01, v26;
	[tilespmem:v47+s5+$0x0] =	vst.idx.add.f32.msk $0xffff, v40  }
0x78e: {  	v29 =	vsub.f32 v29, v36;
	v39 =	vmul.f32 $2.000000030e-01, v41;
	v40 =	vmul.f32 $2.000000030e-01, v24;
	v36 =	vld.idx.msk [tilespmem:v50+s24+$0x0], $0xffff  }
0x78f: {  	v13 =	vmax.f32 v26, v13;
	v26 =	vmax.f32 v46, v42;
	v42 =	vmul.f32 $2.000000030e-01, v37;
	[tilespmem:v52+s5+$0x0] =	vst.idx.add.f32.msk $0xffff, v22  }
0x790: {  	s9 =	sadd.s32 $0x50, s9;
	v39 =	vmax.f32 v41, v39;
	v19 =	vmul.f32 v27, v19;
	v22 =	vsub.f32 v13, v26;
	v33 =	vld.idx.msk [tilespmem:v33+s24+$0x0], $0xffff  }
0x791: {  	v27 =	vmul.f32 $1.442695020e+00, v29;
	v24 =	vmax.f32 v24, v40;
	v26 =	vmax.f32 v37, v42;
	v13 =	vld [tilespmem:s9+$0x20]  }
0x792: {  	v22 =	vmul.f32 $1.442695020e+00, v22;
	v24 =	vsub.f32 v26, v24;
	v26 =	vmul.f32 v49, v51;
	[tilespmem:v31+s5+$0x0] =	vst.idx.add.f32.msk $0xffff, v17  }
0x793: {  	v12 =	vor.u32 $0x180, v12;
	v17 =	vmul.f32 $2.000000030e-01, v21;
	(erf) = vpow2.f32 v27;
	[tilespmem:v32+s5+$0x0] =	vst.idx.add.f32.msk $0xffff, v19  }
0x794: {  	s10 =	sadd.s32 $0x50, s10;
	v19 =	vand.u32 $0xFFFFFE00, v23;
	v23 =	vmul.f32 v36, v2;
	v2 =	vmovc v49;
	[tilespmem:v7+s5+$0x0] =	vst.idx.add.f32.msk $0xffff, v26;
	(erf) = vpow2.f32 v22  }
0x795: {  	v4 =	vmul.f32 v43, v4;
	v17 =	vmax.f32 v21, v17;
	v21 =	vmul.f32 $1.442695020e+00, v24;
	v22 =	vld [tilespmem:s10+$0x20]  }
0x796: {  	v17 =	vsub.f32 v39, v17;
	v39 =	vor.u32 v38, v19;
	v24 =	vshll.u32 v13, $0x2;
	v19 =	vld.idx.msk [tilespmem:v30+s24+$0x0], $0xffff  }
0x797: {  	v9 =	vmul.f32 v33, v9;
	v26 =	vand.u32 $0xFFFFFE00, v24;
	[tilespmem:v48+s5+$0x0] =	vst.idx.add.f32.msk $0xffff, v23  }
0x798: {  	v29 =	vmul.f32 $1.442695020e+00, v17;
	v17 =	vshll.u32 v11, $0x2;
	[tilespmem:v12+s5+$0x0] =	vst.idx.add.f32.msk $0xffff, v4  }
0x799: {  	v4 =	vand.u32 $0x7F, v11;
	v11 =	vand.u32 $0xFFFFFE00, v17;
	[tilespmem:v28+s5+$0x0] =	vst.idx.add.f32.msk $0xffff, v9  }
0x79a: {  	v27 =	vor.u32 v34, v35;
	v24 =	vor.u32 v4, v11;
	v28 =	vld [tilespmem:s9+$0xFFFFFFE0];
	v9 =	vshll.u32 v22, $0x2  }
0x79b: {  	v34 =	vld [tilespmem:s10+$0x10];
	v33 =	vand.u32 $0xFFFFFE00, v9  }
0x79c: {  	v37 =	vmul.f32 v2, v19;
	v12 =	vld [tilespmem:s9+$0xFFFFFFF0];
	v17 =	vpop (erf)  }
0x79d: {  	[tilespmem:v18+s4+$0x0] =	vst.idx.add.f32.msk $0xffff, v17;
	v4 =	vpop (erf);
	(erf) = vpow2.f32 v21  }
0x79e: {  	v35 =	vld [tilespmem:s10+$0x0]  }
0x79f: {  	v9 =	vshll.u32 v28, $0x2;
	v19 =	vld.idx.msk [tilespmem:v39+s24+$0x0], $0xffff  }
0x7a0: {  	v40 =	vor.u32 $0x80, v39;
	v30 =	vld [tilespmem:s10+$0xFFFFFFE0];
	v38 =	vand.u32 $0xFFFFFE00, v9;
	v23 =	vshll.u32 v34, $0x2  }
0x7a1: {  	v11 =	vld [tilespmem:s10+$0xFFFFFFF0];
	v9 =	vshll.u32 v12, $0x2  }
0x7a2: {  	v21 =	vld.idx.msk [tilespmem:v28+s31+$0x0], $0xffff;
	v41 =	vand.u32 $0xFFFFFE00, v9;
	(erf) = vpow2.f32 v29  }
0x7a3: {  	v9 =	vand.u32 $0x7F, v18;
	v42 =	vld.idx.msk [tilespmem:v22+s22+$0x0], $0xffff  }
0x7a4: {  	v31 =	vor.u32 v9, v25;
	v29 =	vld.idx.msk [tilespmem:v34+s22+$0x0], $0xffff  }
0x7a5: {  	v18 =	vmul.f32 v17, v19;
	v9 =	vshll.u32 v30, $0x2;
	[tilespmem:v5+s4+$0x0] =	vst.idx.add.f32.msk $0xffff, v4  }
0x7a6: {  	v44 =	vor.u32 $0x80, v24;
	v9 =	vand.u32 $0xFFFFFE00, v9;
	v25 =	vld.idx.msk [tilespmem:v24+s24+$0x0], $0xffff;
	v19 =	vpop (erf)  }
0x7a7: {  	v45 =	vor.u32 $0x80, v27;
	[tilespmem:v16+s4+$0x0] =	vst.idx.add.f32.msk $0xffff, v19  }
0x7a8: {  	v43 =	vld.idx.msk [tilespmem:v13+s31+$0x0], $0xffff  }
0x7a9: {  	v32 =	vand.u32 $0x7F, v6;
	v6 =	vmov v30;
	[tilespmem:v31+s5+$0x0] =	vst.idx.add.f32.msk $0xffff, v18;
	v18 =	vor.u32 $0x80, v7  }
0x7aa: {  	v36 =	vor.u32 v32, v15;
	v15 =	vmov v9;
	v30 =	vld.idx.msk [tilespmem:v11+s22+$0x0], $0xffff  }
0x7ab: {  	v46 =	vld.idx.msk [tilespmem:v27+s24+$0x0], $0xffff;
	v9 =	vpop (erf)  }
0x7ac: {  	v32 =	vand.u32 $0x7F, v5;
	v5 =	vmov v12;
	v16 =	vand.u32 $0x7F, v16;
	[tilespmem:v3+s4+$0x0] =	vst.idx.add.f32.msk $0xffff, v9  }
0x7ad: {  	v12 =	vor.u32 v32, v14;
	v14 =	vmovc v41;
	v32 =	vor.u32 v16, v20;
	v20 =	vor.u32 $0x100, v39;
	v16 =	vld.idx.msk [tilespmem:v40+s24+$0x0], $0xffff  }
0x7ae: {  	v25 =	vmul.f32 v4, v25;
	v40 =	vadd.f32 v43, v42;
	[tilespmem:v18+s5+$0x0] =	vst.idx.add.f32.msk $0xffff, v37  }
0x7af: {  	v41 =	vadd.f32 v43, v1;
	v43 =	vor.u32 $0x100, v24;
	v42 =	vld.idx.msk [tilespmem:v36+s24+$0x0], $0xffff  }
0x7b0: {  	v47 =	vmul.f32 $2.000000030e-01, v40;
	v18 =	vld [tilespmem:s9+$0x10]  }
0x7b1: {  	v48 =	vmul.f32 $2.000000030e-01, v41;
	v46 =	vmul.f32 v19, v46;
	v37 =	vld.idx.msk [tilespmem:v35+s22+$0x0], $0xffff  }
0x7b2: {  	v49 =	vor.u32 $0x100, v27;
	v40 =	vmax.f32 v40, v47;
	v47 =	vor.u32 $0x100, v8;
	[tilespmem:v12+s5+$0x0] =	vst.idx.add.f32.msk $0xffff, v25  }
0x7b3: {  	v25 =	vmax.f32 v41, v48;
	[tilespmem:v32+s5+$0x0] =	vst.idx.add.f32.msk $0xffff, v46;
	v46 =	vmul.f32 v17, v16  }
0x7b4: {  	v48 =	vor.u32 $0x80, v31;
	v40 =	vsub.f32 v40, v25;
	v45 =	vld.idx.msk [tilespmem:v45+s24+$0x0], $0xffff  }
0x7b5: {  	v41 =	vand.u32 $0x7F, v3;
	v3 =	vmov v28;
	v16 =	vld [tilespmem:s9+$0x0];
	v25 =	vshll.u32 v18, $0x2  }
0x7b6: {  	v28 =	vor.u32 v41, v10;
	v10 =	vmovc v38;
	v51 =	vmul.f32 $1.442695020e+00, v40;
	v25 =	vand.u32 $0xFFFFFE00, v25;
	v40 =	vld.idx.msk [tilespmem:v44+s24+$0x0], $0xffff  }
0x7b7: {  	v38 =	vor.u32 $0x80, v32;
	v44 =	vld.idx.msk [tilespmem:v47+s24+$0x0], $0xffff  }
0x7b8: {  	v47 =	vor.u32 $0x80, v36;
	v41 =	vld.idx.msk [tilespmem:v5+s31+$0x0], $0xffff  }
0x7b9: {  	v42 =	vmul.f32 v9, v42;
	[tilespmem:v48+s5+$0x0] =	vst.idx.add.f32.msk $0xffff, v46  }
0x7ba: {  	v45 =	vmul.f32 v19, v45;
	v46 =	vshll.u32 v16, $0x2;
	v52 =	vld.idx.msk [tilespmem:v20+s24+$0x0], $0xffff  }
0x7bb: {  	v20 =	vand.u32 $0xFFFFFE00, v46;
	[tilespmem:v28+s5+$0x0] =	vst.idx.add.f32.msk $0xffff, v42  }
0x7bc: {  	v53 =	vmul.f32 v4, v40;
	[tilespmem:v38+s5+$0x0] =	vst.idx.add.f32.msk $0xffff, v45  }
0x7bd: {  	v54 =	vor.u32 $0x80, v12;
	v40 =	vmul.f32 v2, v44;
	v50 =	vld.idx.msk [tilespmem:v47+s24+$0x0], $0xffff  }
.Ltmp10:
0x7be: {  	v42 =	vld.idx.msk [tilespmem:v6+s22+$0x0], $0xffff;
	(erf) = vpow2.f32 v51;
	(pc) =	sbr.rel @p0 .LBB2_22-.Ltmp10, $4  }
0x7bf: {  	v48 =	vor.u32 $0x100, v31;
	v38 =	vand.u32 $0x7F, v34;
	v45 =	vld.idx.msk [tilespmem:v18+s31+$0x0], $0xffff  }
0x7c0: {  	v47 =	vor.u32 $0x80, v28;
	v51 =	vmul.f32 v17, v52;
	v46 =	vld.idx.msk [tilespmem:v49+s24+$0x0], $0xffff  }
0x7c1: {  	v34 =	vand.u32 $0x7F, v35;
	v35 =	vshll.u32 v35, $0x2;
	v49 =	vor.u32 $0x100, v36;
	v44 =	vld.idx.msk [tilespmem:v16+s31+$0x0], $0xffff  }
0x7c2: {  	v39 =	vor.u32 $0x180, v39;
	v35 =	vand.u32 $0xFFFFFE00, v35;
	[tilespmem:v54+s5+$0x0] =	vst.idx.add.f32.msk $0xffff, v53  }
0x7c3: {  	_ = 	snop  }
0x7c4: {  	v50 =	vmul.f32 v9, v50;
	v52 =	vor.u32 $0x100, v28;
	v53 =	vor.u32 $0x100, v12  }
0x7c5: {  	v54 =	vor.u32 $0x100, v32;
	v22 =	vand.u32 $0x7F, v22;
	v27 =	vor.u32 $0x180, v27  }
0x7c6: {  	v55 =	vor.u32 $0x100, v7;
	v36 =	vor.u32 $0x180, v36;
	v29 =	vadd.f32 v45, v29  }
0x7c7: {  	v31 =	vor.u32 $0x180, v31;
	[tilespmem:v48+s5+$0x0] =	vst.idx.add.f32.msk $0xffff, v51;
	v48 =	vor.u32 $0x180, v8;
	v61 =	vadd.f32 v45, v1  }
0x7c8: {  	v59 =	vadd.f32 v41, v1;
	v30 =	vadd.f32 v41, v30;
	v8 =	vmul.f32 $2.000000030e-01, v29  }
0x7c9: {  	v43 =	vld.idx.msk [tilespmem:v43+s24+$0x0], $0xffff;
	v42 =	vadd.f32 v21, v42;
	v21 =	vadd.f32 v21, v1;
	v63 =	vmul.f32 $2.000000030e-01, v61  }
0x7ca: {  	v56 =	vand.u32 $0x7F, v13;
	v22 =	vor.u32 v22, v33;
	v62 =	vmul.f32 v19, v46;
	[tilespmem:v47+s5+$0x0] =	vst.idx.add.f32.msk $0xffff, v50  }
0x7cb: {  	v39 =	vld.idx.msk [tilespmem:v39+s24+$0x0], $0xffff;
	v57 =	vadd.f32 v44, v1;
	v33 =	vmax.f32 v61, v63;
	v29 =	vmax.f32 v29, v8  }
0x7cc: {  	v51 =	vmul.f32 $2.000000030e-01, v21;
	v58 =	vld.idx.msk [tilespmem:v49+s24+$0x0], $0xffff;
	v37 =	vadd.f32 v44, v37;
	v29 =	vsub.f32 v29, v33;
	v8 =	vpop (erf)  }
0x7cd: {  	v61 =	vmul.f32 $2.000000030e-01, v30;
	[tilespmem:v13+s4+$0x0] =	vst.idx.add.f32.msk $0xffff, v8;
	v13 =	vor.u32 v56, v26;
	v26 =	vmul.f32 $2.000000030e-01, v59  }
0x7ce: {  	v24 =	vor.u32 $0x180, v24;
	[tilespmem:v54+s5+$0x0] =	vst.idx.add.f32.msk $0xffff, v62;
	v62 =	vmul.f32 $2.000000030e-01, v57;
	v29 =	vmul.f32 $1.442695020e+00, v29  }
0x7cf: {  	v63 =	vmul.f32 $2.000000030e-01, v37;
	[tilespmem:v55+s5+$0x0] =	vst.idx.add.f32.msk $0xffff, v40;
	v30 =	vmax.f32 v30, v61;
	v26 =	vmax.f32 v59, v26  }
0x7d0: {  	v21 =	vmax.f32 v21, v51;
	v27 =	vld.idx.msk [tilespmem:v27+s24+$0x0], $0xffff;
	(erf) = vpow2.f32 v29;
	v26 =	vsub.f32 v30, v26  }
0x7d1: {  	v60 =	vmul.f32 v4, v43;
	v40 =	vld.idx.msk [tilespmem:v48+s24+$0x0], $0xffff;
	v50 =	vmax.f32 v57, v62;
	v30 =	vmax.f32 v37, v63  }
0x7d2: {  	v49 =	vld.idx.msk [tilespmem:v22+s24+$0x0], $0xffff;
	v29 =	vmul.f32 $2.000000030e-01, v42;
	v30 =	vsub.f32 v30, v50;
	v26 =	vmul.f32 $1.442695020e+00, v26  }
0x7d3: {  	v17 =	vmul.f32 v39, v17;
	[tilespmem:v53+s5+$0x0] =	vst.idx.add.f32.msk $0xffff, v60;
	v53 =	vor.u32 $0x180, v32;
	v54 =	vmul.f32 v9, v58  }
0x7d4: {  	v24 =	vld.idx.msk [tilespmem:v24+s24+$0x0], $0xffff;
	v29 =	vmax.f32 v42, v29;
	(erf) = vpow2.f32 v26;
	v26 =	vmul.f32 $1.442695020e+00, v30  }
0x7d5: {  	v23 =	vand.u32 $0xFFFFFE00, v23;
	[tilespmem:v31+s5+$0x0] =	vst.idx.add.f32.msk $0xffff, v17;
	v21 =	vsub.f32 v29, v21  }
0x7d6: {  	v23 =	vor.u32 v38, v23;
	[tilespmem:v52+s5+$0x0] =	vst.idx.add.f32.msk $0xffff, v54;
	v19 =	vmul.f32 v27, v19;
	(erf) = vpow2.f32 v26  }
0x7d7: {  	v29 =	vld.idx.msk [tilespmem:v36+s24+$0x0], $0xffff;
	v27 =	vmul.f32 v8, v49;
	v26 =	vor.u32 $0x80, v22  }
0x7d8: {  	v7 =	vor.u32 $0x180, v7;
	v2 =	vmul.f32 v40, v2;
	[tilespmem:v53+s5+$0x0] =	vst.idx.add.f32.msk $0xffff, v19;
	v19 =	vshll.u32 v11, $0x2  }
0x7d9: {  	v11 =	vand.u32 $0x7F, v11;
	v19 =	vand.u32 $0xFFFFFE00, v19;
	v17 =	vmul.f32 $1.442695020e+00, v21;
	[tilespmem:v13+s5+$0x0] =	vst.idx.add.f32.msk $0xffff, v27;
	v21 =	vpop (erf)  }
0x7da: {  	v11 =	vor.u32 v11, v19;
	[tilespmem:v18+s4+$0x0] =	vst.idx.add.f32.msk $0xffff, v21  }
0x7db: {  	(erf) = vpow2.f32 v17;
	v17 =	vld.idx.msk [tilespmem:v23+s24+$0x0], $0xffff  }
0x7dc: {  	v18 =	vand.u32 $0x7F, v18;
	v19 =	vld.idx.msk [tilespmem:v26+s24+$0x0], $0xffff;
	v26 =	vor.u32 v34, v35  }
0x7dd: {  	[tilespmem:v7+s5+$0x0] =	vst.idx.add.f32.msk $0xffff, v2;
	v7 =	vor.u32 v18, v25;
	v2 =	vpop (erf)  }
0x7de: {  	v18 =	vor.u32 $0x80, v23;
	[tilespmem:v5+s4+$0x0] =	vst.idx.add.f32.msk $0xffff, v2  }
0x7df: {  	v30 =	vor.u32 $0x80, v13;
	v25 =	vld.idx.msk [tilespmem:v11+s24+$0x0], $0xffff;
	v27 =	vpop (erf)  }
0x7e0: {  	v6 =	vand.u32 $0x7F, v6;
	v17 =	vmul.f32 v21, v17;
	[tilespmem:v16+s4+$0x0] =	vst.idx.add.f32.msk $0xffff, v27  }
0x7e1: {  	v6 =	vor.u32 v6, v15;
	v5 =	vand.u32 $0x7F, v5;
	v15 =	vld.idx.msk [tilespmem:v26+s24+$0x0], $0xffff  }
0x7e2: {  	v5 =	vor.u32 v5, v14;
	v16 =	vand.u32 $0x7F, v16;
	v14 =	vmul.f32 v8, v19;
	[tilespmem:v7+s5+$0x0] =	vst.idx.add.f32.msk $0xffff, v17  }
0x7e3: {  	v16 =	vor.u32 v16, v20;
	v18 =	vld.idx.msk [tilespmem:v18+s24+$0x0], $0xffff  }
0x7e4: {  	v19 =	vor.u32 $0x80, v26;
	[tilespmem:v30+s5+$0x0] =	vst.idx.add.f32.msk $0xffff, v14;
	v17 =	vpop (erf)  }
0x7e5: {  	v20 =	vor.u32 $0x80, v11;
	[tilespmem:v3+s4+$0x0] =	vst.idx.add.f32.msk $0xffff, v17;
	v25 =	vmul.f32 v2, v25  }
0x7e6: {  	v30 =	vor.u32 $0x80, v7;
	v14 =	vld.idx.msk [tilespmem:v6+s24+$0x0], $0xffff;
	v15 =	vmul.f32 v27, v15  }
0x7e7: {  	v31 =	vor.u32 $0x100, v23;
	v3 =	vand.u32 $0x7F, v3;
	[tilespmem:v5+s5+$0x0] =	vst.idx.add.f32.msk $0xffff, v25  }
0x7e8: {  	v3 =	vor.u32 v3, v10;
	[tilespmem:v16+s5+$0x0] =	vst.idx.add.f32.msk $0xffff, v15  }
0x7e9: {  	v10 =	vmul.f32 v21, v18;
	v18 =	vor.u32 $0x80, v6;
	v15 =	vld.idx.msk [tilespmem:v19+s24+$0x0], $0xffff  }
0x7ea: {  	v20 =	vld.idx.msk [tilespmem:v20+s24+$0x0], $0xffff;
	v19 =	vor.u32 $0x100, v22  }
0x7eb: {  	v25 =	vor.u32 $0x80, v16;
	[tilespmem:v30+s5+$0x0] =	vst.idx.add.f32.msk $0xffff, v10;
	v14 =	vmul.f32 v17, v14  }
0x7ec: {  	v10 =	vor.u32 $0x100, v26;
	v30 =	vld.idx.msk [tilespmem:v31+s24+$0x0], $0xffff  }
0x7ed: {  	[tilespmem:v3+s5+$0x0] =	vst.idx.add.f32.msk $0xffff, v14;
	v14 =	vor.u32 $0x80, v5  }
0x7ee: {  	v31 =	vor.u32 $0x100, v11;
	v18 =	vld.idx.msk [tilespmem:v18+s24+$0x0], $0xffff;
	v15 =	vmul.f32 v27, v15  }
0x7ef: {  	v56 =	vor.u32 $0x100, v7;
	v19 =	vld.idx.msk [tilespmem:v19+s24+$0x0], $0xffff  }
0x7f0: {  	v20 =	vmul.f32 v2, v20;
	[tilespmem:v25+s5+$0x0] =	vst.idx.add.f32.msk $0xffff, v15;
	v15 =	vor.u32 $0x80, v3  }
0x7f1: {  	v25 =	vor.u32 $0x100, v6;
	v10 =	vld.idx.msk [tilespmem:v10+s24+$0x0], $0xffff  }
0x7f2: {  	v30 =	vmul.f32 v21, v30;
	[tilespmem:v14+s5+$0x0] =	vst.idx.add.f32.msk $0xffff, v20;
	v14 =	vor.u32 $0x180, v23  }
0x7f3: {  	v23 =	vor.u32 $0x100, v16;
	v18 =	vmul.f32 v17, v18;
	v20 =	vld.idx.msk [tilespmem:v31+s24+$0x0], $0xffff  }
0x7f4: {  	v26 =	vor.u32 $0x180, v26;
	[tilespmem:v56+s5+$0x0] =	vst.idx.add.f32.msk $0xffff, v30  }
0x7f5: {  	v30 =	vor.u32 $0x100, v5;
	[tilespmem:v15+s5+$0x0] =	vst.idx.add.f32.msk $0xffff, v18  }
0x7f6: {  	v18 =	vor.u32 $0x100, v13;
	v15 =	vld.idx.msk [tilespmem:v25+s24+$0x0], $0xffff;
	v10 =	vmul.f32 v27, v10  }
0x7f7: {  	v11 =	vor.u32 $0x180, v11;
	v14 =	vld.idx.msk [tilespmem:v14+s24+$0x0], $0xffff  }
0x7f8: {  	v22 =	vor.u32 $0x180, v22;
	[tilespmem:v23+s5+$0x0] =	vst.idx.add.f32.msk $0xffff, v10;
	v10 =	vmul.f32 v2, v20  }
0x7f9: {  	v19 =	vmul.f32 v8, v19;
	v20 =	vor.u32 $0x100, v3;
	v23 =	vld.idx.msk [tilespmem:v26+s24+$0x0], $0xffff  }
0x7fa: {  	v6 =	vor.u32 $0x180, v6;
	[tilespmem:v30+s5+$0x0] =	vst.idx.add.f32.msk $0xffff, v10  }
0x7fb: {  	v10 =	vor.u32 $0x180, v12;
	[tilespmem:v18+s5+$0x0] =	vst.idx.add.f32.msk $0xffff, v19  }
0x7fc: {  	v12 =	vor.u32 $0x180, v28;
	v11 =	vld.idx.msk [tilespmem:v11+s24+$0x0], $0xffff;
	v15 =	vmul.f32 v17, v15  }
0x7fd: {  	v7 =	vor.u32 $0x180, v7;
	v18 =	vld.idx.msk [tilespmem:v22+s24+$0x0], $0xffff  }
0x7fe: {  	v4 =	vmul.f32 v24, v4;
	v16 =	vor.u32 $0x180, v16;
	[tilespmem:v20+s5+$0x0] =	vst.idx.add.f32.msk $0xffff, v15  }
0x7ff: {  	v9 =	vmul.f32 v29, v9;
	v5 =	vor.u32 $0x180, v5;
	v6 =	vld.idx.msk [tilespmem:v6+s24+$0x0], $0xffff  }
0x800: {  	v13 =	vor.u32 $0x180, v13;
	[tilespmem:v10+s5+$0x0] =	vst.idx.add.f32.msk $0xffff, v4;
	v4 =	vmul.f32 v14, v21  }
0x801: {  	v3 =	vor.u32 $0x180, v3;
	[tilespmem:v12+s5+$0x0] =	vst.idx.add.f32.msk $0xffff, v9;
	v9 =	vmul.f32 v23, v27  }
0x802: {  	v2 =	vmul.f32 v11, v2;
	[tilespmem:v7+s5+$0x0] =	vst.idx.add.f32.msk $0xffff, v4  }
0x803: {  	v4 =	vmul.f32 v18, v8;
	[tilespmem:v16+s5+$0x0] =	vst.idx.add.f32.msk $0xffff, v9  }
0x804: {  	[tilespmem:v5+s5+$0x0] =	vst.idx.add.f32.msk $0xffff, v2;
	v6 =	vmul.f32 v6, v17  }
0x805: {  	[tilespmem:v13+s5+$0x0] =	vst.idx.add.f32.msk $0xffff, v4  }
0x806: {  	[tilespmem:v3+s5+$0x0] =	vst.idx.add.f32.msk $0xffff, v6  }
0x807: {  	_ =	swait.ge [sflag:s6], $0xFA0  }
0x808: {  	[sflag:s6] =	ssyncset.done $0x0  }
0x809: {  	[sflag:s6] =	ssyncadd.s32 $0xFFFFF060  }
0x80a: {  	_ =	swait.ge [sflag:s6], $0xFA0  }
0x80b: {  	[sflag:s6] =	ssyncset.done $0x0  }
0x80c: {  	s9 =	simm.s32 $0x1D320;
	[sflag:s6] =	ssyncadd.s32 $0xFFFFF060  }
0x80d: {  	s10 =	simm.s32 $0x1E320;
	v2 =	vld [tilespmem:s9+$0x20]  }
0x80e: {  	v3 =	vld [tilespmem:s10+$0x20];
	_ =	sdelay $0x6  }
0x80f: {  	v4 =	vld.idx.msk [tilespmem:v2+s22+$0x0], $0xffff  }
0x810: {  	v5 =	vld.idx.msk [tilespmem:v3+s31+$0x0], $0xffff;
	_ =	sdelay $0x4  }
0x811: {  	v6 =	vld [tilespmem:s9+$0x10];
	v4 =	vadd.f32 v5, v4;
	v5 =	vadd.f32 v5, v1  }
0x812: {  	v9 =	vld [tilespmem:s10+$0x10]  }
0x813: {  	v7 =	vmul.f32 $2.000000030e-01, v4;
	v8 =	vmul.f32 $2.000000030e-01, v5;
	_ =	sdelay $0x1  }
0x814: {  	v12 =	vld [tilespmem:s10+$0xFFFFFFF0];
	v4 =	vmax.f32 v4, v7;
	v5 =	vmax.f32 v5, v8  }
0x815: {  	v14 =	vld [tilespmem:s9+$0x0];
	v4 =	vsub.f32 v4, v5  }
0x816: {  	v11 =	vld [tilespmem:s9+$0xFFFFFFF0]  }
0x817: {  	v15 =	vld [tilespmem:s10+$0x0];
	v4 =	vmul.f32 $1.442695020e+00, v4  }
0x818: {  	v5 =	vld.idx.msk [tilespmem:v6+s22+$0x0], $0xffff  }
0x819: {  	(erf) = vpow2.f32 v4;
	v4 =	vld.idx.msk [tilespmem:v9+s31+$0x0], $0xffff  }
0x81a: {  	v16 =	vld [tilespmem:s9+$0xFFFFFFE0]  }
0x81b: {  	v10 =	vld [tilespmem:s10+$0xFFFFFFE0];
	s10 =	simm.s32 $0x1D370  }
0x81c: {  	v34 =	vld [tilespmem:s10+$0x10]  }
0x81d: {  	v35 =	vld [tilespmem:s10+$0x0]  }
0x81e: {  	v17 =	vld.idx.msk [tilespmem:v14+s22+$0x0], $0xffff;
	v7 =	vshll.u32 v2, $0x2;
	v13 =	vadd.f32 v4, v1;
	v4 =	vadd.f32 v4, v5  }
0x81f: {  	v19 =	vld.idx.msk [tilespmem:v12+s31+$0x0], $0xffff;
	v2 =	vand.u32 $0x7F, v2;
	v7 =	vand.u32 $0xFFFFFE00, v7  }
0x820: {  	v20 =	vld.idx.msk [tilespmem:v15+s31+$0x0], $0xffff;
	v8 =	vor.u32 v2, v7;
	v7 =	vmul.f32 $2.000000030e-01, v13;
	v18 =	vmul.f32 $2.000000030e-01, v4  }
0x821: {  	v5 =	vld.idx.msk [tilespmem:v11+s22+$0x0], $0xffff  }
0x822: {  	v21 =	vld.idx.msk [tilespmem:v16+s22+$0x0], $0xffff;
	v7 =	vmax.f32 v13, v7;
	v4 =	vmax.f32 v4, v18  }
0x823: {  	v2 =	vpop (erf);
	v18 =	vld.idx.msk [tilespmem:v10+s31+$0x0], $0xffff;
	v4 =	vsub.f32 v4, v7  }
0x824: {  	v22 =	vadd.f32 v19, v1;
	[tilespmem:v3+s4+$0x0] =	vst.idx.add.f32.msk $0xffff, v2;
	v7 =	vshll.u32 v3, $0x2  }
0x825: {  	v3 =	vand.u32 $0x7F, v3;
	v13 =	vld.idx.msk [tilespmem:v8+s24+$0x0], $0xffff;
	v7 =	vand.u32 $0xFFFFFE00, v7;
	v4 =	vmul.f32 $1.442695020e+00, v4  }
0x826: {  	v7 =	vor.u32 v3, v7;
	v3 =	vadd.f32 v19, v5;
	v19 =	vmul.f32 $2.000000030e-01, v22  }
0x827: {  	v17 =	vadd.f32 v20, v17;
	v5 =	vadd.f32 v20, v1;
	(erf) = vpow2.f32 v4  }
0x828: {  	v4 =	vor.u32 $0x80, v8;
	v20 =	vmul.f32 $2.000000030e-01, v3;
	v19 =	vmax.f32 v22, v19;
	v22 =	vld [tilespmem:s10+$0x20]  }
0x829: {  	v29 =	vld.idx.msk [tilespmem:v34+s22+$0x0], $0xffff;
	v24 =	vmul.f32 $2.000000030e-01, v5;
	v21 =	vadd.f32 v18, v21  }
0x82a: {  	s9 =	simm.s32 $0x1E370;
	v37 =	vld.idx.msk [tilespmem:v35+s22+$0x0], $0xffff;
	v25 =	vmul.f32 v2, v13;
	v3 =	vmax.f32 v3, v20;
	v20 =	vmul.f32 $2.000000030e-01, v17  }
0x82b: {  	v23 =	vshll.u32 v6, $0x2;
	v18 =	vadd.f32 v18, v1;
	v13 =	vld [tilespmem:s9+$0x20];
	v3 =	vsub.f32 v3, v19  }
0x82c: {  	v6 =	vand.u32 $0x7F, v6;
	v5 =	vmax.f32 v5, v24;
	[tilespmem:v7+s5+$0x0] =	vst.idx.add.f32.msk $0xffff, v25;
	v17 =	vmax.f32 v17, v20  }
0x82d: {  	v19 =	vmul.f32 $1.442695020e+00, v3;
	v5 =	vsub.f32 v17, v5;
	v3 =	vand.u32 $0xFFFFFE00, v23;
	v20 =	vld.idx.msk [tilespmem:v4+s24+$0x0], $0xffff  }
0x82e: {  	v4 =	vmul.f32 $2.000000030e-01, v21;
	v23 =	vmul.f32 $2.000000030e-01, v18;
	v39 =	vor.u32 v6, v3;
	v3 =	vld [tilespmem:s9+$0xFFFFFFE0]  }
0x82f: {  	(erf) = vpow2.f32 v19;
	v6 =	vmul.f32 $1.442695020e+00, v5;
	v5 =	vld [tilespmem:s9+$0xFFFFFFF0]  }
0x830: {  	v26 =	vor.u32 $0x80, v7;
	v4 =	vmax.f32 v21, v4;
	v18 =	vmax.f32 v18, v23;
	v23 =	vld.idx.msk [tilespmem:v22+s22+$0x0], $0xffff;
	v17 =	vpop (erf)  }
0x831: {  	v4 =	vsub.f32 v4, v18;
	(erf) = vpow2.f32 v6;
	v6 =	vshll.u32 v11, $0x2;
	[tilespmem:v9+s4+$0x0] =	vst.idx.add.f32.msk $0xffff, v17  }
0x832: {  	v19 =	vand.u32 $0xFFFFFE00, v6;
	v6 =	vld [tilespmem:s10+$0xFFFFFFE0]  }
0x833: {  	v11 =	vand.u32 $0x7F, v11;
	v4 =	vmul.f32 $1.442695020e+00, v4;
	v28 =	vld.idx.msk [tilespmem:v13+s31+$0x0], $0xffff  }
0x834: {  	v20 =	vmul.f32 v2, v20;
	v18 =	vld.idx.msk [tilespmem:v39+s24+$0x0], $0xffff;
	v24 =	vor.u32 v11, v19;
	v19 =	vshll.u32 v9, $0x2  }
0x835: {  	v11 =	vld [tilespmem:s10+$0xFFFFFFF0];
	v9 =	vand.u32 $0x7F, v9;
	v19 =	vand.u32 $0xFFFFFE00, v19  }
0x836: {  	[tilespmem:v26+s5+$0x0] =	vst.idx.add.f32.msk $0xffff, v20;
	v31 =	vor.u32 v9, v19  }
0x837: {  	v25 =	vshll.u32 v14, $0x2;
	(erf) = vpow2.f32 v4;
	v21 =	vld.idx.msk [tilespmem:v3+s31+$0x0], $0xffff  }
0x838: {  	v9 =	vand.u32 $0x7F, v14;
	v14 =	vand.u32 $0xFFFFFE00, v25;
	v41 =	vld.idx.msk [tilespmem:v5+s31+$0x0], $0xffff;
	v4 =	vpop (erf)  }
0x839: {  	v25 =	vor.u32 $0x80, v39;
	v27 =	vor.u32 v9, v14;
	v9 =	vmul.f32 v17, v18;
	[tilespmem:v12+s4+$0x0] =	vst.idx.add.f32.msk $0xffff, v4  }
0x83a: {  	v18 =	vshll.u32 v16, $0x2;
	v14 =	vld.idx.msk [tilespmem:v24+s24+$0x0], $0xffff  }
0x83b: {  	v16 =	vand.u32 $0x7F, v16;
	v18 =	vand.u32 $0xFFFFFE00, v18;
	[tilespmem:v31+s5+$0x0] =	vst.idx.add.f32.msk $0xffff, v9;
	v9 =	vshll.u32 v12, $0x2  }
0x83c: {  	v19 =	vpop (erf);
	v36 =	vor.u32 v16, v18;
	v12 =	vand.u32 $0x7F, v12;
	v42 =	vld.idx.msk [tilespmem:v6+s22+$0x0], $0xffff;
	v16 =	vand.u32 $0xFFFFFE00, v9  }
0x83d: {  	[tilespmem:v15+s4+$0x0] =	vst.idx.add.f32.msk $0xffff, v19;
	v12 =	vor.u32 v12, v16  }
0x83e: {  	v18 =	vshll.u32 v15, $0x2;
	v25 =	vld.idx.msk [tilespmem:v25+s24+$0x0], $0xffff  }
0x83f: {  	v58 =	vor.u32 $0x80, v24;
	v18 =	vand.u32 $0xFFFFFE00, v18;
	v15 =	vand.u32 $0x7F, v15;
	v57 =	vld.idx.msk [tilespmem:v27+s24+$0x0], $0xffff  }
0x840: {  	v61 =	vor.u32 $0x80, v31;
	v32 =	vor.u32 v15, v18;
	v18 =	vld [tilespmem:s9+$0x10];
	v9 =	vpop (erf);
	v14 =	vmul.f32 v4, v14  }
0x841: {  	v60 =	vshll.u32 v22, $0x2;
	[tilespmem:v10+s4+$0x0] =	vst.idx.add.f32.msk $0xffff, v9  }
0x842: {  	v33 =	vand.u32 $0xFFFFFE00, v60;
	[tilespmem:v12+s5+$0x0] =	vst.idx.add.f32.msk $0xffff, v14;
	v14 =	vor.u32 $0x100, v8  }
0x843: {  	v63 =	vor.u32 $0x100, v39;
	v62 =	vshll.u32 v3, $0x2;
	v20 =	vld.idx.msk [tilespmem:v36+s24+$0x0], $0xffff;
	v25 =	vmul.f32 v17, v25  }
0x844: {  	v26 =	vshll.u32 v10, $0x2;
	v15 =	vor.u32 $0x80, v27;
	v16 =	vmul.f32 v19, v57;
	v38 =	vld.idx.msk [tilespmem:v58+s24+$0x0], $0xffff  }
0x845: {  	v43 =	vor.u32 $0x100, v24;
	v52 =	vadd.f32 v28, v23;
	v53 =	vadd.f32 v28, v1;
	[tilespmem:v61+s5+$0x0] =	vst.idx.add.f32.msk $0xffff, v25  }
0x846: {  	v59 =	vand.u32 $0xFFFFFE00, v26;
	v26 =	vshll.u32 v13, $0x2;
	v39 =	vor.u32 $0x180, v39;
	[tilespmem:v32+s5+$0x0] =	vst.idx.add.f32.msk $0xffff, v16  }
0x847: {  	v55 =	vmul.f32 $2.000000030e-01, v53;
	v10 =	vand.u32 $0x7F, v10;
	v46 =	vld.idx.msk [tilespmem:v14+s24+$0x0], $0xffff;
	v14 =	vmul.f32 $2.000000030e-01, v52  }
0x848: {  	v26 =	vand.u32 $0xFFFFFE00, v26;
	v48 =	vor.u32 $0x100, v31;
	v28 =	vor.u32 v10, v59;
	v16 =	vld [tilespmem:s9+$0x0]  }
0x849: {  	v56 =	vor.u32 $0x80, v36;
	v25 =	vmax.f32 v53, v55;
	v15 =	vld.idx.msk [tilespmem:v15+s24+$0x0], $0xffff;
	v14 =	vmax.f32 v52, v14  }
0x84a: {  	v30 =	vld.idx.msk [tilespmem:v11+s22+$0x0], $0xffff;
	v10 =	vand.u32 $0xFFFFFE00, v62;
	v62 =	vor.u32 $0x80, v12;
	v25 =	vsub.f32 v14, v25  }
0x84b: {  	v23 =	vshll.u32 v34, $0x2;
	v54 =	vor.u32 $0x80, v32;
	v59 =	vld.idx.msk [tilespmem:v63+s24+$0x0], $0xffff;
	v20 =	vmul.f32 v9, v20  }
0x84c: {  	v60 =	vor.u32 $0x100, v27;
	v49 =	vor.u32 $0x100, v36;
	v45 =	vld.idx.msk [tilespmem:v18+s31+$0x0], $0xffff;
	v61 =	vmul.f32 $1.442695020e+00, v25  }
0x84d: {  	v47 =	vor.u32 $0x80, v28;
	v57 =	vshll.u32 v5, $0x2;
	[tilespmem:v28+s5+$0x0] =	vst.idx.add.f32.msk $0xffff, v20;
	v63 =	vmul.f32 v4, v38  }
0x84e: {  	v20 =	vshll.u32 v18, $0x2;
	v50 =	vld.idx.msk [tilespmem:v56+s24+$0x0], $0xffff;
	v58 =	vmul.f32 v19, v15;
	(erf) = vpow2.f32 v61  }
0x84f: {  	v38 =	vand.u32 $0x7F, v34;
	v34 =	vand.u32 $0x7F, v35;
	v35 =	vshll.u32 v35, $0x2;
	[tilespmem:v62+s5+$0x0] =	vst.idx.add.f32.msk $0xffff, v63  }
0x850: {  	v51 =	vmul.f32 v17, v59;
	v35 =	vand.u32 $0xFFFFFE00, v35;
	v15 =	vshll.u32 v6, $0x2;
	[tilespmem:v54+s5+$0x0] =	vst.idx.add.f32.msk $0xffff, v58  }
0x851: {  	v14 =	vand.u32 $0xFFFFFE00, v57;
	v25 =	vand.u32 $0xFFFFFE00, v20;
	v20 =	vshll.u32 v16, $0x2;
	v44 =	vld.idx.msk [tilespmem:v16+s31+$0x0], $0xffff  }
0x852: {  	s11 =	simm.s32 $0x5;
	v15 =	vand.u32 $0xFFFFFE00, v15;
	v40 =	vmul.f32 v2, v46;
	v20 =	vand.u32 $0xFFFFFE00, v20;
	v46 =	vld.idx.msk [tilespmem:v60+s24+$0x0], $0xffff  }
.LBB2_24:
0x853: {  	s11 =	sadd.s32 $0x5, s11;
	v50 =	vmul.f32 v9, v50;
	v52 =	vor.u32 $0x100, v28;
	v28 =	vor.u32 $0x180, v28;
	v43 =	vld.idx.msk [tilespmem:v43+s24+$0x0], $0xffff  }
0x854: {  	v53 =	vor.u32 $0x100, v12;
	v54 =	vor.u32 $0x100, v32;
	p0 =	slt.u32 s11, $0xF5;
	[tilespmem:v48+s5+$0x0] =	vst.idx.add.f32.msk $0xffff, v51;
	v48 =	vor.u32 $0x180, v7  }
0x855: {  	v22 =	vand.u32 $0x7F, v22;
	v27 =	vor.u32 $0x180, v27;
	[tilespmem:v47+s5+$0x0] =	vst.idx.add.f32.msk $0xffff, v50;
	v47 =	vor.u32 $0x100, v7  }
0x856: {  	v31 =	vor.u32 $0x180, v31;
	v7 =	vor.u32 v22, v33;
	v33 =	vor.u32 $0x180, v36;
	v22 =	vld.idx.msk [tilespmem:v49+s24+$0x0], $0xffff  }
0x857: {  	v36 =	vadd.f32 v45, v1;
	v46 =	vmul.f32 v19, v46;
	v50 =	vor.u32 $0x180, v8;
	v49 =	vpop (erf);
	v39 =	vld.idx.msk [tilespmem:v39+s24+$0x0], $0xffff  }
0x858: {  	v29 =	vadd.f32 v45, v29;
	v45 =	vand.u32 $0x7F, v13;
	v8 =	vmovc v7;
	[tilespmem:v13+s4+$0x0] =	vst.idx.add.f32.msk $0xffff, v49;
	v13 =	vor.u32 $0x180, v24  }
0x859: {  	v32 =	vor.u32 $0x180, v32;
	v51 =	vmul.f32 $2.000000030e-01, v36;
	v24 =	vadd.f32 v44, v1;
	[tilespmem:v54+s5+$0x0] =	vst.idx.add.f32.msk $0xffff, v46  }
0x85a: {  	v37 =	vadd.f32 v44, v37;
	v44 =	vmul.f32 $2.000000030e-01, v29;
	v43 =	vmul.f32 v4, v43;
	v27 =	vld.idx.msk [tilespmem:v27+s24+$0x0], $0xffff  }
0x85b: {  	v46 =	vadd.f32 v41, v1;
	v36 =	vmax.f32 v36, v51;
	v51 =	vld.idx.msk [tilespmem:v7+s24+$0x0], $0xffff;
	v7 =	vor.u32 v45, v26  }
0x85c: {  	v29 =	vmax.f32 v29, v44;
	v26 =	vadd.f32 v41, v30;
	v30 =	vor.u32 $0x80, v8;
	[tilespmem:v53+s5+$0x0] =	vst.idx.add.f32.msk $0xffff, v43  }
0x85d: {  	v41 =	vadd.f32 v21, v42;
	v42 =	vmul.f32 $2.000000030e-01, v46;
	v17 =	vmul.f32 v39, v17;
	v43 =	vld.idx.msk [tilespmem:v13+s24+$0x0], $0xffff  }
0x85e: {  	v21 =	vadd.f32 v21, v1;
	v22 =	vmul.f32 v9, v22;
	v13 =	vmul.f32 $2.000000030e-01, v26;
	[tilespmem:v47+s5+$0x0] =	vst.idx.add.f32.msk $0xffff, v40  }
0x85f: {  	v29 =	vsub.f32 v29, v36;
	v39 =	vmul.f32 $2.000000030e-01, v41;
	v40 =	vmul.f32 $2.000000030e-01, v24;
	v36 =	vld.idx.msk [tilespmem:v50+s24+$0x0], $0xffff  }
0x860: {  	v13 =	vmax.f32 v26, v13;
	v26 =	vmax.f32 v46, v42;
	v42 =	vmul.f32 $2.000000030e-01, v37;
	[tilespmem:v52+s5+$0x0] =	vst.idx.add.f32.msk $0xffff, v22  }
0x861: {  	s9 =	sadd.s32 $0x50, s9;
	v39 =	vmax.f32 v41, v39;
	v19 =	vmul.f32 v27, v19;
	v22 =	vsub.f32 v13, v26;
	v33 =	vld.idx.msk [tilespmem:v33+s24+$0x0], $0xffff  }
0x862: {  	v27 =	vmul.f32 $1.442695020e+00, v29;
	v24 =	vmax.f32 v24, v40;
	v26 =	vmax.f32 v37, v42;
	v13 =	vld [tilespmem:s9+$0x20]  }
0x863: {  	v22 =	vmul.f32 $1.442695020e+00, v22;
	v24 =	vsub.f32 v26, v24;
	v26 =	vmul.f32 v49, v51;
	[tilespmem:v31+s5+$0x0] =	vst.idx.add.f32.msk $0xffff, v17  }
0x864: {  	v12 =	vor.u32 $0x180, v12;
	v17 =	vmul.f32 $2.000000030e-01, v21;
	(erf) = vpow2.f32 v27;
	[tilespmem:v32+s5+$0x0] =	vst.idx.add.f32.msk $0xffff, v19  }
0x865: {  	s10 =	sadd.s32 $0x50, s10;
	v19 =	vand.u32 $0xFFFFFE00, v23;
	v23 =	vmul.f32 v36, v2;
	v2 =	vmovc v49;
	[tilespmem:v7+s5+$0x0] =	vst.idx.add.f32.msk $0xffff, v26;
	(erf) = vpow2.f32 v22  }
0x866: {  	v4 =	vmul.f32 v43, v4;
	v17 =	vmax.f32 v21, v17;
	v21 =	vmul.f32 $1.442695020e+00, v24;
	v22 =	vld [tilespmem:s10+$0x20]  }
0x867: {  	v17 =	vsub.f32 v39, v17;
	v39 =	vor.u32 v38, v19;
	v24 =	vshll.u32 v13, $0x2;
	v19 =	vld.idx.msk [tilespmem:v30+s24+$0x0], $0xffff  }
0x868: {  	v9 =	vmul.f32 v33, v9;
	v26 =	vand.u32 $0xFFFFFE00, v24;
	[tilespmem:v48+s5+$0x0] =	vst.idx.add.f32.msk $0xffff, v23  }
0x869: {  	v29 =	vmul.f32 $1.442695020e+00, v17;
	v17 =	vshll.u32 v11, $0x2;
	[tilespmem:v12+s5+$0x0] =	vst.idx.add.f32.msk $0xffff, v4  }
0x86a: {  	v4 =	vand.u32 $0x7F, v11;
	v11 =	vand.u32 $0xFFFFFE00, v17;
	[tilespmem:v28+s5+$0x0] =	vst.idx.add.f32.msk $0xffff, v9  }
0x86b: {  	v27 =	vor.u32 v34, v35;
	v24 =	vor.u32 v4, v11;
	v28 =	vld [tilespmem:s9+$0xFFFFFFE0];
	v9 =	vshll.u32 v22, $0x2  }
0x86c: {  	v34 =	vld [tilespmem:s10+$0x10];
	v33 =	vand.u32 $0xFFFFFE00, v9  }
0x86d: {  	v37 =	vmul.f32 v2, v19;
	v12 =	vld [tilespmem:s9+$0xFFFFFFF0];
	v17 =	vpop (erf)  }
0x86e: {  	[tilespmem:v18+s4+$0x0] =	vst.idx.add.f32.msk $0xffff, v17;
	v4 =	vpop (erf);
	(erf) = vpow2.f32 v21  }
0x86f: {  	v35 =	vld [tilespmem:s10+$0x0]  }
0x870: {  	v9 =	vshll.u32 v28, $0x2;
	v19 =	vld.idx.msk [tilespmem:v39+s24+$0x0], $0xffff  }
0x871: {  	v40 =	vor.u32 $0x80, v39;
	v30 =	vld [tilespmem:s10+$0xFFFFFFE0];
	v38 =	vand.u32 $0xFFFFFE00, v9;
	v23 =	vshll.u32 v34, $0x2  }
0x872: {  	v11 =	vld [tilespmem:s10+$0xFFFFFFF0];
	v9 =	vshll.u32 v12, $0x2  }
0x873: {  	v21 =	vld.idx.msk [tilespmem:v28+s31+$0x0], $0xffff;
	v41 =	vand.u32 $0xFFFFFE00, v9;
	(erf) = vpow2.f32 v29  }
0x874: {  	v9 =	vand.u32 $0x7F, v18;
	v42 =	vld.idx.msk [tilespmem:v22+s22+$0x0], $0xffff  }
0x875: {  	v31 =	vor.u32 v9, v25;
	v29 =	vld.idx.msk [tilespmem:v34+s22+$0x0], $0xffff  }
0x876: {  	v18 =	vmul.f32 v17, v19;
	v9 =	vshll.u32 v30, $0x2;
	[tilespmem:v5+s4+$0x0] =	vst.idx.add.f32.msk $0xffff, v4  }
0x877: {  	v44 =	vor.u32 $0x80, v24;
	v9 =	vand.u32 $0xFFFFFE00, v9;
	v25 =	vld.idx.msk [tilespmem:v24+s24+$0x0], $0xffff;
	v19 =	vpop (erf)  }
0x878: {  	v45 =	vor.u32 $0x80, v27;
	[tilespmem:v16+s4+$0x0] =	vst.idx.add.f32.msk $0xffff, v19  }
0x879: {  	v43 =	vld.idx.msk [tilespmem:v13+s31+$0x0], $0xffff  }
0x87a: {  	v32 =	vand.u32 $0x7F, v6;
	v6 =	vmov v30;
	[tilespmem:v31+s5+$0x0] =	vst.idx.add.f32.msk $0xffff, v18;
	v18 =	vor.u32 $0x80, v7  }
0x87b: {  	v36 =	vor.u32 v32, v15;
	v15 =	vmov v9;
	v30 =	vld.idx.msk [tilespmem:v11+s22+$0x0], $0xffff  }
0x87c: {  	v46 =	vld.idx.msk [tilespmem:v27+s24+$0x0], $0xffff;
	v9 =	vpop (erf)  }
0x87d: {  	v32 =	vand.u32 $0x7F, v5;
	v5 =	vmov v12;
	v16 =	vand.u32 $0x7F, v16;
	[tilespmem:v3+s4+$0x0] =	vst.idx.add.f32.msk $0xffff, v9  }
0x87e: {  	v12 =	vor.u32 v32, v14;
	v14 =	vmovc v41;
	v32 =	vor.u32 v16, v20;
	v20 =	vor.u32 $0x100, v39;
	v16 =	vld.idx.msk [tilespmem:v40+s24+$0x0], $0xffff  }
0x87f: {  	v25 =	vmul.f32 v4, v25;
	v40 =	vadd.f32 v43, v42;
	[tilespmem:v18+s5+$0x0] =	vst.idx.add.f32.msk $0xffff, v37  }
0x880: {  	v41 =	vadd.f32 v43, v1;
	v43 =	vor.u32 $0x100, v24;
	v42 =	vld.idx.msk [tilespmem:v36+s24+$0x0], $0xffff  }
0x881: {  	v47 =	vmul.f32 $2.000000030e-01, v40;
	v18 =	vld [tilespmem:s9+$0x10]  }
0x882: {  	v48 =	vmul.f32 $2.000000030e-01, v41;
	v46 =	vmul.f32 v19, v46;
	v37 =	vld.idx.msk [tilespmem:v35+s22+$0x0], $0xffff  }
0x883: {  	v49 =	vor.u32 $0x100, v27;
	v40 =	vmax.f32 v40, v47;
	v47 =	vor.u32 $0x100, v8;
	[tilespmem:v12+s5+$0x0] =	vst.idx.add.f32.msk $0xffff, v25  }
0x884: {  	v25 =	vmax.f32 v41, v48;
	[tilespmem:v32+s5+$0x0] =	vst.idx.add.f32.msk $0xffff, v46;
	v46 =	vmul.f32 v17, v16  }
0x885: {  	v48 =	vor.u32 $0x80, v31;
	v40 =	vsub.f32 v40, v25;
	v45 =	vld.idx.msk [tilespmem:v45+s24+$0x0], $0xffff  }
0x886: {  	v41 =	vand.u32 $0x7F, v3;
	v3 =	vmov v28;
	v16 =	vld [tilespmem:s9+$0x0];
	v25 =	vshll.u32 v18, $0x2  }
0x887: {  	v28 =	vor.u32 v41, v10;
	v10 =	vmovc v38;
	v51 =	vmul.f32 $1.442695020e+00, v40;
	v25 =	vand.u32 $0xFFFFFE00, v25;
	v40 =	vld.idx.msk [tilespmem:v44+s24+$0x0], $0xffff  }
0x888: {  	v38 =	vor.u32 $0x80, v32;
	v44 =	vld.idx.msk [tilespmem:v47+s24+$0x0], $0xffff  }
0x889: {  	v47 =	vor.u32 $0x80, v36;
	v41 =	vld.idx.msk [tilespmem:v5+s31+$0x0], $0xffff  }
0x88a: {  	v42 =	vmul.f32 v9, v42;
	[tilespmem:v48+s5+$0x0] =	vst.idx.add.f32.msk $0xffff, v46  }
0x88b: {  	v45 =	vmul.f32 v19, v45;
	v46 =	vshll.u32 v16, $0x2;
	v52 =	vld.idx.msk [tilespmem:v20+s24+$0x0], $0xffff  }
0x88c: {  	v20 =	vand.u32 $0xFFFFFE00, v46;
	[tilespmem:v28+s5+$0x0] =	vst.idx.add.f32.msk $0xffff, v42  }
0x88d: {  	v53 =	vmul.f32 v4, v40;
	[tilespmem:v38+s5+$0x0] =	vst.idx.add.f32.msk $0xffff, v45  }
0x88e: {  	v54 =	vor.u32 $0x80, v12;
	v40 =	vmul.f32 v2, v44;
	v50 =	vld.idx.msk [tilespmem:v47+s24+$0x0], $0xffff  }
.Ltmp11:
0x88f: {  	v42 =	vld.idx.msk [tilespmem:v6+s22+$0x0], $0xffff;
	(erf) = vpow2.f32 v51;
	(pc) =	sbr.rel @p0 .LBB2_24-.Ltmp11, $4  }
0x890: {  	v48 =	vor.u32 $0x100, v31;
	v38 =	vand.u32 $0x7F, v34;
	v45 =	vld.idx.msk [tilespmem:v18+s31+$0x0], $0xffff  }
0x891: {  	v47 =	vor.u32 $0x80, v28;
	v51 =	vmul.f32 v17, v52;
	v46 =	vld.idx.msk [tilespmem:v49+s24+$0x0], $0xffff  }
0x892: {  	v34 =	vand.u32 $0x7F, v35;
	v35 =	vshll.u32 v35, $0x2;
	v49 =	vor.u32 $0x100, v36;
	v44 =	vld.idx.msk [tilespmem:v16+s31+$0x0], $0xffff  }
0x893: {  	v39 =	vor.u32 $0x180, v39;
	v35 =	vand.u32 $0xFFFFFE00, v35;
	[tilespmem:v54+s5+$0x0] =	vst.idx.add.f32.msk $0xffff, v53  }
0x894: {  	_ =	sdelay $0x1  }
0x895: {  	v50 =	vmul.f32 v9, v50;
	v52 =	vor.u32 $0x100, v28;
	v53 =	vor.u32 $0x100, v12  }
0x896: {  	v54 =	vor.u32 $0x100, v32;
	v22 =	vand.u32 $0x7F, v22;
	v27 =	vor.u32 $0x180, v27  }
0x897: {  	v55 =	vor.u32 $0x100, v7;
	v31 =	vor.u32 $0x180, v31;
	[tilespmem:v48+s5+$0x0] =	vst.idx.add.f32.msk $0xffff, v51;
	v48 =	vor.u32 $0x180, v8  }
0x898: {  	v61 =	vand.u32 $0x7F, v13;
	v63 =	vadd.f32 v41, v1;
	v30 =	vadd.f32 v41, v30  }
0x899: {  	v43 =	vld.idx.msk [tilespmem:v43+s24+$0x0], $0xffff;
	v24 =	vor.u32 $0x180, v24;
	v58 =	vadd.f32 v45, v1;
	v29 =	vadd.f32 v45, v29  }
0x89a: {  	v42 =	vadd.f32 v21, v42;
	v22 =	vor.u32 v22, v33;
	v39 =	vld.idx.msk [tilespmem:v39+s24+$0x0], $0xffff;
	v59 =	vmul.f32 v19, v46  }
0x89b: {  	[tilespmem:v47+s5+$0x0] =	vst.idx.add.f32.msk $0xffff, v50;
	v60 =	vmul.f32 $2.000000030e-01, v58;
	v62 =	vmul.f32 $2.000000030e-01, v29;
	v47 =	vadd.f32 v44, v1  }
0x89c: {  	v57 =	vmul.f32 $2.000000030e-01, v63;
	v46 =	vld.idx.msk [tilespmem:v49+s24+$0x0], $0xffff;
	v37 =	vadd.f32 v44, v37;
	v1 =	vadd.f32 v21, v1;
	v8 =	vpop (erf)  }
0x89d: {  	v49 =	vor.u32 $0x80, v22;
	v33 =	vmax.f32 v58, v60;
	v29 =	vmax.f32 v29, v62;
	[tilespmem:v13+s4+$0x0] =	vst.idx.add.f32.msk $0xffff, v8  }
0x89e: {  	v56 =	vmul.f32 v4, v43;
	v58 =	vmul.f32 $2.000000030e-01, v30;
	[tilespmem:v54+s5+$0x0] =	vst.idx.add.f32.msk $0xffff, v59;
	v29 =	vsub.f32 v29, v33  }
0x89f: {  	v13 =	vor.u32 v61, v26;
	v59 =	vmul.f32 $2.000000030e-01, v47;
	v26 =	vmax.f32 v63, v57;
	v61 =	vld.idx.msk [tilespmem:v22+s24+$0x0], $0xffff  }
0x8a0: {  	v60 =	vmul.f32 $2.000000030e-01, v37;
	[tilespmem:v55+s5+$0x0] =	vst.idx.add.f32.msk $0xffff, v40;
	v30 =	vmax.f32 v30, v58;
	v29 =	vmul.f32 $1.442695020e+00, v29  }
0x8a1: {  	v63 =	vmul.f32 $2.000000030e-01, v42;
	v41 =	vmul.f32 $2.000000030e-01, v1;
	v27 =	vld.idx.msk [tilespmem:v27+s24+$0x0], $0xffff;
	v62 =	vsub.f32 v30, v26  }
0x8a2: {  	[tilespmem:v53+s5+$0x0] =	vst.idx.add.f32.msk $0xffff, v56;
	v33 =	vmax.f32 v37, v60;
	v37 =	vmax.f32 v47, v59;
	(erf) = vpow2.f32 v29  }
0x8a3: {  	v17 =	vmul.f32 v39, v17;
	v24 =	vld.idx.msk [tilespmem:v24+s24+$0x0], $0xffff;
	v21 =	vmul.f32 $1.442695020e+00, v62;
	v29 =	vsub.f32 v33, v37  }
0x8a4: {  	v36 =	vor.u32 $0x180, v36;
	v45 =	vmul.f32 v9, v46;
	v46 =	vld.idx.msk [tilespmem:v48+s24+$0x0], $0xffff;
	v50 =	vmul.f32 v8, v61  }
0x8a5: {  	v43 =	vor.u32 $0x180, v32;
	[tilespmem:v31+s5+$0x0] =	vst.idx.add.f32.msk $0xffff, v17;
	(erf) = vpow2.f32 v21;
	v47 =	vmul.f32 $1.442695020e+00, v29  }
0x8a6: {  	v51 =	vor.u32 $0x180, v7;
	v1 =	vmax.f32 v1, v41;
	v26 =	vmax.f32 v42, v63;
	[tilespmem:v13+s5+$0x0] =	vst.idx.add.f32.msk $0xffff, v50  }
0x8a7: {  	v23 =	vand.u32 $0xFFFFFE00, v23;
	v1 =	vsub.f32 v26, v1;
	(erf) = vpow2.f32 v47;
	v55 =	vld.idx.msk [tilespmem:v49+s24+$0x0], $0xffff  }
0x8a8: {  	v23 =	vor.u32 v38, v23;
	v60 =	vor.u32 $0x80, v13;
	[tilespmem:v52+s5+$0x0] =	vst.idx.add.f32.msk $0xffff, v45;
	v48 =	vmul.f32 v27, v19  }
0x8a9: {  	v52 =	vshll.u32 v11, $0x2;
	v26 =	vld.idx.msk [tilespmem:v36+s24+$0x0], $0xffff;
	v1 =	vmul.f32 $1.442695020e+00, v1;
	v2 =	vmul.f32 v46, v2  }
0x8aa: {  	v53 =	vand.u32 $0x7F, v11;
	v17 =	vand.u32 $0xFFFFFE00, v52;
	[tilespmem:v43+s5+$0x0] =	vst.idx.add.f32.msk $0xffff, v48  }
0x8ab: {  	[tilespmem:v51+s5+$0x0] =	vst.idx.add.f32.msk $0xffff, v2;
	v19 =	vpop (erf);
	(erf) = vpow2.f32 v1;
	v1 =	vor.u32 v53, v17  }
0x8ac: {  	v33 =	vmul.f32 v8, v55;
	[tilespmem:v18+s4+$0x0] =	vst.idx.add.f32.msk $0xffff, v19  }
0x8ad: {  	v56 =	vor.u32 v34, v35;
	v54 =	vld.idx.msk [tilespmem:v23+s24+$0x0], $0xffff  }
0x8ae: {  	v57 =	vand.u32 $0x7F, v18;
	v41 =	vor.u32 $0x100, v22;
	v27 =	vpop (erf);
	[tilespmem:v60+s5+$0x0] =	vst.idx.add.f32.msk $0xffff, v33  }
0x8af: {  	v2 =	vor.u32 v57, v25;
	[tilespmem:v5+s4+$0x0] =	vst.idx.add.f32.msk $0xffff, v27  }
0x8b0: {  	v58 =	vor.u32 $0x80, v23;
	v25 =	vpop (erf);
	v59 =	vld.idx.msk [tilespmem:v1+s24+$0x0], $0xffff  }
0x8b1: {  	v6 =	vand.u32 $0x7F, v6;
	[tilespmem:v16+s4+$0x0] =	vst.idx.add.f32.msk $0xffff, v25  }
0x8b2: {  	v6 =	vor.u32 v6, v15;
	v62 =	vand.u32 $0x7F, v5;
	v61 =	vld.idx.msk [tilespmem:v56+s24+$0x0], $0xffff;
	v11 =	vmul.f32 v19, v54  }
0x8b3: {  	v32 =	vand.u32 $0x7F, v16;
	v5 =	vor.u32 v62, v14;
	v17 =	vld.idx.msk [tilespmem:v41+s24+$0x0], $0xffff  }
0x8b4: {  	v16 =	vor.u32 v32, v20;
	[tilespmem:v2+s5+$0x0] =	vst.idx.add.f32.msk $0xffff, v11  }
0x8b5: {  	v35 =	vor.u32 $0x80, v1;
	v63 =	vpop (erf);
	v7 =	vld.idx.msk [tilespmem:v58+s24+$0x0], $0xffff  }
0x8b6: {  	v34 =	vor.u32 $0x80, v56;
	[tilespmem:v3+s4+$0x0] =	vst.idx.add.f32.msk $0xffff, v63;
	v18 =	vmul.f32 v27, v59  }
0x8b7: {  	v37 =	vor.u32 $0x80, v2;
	v36 =	vld.idx.msk [tilespmem:v6+s24+$0x0], $0xffff;
	v15 =	vmul.f32 v25, v61  }
0x8b8: {  	v38 =	vor.u32 $0x100, v23;
	v3 =	vand.u32 $0x7F, v3;
	[tilespmem:v5+s5+$0x0] =	vst.idx.add.f32.msk $0xffff, v18  }
0x8b9: {  	v3 =	vor.u32 v3, v10;
	[tilespmem:v16+s5+$0x0] =	vst.idx.add.f32.msk $0xffff, v15  }
0x8ba: {  	v40 =	vor.u32 $0x80, v6;
	v18 =	vld.idx.msk [tilespmem:v35+s24+$0x0], $0xffff;
	v7 =	vmul.f32 v19, v7  }
0x8bb: {  	v52 =	vor.u32 $0x100, v13;
	v39 =	vld.idx.msk [tilespmem:v34+s24+$0x0], $0xffff  }
0x8bc: {  	v44 =	vor.u32 $0x80, v5;
	v14 =	vmul.f32 v63, v36;
	[tilespmem:v37+s5+$0x0] =	vst.idx.add.f32.msk $0xffff, v7  }
0x8bd: {  	v42 =	vor.u32 $0x80, v16;
	v29 =	vld.idx.msk [tilespmem:v38+s24+$0x0], $0xffff  }
0x8be: {  	v45 =	vor.u32 $0x100, v1;
	v17 =	vmul.f32 v8, v17;
	[tilespmem:v3+s5+$0x0] =	vst.idx.add.f32.msk $0xffff, v14  }
0x8bf: {  	v43 =	vor.u32 $0x100, v56;
	v18 =	vmul.f32 v27, v18;
	v15 =	vld.idx.msk [tilespmem:v40+s24+$0x0], $0xffff  }
0x8c0: {  	v46 =	vor.u32 $0x100, v2;
	[tilespmem:v52+s5+$0x0] =	vst.idx.add.f32.msk $0xffff, v17;
	v10 =	vmul.f32 v25, v39  }
0x8c1: {  	v47 =	vor.u32 $0x80, v3;
	[tilespmem:v44+s5+$0x0] =	vst.idx.add.f32.msk $0xffff, v18  }
0x8c2: {  	v48 =	vor.u32 $0x100, v6;
	[tilespmem:v42+s5+$0x0] =	vst.idx.add.f32.msk $0xffff, v10  }
0x8c3: {  	v49 =	vor.u32 $0x180, v23;
	v18 =	vld.idx.msk [tilespmem:v45+s24+$0x0], $0xffff;
	v29 =	vmul.f32 v19, v29  }
0x8c4: {  	v53 =	vor.u32 $0x180, v22;
	v7 =	vld.idx.msk [tilespmem:v43+s24+$0x0], $0xffff;
	v15 =	vmul.f32 v63, v15  }
0x8c5: {  	v51 =	vor.u32 $0x100, v5;
	[tilespmem:v46+s5+$0x0] =	vst.idx.add.f32.msk $0xffff, v29  }
0x8c6: {  	v50 =	vor.u32 $0x100, v16;
	[tilespmem:v47+s5+$0x0] =	vst.idx.add.f32.msk $0xffff, v15  }
0x8c7: {  	v1 =	vor.u32 $0x180, v1;
	v10 =	vld.idx.msk [tilespmem:v48+s24+$0x0], $0xffff  }
0x8c8: {  	v21 =	vor.u32 $0x180, v56;
	v14 =	vld.idx.msk [tilespmem:v49+s24+$0x0], $0xffff;
	v54 =	vmul.f32 v27, v18  }
0x8c9: {  	v55 =	vor.u32 $0x100, v3;
	v15 =	vld.idx.msk [tilespmem:v53+s24+$0x0], $0xffff;
	v7 =	vmul.f32 v25, v7  }
0x8ca: {  	v6 =	vor.u32 $0x180, v6;
	[tilespmem:v51+s5+$0x0] =	vst.idx.add.f32.msk $0xffff, v54  }
0x8cb: {  	v56 =	vor.u32 $0x180, v12;
	[tilespmem:v50+s5+$0x0] =	vst.idx.add.f32.msk $0xffff, v7  }
0x8cc: {  	v2 =	vor.u32 $0x180, v2;
	v1 =	vld.idx.msk [tilespmem:v1+s24+$0x0], $0xffff;
	v10 =	vmul.f32 v63, v10  }
0x8cd: {  	v57 =	vor.u32 $0x180, v28;
	v21 =	vld.idx.msk [tilespmem:v21+s24+$0x0], $0xffff  }
0x8ce: {  	v60 =	vor.u32 $0x180, v13;
	v58 =	vmul.f32 v24, v4;
	[tilespmem:v55+s5+$0x0] =	vst.idx.add.f32.msk $0xffff, v10  }
0x8cf: {  	v5 =	vor.u32 $0x180, v5;
	v61 =	vmul.f32 v14, v19;
	v6 =	vld.idx.msk [tilespmem:v6+s24+$0x0], $0xffff  }
0x8d0: {  	v59 =	vmul.f32 v26, v9;
	[tilespmem:v56+s5+$0x0] =	vst.idx.add.f32.msk $0xffff, v58;
	v16 =	vor.u32 $0x180, v16  }
0x8d1: {  	v3 =	vor.u32 $0x180, v3;
	[tilespmem:v2+s5+$0x0] =	vst.idx.add.f32.msk $0xffff, v61;
	v2 =	vmul.f32 v15, v8  }
0x8d2: {  	[tilespmem:v57+s5+$0x0] =	vst.idx.add.f32.msk $0xffff, v59;
	v1 =	vmul.f32 v1, v27  }
0x8d3: {  	v62 =	vmul.f32 v21, v25;
	[tilespmem:v60+s5+$0x0] =	vst.idx.add.f32.msk $0xffff, v2  }
0x8d4: {  	[tilespmem:v5+s5+$0x0] =	vst.idx.add.f32.msk $0xffff, v1;
	v63 =	vmul.f32 v6, v63  }
0x8d5: {  	[tilespmem:v16+s5+$0x0] =	vst.idx.add.f32.msk $0xffff, v62  }
0x8d6: {  	s9 =	simm.s32 $0x80;
	[tilespmem:v3+s5+$0x0] =	vst.idx.add.f32.msk $0xffff, v63  }
0x8d7: {  	[hbm4b:s28+s9] =	stream.strided.scatter [tilespmem:s4], [sflag:$0x4], $0x2780, s23, s9, $0x38;
	[tilespmem:$0x1F300] =	vst v63  }
0x8d8: {  	s8 =	sadd.s32 $0x1, s8;
	_ =	swait.ge [sflag:s7], $0x2780  }
0x8d9: {  	p0 =	sne.s32 s8, s30;
	[sflag:s7] =	ssyncset.done $0x0  }
.Ltmp12:
0x8da: {  	s11 =	simm.s32 $0x200;
	[sflag:s7] =	ssyncadd.s32 $0xFFFFD880;
	(pc) =	sbr.rel @p0 .LBB2_1-.Ltmp12, $4  }
0x8db: {  	[hbm4b:s29+s11] =	stream.strided.scatter [tilespmem:s5], [sflag:$0x4], $0x9E00, s23, s11, $0x38;
	[tilespmem:$0x1F300] =	vst v63  }
0x8dc: {  	_ =	swait.ge [sflag:s7], $0x9E00  }
0x8dd: {  	[sflag:s7] =	ssyncset.done $0x0  }
0x8de: {  	[sflag:s7] =	ssyncadd.s32 $0xFFFF6200  }
0x8df: {  	_ =	sfence.sel $0x180000  }
0x8e0: {  	[bflag:$0x0] =	sbarrier.arrive $0xFFFF  }
0x8e1: {  	_ =	strace $0x90000047  }
0x8e2: {  	s0 =	stileid.u32;
	[bflag:$0x2] =	sbarrier.arrive $0xFFFF  }
0x8e3: {  	p0 =	sne.s32 s0, $0x0;
	s0 =	rddreg [dreg:$0x8]  }
0x8e4: {  	s0 =	sadd.s32 @!p0 $0x100000, s0  }
0x8e5: {  	[sflag:s0] =	ssyncadd.tile.s32 @!p0 $0x1;
	_ =	shalt  }
.Lfunc_end2:
_tile_overlayer_lowered:
.L_overlay_start_2:
0x8e6: {  	(tag) =	ssettag $0x2  }
0x8e7: {  	s0 =	rddreg [dreg:$0x0];
	s2 =	stileid.u32  }
0x8e8: {  	s1 =	rddreg [dreg:$0x1];
	p0 =	sne.s32 s2, $0x0  }
0x8e9: {  	s3 =	rddreg [dreg:$0x2];
	[bflag:$0x3] =	sbarrier.arrive $0xFFFF;
	s2 =	simm.s32 @!p0 $0x1C04  }
0x8ea: {  	[timem:s3], [sflag:s2] =	dma.local @!p0 [hbm:s0], s1  }
0x8eb: {  	s0 =	simm.s32 @!p0 $0x4  }
0x8ec: {  	_ =	swait.ge @!p0 [sflag:s0], s1  }
0x8ed: {  	s1 =	ssub.s32 @!p0 $0x0, s1;
	[sflag:s0] =	ssyncset.done @!p0 $0x0  }
0x8ee: {  	[sflag:s0] =	ssyncadd.s32 @!p0 s1  }
0x8ef: {  	[bflag:$0x3] =	sbarrier.arrive $0xFFFF  }
0x8f0: {  	_ =	shalt  }

</sc_bundles>
